<compile_context>
chip_gen: v7x
topology: tpu7x:2x2x1
jax: 0.10.2.dev20260603
libtpu: 0.0.44.dev20260713+nightly
codegen_flags: <defaults>
</compile_context>

<pallas_src>
import functools

import jax
import jax.numpy as jnp
from jax import lax
from jax.experimental import pallas as pl
from jax.experimental.pallas import tpu as pltpu
from jax.experimental.pallas import tpu_sc as plsc

B = 4096
L = 200
S = 3
D = 64
N = B * L
NC = 2
NS = 16
NW = NC * NS
IB = 128
K = 2
CHUNK = K * IB
TOK_PER_W = N // NW
NCHUNK = TOK_PER_W // CHUNK
NBLK = N // IB
UNROLL = 4


def _embed_sum(table_hbm, idx_hbm, out_hbm, idx_v, out_v,
               isem0, isem1, isem2, isem3, gsem0, gsem1, asem0, asem1,
               osem0, osem1):
    wid = lax.axis_index("s") * NC + lax.axis_index("c")
    blk0 = wid * (TOK_PER_W // IB)
    tok0 = wid * TOK_PER_W
    isems = (isem0, isem1, isem2, isem3)
    gsems = (gsem0, gsem1)
    asems = (asem0, asem1)
    osems = (osem0, osem1)

    def idx_copy(c, ph):
        return pltpu.make_async_copy(
            idx_hbm.at[:, pl.ds(blk0 + c * K, K), :], idx_v.at[ph], isems[ph])

    def gath0(c, ph, p):
        return [pltpu.make_async_copy(
                    table_hbm.at[idx_v.at[ph, 0, k]],
                    out_v.at[p, pl.ds(k * IB, IB)], gsems[p])
                for k in range(K)]

    def gath_add_start(c, ph, p):
        for s in (1, 2):
            for k in range(K):
                pltpu.async_copy(
                    table_hbm.at[idx_v.at[ph, s, k]],
                    out_v.at[p, pl.ds(k * IB, IB)], asems[p], add=True)

    def gath_add_wait(c, ph, p):
        for s in (1, 2):
            for k in range(K):
                pltpu.make_async_copy(
                    table_hbm.at[idx_v.at[ph, s, k]],
                    out_v.at[p, pl.ds(k * IB, IB)], asems[p]).wait()

    def out_copy(c, p):
        return pltpu.make_async_copy(
            out_v.at[p], out_hbm.at[pl.ds(tok0 + c * CHUNK, CHUNK)], osems[p])

    idx_copy(0, 0).start()
    idx_copy(1, 1).start()
    idx_copy(0, 0).wait()
    for d in gath0(0, 0, 0):
        d.start()

    def step(c, p, ph, first, last, pf_idx=True):
        q = 1 - p
        phn = (ph + 1) % UNROLL
        if not last:
            if not first:
                out_copy(c - 1, q).wait()
            idx_copy(c + 1, phn).wait()
            for d in gath0(c + 1, phn, q):
                d.start()
        for d in gath0(c, ph, p):
            d.wait()
        gath_add_start(c, ph, p)
        if pf_idx:
            idx_copy(c + 2, (ph + 2) % UNROLL).start()
        gath_add_wait(c, ph, p)
        out_copy(c, p).start()

    def body(i, carry):
        for u in range(UNROLL):
            step(UNROLL * i + u, u % 2, u, False, False)
        return carry

    step(0, 0, 0, True, False)
    step(1, 1, 1, False, False)
    step(2, 0, 2, False, False)
    step(3, 1, 3, False, False)
    lax.fori_loop(1, NCHUNK // UNROLL - 1, body, 0)
    step(NCHUNK - 4, 0, 0, False, False)
    step(NCHUNK - 3, 1, 1, False, False)
    step(NCHUNK - 2, 0, 2, False, False, pf_idx=False)
    step(NCHUNK - 1, 1, 3, False, True, pf_idx=False)
    out_copy(NCHUNK - 2, 0).wait()
    out_copy(NCHUNK - 1, 1).wait()


@jax.jit
def _call(table, idx_r):
    mesh = plsc.VectorSubcoreMesh(core_axis_name="c", subcore_axis_name="s")
    run = functools.partial(
        pl.kernel,
        out_type=jax.ShapeDtypeStruct((N, D), jnp.float32),
        mesh=mesh,
        compiler_params=pltpu.CompilerParams(use_tc_tiling_on_sc=False),
        scratch_types=[
            pltpu.VMEM((UNROLL, S, K, IB), jnp.int32),
            pltpu.VMEM((2, CHUNK, D), jnp.float32),
        ] + [pltpu.SemaphoreType.DMA] * 10,
    )(_embed_sum)
    return run(table, idx_r)


def kernel(indices, table):
    idx_r = indices.astype(jnp.int32).reshape(N, S).T.reshape(S, NBLK, IB)
    out = _call(table, idx_r)
    return out.reshape(B, L, D)

# --- scband reference (transcript-rebuilt; emitter-appended) ---
"""Pipeline reference for scband-ocr-embedding-12206297055340 (READ-ONLY COPY).

The authoritative reference and input builder live on the scoring server;
editing this copy changes nothing except your own understanding.
"""

import jax, jax.numpy as jnp
import numpy as np

VOCAB = 1000000
D_MODEL = 64
BATCH = 4096
SEQ = 200
SUBTOK = 3
PADDING_IDX = 0


def setup_inputs(seed: int = 0) -> dict:
    key = jax.random.key(seed)
    k1, k2 = jax.random.split(key)
    # token indices for each (batch, seq position, sub-token) triple; stoi lookup result
    indices = jax.random.randint(k1, (BATCH, SEQ, SUBTOK), 0, VOCAB, dtype=jnp.int64)
    # nn.Embedding weight with padding_idx=0 zeroed
    table = jax.random.normal(k2, (VOCAB, D_MODEL), dtype=jnp.float32) * 0.02
    table = table.at[PADDING_IDX].set(0.0)
    return {"indices": indices, "table": table}


def reference(indices, table):
    # Faithful translation of OcrEmbedding.forward (WORD_EMBEDDING is None branch):
    # for each token, embed its sub-token ids and sum over the sub-token axis,
    # then stack over seq positions and batch -> [B, L, D_MODEL].
    # self.components(token)  -> embedding gather
    embedded = jnp.take(table, indices, axis=0)  # [B, L, S, D]
    # .sum(dim=1) over sub-tokens
    features = embedded.sum(axis=2)  # [B, L, D]
    # original returns (features, None)
    return features

if __name__ == "__main__":
    import jax
    _d = setup_inputs()
    print(jax.jit(kernel)(*tuple(_d.values())))

</pallas_src>

<mosaic_0001>
#map = affine_map<(d0, d1) -> (0, 0)>
#map1 = affine_map<(d0, d1) -> (0, 0, 0)>
module attributes {stable_mosaic.version = 14 : i64} {
  func.func @_embed_sum(%arg0: i32, %arg1: i32, %arg2: memref<1000000x64xf32, #tpu.memory_space<hbm>>, %arg3: memref<3x6400x128xi32, #tpu.memory_space<hbm>>, %arg4: memref<819200x64xf32, #tpu.memory_space<hbm>>, %arg5: memref<4x3x2x128xi32, #tpu.memory_space<vmem>>, %arg6: memref<2x256x64xf32, #tpu.memory_space<vmem>>, %arg7: memref<!tpu.dma_semaphore, #tpu.memory_space<semaphore_mem>>, %arg8: memref<!tpu.dma_semaphore, #tpu.memory_space<semaphore_mem>>, %arg9: memref<!tpu.dma_semaphore, #tpu.memory_space<semaphore_mem>>, %arg10: memref<!tpu.dma_semaphore, #tpu.memory_space<semaphore_mem>>, %arg11: memref<!tpu.dma_semaphore, #tpu.memory_space<semaphore_mem>>, %arg12: memref<!tpu.dma_semaphore, #tpu.memory_space<semaphore_mem>>, %arg13: memref<!tpu.dma_semaphore, #tpu.memory_space<semaphore_mem>>, %arg14: memref<!tpu.dma_semaphore, #tpu.memory_space<semaphore_mem>>, %arg15: memref<!tpu.dma_semaphore, #tpu.memory_space<semaphore_mem>>, %arg16: memref<!tpu.dma_semaphore, #tpu.memory_space<semaphore_mem>>) attributes {dimension_semantics = [#tpu.dimension_semantics<core_parallel>, #tpu.dimension_semantics<subcore_parallel>], iteration_bounds = array<i64: 2, 16>, scalar_prefetch = 0 : i64, scratch_operands = 12 : i64, tpu.core_type = #tpu.core_type<sc_vector_subcore>, window_params = [{transform_indices = #map}, {transform_indices = #map1}, {transform_indices = #map}]} {
    %mul3A = arith.constant 2 : i32
    %mul3A_0 = arith.muli %arg1, %mul3A : i32
    %add3A = arith.addi %mul3A_0, %arg0 : i32
    %mul3A_1 = arith.constant 200 : i32
    %mul3A_2 = arith.muli %add3A, %mul3A_1 : i32
    %mul3A_3 = arith.constant 25600 : i32
    %mul3A_4 = arith.muli %add3A, %mul3A_3 : i32
    %add3A_5 = arith.constant 0 : i32
    %add3A_6 = arith.addi %mul3A_2, %add3A_5 : i32
    %dma_start3A = arith.constant 0 : i32
    %dma_start3A_7 = arith.constant 0 : i32
    %dma_start3A_8 = arith.constant 0 : i32
    %dma_start3A_9 = arith.constant 0 : i32
    %dma_start3A_10 = tpu.memref_slice %arg5[%dma_start3A, %dma_start3A_7, %dma_start3A_8, %dma_start3A_9] : memref<4x3x2x128xi32, #tpu.memory_space<vmem>> -> memref<1x3x2x128xi32, #tpu.memory_space<vmem>>
    %dma_start3A_11 = tpu.memref_squeeze %dma_start3A_10 : memref<1x3x2x128xi32, #tpu.memory_space<vmem>> -> memref<3x2x128xi32, #tpu.memory_space<vmem>>
    %dma_start3A_12 = arith.constant 0 : i32
    %dma_start3A_13 = arith.constant 0 : i32
    %dma_start3A_14 = tpu.memref_slice %arg3[%dma_start3A_12, %add3A_6, %dma_start3A_13] : memref<3x6400x128xi32, #tpu.memory_space<hbm>> -> memref<3x2x128xi32, #tpu.memory_space<hbm>>
    %dma_start3A_15 = arith.constant 0 : i32
    %dma_start3A_16 = arith.constant 0 : i32
    %dma_start3A_17 = arith.constant 0 : i32
    %dma_start3A_18 = tpu.memref_slice %arg5[%dma_start3A, %dma_start3A_15, %dma_start3A_16, %dma_start3A_17] : memref<4x3x2x128xi32, #tpu.memory_space<vmem>> -> memref<1x3x2x128xi32, #tpu.memory_space<vmem>>
    %dma_start3A_19 = tpu.memref_squeeze %dma_start3A_18 : memref<1x3x2x128xi32, #tpu.memory_space<vmem>> -> memref<3x2x128xi32, #tpu.memory_space<vmem>>
    %dma_start3A_20 = arith.constant 0 : i32
    %dma_start3A_21 = arith.constant 0 : i32
    %dma_start3A_22 = tpu.memref_slice %arg3[%dma_start3A_20, %add3A_6, %dma_start3A_21] : memref<3x6400x128xi32, #tpu.memory_space<hbm>> -> memref<3x2x128xi32, #tpu.memory_space<hbm>>
    tpu.enqueue_dma source(%dma_start3A_22 : memref<3x2x128xi32, #tpu.memory_space<hbm>>) target(%dma_start3A_19 : memref<3x2x128xi32, #tpu.memory_space<vmem>>) target_semaphore(%arg7 : memref<!tpu.dma_semaphore, #tpu.memory_space<semaphore_mem>>)
    %add3A_23 = arith.constant 2 : i32
    %add3A_24 = arith.addi %mul3A_2, %add3A_23 : i32
    %dma_start3A_25 = arith.constant 1 : i32
    %dma_start3A_26 = arith.constant 0 : i32
    %dma_start3A_27 = arith.constant 0 : i32
    %dma_start3A_28 = arith.constant 0 : i32
    %dma_start3A_29 = tpu.memref_slice %arg5[%dma_start3A_25, %dma_start3A_26, %dma_start3A_27, %dma_start3A_28] : memref<4x3x2x128xi32, #tpu.memory_space<vmem>> -> memref<1x3x2x128xi32, #tpu.memory_space<vmem>>
    %dma_start3A_30 = tpu.memref_squeeze %dma_start3A_29 : memref<1x3x2x128xi32, #tpu.memory_space<vmem>> -> memref<3x2x128xi32, #tpu.memory_space<vmem>>
    %dma_start3A_31 = arith.constant 0 : i32
    %dma_start3A_32 = arith.constant 0 : i32
    %dma_start3A_33 = tpu.memref_slice %arg3[%dma_start3A_31, %add3A_24, %dma_start3A_32] : memref<3x6400x128xi32, #tpu.memory_space<hbm>> -> memref<3x2x128xi32, #tpu.memory_space<hbm>>
    %dma_start3A_34 = arith.constant 0 : i32
    %dma_start3A_35 = arith.constant 0 : i32
    %dma_start3A_36 = arith.constant 0 : i32
    %dma_start3A_37 = tpu.memref_slice %arg5[%dma_start3A_25, %dma_start3A_34, %dma_start3A_35, %dma_start3A_36] : memref<4x3x2x128xi32, #tpu.memory_space<vmem>> -> memref<1x3x2x128xi32, #tpu.memory_space<vmem>>
    %dma_start3A_38 = tpu.memref_squeeze %dma_start3A_37 : memref<1x3x2x128xi32, #tpu.memory_space<vmem>> -> memref<3x2x128xi32, #tpu.memory_space<vmem>>
    %dma_start3A_39 = arith.constant 0 : i32
    %dma_start3A_40 = arith.constant 0 : i32
    %dma_start3A_41 = tpu.memref_slice %arg3[%dma_start3A_39, %add3A_24, %dma_start3A_40] : memref<3x6400x128xi32, #tpu.memory_space<hbm>> -> memref<3x2x128xi32, #tpu.memory_space<hbm>>
    tpu.enqueue_dma source(%dma_start3A_41 : memref<3x2x128xi32, #tpu.memory_space<hbm>>) target(%dma_start3A_38 : memref<3x2x128xi32, #tpu.memory_space<vmem>>) target_semaphore(%arg8 : memref<!tpu.dma_semaphore, #tpu.memory_space<semaphore_mem>>)
    %add3A_42 = arith.constant 0 : i32
    %add3A_43 = arith.addi %mul3A_2, %add3A_42 : i32
    %dma_wait3A = arith.constant 0 : i32
    %dma_wait3A_44 = arith.constant 0 : i32
    %dma_wait3A_45 = arith.constant 0 : i32
    %dma_wait3A_46 = arith.constant 0 : i32
    %dma_wait3A_47 = tpu.memref_slice %arg5[%dma_wait3A, %dma_wait3A_44, %dma_wait3A_45, %dma_wait3A_46] : memref<4x3x2x128xi32, #tpu.memory_space<vmem>> -> memref<1x3x2x128xi32, #tpu.memory_space<vmem>>
    %dma_wait3A_48 = tpu.memref_squeeze %dma_wait3A_47 : memref<1x3x2x128xi32, #tpu.memory_space<vmem>> -> memref<3x2x128xi32, #tpu.memory_space<vmem>>
    %dma_wait3A_49 = arith.constant 0 : i32
    %dma_wait3A_50 = arith.constant 0 : i32
    %dma_wait3A_51 = tpu.memref_slice %arg3[%dma_wait3A_49, %add3A_43, %dma_wait3A_50] : memref<3x6400x128xi32, #tpu.memory_space<hbm>> -> memref<3x2x128xi32, #tpu.memory_space<hbm>>
    %dma_wait3A_52 = arith.constant 0 : i32
    %dma_wait3A_53 = arith.constant 0 : i32
    %dma_wait3A_54 = arith.constant 0 : i32
    %dma_wait3A_55 = tpu.memref_slice %arg5[%dma_wait3A, %dma_wait3A_52, %dma_wait3A_53, %dma_wait3A_54] : memref<4x3x2x128xi32, #tpu.memory_space<vmem>> -> memref<1x3x2x128xi32, #tpu.memory_space<vmem>>
    %dma_wait3A_56 = tpu.memref_squeeze %dma_wait3A_55 : memref<1x3x2x128xi32, #tpu.memory_space<vmem>> -> memref<3x2x128xi32, #tpu.memory_space<vmem>>
    %dma_wait3A_57 = arith.constant 0 : i32
    %dma_wait3A_58 = arith.constant 0 : i32
    %dma_wait3A_59 = tpu.memref_slice %arg3[%dma_wait3A_57, %add3A_43, %dma_wait3A_58] : memref<3x6400x128xi32, #tpu.memory_space<hbm>> -> memref<3x2x128xi32, #tpu.memory_space<hbm>>
    tpu.wait_dma2 semaphore(%arg7 : memref<!tpu.dma_semaphore, #tpu.memory_space<semaphore_mem>>) src(%dma_wait3A_59 : memref<3x2x128xi32, #tpu.memory_space<hbm>>) dst(%dma_wait3A_56 : memref<3x2x128xi32, #tpu.memory_space<vmem>>)
    %dma_start3A_60 = arith.constant 0 : i32
    %dma_start3A_61 = arith.constant 0 : i32
    %dma_start3A_62 = arith.constant 0 : i32
    %dma_start3A_63 = arith.constant 0 : i32
    %dma_start3A_64 = arith.constant 0 : i32
    %dma_start3A_65 = arith.constant 0 : i32
    %dma_start3A_66 = tpu.memref_slice %arg6[%dma_start3A_63, %dma_start3A_64, %dma_start3A_65] : memref<2x256x64xf32, #tpu.memory_space<vmem>> -> memref<1x128x64xf32, #tpu.memory_space<vmem>>
    %dma_start3A_67 = tpu.memref_squeeze %dma_start3A_66 : memref<1x128x64xf32, #tpu.memory_space<vmem>> -> memref<128x64xf32, #tpu.memory_space<vmem>>
    %dma_start3A_68 = arith.constant 0 : i32
    %dma_start3A_69 = tpu.memref_slice %arg5[%dma_start3A_60, %dma_start3A_61, %dma_start3A_62, %dma_start3A_68] : memref<4x3x2x128xi32, #tpu.memory_space<vmem>> -> memref<1x1x1x128xi32, #tpu.memory_space<vmem>>
    %dma_start3A_70 = tpu.memref_squeeze %dma_start3A_69 : memref<1x1x1x128xi32, #tpu.memory_space<vmem>> -> memref<128xi32, #tpu.memory_space<vmem>>
    %dma_start3A_71 = arith.constant 0 : i32
    %dma_start3A_72 = arith.constant 0 : i32
    %dma_start3A_73 = tpu.memref_slice %arg2[%dma_start3A_71, %dma_start3A_72] : memref<1000000x64xf32, #tpu.memory_space<hbm>> -> memref<1000000x64xf32, #tpu.memory_space<hbm>>
    tpu.enqueue_indirect_dma source(%dma_start3A_73 : memref<1000000x64xf32, #tpu.memory_space<hbm>>) target(%dma_start3A_67 : memref<128x64xf32, #tpu.memory_space<vmem>>) offsets(%dma_start3A_70 : memref<128xi32, #tpu.memory_space<vmem>>) semaphore(%arg11 : memref<!tpu.dma_semaphore, #tpu.memory_space<semaphore_mem>>)
    %dma_start3A_74 = arith.constant 0 : i32
    %dma_start3A_75 = arith.constant 0 : i32
    %dma_start3A_76 = arith.constant 1 : i32
    %dma_start3A_77 = arith.constant 0 : i32
    %dma_start3A_78 = arith.constant 128 : i32
    %dma_start3A_79 = arith.constant 0 : i32
    %dma_start3A_80 = tpu.memref_slice %arg6[%dma_start3A_77, %dma_start3A_78, %dma_start3A_79] : memref<2x256x64xf32, #tpu.memory_space<vmem>> -> memref<1x128x64xf32, #tpu.memory_space<vmem>>
    %dma_start3A_81 = tpu.memref_squeeze %dma_start3A_80 : memref<1x128x64xf32, #tpu.memory_space<vmem>> -> memref<128x64xf32, #tpu.memory_space<vmem>>
    %dma_start3A_82 = arith.constant 0 : i32
    %dma_start3A_83 = tpu.memref_slice %arg5[%dma_start3A_74, %dma_start3A_75, %dma_start3A_76, %dma_start3A_82] : memref<4x3x2x128xi32, #tpu.memory_space<vmem>> -> memref<1x1x1x128xi32, #tpu.memory_space<vmem>>
    %dma_start3A_84 = tpu.memref_squeeze %dma_start3A_83 : memref<1x1x1x128xi32, #tpu.memory_space<vmem>> -> memref<128xi32, #tpu.memory_space<vmem>>
    %dma_start3A_85 = arith.constant 0 : i32
    %dma_start3A_86 = arith.constant 0 : i32
    %dma_start3A_87 = tpu.memref_slice %arg2[%dma_start3A_85, %dma_start3A_86] : memref<1000000x64xf32, #tpu.memory_space<hbm>> -> memref<1000000x64xf32, #tpu.memory_space<hbm>>
    tpu.enqueue_indirect_dma source(%dma_start3A_87 : memref<1000000x64xf32, #tpu.memory_space<hbm>>) target(%dma_start3A_81 : memref<128x64xf32, #tpu.memory_space<vmem>>) offsets(%dma_start3A_84 : memref<128xi32, #tpu.memory_space<vmem>>) semaphore(%arg11 : memref<!tpu.dma_semaphore, #tpu.memory_space<semaphore_mem>>)
    %add3A_88 = arith.constant 2 : i32
    %add3A_89 = arith.addi %mul3A_2, %add3A_88 : i32
    %dma_wait3A_90 = arith.constant 1 : i32
    %dma_wait3A_91 = arith.constant 0 : i32
    %dma_wait3A_92 = arith.constant 0 : i32
    %dma_wait3A_93 = arith.constant 0 : i32
    %dma_wait3A_94 = tpu.memref_slice %arg5[%dma_wait3A_90, %dma_wait3A_91, %dma_wait3A_92, %dma_wait3A_93] : memref<4x3x2x128xi32, #tpu.memory_space<vmem>> -> memref<1x3x2x128xi32, #tpu.memory_space<vmem>>
    %dma_wait3A_95 = tpu.memref_squeeze %dma_wait3A_94 : memref<1x3x2x128xi32, #tpu.memory_space<vmem>> -> memref<3x2x128xi32, #tpu.memory_space<vmem>>
    %dma_wait3A_96 = arith.constant 0 : i32
    %dma_wait3A_97 = arith.constant 0 : i32
    %dma_wait3A_98 = tpu.memref_slice %arg3[%dma_wait3A_96, %add3A_89, %dma_wait3A_97] : memref<3x6400x128xi32, #tpu.memory_space<hbm>> -> memref<3x2x128xi32, #tpu.memory_space<hbm>>
    %dma_wait3A_99 = arith.constant 0 : i32
    %dma_wait3A_100 = arith.constant 0 : i32
    %dma_wait3A_101 = arith.constant 0 : i32
    %dma_wait3A_102 = tpu.memref_slice %arg5[%dma_wait3A_90, %dma_wait3A_99, %dma_wait3A_100, %dma_wait3A_101] : memref<4x3x2x128xi32, #tpu.memory_space<vmem>> -> memref<1x3x2x128xi32, #tpu.memory_space<vmem>>
    %dma_wait3A_103 = tpu.memref_squeeze %dma_wait3A_102 : memref<1x3x2x128xi32, #tpu.memory_space<vmem>> -> memref<3x2x128xi32, #tpu.memory_space<vmem>>
    %dma_wait3A_104 = arith.constant 0 : i32
    %dma_wait3A_105 = arith.constant 0 : i32
    %dma_wait3A_106 = tpu.memref_slice %arg3[%dma_wait3A_104, %add3A_89, %dma_wait3A_105] : memref<3x6400x128xi32, #tpu.memory_space<hbm>> -> memref<3x2x128xi32, #tpu.memory_space<hbm>>
    tpu.wait_dma2 semaphore(%arg8 : memref<!tpu.dma_semaphore, #tpu.memory_space<semaphore_mem>>) src(%dma_wait3A_106 : memref<3x2x128xi32, #tpu.memory_space<hbm>>) dst(%dma_wait3A_103 : memref<3x2x128xi32, #tpu.memory_space<vmem>>)
    %dma_start3A_107 = arith.constant 1 : i32
    %dma_start3A_108 = arith.constant 0 : i32
    %dma_start3A_109 = arith.constant 0 : i32
    %dma_start3A_110 = arith.constant 1 : i32
    %dma_start3A_111 = arith.constant 0 : i32
    %dma_start3A_112 = arith.constant 0 : i32
    %dma_start3A_113 = tpu.memref_slice %arg6[%dma_start3A_110, %dma_start3A_111, %dma_start3A_112] : memref<2x256x64xf32, #tpu.memory_space<vmem>> -> memref<1x128x64xf32, #tpu.memory_space<vmem>>
    %dma_start3A_114 = tpu.memref_squeeze %dma_start3A_113 : memref<1x128x64xf32, #tpu.memory_space<vmem>> -> memref<128x64xf32, #tpu.memory_space<vmem>>
    %dma_start3A_115 = arith.constant 0 : i32
    %dma_start3A_116 = tpu.memref_slice %arg5[%dma_start3A_107, %dma_start3A_108, %dma_start3A_109, %dma_start3A_115] : memref<4x3x2x128xi32, #tpu.memory_space<vmem>> -> memref<1x1x1x128xi32, #tpu.memory_space<vmem>>
    %dma_start3A_117 = tpu.memref_squeeze %dma_start3A_116 : memref<1x1x1x128xi32, #tpu.memory_space<vmem>> -> memref<128xi32, #tpu.memory_space<vmem>>
    %dma_start3A_118 = arith.constant 0 : i32
    %dma_start3A_119 = arith.constant 0 : i32
    %dma_start3A_120 = tpu.memref_slice %arg2[%dma_start3A_118, %dma_start3A_119] : memref<1000000x64xf32, #tpu.memory_space<hbm>> -> memref<1000000x64xf32, #tpu.memory_space<hbm>>
    tpu.enqueue_indirect_dma source(%dma_start3A_120 : memref<1000000x64xf32, #tpu.memory_space<hbm>>) target(%dma_start3A_114 : memref<128x64xf32, #tpu.memory_space<vmem>>) offsets(%dma_start3A_117 : memref<128xi32, #tpu.memory_space<vmem>>) semaphore(%arg12 : memref<!tpu.dma_semaphore, #tpu.memory_space<semaphore_mem>>)
    %dma_start3A_121 = arith.constant 1 : i32
    %dma_start3A_122 = arith.constant 0 : i32
    %dma_start3A_123 = arith.constant 1 : i32
    %dma_start3A_124 = arith.constant 1 : i32
    %dma_start3A_125 = arith.constant 128 : i32
    %dma_start3A_126 = arith.constant 0 : i32
    %dma_start3A_127 = tpu.memref_slice %arg6[%dma_start3A_124, %dma_start3A_125, %dma_start3A_126] : memref<2x256x64xf32, #tpu.memory_space<vmem>> -> memref<1x128x64xf32, #tpu.memory_space<vmem>>
    %dma_start3A_128 = tpu.memref_squeeze %dma_start3A_127 : memref<1x128x64xf32, #tpu.memory_space<vmem>> -> memref<128x64xf32, #tpu.memory_space<vmem>>
    %dma_start3A_129 = arith.constant 0 : i32
    %dma_start3A_130 = tpu.memref_slice %arg5[%dma_start3A_121, %dma_start3A_122, %dma_start3A_123, %dma_start3A_129] : memref<4x3x2x128xi32, #tpu.memory_space<vmem>> -> memref<1x1x1x128xi32, #tpu.memory_space<vmem>>
    %dma_start3A_131 = tpu.memref_squeeze %dma_start3A_130 : memref<1x1x1x128xi32, #tpu.memory_space<vmem>> -> memref<128xi32, #tpu.memory_space<vmem>>
    %dma_start3A_132 = arith.constant 0 : i32
    %dma_start3A_133 = arith.constant 0 : i32
    %dma_start3A_134 = tpu.memref_slice %arg2[%dma_start3A_132, %dma_start3A_133] : memref<1000000x64xf32, #tpu.memory_space<hbm>> -> memref<1000000x64xf32, #tpu.memory_space<hbm>>
    tpu.enqueue_indirect_dma source(%dma_start3A_134 : memref<1000000x64xf32, #tpu.memory_space<hbm>>) target(%dma_start3A_128 : memref<128x64xf32, #tpu.memory_space<vmem>>) offsets(%dma_start3A_131 : memref<128xi32, #tpu.memory_space<vmem>>) semaphore(%arg12 : memref<!tpu.dma_semaphore, #tpu.memory_space<semaphore_mem>>)
    %dma_wait3A_135 = arith.constant 0 : i32
    %dma_wait3A_136 = arith.constant 0 : i32
    %dma_wait3A_137 = arith.constant 0 : i32
    %dma_wait3A_138 = arith.constant 0 : i32
    %dma_wait3A_139 = arith.constant 0 : i32
    %dma_wait3A_140 = arith.constant 0 : i32
    %dma_wait3A_141 = tpu.memref_slice %arg6[%dma_wait3A_138, %dma_wait3A_139, %dma_wait3A_140] : memref<2x256x64xf32, #tpu.memory_space<vmem>> -> memref<1x128x64xf32, #tpu.memory_space<vmem>>
    %dma_wait3A_142 = tpu.memref_squeeze %dma_wait3A_141 : memref<1x128x64xf32, #tpu.memory_space<vmem>> -> memref<128x64xf32, #tpu.memory_space<vmem>>
    %dma_wait3A_143 = arith.constant 0 : i32
    %dma_wait3A_144 = tpu.memref_slice %arg5[%dma_wait3A_135, %dma_wait3A_136, %dma_wait3A_137, %dma_wait3A_143] : memref<4x3x2x128xi32, #tpu.memory_space<vmem>> -> memref<1x1x1x128xi32, #tpu.memory_space<vmem>>
    %dma_wait3A_145 = tpu.memref_squeeze %dma_wait3A_144 : memref<1x1x1x128xi32, #tpu.memory_space<vmem>> -> memref<128xi32, #tpu.memory_space<vmem>>
    %dma_wait3A_146 = arith.constant 0 : i32
    %dma_wait3A_147 = arith.constant 0 : i32
    %dma_wait3A_148 = tpu.memref_slice %arg2[%dma_wait3A_146, %dma_wait3A_147] : memref<1000000x64xf32, #tpu.memory_space<hbm>> -> memref<1000000x64xf32, #tpu.memory_space<hbm>>
    tpu.wait_indirect_dma semaphore(%arg11 : memref<!tpu.dma_semaphore, #tpu.memory_space<semaphore_mem>>) src(%dma_wait3A_148 : memref<1000000x64xf32, #tpu.memory_space<hbm>>) dst(%dma_wait3A_142 : memref<128x64xf32, #tpu.memory_space<vmem>>)
    %dma_wait3A_149 = arith.constant 0 : i32
    %dma_wait3A_150 = arith.constant 0 : i32
    %dma_wait3A_151 = arith.constant 1 : i32
    %dma_wait3A_152 = arith.constant 0 : i32
    %dma_wait3A_153 = arith.constant 128 : i32
    %dma_wait3A_154 = arith.constant 0 : i32
    %dma_wait3A_155 = tpu.memref_slice %arg6[%dma_wait3A_152, %dma_wait3A_153, %dma_wait3A_154] : memref<2x256x64xf32, #tpu.memory_space<vmem>> -> memref<1x128x64xf32, #tpu.memory_space<vmem>>
    %dma_wait3A_156 = tpu.memref_squeeze %dma_wait3A_155 : memref<1x128x64xf32, #tpu.memory_space<vmem>> -> memref<128x64xf32, #tpu.memory_space<vmem>>
    %dma_wait3A_157 = arith.constant 0 : i32
    %dma_wait3A_158 = tpu.memref_slice %arg5[%dma_wait3A_149, %dma_wait3A_150, %dma_wait3A_151, %dma_wait3A_157] : memref<4x3x2x128xi32, #tpu.memory_space<vmem>> -> memref<1x1x1x128xi32, #tpu.memory_space<vmem>>
    %dma_wait3A_159 = tpu.memref_squeeze %dma_wait3A_158 : memref<1x1x1x128xi32, #tpu.memory_space<vmem>> -> memref<128xi32, #tpu.memory_space<vmem>>
    %dma_wait3A_160 = arith.constant 0 : i32
    %dma_wait3A_161 = arith.constant 0 : i32
    %dma_wait3A_162 = tpu.memref_slice %arg2[%dma_wait3A_160, %dma_wait3A_161] : memref<1000000x64xf32, #tpu.memory_space<hbm>> -> memref<1000000x64xf32, #tpu.memory_space<hbm>>
    tpu.wait_indirect_dma semaphore(%arg11 : memref<!tpu.dma_semaphore, #tpu.memory_space<semaphore_mem>>) src(%dma_wait3A_162 : memref<1000000x64xf32, #tpu.memory_space<hbm>>) dst(%dma_wait3A_156 : memref<128x64xf32, #tpu.memory_space<vmem>>)
    %dma_start3A_163 = arith.constant 0 : i32
    %dma_start3A_164 = arith.constant 1 : i32
    %dma_start3A_165 = arith.constant 0 : i32
    %dma_start3A_166 = arith.constant 0 : i32
    %dma_start3A_167 = arith.constant 0 : i32
    %dma_start3A_168 = arith.constant 0 : i32
    %dma_start3A_169 = tpu.memref_slice %arg6[%dma_start3A_166, %dma_start3A_167, %dma_start3A_168] : memref<2x256x64xf32, #tpu.memory_space<vmem>> -> memref<1x128x64xf32, #tpu.memory_space<vmem>>
    %dma_start3A_170 = tpu.memref_squeeze %dma_start3A_169 : memref<1x128x64xf32, #tpu.memory_space<vmem>> -> memref<128x64xf32, #tpu.memory_space<vmem>>
    %dma_start3A_171 = arith.constant 0 : i32
    %dma_start3A_172 = tpu.memref_slice %arg5[%dma_start3A_163, %dma_start3A_164, %dma_start3A_165, %dma_start3A_171] : memref<4x3x2x128xi32, #tpu.memory_space<vmem>> -> memref<1x1x1x128xi32, #tpu.memory_space<vmem>>
    %dma_start3A_173 = tpu.memref_squeeze %dma_start3A_172 : memref<1x1x1x128xi32, #tpu.memory_space<vmem>> -> memref<128xi32, #tpu.memory_space<vmem>>
    %dma_start3A_174 = arith.constant 0 : i32
    %dma_start3A_175 = arith.constant 0 : i32
    %dma_start3A_176 = tpu.memref_slice %arg2[%dma_start3A_174, %dma_start3A_175] : memref<1000000x64xf32, #tpu.memory_space<hbm>> -> memref<1000000x64xf32, #tpu.memory_space<hbm>>
    tpu.enqueue_indirect_dma source(%dma_start3A_176 : memref<1000000x64xf32, #tpu.memory_space<hbm>>) target(%dma_start3A_170 : memref<128x64xf32, #tpu.memory_space<vmem>>) offsets(%dma_start3A_173 : memref<128xi32, #tpu.memory_space<vmem>>) semaphore(%arg13 : memref<!tpu.dma_semaphore, #tpu.memory_space<semaphore_mem>>) {add = true}
    %dma_start3A_177 = arith.constant 0 : i32
    %dma_start3A_178 = arith.constant 1 : i32
    %dma_start3A_179 = arith.constant 1 : i32
    %dma_start3A_180 = arith.constant 0 : i32
    %dma_start3A_181 = arith.constant 128 : i32
    %dma_start3A_182 = arith.constant 0 : i32
    %dma_start3A_183 = tpu.memref_slice %arg6[%dma_start3A_180, %dma_start3A_181, %dma_start3A_182] : memref<2x256x64xf32, #tpu.memory_space<vmem>> -> memref<1x128x64xf32, #tpu.memory_space<vmem>>
    %dma_start3A_184 = tpu.memref_squeeze %dma_start3A_183 : memref<1x128x64xf32, #tpu.memory_space<vmem>> -> memref<128x64xf32, #tpu.memory_space<vmem>>
    %dma_start3A_185 = arith.constant 0 : i32
    %dma_start3A_186 = tpu.memref_slice %arg5[%dma_start3A_177, %dma_start3A_178, %dma_start3A_179, %dma_start3A_185] : memref<4x3x2x128xi32, #tpu.memory_space<vmem>> -> memref<1x1x1x128xi32, #tpu.memory_space<vmem>>
    %dma_start3A_187 = tpu.memref_squeeze %dma_start3A_186 : memref<1x1x1x128xi32, #tpu.memory_space<vmem>> -> memref<128xi32, #tpu.memory_space<vmem>>
    %dma_start3A_188 = arith.constant 0 : i32
    %dma_start3A_189 = arith.constant 0 : i32
    %dma_start3A_190 = tpu.memref_slice %arg2[%dma_start3A_188, %dma_start3A_189] : memref<1000000x64xf32, #tpu.memory_space<hbm>> -> memref<1000000x64xf32, #tpu.memory_space<hbm>>
    tpu.enqueue_indirect_dma source(%dma_start3A_190 : memref<1000000x64xf32, #tpu.memory_space<hbm>>) target(%dma_start3A_184 : memref<128x64xf32, #tpu.memory_space<vmem>>) offsets(%dma_start3A_187 : memref<128xi32, #tpu.memory_space<vmem>>) semaphore(%arg13 : memref<!tpu.dma_semaphore, #tpu.memory_space<semaphore_mem>>) {add = true}
    %dma_start3A_191 = arith.constant 0 : i32
    %dma_start3A_192 = arith.constant 2 : i32
    %dma_start3A_193 = arith.constant 0 : i32
    %dma_start3A_194 = arith.constant 0 : i32
    %dma_start3A_195 = arith.constant 0 : i32
    %dma_start3A_196 = arith.constant 0 : i32
    %dma_start3A_197 = tpu.memref_slice %arg6[%dma_start3A_194, %dma_start3A_195, %dma_start3A_196] : memref<2x256x64xf32, #tpu.memory_space<vmem>> -> memref<1x128x64xf32, #tpu.memory_space<vmem>>
    %dma_start3A_198 = tpu.memref_squeeze %dma_start3A_197 : memref<1x128x64xf32, #tpu.memory_space<vmem>> -> memref<128x64xf32, #tpu.memory_space<vmem>>
    %dma_start3A_199 = arith.constant 0 : i32
    %dma_start3A_200 = tpu.memref_slice %arg5[%dma_start3A_191, %dma_start3A_192, %dma_start3A_193, %dma_start3A_199] : memref<4x3x2x128xi32, #tpu.memory_space<vmem>> -> memref<1x1x1x128xi32, #tpu.memory_space<vmem>>
    %dma_start3A_201 = tpu.memref_squeeze %dma_start3A_200 : memref<1x1x1x128xi32, #tpu.memory_space<vmem>> -> memref<128xi32, #tpu.memory_space<vmem>>
    %dma_start3A_202 = arith.constant 0 : i32
    %dma_start3A_203 = arith.constant 0 : i32
    %dma_start3A_204 = tpu.memref_slice %arg2[%dma_start3A_202, %dma_start3A_203] : memref<1000000x64xf32, #tpu.memory_space<hbm>> -> memref<1000000x64xf32, #tpu.memory_space<hbm>>
    tpu.enqueue_indirect_dma source(%dma_start3A_204 : memref<1000000x64xf32, #tpu.memory_space<hbm>>) target(%dma_start3A_198 : memref<128x64xf32, #tpu.memory_space<vmem>>) offsets(%dma_start3A_201 : memref<128xi32, #tpu.memory_space<vmem>>) semaphore(%arg13 : memref<!tpu.dma_semaphore, #tpu.memory_space<semaphore_mem>>) {add = true}
    %dma_start3A_205 = arith.constant 0 : i32
    %dma_start3A_206 = arith.constant 2 : i32
    %dma_start3A_207 = arith.constant 1 : i32
    %dma_start3A_208 = arith.constant 0 : i32
    %dma_start3A_209 = arith.constant 128 : i32
    %dma_start3A_210 = arith.constant 0 : i32
    %dma_start3A_211 = tpu.memref_slice %arg6[%dma_start3A_208, %dma_start3A_209, %dma_start3A_210] : memref<2x256x64xf32, #tpu.memory_space<vmem>> -> memref<1x128x64xf32, #tpu.memory_space<vmem>>
    %dma_start3A_212 = tpu.memref_squeeze %dma_start3A_211 : memref<1x128x64xf32, #tpu.memory_space<vmem>> -> memref<128x64xf32, #tpu.memory_space<vmem>>
    %dma_start3A_213 = arith.constant 0 : i32
    %dma_start3A_214 = tpu.memref_slice %arg5[%dma_start3A_205, %dma_start3A_206, %dma_start3A_207, %dma_start3A_213] : memref<4x3x2x128xi32, #tpu.memory_space<vmem>> -> memref<1x1x1x128xi32, #tpu.memory_space<vmem>>
    %dma_start3A_215 = tpu.memref_squeeze %dma_start3A_214 : memref<1x1x1x128xi32, #tpu.memory_space<vmem>> -> memref<128xi32, #tpu.memory_space<vmem>>
    %dma_start3A_216 = arith.constant 0 : i32
    %dma_start3A_217 = arith.constant 0 : i32
    %dma_start3A_218 = tpu.memref_slice %arg2[%dma_start3A_216, %dma_start3A_217] : memref<1000000x64xf32, #tpu.memory_space<hbm>> -> memref<1000000x64xf32, #tpu.memory_space<hbm>>
    tpu.enqueue_indirect_dma source(%dma_start3A_218 : memref<1000000x64xf32, #tpu.memory_space<hbm>>) target(%dma_start3A_212 : memref<128x64xf32, #tpu.memory_space<vmem>>) offsets(%dma_start3A_215 : memref<128xi32, #tpu.memory_space<vmem>>) semaphore(%arg13 : memref<!tpu.dma_semaphore, #tpu.memory_space<semaphore_mem>>) {add = true}
    %add3A_219 = arith.constant 4 : i32
    %add3A_220 = arith.addi %mul3A_2, %add3A_219 : i32
    %dma_start3A_221 = arith.constant 2 : i32
    %dma_start3A_222 = arith.constant 0 : i32
    %dma_start3A_223 = arith.constant 0 : i32
    %dma_start3A_224 = arith.constant 0 : i32
    %dma_start3A_225 = tpu.memref_slice %arg5[%dma_start3A_221, %dma_start3A_222, %dma_start3A_223, %dma_start3A_224] : memref<4x3x2x128xi32, #tpu.memory_space<vmem>> -> memref<1x3x2x128xi32, #tpu.memory_space<vmem>>
    %dma_start3A_226 = tpu.memref_squeeze %dma_start3A_225 : memref<1x3x2x128xi32, #tpu.memory_space<vmem>> -> memref<3x2x128xi32, #tpu.memory_space<vmem>>
    %dma_start3A_227 = arith.constant 0 : i32
    %dma_start3A_228 = arith.constant 0 : i32
    %dma_start3A_229 = tpu.memref_slice %arg3[%dma_start3A_227, %add3A_220, %dma_start3A_228] : memref<3x6400x128xi32, #tpu.memory_space<hbm>> -> memref<3x2x128xi32, #tpu.memory_space<hbm>>
    %dma_start3A_230 = arith.constant 0 : i32
    %dma_start3A_231 = arith.constant 0 : i32
    %dma_start3A_232 = arith.constant 0 : i32
    %dma_start3A_233 = tpu.memref_slice %arg5[%dma_start3A_221, %dma_start3A_230, %dma_start3A_231, %dma_start3A_232] : memref<4x3x2x128xi32, #tpu.memory_space<vmem>> -> memref<1x3x2x128xi32, #tpu.memory_space<vmem>>
    %dma_start3A_234 = tpu.memref_squeeze %dma_start3A_233 : memref<1x3x2x128xi32, #tpu.memory_space<vmem>> -> memref<3x2x128xi32, #tpu.memory_space<vmem>>
    %dma_start3A_235 = arith.constant 0 : i32
    %dma_start3A_236 = arith.constant 0 : i32
    %dma_start3A_237 = tpu.memref_slice %arg3[%dma_start3A_235, %add3A_220, %dma_start3A_236] : memref<3x6400x128xi32, #tpu.memory_space<hbm>> -> memref<3x2x128xi32, #tpu.memory_space<hbm>>
    tpu.enqueue_dma source(%dma_start3A_237 : memref<3x2x128xi32, #tpu.memory_space<hbm>>) target(%dma_start3A_234 : memref<3x2x128xi32, #tpu.memory_space<vmem>>) target_semaphore(%arg9 : memref<!tpu.dma_semaphore, #tpu.memory_space<semaphore_mem>>)
    %dma_wait3A_238 = arith.constant 0 : i32
    %dma_wait3A_239 = arith.constant 1 : i32
    %dma_wait3A_240 = arith.constant 0 : i32
    %dma_wait3A_241 = arith.constant 0 : i32
    %dma_wait3A_242 = arith.constant 0 : i32
    %dma_wait3A_243 = arith.constant 0 : i32
    %dma_wait3A_244 = tpu.memref_slice %arg6[%dma_wait3A_241, %dma_wait3A_242, %dma_wait3A_243] : memref<2x256x64xf32, #tpu.memory_space<vmem>> -> memref<1x128x64xf32, #tpu.memory_space<vmem>>
    %dma_wait3A_245 = tpu.memref_squeeze %dma_wait3A_244 : memref<1x128x64xf32, #tpu.memory_space<vmem>> -> memref<128x64xf32, #tpu.memory_space<vmem>>
    %dma_wait3A_246 = arith.constant 0 : i32
    %dma_wait3A_247 = tpu.memref_slice %arg5[%dma_wait3A_238, %dma_wait3A_239, %dma_wait3A_240, %dma_wait3A_246] : memref<4x3x2x128xi32, #tpu.memory_space<vmem>> -> memref<1x1x1x128xi32, #tpu.memory_space<vmem>>
    %dma_wait3A_248 = tpu.memref_squeeze %dma_wait3A_247 : memref<1x1x1x128xi32, #tpu.memory_space<vmem>> -> memref<128xi32, #tpu.memory_space<vmem>>
    %dma_wait3A_249 = arith.constant 0 : i32
    %dma_wait3A_250 = arith.constant 0 : i32
    %dma_wait3A_251 = tpu.memref_slice %arg2[%dma_wait3A_249, %dma_wait3A_250] : memref<1000000x64xf32, #tpu.memory_space<hbm>> -> memref<1000000x64xf32, #tpu.memory_space<hbm>>
    tpu.wait_indirect_dma semaphore(%arg13 : memref<!tpu.dma_semaphore, #tpu.memory_space<semaphore_mem>>) src(%dma_wait3A_251 : memref<1000000x64xf32, #tpu.memory_space<hbm>>) dst(%dma_wait3A_245 : memref<128x64xf32, #tpu.memory_space<vmem>>)
    %dma_wait3A_252 = arith.constant 0 : i32
    %dma_wait3A_253 = arith.constant 1 : i32
    %dma_wait3A_254 = arith.constant 1 : i32
    %dma_wait3A_255 = arith.constant 0 : i32
    %dma_wait3A_256 = arith.constant 128 : i32
    %dma_wait3A_257 = arith.constant 0 : i32
    %dma_wait3A_258 = tpu.memref_slice %arg6[%dma_wait3A_255, %dma_wait3A_256, %dma_wait3A_257] : memref<2x256x64xf32, #tpu.memory_space<vmem>> -> memref<1x128x64xf32, #tpu.memory_space<vmem>>
    %dma_wait3A_259 = tpu.memref_squeeze %dma_wait3A_258 : memref<1x128x64xf32, #tpu.memory_space<vmem>> -> memref<128x64xf32, #tpu.memory_space<vmem>>
    %dma_wait3A_260 = arith.constant 0 : i32
    %dma_wait3A_261 = tpu.memref_slice %arg5[%dma_wait3A_252, %dma_wait3A_253, %dma_wait3A_254, %dma_wait3A_260] : memref<4x3x2x128xi32, #tpu.memory_space<vmem>> -> memref<1x1x1x128xi32, #tpu.memory_space<vmem>>
    %dma_wait3A_262 = tpu.memref_squeeze %dma_wait3A_261 : memref<1x1x1x128xi32, #tpu.memory_space<vmem>> -> memref<128xi32, #tpu.memory_space<vmem>>
    %dma_wait3A_263 = arith.constant 0 : i32
    %dma_wait3A_264 = arith.constant 0 : i32
    %dma_wait3A_265 = tpu.memref_slice %arg2[%dma_wait3A_263, %dma_wait3A_264] : memref<1000000x64xf32, #tpu.memory_space<hbm>> -> memref<1000000x64xf32, #tpu.memory_space<hbm>>
    tpu.wait_indirect_dma semaphore(%arg13 : memref<!tpu.dma_semaphore, #tpu.memory_space<semaphore_mem>>) src(%dma_wait3A_265 : memref<1000000x64xf32, #tpu.memory_space<hbm>>) dst(%dma_wait3A_259 : memref<128x64xf32, #tpu.memory_space<vmem>>)
    %dma_wait3A_266 = arith.constant 0 : i32
    %dma_wait3A_267 = arith.constant 2 : i32
    %dma_wait3A_268 = arith.constant 0 : i32
    %dma_wait3A_269 = arith.constant 0 : i32
    %dma_wait3A_270 = arith.constant 0 : i32
    %dma_wait3A_271 = arith.constant 0 : i32
    %dma_wait3A_272 = tpu.memref_slice %arg6[%dma_wait3A_269, %dma_wait3A_270, %dma_wait3A_271] : memref<2x256x64xf32, #tpu.memory_space<vmem>> -> memref<1x128x64xf32, #tpu.memory_space<vmem>>
    %dma_wait3A_273 = tpu.memref_squeeze %dma_wait3A_272 : memref<1x128x64xf32, #tpu.memory_space<vmem>> -> memref<128x64xf32, #tpu.memory_space<vmem>>
    %dma_wait3A_274 = arith.constant 0 : i32
    %dma_wait3A_275 = tpu.memref_slice %arg5[%dma_wait3A_266, %dma_wait3A_267, %dma_wait3A_268, %dma_wait3A_274] : memref<4x3x2x128xi32, #tpu.memory_space<vmem>> -> memref<1x1x1x128xi32, #tpu.memory_space<vmem>>
    %dma_wait3A_276 = tpu.memref_squeeze %dma_wait3A_275 : memref<1x1x1x128xi32, #tpu.memory_space<vmem>> -> memref<128xi32, #tpu.memory_space<vmem>>
    %dma_wait3A_277 = arith.constant 0 : i32
    %dma_wait3A_278 = arith.constant 0 : i32
    %dma_wait3A_279 = tpu.memref_slice %arg2[%dma_wait3A_277, %dma_wait3A_278] : memref<1000000x64xf32, #tpu.memory_space<hbm>> -> memref<1000000x64xf32, #tpu.memory_space<hbm>>
    tpu.wait_indirect_dma semaphore(%arg13 : memref<!tpu.dma_semaphore, #tpu.memory_space<semaphore_mem>>) src(%dma_wait3A_279 : memref<1000000x64xf32, #tpu.memory_space<hbm>>) dst(%dma_wait3A_273 : memref<128x64xf32, #tpu.memory_space<vmem>>)
    %dma_wait3A_280 = arith.constant 0 : i32
    %dma_wait3A_281 = arith.constant 2 : i32
    %dma_wait3A_282 = arith.constant 1 : i32
    %dma_wait3A_283 = arith.constant 0 : i32
    %dma_wait3A_284 = arith.constant 128 : i32
    %dma_wait3A_285 = arith.constant 0 : i32
    %dma_wait3A_286 = tpu.memref_slice %arg6[%dma_wait3A_283, %dma_wait3A_284, %dma_wait3A_285] : memref<2x256x64xf32, #tpu.memory_space<vmem>> -> memref<1x128x64xf32, #tpu.memory_space<vmem>>
    %dma_wait3A_287 = tpu.memref_squeeze %dma_wait3A_286 : memref<1x128x64xf32, #tpu.memory_space<vmem>> -> memref<128x64xf32, #tpu.memory_space<vmem>>
    %dma_wait3A_288 = arith.constant 0 : i32
    %dma_wait3A_289 = tpu.memref_slice %arg5[%dma_wait3A_280, %dma_wait3A_281, %dma_wait3A_282, %dma_wait3A_288] : memref<4x3x2x128xi32, #tpu.memory_space<vmem>> -> memref<1x1x1x128xi32, #tpu.memory_space<vmem>>
    %dma_wait3A_290 = tpu.memref_squeeze %dma_wait3A_289 : memref<1x1x1x128xi32, #tpu.memory_space<vmem>> -> memref<128xi32, #tpu.memory_space<vmem>>
    %dma_wait3A_291 = arith.constant 0 : i32
    %dma_wait3A_292 = arith.constant 0 : i32
    %dma_wait3A_293 = tpu.memref_slice %arg2[%dma_wait3A_291, %dma_wait3A_292] : memref<1000000x64xf32, #tpu.memory_space<hbm>> -> memref<1000000x64xf32, #tpu.memory_space<hbm>>
    tpu.wait_indirect_dma semaphore(%arg13 : memref<!tpu.dma_semaphore, #tpu.memory_space<semaphore_mem>>) src(%dma_wait3A_293 : memref<1000000x64xf32, #tpu.memory_space<hbm>>) dst(%dma_wait3A_287 : memref<128x64xf32, #tpu.memory_space<vmem>>)
    %add3A_294 = arith.constant 0 : i32
    %add3A_295 = arith.addi %mul3A_4, %add3A_294 : i32
    %dma_start3A_296 = arith.constant 0 : i32
    %dma_start3A_297 = arith.constant 0 : i32
    %dma_start3A_298 = arith.constant 0 : i32
    %dma_start3A_299 = tpu.memref_slice %arg6[%dma_start3A_296, %dma_start3A_297, %dma_start3A_298] : memref<2x256x64xf32, #tpu.memory_space<vmem>> -> memref<1x256x64xf32, #tpu.memory_space<vmem>>
    %dma_start3A_300 = tpu.memref_squeeze %dma_start3A_299 : memref<1x256x64xf32, #tpu.memory_space<vmem>> -> memref<256x64xf32, #tpu.memory_space<vmem>>
    %dma_start3A_301 = arith.constant 0 : i32
    %dma_start3A_302 = tpu.memref_slice %arg4[%add3A_295, %dma_start3A_301] : memref<819200x64xf32, #tpu.memory_space<hbm>> -> memref<256x64xf32, #tpu.memory_space<hbm>>
    %dma_start3A_303 = arith.constant 0 : i32
    %dma_start3A_304 = tpu.memref_slice %arg4[%add3A_295, %dma_start3A_303] : memref<819200x64xf32, #tpu.memory_space<hbm>> -> memref<256x64xf32, #tpu.memory_space<hbm>>
    %dma_start3A_305 = arith.constant 0 : i32
    %dma_start3A_306 = arith.constant 0 : i32
    %dma_start3A_307 = tpu.memref_slice %arg6[%dma_start3A_296, %dma_start3A_305, %dma_start3A_306] : memref<2x256x64xf32, #tpu.memory_space<vmem>> -> memref<1x256x64xf32, #tpu.memory_space<vmem>>
    %dma_start3A_308 = tpu.memref_squeeze %dma_start3A_307 : memref<1x256x64xf32, #tpu.memory_space<vmem>> -> memref<256x64xf32, #tpu.memory_space<vmem>>
    tpu.enqueue_dma source(%dma_start3A_308 : memref<256x64xf32, #tpu.memory_space<vmem>>) target(%dma_start3A_304 : memref<256x64xf32, #tpu.memory_space<hbm>>) target_semaphore(%arg15 : memref<!tpu.dma_semaphore, #tpu.memory_space<semaphore_mem>>)
    %add3A_309 = arith.constant 0 : i32
    %add3A_310 = arith.addi %mul3A_4, %add3A_309 : i32
    %dma_wait3A_311 = arith.constant 0 : i32
    %dma_wait3A_312 = arith.constant 0 : i32
    %dma_wait3A_313 = arith.constant 0 : i32
    %dma_wait3A_314 = tpu.memref_slice %arg6[%dma_wait3A_311, %dma_wait3A_312, %dma_wait3A_313] : memref<2x256x64xf32, #tpu.memory_space<vmem>> -> memref<1x256x64xf32, #tpu.memory_space<vmem>>
    %dma_wait3A_315 = tpu.memref_squeeze %dma_wait3A_314 : memref<1x256x64xf32, #tpu.memory_space<vmem>> -> memref<256x64xf32, #tpu.memory_space<vmem>>
    %dma_wait3A_316 = arith.constant 0 : i32
    %dma_wait3A_317 = tpu.memref_slice %arg4[%add3A_310, %dma_wait3A_316] : memref<819200x64xf32, #tpu.memory_space<hbm>> -> memref<256x64xf32, #tpu.memory_space<hbm>>
    %dma_wait3A_318 = arith.constant 0 : i32
    %dma_wait3A_319 = tpu.memref_slice %arg4[%add3A_310, %dma_wait3A_318] : memref<819200x64xf32, #tpu.memory_space<hbm>> -> memref<256x64xf32, #tpu.memory_space<hbm>>
    %dma_wait3A_320 = arith.constant 0 : i32
    %dma_wait3A_321 = arith.constant 0 : i32
    %dma_wait3A_322 = tpu.memref_slice %arg6[%dma_wait3A_311, %dma_wait3A_320, %dma_wait3A_321] : memref<2x256x64xf32, #tpu.memory_space<vmem>> -> memref<1x256x64xf32, #tpu.memory_space<vmem>>
    %dma_wait3A_323 = tpu.memref_squeeze %dma_wait3A_322 : memref<1x256x64xf32, #tpu.memory_space<vmem>> -> memref<256x64xf32, #tpu.memory_space<vmem>>
    tpu.wait_dma2 semaphore(%arg15 : memref<!tpu.dma_semaphore, #tpu.memory_space<semaphore_mem>>) src(%dma_wait3A_323 : memref<256x64xf32, #tpu.memory_space<vmem>>) dst(%dma_wait3A_319 : memref<256x64xf32, #tpu.memory_space<hbm>>)
    %add3A_324 = arith.constant 4 : i32
    %add3A_325 = arith.addi %mul3A_2, %add3A_324 : i32
    %dma_wait3A_326 = arith.constant 2 : i32
    %dma_wait3A_327 = arith.constant 0 : i32
    %dma_wait3A_328 = arith.constant 0 : i32
    %dma_wait3A_329 = arith.constant 0 : i32
    %dma_wait3A_330 = tpu.memref_slice %arg5[%dma_wait3A_326, %dma_wait3A_327, %dma_wait3A_328, %dma_wait3A_329] : memref<4x3x2x128xi32, #tpu.memory_space<vmem>> -> memref<1x3x2x128xi32, #tpu.memory_space<vmem>>
    %dma_wait3A_331 = tpu.memref_squeeze %dma_wait3A_330 : memref<1x3x2x128xi32, #tpu.memory_space<vmem>> -> memref<3x2x128xi32, #tpu.memory_space<vmem>>
    %dma_wait3A_332 = arith.constant 0 : i32
    %dma_wait3A_333 = arith.constant 0 : i32
    %dma_wait3A_334 = tpu.memref_slice %arg3[%dma_wait3A_332, %add3A_325, %dma_wait3A_333] : memref<3x6400x128xi32, #tpu.memory_space<hbm>> -> memref<3x2x128xi32, #tpu.memory_space<hbm>>
    %dma_wait3A_335 = arith.constant 0 : i32
    %dma_wait3A_336 = arith.constant 0 : i32
    %dma_wait3A_337 = arith.constant 0 : i32
    %dma_wait3A_338 = tpu.memref_slice %arg5[%dma_wait3A_326, %dma_wait3A_335, %dma_wait3A_336, %dma_wait3A_337] : memref<4x3x2x128xi32, #tpu.memory_space<vmem>> -> memref<1x3x2x128xi32, #tpu.memory_space<vmem>>
    %dma_wait3A_339 = tpu.memref_squeeze %dma_wait3A_338 : memref<1x3x2x128xi32, #tpu.memory_space<vmem>> -> memref<3x2x128xi32, #tpu.memory_space<vmem>>
    %dma_wait3A_340 = arith.constant 0 : i32
    %dma_wait3A_341 = arith.constant 0 : i32
    %dma_wait3A_342 = tpu.memref_slice %arg3[%dma_wait3A_340, %add3A_325, %dma_wait3A_341] : memref<3x6400x128xi32, #tpu.memory_space<hbm>> -> memref<3x2x128xi32, #tpu.memory_space<hbm>>
    tpu.wait_dma2 semaphore(%arg9 : memref<!tpu.dma_semaphore, #tpu.memory_space<semaphore_mem>>) src(%dma_wait3A_342 : memref<3x2x128xi32, #tpu.memory_space<hbm>>) dst(%dma_wait3A_339 : memref<3x2x128xi32, #tpu.memory_space<vmem>>)
    %dma_start3A_343 = arith.constant 2 : i32
    %dma_start3A_344 = arith.constant 0 : i32
    %dma_start3A_345 = arith.constant 0 : i32
    %dma_start3A_346 = arith.constant 0 : i32
    %dma_start3A_347 = arith.constant 0 : i32
    %dma_start3A_348 = arith.constant 0 : i32
    %dma_start3A_349 = tpu.memref_slice %arg6[%dma_start3A_346, %dma_start3A_347, %dma_start3A_348] : memref<2x256x64xf32, #tpu.memory_space<vmem>> -> memref<1x128x64xf32, #tpu.memory_space<vmem>>
    %dma_start3A_350 = tpu.memref_squeeze %dma_start3A_349 : memref<1x128x64xf32, #tpu.memory_space<vmem>> -> memref<128x64xf32, #tpu.memory_space<vmem>>
    %dma_start3A_351 = arith.constant 0 : i32
    %dma_start3A_352 = tpu.memref_slice %arg5[%dma_start3A_343, %dma_start3A_344, %dma_start3A_345, %dma_start3A_351] : memref<4x3x2x128xi32, #tpu.memory_space<vmem>> -> memref<1x1x1x128xi32, #tpu.memory_space<vmem>>
    %dma_start3A_353 = tpu.memref_squeeze %dma_start3A_352 : memref<1x1x1x128xi32, #tpu.memory_space<vmem>> -> memref<128xi32, #tpu.memory_space<vmem>>
    %dma_start3A_354 = arith.constant 0 : i32
    %dma_start3A_355 = arith.constant 0 : i32
    %dma_start3A_356 = tpu.memref_slice %arg2[%dma_start3A_354, %dma_start3A_355] : memref<1000000x64xf32, #tpu.memory_space<hbm>> -> memref<1000000x64xf32, #tpu.memory_space<hbm>>
    tpu.enqueue_indirect_dma source(%dma_start3A_356 : memref<1000000x64xf32, #tpu.memory_space<hbm>>) target(%dma_start3A_350 : memref<128x64xf32, #tpu.memory_space<vmem>>) offsets(%dma_start3A_353 : memref<128xi32, #tpu.memory_space<vmem>>) semaphore(%arg11 : memref<!tpu.dma_semaphore, #tpu.memory_space<semaphore_mem>>)
    %dma_start3A_357 = arith.constant 2 : i32
    %dma_start3A_358 = arith.constant 0 : i32
    %dma_start3A_359 = arith.constant 1 : i32
    %dma_start3A_360 = arith.constant 0 : i32
    %dma_start3A_361 = arith.constant 128 : i32
    %dma_start3A_362 = arith.constant 0 : i32
    %dma_start3A_363 = tpu.memref_slice %arg6[%dma_start3A_360, %dma_start3A_361, %dma_start3A_362] : memref<2x256x64xf32, #tpu.memory_space<vmem>> -> memref<1x128x64xf32, #tpu.memory_space<vmem>>
    %dma_start3A_364 = tpu.memref_squeeze %dma_start3A_363 : memref<1x128x64xf32, #tpu.memory_space<vmem>> -> memref<128x64xf32, #tpu.memory_space<vmem>>
    %dma_start3A_365 = arith.constant 0 : i32
    %dma_start3A_366 = tpu.memref_slice %arg5[%dma_start3A_357, %dma_start3A_358, %dma_start3A_359, %dma_start3A_365] : memref<4x3x2x128xi32, #tpu.memory_space<vmem>> -> memref<1x1x1x128xi32, #tpu.memory_space<vmem>>
    %dma_start3A_367 = tpu.memref_squeeze %dma_start3A_366 : memref<1x1x1x128xi32, #tpu.memory_space<vmem>> -> memref<128xi32, #tpu.memory_space<vmem>>
    %dma_start3A_368 = arith.constant 0 : i32
    %dma_start3A_369 = arith.constant 0 : i32
    %dma_start3A_370 = tpu.memref_slice %arg2[%dma_start3A_368, %dma_start3A_369] : memref<1000000x64xf32, #tpu.memory_space<hbm>> -> memref<1000000x64xf32, #tpu.memory_space<hbm>>
    tpu.enqueue_indirect_dma source(%dma_start3A_370 : memref<1000000x64xf32, #tpu.memory_space<hbm>>) target(%dma_start3A_364 : memref<128x64xf32, #tpu.memory_space<vmem>>) offsets(%dma_start3A_367 : memref<128xi32, #tpu.memory_space<vmem>>) semaphore(%arg11 : memref<!tpu.dma_semaphore, #tpu.memory_space<semaphore_mem>>)
    %dma_wait3A_371 = arith.constant 1 : i32
    %dma_wait3A_372 = arith.constant 0 : i32
    %dma_wait3A_373 = arith.constant 0 : i32
    %dma_wait3A_374 = arith.constant 1 : i32
    %dma_wait3A_375 = arith.constant 0 : i32
    %dma_wait3A_376 = arith.constant 0 : i32
    %dma_wait3A_377 = tpu.memref_slice %arg6[%dma_wait3A_374, %dma_wait3A_375, %dma_wait3A_376] : memref<2x256x64xf32, #tpu.memory_space<vmem>> -> memref<1x128x64xf32, #tpu.memory_space<vmem>>
    %dma_wait3A_378 = tpu.memref_squeeze %dma_wait3A_377 : memref<1x128x64xf32, #tpu.memory_space<vmem>> -> memref<128x64xf32, #tpu.memory_space<vmem>>
    %dma_wait3A_379 = arith.constant 0 : i32
    %dma_wait3A_380 = tpu.memref_slice %arg5[%dma_wait3A_371, %dma_wait3A_372, %dma_wait3A_373, %dma_wait3A_379] : memref<4x3x2x128xi32, #tpu.memory_space<vmem>> -> memref<1x1x1x128xi32, #tpu.memory_space<vmem>>
    %dma_wait3A_381 = tpu.memref_squeeze %dma_wait3A_380 : memref<1x1x1x128xi32, #tpu.memory_space<vmem>> -> memref<128xi32, #tpu.memory_space<vmem>>
    %dma_wait3A_382 = arith.constant 0 : i32
    %dma_wait3A_383 = arith.constant 0 : i32
    %dma_wait3A_384 = tpu.memref_slice %arg2[%dma_wait3A_382, %dma_wait3A_383] : memref<1000000x64xf32, #tpu.memory_space<hbm>> -> memref<1000000x64xf32, #tpu.memory_space<hbm>>
    tpu.wait_indirect_dma semaphore(%arg12 : memref<!tpu.dma_semaphore, #tpu.memory_space<semaphore_mem>>) src(%dma_wait3A_384 : memref<1000000x64xf32, #tpu.memory_space<hbm>>) dst(%dma_wait3A_378 : memref<128x64xf32, #tpu.memory_space<vmem>>)
    %dma_wait3A_385 = arith.constant 1 : i32
    %dma_wait3A_386 = arith.constant 0 : i32
    %dma_wait3A_387 = arith.constant 1 : i32
    %dma_wait3A_388 = arith.constant 1 : i32
    %dma_wait3A_389 = arith.constant 128 : i32
    %dma_wait3A_390 = arith.constant 0 : i32
    %dma_wait3A_391 = tpu.memref_slice %arg6[%dma_wait3A_388, %dma_wait3A_389, %dma_wait3A_390] : memref<2x256x64xf32, #tpu.memory_space<vmem>> -> memref<1x128x64xf32, #tpu.memory_space<vmem>>
    %dma_wait3A_392 = tpu.memref_squeeze %dma_wait3A_391 : memref<1x128x64xf32, #tpu.memory_space<vmem>> -> memref<128x64xf32, #tpu.memory_space<vmem>>
    %dma_wait3A_393 = arith.constant 0 : i32
    %dma_wait3A_394 = tpu.memref_slice %arg5[%dma_wait3A_385, %dma_wait3A_386, %dma_wait3A_387, %dma_wait3A_393] : memref<4x3x2x128xi32, #tpu.memory_space<vmem>> -> memref<1x1x1x128xi32, #tpu.memory_space<vmem>>
    %dma_wait3A_395 = tpu.memref_squeeze %dma_wait3A_394 : memref<1x1x1x128xi32, #tpu.memory_space<vmem>> -> memref<128xi32, #tpu.memory_space<vmem>>
    %dma_wait3A_396 = arith.constant 0 : i32
    %dma_wait3A_397 = arith.constant 0 : i32
    %dma_wait3A_398 = tpu.memref_slice %arg2[%dma_wait3A_396, %dma_wait3A_397] : memref<1000000x64xf32, #tpu.memory_space<hbm>> -> memref<1000000x64xf32, #tpu.memory_space<hbm>>
    tpu.wait_indirect_dma semaphore(%arg12 : memref<!tpu.dma_semaphore, #tpu.memory_space<semaphore_mem>>) src(%dma_wait3A_398 : memref<1000000x64xf32, #tpu.memory_space<hbm>>) dst(%dma_wait3A_392 : memref<128x64xf32, #tpu.memory_space<vmem>>)
    %dma_start3A_399 = arith.constant 1 : i32
    %dma_start3A_400 = arith.constant 1 : i32
    %dma_start3A_401 = arith.constant 0 : i32
    %dma_start3A_402 = arith.constant 1 : i32
    %dma_start3A_403 = arith.constant 0 : i32
    %dma_start3A_404 = arith.constant 0 : i32
    %dma_start3A_405 = tpu.memref_slice %arg6[%dma_start3A_402, %dma_start3A_403, %dma_start3A_404] : memref<2x256x64xf32, #tpu.memory_space<vmem>> -> memref<1x128x64xf32, #tpu.memory_space<vmem>>
    %dma_start3A_406 = tpu.memref_squeeze %dma_start3A_405 : memref<1x128x64xf32, #tpu.memory_space<vmem>> -> memref<128x64xf32, #tpu.memory_space<vmem>>
    %dma_start3A_407 = arith.constant 0 : i32
    %dma_start3A_408 = tpu.memref_slice %arg5[%dma_start3A_399, %dma_start3A_400, %dma_start3A_401, %dma_start3A_407] : memref<4x3x2x128xi32, #tpu.memory_space<vmem>> -> memref<1x1x1x128xi32, #tpu.memory_space<vmem>>
    %dma_start3A_409 = tpu.memref_squeeze %dma_start3A_408 : memref<1x1x1x128xi32, #tpu.memory_space<vmem>> -> memref<128xi32, #tpu.memory_space<vmem>>
    %dma_start3A_410 = arith.constant 0 : i32
    %dma_start3A_411 = arith.constant 0 : i32
    %dma_start3A_412 = tpu.memref_slice %arg2[%dma_start3A_410, %dma_start3A_411] : memref<1000000x64xf32, #tpu.memory_space<hbm>> -> memref<1000000x64xf32, #tpu.memory_space<hbm>>
    tpu.enqueue_indirect_dma source(%dma_start3A_412 : memref<1000000x64xf32, #tpu.memory_space<hbm>>) target(%dma_start3A_406 : memref<128x64xf32, #tpu.memory_space<vmem>>) offsets(%dma_start3A_409 : memref<128xi32, #tpu.memory_space<vmem>>) semaphore(%arg14 : memref<!tpu.dma_semaphore, #tpu.memory_space<semaphore_mem>>) {add = true}
    %dma_start3A_413 = arith.constant 1 : i32
    %dma_start3A_414 = arith.constant 1 : i32
    %dma_start3A_415 = arith.constant 1 : i32
    %dma_start3A_416 = arith.constant 1 : i32
    %dma_start3A_417 = arith.constant 128 : i32
    %dma_start3A_418 = arith.constant 0 : i32
    %dma_start3A_419 = tpu.memref_slice %arg6[%dma_start3A_416, %dma_start3A_417, %dma_start3A_418] : memref<2x256x64xf32, #tpu.memory_space<vmem>> -> memref<1x128x64xf32, #tpu.memory_space<vmem>>
    %dma_start3A_420 = tpu.memref_squeeze %dma_start3A_419 : memref<1x128x64xf32, #tpu.memory_space<vmem>> -> memref<128x64xf32, #tpu.memory_space<vmem>>
    %dma_start3A_421 = arith.constant 0 : i32
    %dma_start3A_422 = tpu.memref_slice %arg5[%dma_start3A_413, %dma_start3A_414, %dma_start3A_415, %dma_start3A_421] : memref<4x3x2x128xi32, #tpu.memory_space<vmem>> -> memref<1x1x1x128xi32, #tpu.memory_space<vmem>>
    %dma_start3A_423 = tpu.memref_squeeze %dma_start3A_422 : memref<1x1x1x128xi32, #tpu.memory_space<vmem>> -> memref<128xi32, #tpu.memory_space<vmem>>
    %dma_start3A_424 = arith.constant 0 : i32
    %dma_start3A_425 = arith.constant 0 : i32
    %dma_start3A_426 = tpu.memref_slice %arg2[%dma_start3A_424, %dma_start3A_425] : memref<1000000x64xf32, #tpu.memory_space<hbm>> -> memref<1000000x64xf32, #tpu.memory_space<hbm>>
    tpu.enqueue_indirect_dma source(%dma_start3A_426 : memref<1000000x64xf32, #tpu.memory_space<hbm>>) target(%dma_start3A_420 : memref<128x64xf32, #tpu.memory_space<vmem>>) offsets(%dma_start3A_423 : memref<128xi32, #tpu.memory_space<vmem>>) semaphore(%arg14 : memref<!tpu.dma_semaphore, #tpu.memory_space<semaphore_mem>>) {add = true}
    %dma_start3A_427 = arith.constant 1 : i32
    %dma_start3A_428 = arith.constant 2 : i32
    %dma_start3A_429 = arith.constant 0 : i32
    %dma_start3A_430 = arith.constant 1 : i32
    %dma_start3A_431 = arith.constant 0 : i32
    %dma_start3A_432 = arith.constant 0 : i32
    %dma_start3A_433 = tpu.memref_slice %arg6[%dma_start3A_430, %dma_start3A_431, %dma_start3A_432] : memref<2x256x64xf32, #tpu.memory_space<vmem>> -> memref<1x128x64xf32, #tpu.memory_space<vmem>>
    %dma_start3A_434 = tpu.memref_squeeze %dma_start3A_433 : memref<1x128x64xf32, #tpu.memory_space<vmem>> -> memref<128x64xf32, #tpu.memory_space<vmem>>
    %dma_start3A_435 = arith.constant 0 : i32
    %dma_start3A_436 = tpu.memref_slice %arg5[%dma_start3A_427, %dma_start3A_428, %dma_start3A_429, %dma_start3A_435] : memref<4x3x2x128xi32, #tpu.memory_space<vmem>> -> memref<1x1x1x128xi32, #tpu.memory_space<vmem>>
    %dma_start3A_437 = tpu.memref_squeeze %dma_start3A_436 : memref<1x1x1x128xi32, #tpu.memory_space<vmem>> -> memref<128xi32, #tpu.memory_space<vmem>>
    %dma_start3A_438 = arith.constant 0 : i32
    %dma_start3A_439 = arith.constant 0 : i32
    %dma_start3A_440 = tpu.memref_slice %arg2[%dma_start3A_438, %dma_start3A_439] : memref<1000000x64xf32, #tpu.memory_space<hbm>> -> memref<1000000x64xf32, #tpu.memory_space<hbm>>
    tpu.enqueue_indirect_dma source(%dma_start3A_440 : memref<1000000x64xf32, #tpu.memory_space<hbm>>) target(%dma_start3A_434 : memref<128x64xf32, #tpu.memory_space<vmem>>) offsets(%dma_start3A_437 : memref<128xi32, #tpu.memory_space<vmem>>) semaphore(%arg14 : memref<!tpu.dma_semaphore, #tpu.memory_space<semaphore_mem>>) {add = true}
    %dma_start3A_441 = arith.constant 1 : i32
    %dma_start3A_442 = arith.constant 2 : i32
    %dma_start3A_443 = arith.constant 1 : i32
    %dma_start3A_444 = arith.constant 1 : i32
    %dma_start3A_445 = arith.constant 128 : i32
    %dma_start3A_446 = arith.constant 0 : i32
    %dma_start3A_447 = tpu.memref_slice %arg6[%dma_start3A_444, %dma_start3A_445, %dma_start3A_446] : memref<2x256x64xf32, #tpu.memory_space<vmem>> -> memref<1x128x64xf32, #tpu.memory_space<vmem>>
    %dma_start3A_448 = tpu.memref_squeeze %dma_start3A_447 : memref<1x128x64xf32, #tpu.memory_space<vmem>> -> memref<128x64xf32, #tpu.memory_space<vmem>>
    %dma_start3A_449 = arith.constant 0 : i32
    %dma_start3A_450 = tpu.memref_slice %arg5[%dma_start3A_441, %dma_start3A_442, %dma_start3A_443, %dma_start3A_449] : memref<4x3x2x128xi32, #tpu.memory_space<vmem>> -> memref<1x1x1x128xi32, #tpu.memory_space<vmem>>
    %dma_start3A_451 = tpu.memref_squeeze %dma_start3A_450 : memref<1x1x1x128xi32, #tpu.memory_space<vmem>> -> memref<128xi32, #tpu.memory_space<vmem>>
    %dma_start3A_452 = arith.constant 0 : i32
    %dma_start3A_453 = arith.constant 0 : i32
    %dma_start3A_454 = tpu.memref_slice %arg2[%dma_start3A_452, %dma_start3A_453] : memref<1000000x64xf32, #tpu.memory_space<hbm>> -> memref<1000000x64xf32, #tpu.memory_space<hbm>>
    tpu.enqueue_indirect_dma source(%dma_start3A_454 : memref<1000000x64xf32, #tpu.memory_space<hbm>>) target(%dma_start3A_448 : memref<128x64xf32, #tpu.memory_space<vmem>>) offsets(%dma_start3A_451 : memref<128xi32, #tpu.memory_space<vmem>>) semaphore(%arg14 : memref<!tpu.dma_semaphore, #tpu.memory_space<semaphore_mem>>) {add = true}
    %add3A_455 = arith.constant 6 : i32
    %add3A_456 = arith.addi %mul3A_2, %add3A_455 : i32
    %dma_start3A_457 = arith.constant 3 : i32
    %dma_start3A_458 = arith.constant 0 : i32
    %dma_start3A_459 = arith.constant 0 : i32
    %dma_start3A_460 = arith.constant 0 : i32
    %dma_start3A_461 = tpu.memref_slice %arg5[%dma_start3A_457, %dma_start3A_458, %dma_start3A_459, %dma_start3A_460] : memref<4x3x2x128xi32, #tpu.memory_space<vmem>> -> memref<1x3x2x128xi32, #tpu.memory_space<vmem>>
    %dma_start3A_462 = tpu.memref_squeeze %dma_start3A_461 : memref<1x3x2x128xi32, #tpu.memory_space<vmem>> -> memref<3x2x128xi32, #tpu.memory_space<vmem>>
    %dma_start3A_463 = arith.constant 0 : i32
    %dma_start3A_464 = arith.constant 0 : i32
    %dma_start3A_465 = tpu.memref_slice %arg3[%dma_start3A_463, %add3A_456, %dma_start3A_464] : memref<3x6400x128xi32, #tpu.memory_space<hbm>> -> memref<3x2x128xi32, #tpu.memory_space<hbm>>
    %dma_start3A_466 = arith.constant 0 : i32
    %dma_start3A_467 = arith.constant 0 : i32
    %dma_start3A_468 = arith.constant 0 : i32
    %dma_start3A_469 = tpu.memref_slice %arg5[%dma_start3A_457, %dma_start3A_466, %dma_start3A_467, %dma_start3A_468] : memref<4x3x2x128xi32, #tpu.memory_space<vmem>> -> memref<1x3x2x128xi32, #tpu.memory_space<vmem>>
    %dma_start3A_470 = tpu.memref_squeeze %dma_start3A_469 : memref<1x3x2x128xi32, #tpu.memory_space<vmem>> -> memref<3x2x128xi32, #tpu.memory_space<vmem>>
    %dma_start3A_471 = arith.constant 0 : i32
    %dma_start3A_472 = arith.constant 0 : i32
    %dma_start3A_473 = tpu.memref_slice %arg3[%dma_start3A_471, %add3A_456, %dma_start3A_472] : memref<3x6400x128xi32, #tpu.memory_space<hbm>> -> memref<3x2x128xi32, #tpu.memory_space<hbm>>
    tpu.enqueue_dma source(%dma_start3A_473 : memref<3x2x128xi32, #tpu.memory_space<hbm>>) target(%dma_start3A_470 : memref<3x2x128xi32, #tpu.memory_space<vmem>>) target_semaphore(%arg10 : memref<!tpu.dma_semaphore, #tpu.memory_space<semaphore_mem>>)
    %dma_wait3A_474 = arith.constant 1 : i32
    %dma_wait3A_475 = arith.constant 1 : i32
    %dma_wait3A_476 = arith.constant 0 : i32
    %dma_wait3A_477 = arith.constant 1 : i32
    %dma_wait3A_478 = arith.constant 0 : i32
    %dma_wait3A_479 = arith.constant 0 : i32
    %dma_wait3A_480 = tpu.memref_slice %arg6[%dma_wait3A_477, %dma_wait3A_478, %dma_wait3A_479] : memref<2x256x64xf32, #tpu.memory_space<vmem>> -> memref<1x128x64xf32, #tpu.memory_space<vmem>>
    %dma_wait3A_481 = tpu.memref_squeeze %dma_wait3A_480 : memref<1x128x64xf32, #tpu.memory_space<vmem>> -> memref<128x64xf32, #tpu.memory_space<vmem>>
    %dma_wait3A_482 = arith.constant 0 : i32
    %dma_wait3A_483 = tpu.memref_slice %arg5[%dma_wait3A_474, %dma_wait3A_475, %dma_wait3A_476, %dma_wait3A_482] : memref<4x3x2x128xi32, #tpu.memory_space<vmem>> -> memref<1x1x1x128xi32, #tpu.memory_space<vmem>>
    %dma_wait3A_484 = tpu.memref_squeeze %dma_wait3A_483 : memref<1x1x1x128xi32, #tpu.memory_space<vmem>> -> memref<128xi32, #tpu.memory_space<vmem>>
    %dma_wait3A_485 = arith.constant 0 : i32
    %dma_wait3A_486 = arith.constant 0 : i32
    %dma_wait3A_487 = tpu.memref_slice %arg2[%dma_wait3A_485, %dma_wait3A_486] : memref<1000000x64xf32, #tpu.memory_space<hbm>> -> memref<1000000x64xf32, #tpu.memory_space<hbm>>
    tpu.wait_indirect_dma semaphore(%arg14 : memref<!tpu.dma_semaphore, #tpu.memory_space<semaphore_mem>>) src(%dma_wait3A_487 : memref<1000000x64xf32, #tpu.memory_space<hbm>>) dst(%dma_wait3A_481 : memref<128x64xf32, #tpu.memory_space<vmem>>)
    %dma_wait3A_488 = arith.constant 1 : i32
    %dma_wait3A_489 = arith.constant 1 : i32
    %dma_wait3A_490 = arith.constant 1 : i32
    %dma_wait3A_491 = arith.constant 1 : i32
    %dma_wait3A_492 = arith.constant 128 : i32
    %dma_wait3A_493 = arith.constant 0 : i32
    %dma_wait3A_494 = tpu.memref_slice %arg6[%dma_wait3A_491, %dma_wait3A_492, %dma_wait3A_493] : memref<2x256x64xf32, #tpu.memory_space<vmem>> -> memref<1x128x64xf32, #tpu.memory_space<vmem>>
    %dma_wait3A_495 = tpu.memref_squeeze %dma_wait3A_494 : memref<1x128x64xf32, #tpu.memory_space<vmem>> -> memref<128x64xf32, #tpu.memory_space<vmem>>
    %dma_wait3A_496 = arith.constant 0 : i32
    %dma_wait3A_497 = tpu.memref_slice %arg5[%dma_wait3A_488, %dma_wait3A_489, %dma_wait3A_490, %dma_wait3A_496] : memref<4x3x2x128xi32, #tpu.memory_space<vmem>> -> memref<1x1x1x128xi32, #tpu.memory_space<vmem>>
    %dma_wait3A_498 = tpu.memref_squeeze %dma_wait3A_497 : memref<1x1x1x128xi32, #tpu.memory_space<vmem>> -> memref<128xi32, #tpu.memory_space<vmem>>
    %dma_wait3A_499 = arith.constant 0 : i32
    %dma_wait3A_500 = arith.constant 0 : i32
    %dma_wait3A_501 = tpu.memref_slice %arg2[%dma_wait3A_499, %dma_wait3A_500] : memref<1000000x64xf32, #tpu.memory_space<hbm>> -> memref<1000000x64xf32, #tpu.memory_space<hbm>>
    tpu.wait_indirect_dma semaphore(%arg14 : memref<!tpu.dma_semaphore, #tpu.memory_space<semaphore_mem>>) src(%dma_wait3A_501 : memref<1000000x64xf32, #tpu.memory_space<hbm>>) dst(%dma_wait3A_495 : memref<128x64xf32, #tpu.memory_space<vmem>>)
    %dma_wait3A_502 = arith.constant 1 : i32
    %dma_wait3A_503 = arith.constant 2 : i32
    %dma_wait3A_504 = arith.constant 0 : i32
    %dma_wait3A_505 = arith.constant 1 : i32
    %dma_wait3A_506 = arith.constant 0 : i32
    %dma_wait3A_507 = arith.constant 0 : i32
    %dma_wait3A_508 = tpu.memref_slice %arg6[%dma_wait3A_505, %dma_wait3A_506, %dma_wait3A_507] : memref<2x256x64xf32, #tpu.memory_space<vmem>> -> memref<1x128x64xf32, #tpu.memory_space<vmem>>
    %dma_wait3A_509 = tpu.memref_squeeze %dma_wait3A_508 : memref<1x128x64xf32, #tpu.memory_space<vmem>> -> memref<128x64xf32, #tpu.memory_space<vmem>>
    %dma_wait3A_510 = arith.constant 0 : i32
    %dma_wait3A_511 = tpu.memref_slice %arg5[%dma_wait3A_502, %dma_wait3A_503, %dma_wait3A_504, %dma_wait3A_510] : memref<4x3x2x128xi32, #tpu.memory_space<vmem>> -> memref<1x1x1x128xi32, #tpu.memory_space<vmem>>
    %dma_wait3A_512 = tpu.memref_squeeze %dma_wait3A_511 : memref<1x1x1x128xi32, #tpu.memory_space<vmem>> -> memref<128xi32, #tpu.memory_space<vmem>>
    %dma_wait3A_513 = arith.constant 0 : i32
    %dma_wait3A_514 = arith.constant 0 : i32
    %dma_wait3A_515 = tpu.memref_slice %arg2[%dma_wait3A_513, %dma_wait3A_514] : memref<1000000x64xf32, #tpu.memory_space<hbm>> -> memref<1000000x64xf32, #tpu.memory_space<hbm>>
    tpu.wait_indirect_dma semaphore(%arg14 : memref<!tpu.dma_semaphore, #tpu.memory_space<semaphore_mem>>) src(%dma_wait3A_515 : memref<1000000x64xf32, #tpu.memory_space<hbm>>) dst(%dma_wait3A_509 : memref<128x64xf32, #tpu.memory_space<vmem>>)
    %dma_wait3A_516 = arith.constant 1 : i32
    %dma_wait3A_517 = arith.constant 2 : i32
    %dma_wait3A_518 = arith.constant 1 : i32
    %dma_wait3A_519 = arith.constant 1 : i32
    %dma_wait3A_520 = arith.constant 128 : i32
    %dma_wait3A_521 = arith.constant 0 : i32
    %dma_wait3A_522 = tpu.memref_slice %arg6[%dma_wait3A_519, %dma_wait3A_520, %dma_wait3A_521] : memref<2x256x64xf32, #tpu.memory_space<vmem>> -> memref<1x128x64xf32, #tpu.memory_space<vmem>>
    %dma_wait3A_523 = tpu.memref_squeeze %dma_wait3A_522 : memref<1x128x64xf32, #tpu.memory_space<vmem>> -> memref<128x64xf32, #tpu.memory_space<vmem>>
    %dma_wait3A_524 = arith.constant 0 : i32
    %dma_wait3A_525 = tpu.memref_slice %arg5[%dma_wait3A_516, %dma_wait3A_517, %dma_wait3A_518, %dma_wait3A_524] : memref<4x3x2x128xi32, #tpu.memory_space<vmem>> -> memref<1x1x1x128xi32, #tpu.memory_space<vmem>>
    %dma_wait3A_526 = tpu.memref_squeeze %dma_wait3A_525 : memref<1x1x1x128xi32, #tpu.memory_space<vmem>> -> memref<128xi32, #tpu.memory_space<vmem>>
    %dma_wait3A_527 = arith.constant 0 : i32
    %dma_wait3A_528 = arith.constant 0 : i32
    %dma_wait3A_529 = tpu.memref_slice %arg2[%dma_wait3A_527, %dma_wait3A_528] : memref<1000000x64xf32, #tpu.memory_space<hbm>> -> memref<1000000x64xf32, #tpu.memory_space<hbm>>
    tpu.wait_indirect_dma semaphore(%arg14 : memref<!tpu.dma_semaphore, #tpu.memory_space<semaphore_mem>>) src(%dma_wait3A_529 : memref<1000000x64xf32, #tpu.memory_space<hbm>>) dst(%dma_wait3A_523 : memref<128x64xf32, #tpu.memory_space<vmem>>)
    %add3A_530 = arith.constant 256 : i32
    %add3A_531 = arith.addi %mul3A_4, %add3A_530 : i32
    %dma_start3A_532 = arith.constant 1 : i32
    %dma_start3A_533 = arith.constant 0 : i32
    %dma_start3A_534 = arith.constant 0 : i32
    %dma_start3A_535 = tpu.memref_slice %arg6[%dma_start3A_532, %dma_start3A_533, %dma_start3A_534] : memref<2x256x64xf32, #tpu.memory_space<vmem>> -> memref<1x256x64xf32, #tpu.memory_space<vmem>>
    %dma_start3A_536 = tpu.memref_squeeze %dma_start3A_535 : memref<1x256x64xf32, #tpu.memory_space<vmem>> -> memref<256x64xf32, #tpu.memory_space<vmem>>
    %dma_start3A_537 = arith.constant 0 : i32
    %dma_start3A_538 = tpu.memref_slice %arg4[%add3A_531, %dma_start3A_537] : memref<819200x64xf32, #tpu.memory_space<hbm>> -> memref<256x64xf32, #tpu.memory_space<hbm>>
    %dma_start3A_539 = arith.constant 0 : i32
    %dma_start3A_540 = tpu.memref_slice %arg4[%add3A_531, %dma_start3A_539] : memref<819200x64xf32, #tpu.memory_space<hbm>> -> memref<256x64xf32, #tpu.memory_space<hbm>>
    %dma_start3A_541 = arith.constant 0 : i32
    %dma_start3A_542 = arith.constant 0 : i32
    %dma_start3A_543 = tpu.memref_slice %arg6[%dma_start3A_532, %dma_start3A_541, %dma_start3A_542] : memref<2x256x64xf32, #tpu.memory_space<vmem>> -> memref<1x256x64xf32, #tpu.memory_space<vmem>>
    %dma_start3A_544 = tpu.memref_squeeze %dma_start3A_543 : memref<1x256x64xf32, #tpu.memory_space<vmem>> -> memref<256x64xf32, #tpu.memory_space<vmem>>
    tpu.enqueue_dma source(%dma_start3A_544 : memref<256x64xf32, #tpu.memory_space<vmem>>) target(%dma_start3A_540 : memref<256x64xf32, #tpu.memory_space<hbm>>) target_semaphore(%arg16 : memref<!tpu.dma_semaphore, #tpu.memory_space<semaphore_mem>>)
    %add3A_545 = arith.constant 256 : i32
    %add3A_546 = arith.addi %mul3A_4, %add3A_545 : i32
    %dma_wait3A_547 = arith.constant 1 : i32
    %dma_wait3A_548 = arith.constant 0 : i32
    %dma_wait3A_549 = arith.constant 0 : i32
    %dma_wait3A_550 = tpu.memref_slice %arg6[%dma_wait3A_547, %dma_wait3A_548, %dma_wait3A_549] : memref<2x256x64xf32, #tpu.memory_space<vmem>> -> memref<1x256x64xf32, #tpu.memory_space<vmem>>
    %dma_wait3A_551 = tpu.memref_squeeze %dma_wait3A_550 : memref<1x256x64xf32, #tpu.memory_space<vmem>> -> memref<256x64xf32, #tpu.memory_space<vmem>>
    %dma_wait3A_552 = arith.constant 0 : i32
    %dma_wait3A_553 = tpu.memref_slice %arg4[%add3A_546, %dma_wait3A_552] : memref<819200x64xf32, #tpu.memory_space<hbm>> -> memref<256x64xf32, #tpu.memory_space<hbm>>
    %dma_wait3A_554 = arith.constant 0 : i32
    %dma_wait3A_555 = tpu.memref_slice %arg4[%add3A_546, %dma_wait3A_554] : memref<819200x64xf32, #tpu.memory_space<hbm>> -> memref<256x64xf32, #tpu.memory_space<hbm>>
    %dma_wait3A_556 = arith.constant 0 : i32
    %dma_wait3A_557 = arith.constant 0 : i32
    %dma_wait3A_558 = tpu.memref_slice %arg6[%dma_wait3A_547, %dma_wait3A_556, %dma_wait3A_557] : memref<2x256x64xf32, #tpu.memory_space<vmem>> -> memref<1x256x64xf32, #tpu.memory_space<vmem>>
    %dma_wait3A_559 = tpu.memref_squeeze %dma_wait3A_558 : memref<1x256x64xf32, #tpu.memory_space<vmem>> -> memref<256x64xf32, #tpu.memory_space<vmem>>
    tpu.wait_dma2 semaphore(%arg16 : memref<!tpu.dma_semaphore, #tpu.memory_space<semaphore_mem>>) src(%dma_wait3A_559 : memref<256x64xf32, #tpu.memory_space<vmem>>) dst(%dma_wait3A_555 : memref<256x64xf32, #tpu.memory_space<hbm>>)
    %add3A_560 = arith.constant 6 : i32
    %add3A_561 = arith.addi %mul3A_2, %add3A_560 : i32
    %dma_wait3A_562 = arith.constant 3 : i32
    %dma_wait3A_563 = arith.constant 0 : i32
    %dma_wait3A_564 = arith.constant 0 : i32
    %dma_wait3A_565 = arith.constant 0 : i32
    %dma_wait3A_566 = tpu.memref_slice %arg5[%dma_wait3A_562, %dma_wait3A_563, %dma_wait3A_564, %dma_wait3A_565] : memref<4x3x2x128xi32, #tpu.memory_space<vmem>> -> memref<1x3x2x128xi32, #tpu.memory_space<vmem>>
    %dma_wait3A_567 = tpu.memref_squeeze %dma_wait3A_566 : memref<1x3x2x128xi32, #tpu.memory_space<vmem>> -> memref<3x2x128xi32, #tpu.memory_space<vmem>>
    %dma_wait3A_568 = arith.constant 0 : i32
    %dma_wait3A_569 = arith.constant 0 : i32
    %dma_wait3A_570 = tpu.memref_slice %arg3[%dma_wait3A_568, %add3A_561, %dma_wait3A_569] : memref<3x6400x128xi32, #tpu.memory_space<hbm>> -> memref<3x2x128xi32, #tpu.memory_space<hbm>>
    %dma_wait3A_571 = arith.constant 0 : i32
    %dma_wait3A_572 = arith.constant 0 : i32
    %dma_wait3A_573 = arith.constant 0 : i32
    %dma_wait3A_574 = tpu.memref_slice %arg5[%dma_wait3A_562, %dma_wait3A_571, %dma_wait3A_572, %dma_wait3A_573] : memref<4x3x2x128xi32, #tpu.memory_space<vmem>> -> memref<1x3x2x128xi32, #tpu.memory_space<vmem>>
    %dma_wait3A_575 = tpu.memref_squeeze %dma_wait3A_574 : memref<1x3x2x128xi32, #tpu.memory_space<vmem>> -> memref<3x2x128xi32, #tpu.memory_space<vmem>>
    %dma_wait3A_576 = arith.constant 0 : i32
    %dma_wait3A_577 = arith.constant 0 : i32
    %dma_wait3A_578 = tpu.memref_slice %arg3[%dma_wait3A_576, %add3A_561, %dma_wait3A_577] : memref<3x6400x128xi32, #tpu.memory_space<hbm>> -> memref<3x2x128xi32, #tpu.memory_space<hbm>>
    tpu.wait_dma2 semaphore(%arg10 : memref<!tpu.dma_semaphore, #tpu.memory_space<semaphore_mem>>) src(%dma_wait3A_578 : memref<3x2x128xi32, #tpu.memory_space<hbm>>) dst(%dma_wait3A_575 : memref<3x2x128xi32, #tpu.memory_space<vmem>>)
    %dma_start3A_579 = arith.constant 3 : i32
    %dma_start3A_580 = arith.constant 0 : i32
    %dma_start3A_581 = arith.constant 0 : i32
    %dma_start3A_582 = arith.constant 1 : i32
    %dma_start3A_583 = arith.constant 0 : i32
    %dma_start3A_584 = arith.constant 0 : i32
    %dma_start3A_585 = tpu.memref_slice %arg6[%dma_start3A_582, %dma_start3A_583, %dma_start3A_584] : memref<2x256x64xf32, #tpu.memory_space<vmem>> -> memref<1x128x64xf32, #tpu.memory_space<vmem>>
    %dma_start3A_586 = tpu.memref_squeeze %dma_start3A_585 : memref<1x128x64xf32, #tpu.memory_space<vmem>> -> memref<128x64xf32, #tpu.memory_space<vmem>>
    %dma_start3A_587 = arith.constant 0 : i32
    %dma_start3A_588 = tpu.memref_slice %arg5[%dma_start3A_579, %dma_start3A_580, %dma_start3A_581, %dma_start3A_587] : memref<4x3x2x128xi32, #tpu.memory_space<vmem>> -> memref<1x1x1x128xi32, #tpu.memory_space<vmem>>
    %dma_start3A_589 = tpu.memref_squeeze %dma_start3A_588 : memref<1x1x1x128xi32, #tpu.memory_space<vmem>> -> memref<128xi32, #tpu.memory_space<vmem>>
    %dma_start3A_590 = arith.constant 0 : i32
    %dma_start3A_591 = arith.constant 0 : i32
    %dma_start3A_592 = tpu.memref_slice %arg2[%dma_start3A_590, %dma_start3A_591] : memref<1000000x64xf32, #tpu.memory_space<hbm>> -> memref<1000000x64xf32, #tpu.memory_space<hbm>>
    tpu.enqueue_indirect_dma source(%dma_start3A_592 : memref<1000000x64xf32, #tpu.memory_space<hbm>>) target(%dma_start3A_586 : memref<128x64xf32, #tpu.memory_space<vmem>>) offsets(%dma_start3A_589 : memref<128xi32, #tpu.memory_space<vmem>>) semaphore(%arg12 : memref<!tpu.dma_semaphore, #tpu.memory_space<semaphore_mem>>)
    %dma_start3A_593 = arith.constant 3 : i32
    %dma_start3A_594 = arith.constant 0 : i32
    %dma_start3A_595 = arith.constant 1 : i32
    %dma_start3A_596 = arith.constant 1 : i32
    %dma_start3A_597 = arith.constant 128 : i32
    %dma_start3A_598 = arith.constant 0 : i32
    %dma_start3A_599 = tpu.memref_slice %arg6[%dma_start3A_596, %dma_start3A_597, %dma_start3A_598] : memref<2x256x64xf32, #tpu.memory_space<vmem>> -> memref<1x128x64xf32, #tpu.memory_space<vmem>>
    %dma_start3A_600 = tpu.memref_squeeze %dma_start3A_599 : memref<1x128x64xf32, #tpu.memory_space<vmem>> -> memref<128x64xf32, #tpu.memory_space<vmem>>
    %dma_start3A_601 = arith.constant 0 : i32
    %dma_start3A_602 = tpu.memref_slice %arg5[%dma_start3A_593, %dma_start3A_594, %dma_start3A_595, %dma_start3A_601] : memref<4x3x2x128xi32, #tpu.memory_space<vmem>> -> memref<1x1x1x128xi32, #tpu.memory_space<vmem>>
    %dma_start3A_603 = tpu.memref_squeeze %dma_start3A_602 : memref<1x1x1x128xi32, #tpu.memory_space<vmem>> -> memref<128xi32, #tpu.memory_space<vmem>>
    %dma_start3A_604 = arith.constant 0 : i32
    %dma_start3A_605 = arith.constant 0 : i32
    %dma_start3A_606 = tpu.memref_slice %arg2[%dma_start3A_604, %dma_start3A_605] : memref<1000000x64xf32, #tpu.memory_space<hbm>> -> memref<1000000x64xf32, #tpu.memory_space<hbm>>
    tpu.enqueue_indirect_dma source(%dma_start3A_606 : memref<1000000x64xf32, #tpu.memory_space<hbm>>) target(%dma_start3A_600 : memref<128x64xf32, #tpu.memory_space<vmem>>) offsets(%dma_start3A_603 : memref<128xi32, #tpu.memory_space<vmem>>) semaphore(%arg12 : memref<!tpu.dma_semaphore, #tpu.memory_space<semaphore_mem>>)
    %dma_wait3A_607 = arith.constant 2 : i32
    %dma_wait3A_608 = arith.constant 0 : i32
    %dma_wait3A_609 = arith.constant 0 : i32
    %dma_wait3A_610 = arith.constant 0 : i32
    %dma_wait3A_611 = arith.constant 0 : i32
    %dma_wait3A_612 = arith.constant 0 : i32
    %dma_wait3A_613 = tpu.memref_slice %arg6[%dma_wait3A_610, %dma_wait3A_611, %dma_wait3A_612] : memref<2x256x64xf32, #tpu.memory_space<vmem>> -> memref<1x128x64xf32, #tpu.memory_space<vmem>>
    %dma_wait3A_614 = tpu.memref_squeeze %dma_wait3A_613 : memref<1x128x64xf32, #tpu.memory_space<vmem>> -> memref<128x64xf32, #tpu.memory_space<vmem>>
    %dma_wait3A_615 = arith.constant 0 : i32
    %dma_wait3A_616 = tpu.memref_slice %arg5[%dma_wait3A_607, %dma_wait3A_608, %dma_wait3A_609, %dma_wait3A_615] : memref<4x3x2x128xi32, #tpu.memory_space<vmem>> -> memref<1x1x1x128xi32, #tpu.memory_space<vmem>>
    %dma_wait3A_617 = tpu.memref_squeeze %dma_wait3A_616 : memref<1x1x1x128xi32, #tpu.memory_space<vmem>> -> memref<128xi32, #tpu.memory_space<vmem>>
    %dma_wait3A_618 = arith.constant 0 : i32
    %dma_wait3A_619 = arith.constant 0 : i32
    %dma_wait3A_620 = tpu.memref_slice %arg2[%dma_wait3A_618, %dma_wait3A_619] : memref<1000000x64xf32, #tpu.memory_space<hbm>> -> memref<1000000x64xf32, #tpu.memory_space<hbm>>
    tpu.wait_indirect_dma semaphore(%arg11 : memref<!tpu.dma_semaphore, #tpu.memory_space<semaphore_mem>>) src(%dma_wait3A_620 : memref<1000000x64xf32, #tpu.memory_space<hbm>>) dst(%dma_wait3A_614 : memref<128x64xf32, #tpu.memory_space<vmem>>)
    %dma_wait3A_621 = arith.constant 2 : i32
    %dma_wait3A_622 = arith.constant 0 : i32
    %dma_wait3A_623 = arith.constant 1 : i32
    %dma_wait3A_624 = arith.constant 0 : i32
    %dma_wait3A_625 = arith.constant 128 : i32
    %dma_wait3A_626 = arith.constant 0 : i32
    %dma_wait3A_627 = tpu.memref_slice %arg6[%dma_wait3A_624, %dma_wait3A_625, %dma_wait3A_626] : memref<2x256x64xf32, #tpu.memory_space<vmem>> -> memref<1x128x64xf32, #tpu.memory_space<vmem>>
    %dma_wait3A_628 = tpu.memref_squeeze %dma_wait3A_627 : memref<1x128x64xf32, #tpu.memory_space<vmem>> -> memref<128x64xf32, #tpu.memory_space<vmem>>
    %dma_wait3A_629 = arith.constant 0 : i32
    %dma_wait3A_630 = tpu.memref_slice %arg5[%dma_wait3A_621, %dma_wait3A_622, %dma_wait3A_623, %dma_wait3A_629] : memref<4x3x2x128xi32, #tpu.memory_space<vmem>> -> memref<1x1x1x128xi32, #tpu.memory_space<vmem>>
    %dma_wait3A_631 = tpu.memref_squeeze %dma_wait3A_630 : memref<1x1x1x128xi32, #tpu.memory_space<vmem>> -> memref<128xi32, #tpu.memory_space<vmem>>
    %dma_wait3A_632 = arith.constant 0 : i32
    %dma_wait3A_633 = arith.constant 0 : i32
    %dma_wait3A_634 = tpu.memref_slice %arg2[%dma_wait3A_632, %dma_wait3A_633] : memref<1000000x64xf32, #tpu.memory_space<hbm>> -> memref<1000000x64xf32, #tpu.memory_space<hbm>>
    tpu.wait_indirect_dma semaphore(%arg11 : memref<!tpu.dma_semaphore, #tpu.memory_space<semaphore_mem>>) src(%dma_wait3A_634 : memref<1000000x64xf32, #tpu.memory_space<hbm>>) dst(%dma_wait3A_628 : memref<128x64xf32, #tpu.memory_space<vmem>>)
    %dma_start3A_635 = arith.constant 2 : i32
    %dma_start3A_636 = arith.constant 1 : i32
    %dma_start3A_637 = arith.constant 0 : i32
    %dma_start3A_638 = arith.constant 0 : i32
    %dma_start3A_639 = arith.constant 0 : i32
    %dma_start3A_640 = arith.constant 0 : i32
    %dma_start3A_641 = tpu.memref_slice %arg6[%dma_start3A_638, %dma_start3A_639, %dma_start3A_640] : memref<2x256x64xf32, #tpu.memory_space<vmem>> -> memref<1x128x64xf32, #tpu.memory_space<vmem>>
    %dma_start3A_642 = tpu.memref_squeeze %dma_start3A_641 : memref<1x128x64xf32, #tpu.memory_space<vmem>> -> memref<128x64xf32, #tpu.memory_space<vmem>>
    %dma_start3A_643 = arith.constant 0 : i32
    %dma_start3A_644 = tpu.memref_slice %arg5[%dma_start3A_635, %dma_start3A_636, %dma_start3A_637, %dma_start3A_643] : memref<4x3x2x128xi32, #tpu.memory_space<vmem>> -> memref<1x1x1x128xi32, #tpu.memory_space<vmem>>
    %dma_start3A_645 = tpu.memref_squeeze %dma_start3A_644 : memref<1x1x1x128xi32, #tpu.memory_space<vmem>> -> memref<128xi32, #tpu.memory_space<vmem>>
    %dma_start3A_646 = arith.constant 0 : i32
    %dma_start3A_647 = arith.constant 0 : i32
    %dma_start3A_648 = tpu.memref_slice %arg2[%dma_start3A_646, %dma_start3A_647] : memref<1000000x64xf32, #tpu.memory_space<hbm>> -> memref<1000000x64xf32, #tpu.memory_space<hbm>>
    tpu.enqueue_indirect_dma source(%dma_start3A_648 : memref<1000000x64xf32, #tpu.memory_space<hbm>>) target(%dma_start3A_642 : memref<128x64xf32, #tpu.memory_space<vmem>>) offsets(%dma_start3A_645 : memref<128xi32, #tpu.memory_space<vmem>>) semaphore(%arg13 : memref<!tpu.dma_semaphore, #tpu.memory_space<semaphore_mem>>) {add = true}
    %dma_start3A_649 = arith.constant 2 : i32
    %dma_start3A_650 = arith.constant 1 : i32
    %dma_start3A_651 = arith.constant 1 : i32
    %dma_start3A_652 = arith.constant 0 : i32
    %dma_start3A_653 = arith.constant 128 : i32
    %dma_start3A_654 = arith.constant 0 : i32
    %dma_start3A_655 = tpu.memref_slice %arg6[%dma_start3A_652, %dma_start3A_653, %dma_start3A_654] : memref<2x256x64xf32, #tpu.memory_space<vmem>> -> memref<1x128x64xf32, #tpu.memory_space<vmem>>
    %dma_start3A_656 = tpu.memref_squeeze %dma_start3A_655 : memref<1x128x64xf32, #tpu.memory_space<vmem>> -> memref<128x64xf32, #tpu.memory_space<vmem>>
    %dma_start3A_657 = arith.constant 0 : i32
    %dma_start3A_658 = tpu.memref_slice %arg5[%dma_start3A_649, %dma_start3A_650, %dma_start3A_651, %dma_start3A_657] : memref<4x3x2x128xi32, #tpu.memory_space<vmem>> -> memref<1x1x1x128xi32, #tpu.memory_space<vmem>>
    %dma_start3A_659 = tpu.memref_squeeze %dma_start3A_658 : memref<1x1x1x128xi32, #tpu.memory_space<vmem>> -> memref<128xi32, #tpu.memory_space<vmem>>
    %dma_start3A_660 = arith.constant 0 : i32
    %dma_start3A_661 = arith.constant 0 : i32
    %dma_start3A_662 = tpu.memref_slice %arg2[%dma_start3A_660, %dma_start3A_661] : memref<1000000x64xf32, #tpu.memory_space<hbm>> -> memref<1000000x64xf32, #tpu.memory_space<hbm>>
    tpu.enqueue_indirect_dma source(%dma_start3A_662 : memref<1000000x64xf32, #tpu.memory_space<hbm>>) target(%dma_start3A_656 : memref<128x64xf32, #tpu.memory_space<vmem>>) offsets(%dma_start3A_659 : memref<128xi32, #tpu.memory_space<vmem>>) semaphore(%arg13 : memref<!tpu.dma_semaphore, #tpu.memory_space<semaphore_mem>>) {add = true}
    %dma_start3A_663 = arith.constant 2 : i32
    %dma_start3A_664 = arith.constant 2 : i32
    %dma_start3A_665 = arith.constant 0 : i32
    %dma_start3A_666 = arith.constant 0 : i32
    %dma_start3A_667 = arith.constant 0 : i32
    %dma_start3A_668 = arith.constant 0 : i32
    %dma_start3A_669 = tpu.memref_slice %arg6[%dma_start3A_666, %dma_start3A_667, %dma_start3A_668] : memref<2x256x64xf32, #tpu.memory_space<vmem>> -> memref<1x128x64xf32, #tpu.memory_space<vmem>>
    %dma_start3A_670 = tpu.memref_squeeze %dma_start3A_669 : memref<1x128x64xf32, #tpu.memory_space<vmem>> -> memref<128x64xf32, #tpu.memory_space<vmem>>
    %dma_start3A_671 = arith.constant 0 : i32
    %dma_start3A_672 = tpu.memref_slice %arg5[%dma_start3A_663, %dma_start3A_664, %dma_start3A_665, %dma_start3A_671] : memref<4x3x2x128xi32, #tpu.memory_space<vmem>> -> memref<1x1x1x128xi32, #tpu.memory_space<vmem>>
    %dma_start3A_673 = tpu.memref_squeeze %dma_start3A_672 : memref<1x1x1x128xi32, #tpu.memory_space<vmem>> -> memref<128xi32, #tpu.memory_space<vmem>>
    %dma_start3A_674 = arith.constant 0 : i32
    %dma_start3A_675 = arith.constant 0 : i32
    %dma_start3A_676 = tpu.memref_slice %arg2[%dma_start3A_674, %dma_start3A_675] : memref<1000000x64xf32, #tpu.memory_space<hbm>> -> memref<1000000x64xf32, #tpu.memory_space<hbm>>
    tpu.enqueue_indirect_dma source(%dma_start3A_676 : memref<1000000x64xf32, #tpu.memory_space<hbm>>) target(%dma_start3A_670 : memref<128x64xf32, #tpu.memory_space<vmem>>) offsets(%dma_start3A_673 : memref<128xi32, #tpu.memory_space<vmem>>) semaphore(%arg13 : memref<!tpu.dma_semaphore, #tpu.memory_space<semaphore_mem>>) {add = true}
    %dma_start3A_677 = arith.constant 2 : i32
    %dma_start3A_678 = arith.constant 2 : i32
    %dma_start3A_679 = arith.constant 1 : i32
    %dma_start3A_680 = arith.constant 0 : i32
    %dma_start3A_681 = arith.constant 128 : i32
    %dma_start3A_682 = arith.constant 0 : i32
    %dma_start3A_683 = tpu.memref_slice %arg6[%dma_start3A_680, %dma_start3A_681, %dma_start3A_682] : memref<2x256x64xf32, #tpu.memory_space<vmem>> -> memref<1x128x64xf32, #tpu.memory_space<vmem>>
    %dma_start3A_684 = tpu.memref_squeeze %dma_start3A_683 : memref<1x128x64xf32, #tpu.memory_space<vmem>> -> memref<128x64xf32, #tpu.memory_space<vmem>>
    %dma_start3A_685 = arith.constant 0 : i32
    %dma_start3A_686 = tpu.memref_slice %arg5[%dma_start3A_677, %dma_start3A_678, %dma_start3A_679, %dma_start3A_685] : memref<4x3x2x128xi32, #tpu.memory_space<vmem>> -> memref<1x1x1x128xi32, #tpu.memory_space<vmem>>
    %dma_start3A_687 = tpu.memref_squeeze %dma_start3A_686 : memref<1x1x1x128xi32, #tpu.memory_space<vmem>> -> memref<128xi32, #tpu.memory_space<vmem>>
    %dma_start3A_688 = arith.constant 0 : i32
    %dma_start3A_689 = arith.constant 0 : i32
    %dma_start3A_690 = tpu.memref_slice %arg2[%dma_start3A_688, %dma_start3A_689] : memref<1000000x64xf32, #tpu.memory_space<hbm>> -> memref<1000000x64xf32, #tpu.memory_space<hbm>>
    tpu.enqueue_indirect_dma source(%dma_start3A_690 : memref<1000000x64xf32, #tpu.memory_space<hbm>>) target(%dma_start3A_684 : memref<128x64xf32, #tpu.memory_space<vmem>>) offsets(%dma_start3A_687 : memref<128xi32, #tpu.memory_space<vmem>>) semaphore(%arg13 : memref<!tpu.dma_semaphore, #tpu.memory_space<semaphore_mem>>) {add = true}
    %add3A_691 = arith.constant 8 : i32
    %add3A_692 = arith.addi %mul3A_2, %add3A_691 : i32
    %dma_start3A_693 = arith.constant 0 : i32
    %dma_start3A_694 = arith.constant 0 : i32
    %dma_start3A_695 = arith.constant 0 : i32
    %dma_start3A_696 = arith.constant 0 : i32
    %dma_start3A_697 = tpu.memref_slice %arg5[%dma_start3A_693, %dma_start3A_694, %dma_start3A_695, %dma_start3A_696] : memref<4x3x2x128xi32, #tpu.memory_space<vmem>> -> memref<1x3x2x128xi32, #tpu.memory_space<vmem>>
    %dma_start3A_698 = tpu.memref_squeeze %dma_start3A_697 : memref<1x3x2x128xi32, #tpu.memory_space<vmem>> -> memref<3x2x128xi32, #tpu.memory_space<vmem>>
    %dma_start3A_699 = arith.constant 0 : i32
    %dma_start3A_700 = arith.constant 0 : i32
    %dma_start3A_701 = tpu.memref_slice %arg3[%dma_start3A_699, %add3A_692, %dma_start3A_700] : memref<3x6400x128xi32, #tpu.memory_space<hbm>> -> memref<3x2x128xi32, #tpu.memory_space<hbm>>
    %dma_start3A_702 = arith.constant 0 : i32
    %dma_start3A_703 = arith.constant 0 : i32
    %dma_start3A_704 = arith.constant 0 : i32
    %dma_start3A_705 = tpu.memref_slice %arg5[%dma_start3A_693, %dma_start3A_702, %dma_start3A_703, %dma_start3A_704] : memref<4x3x2x128xi32, #tpu.memory_space<vmem>> -> memref<1x3x2x128xi32, #tpu.memory_space<vmem>>
    %dma_start3A_706 = tpu.memref_squeeze %dma_start3A_705 : memref<1x3x2x128xi32, #tpu.memory_space<vmem>> -> memref<3x2x128xi32, #tpu.memory_space<vmem>>
    %dma_start3A_707 = arith.constant 0 : i32
    %dma_start3A_708 = arith.constant 0 : i32
    %dma_start3A_709 = tpu.memref_slice %arg3[%dma_start3A_707, %add3A_692, %dma_start3A_708] : memref<3x6400x128xi32, #tpu.memory_space<hbm>> -> memref<3x2x128xi32, #tpu.memory_space<hbm>>
    tpu.enqueue_dma source(%dma_start3A_709 : memref<3x2x128xi32, #tpu.memory_space<hbm>>) target(%dma_start3A_706 : memref<3x2x128xi32, #tpu.memory_space<vmem>>) target_semaphore(%arg7 : memref<!tpu.dma_semaphore, #tpu.memory_space<semaphore_mem>>)
    %dma_wait3A_710 = arith.constant 2 : i32
    %dma_wait3A_711 = arith.constant 1 : i32
    %dma_wait3A_712 = arith.constant 0 : i32
    %dma_wait3A_713 = arith.constant 0 : i32
    %dma_wait3A_714 = arith.constant 0 : i32
    %dma_wait3A_715 = arith.constant 0 : i32
    %dma_wait3A_716 = tpu.memref_slice %arg6[%dma_wait3A_713, %dma_wait3A_714, %dma_wait3A_715] : memref<2x256x64xf32, #tpu.memory_space<vmem>> -> memref<1x128x64xf32, #tpu.memory_space<vmem>>
    %dma_wait3A_717 = tpu.memref_squeeze %dma_wait3A_716 : memref<1x128x64xf32, #tpu.memory_space<vmem>> -> memref<128x64xf32, #tpu.memory_space<vmem>>
    %dma_wait3A_718 = arith.constant 0 : i32
    %dma_wait3A_719 = tpu.memref_slice %arg5[%dma_wait3A_710, %dma_wait3A_711, %dma_wait3A_712, %dma_wait3A_718] : memref<4x3x2x128xi32, #tpu.memory_space<vmem>> -> memref<1x1x1x128xi32, #tpu.memory_space<vmem>>
    %dma_wait3A_720 = tpu.memref_squeeze %dma_wait3A_719 : memref<1x1x1x128xi32, #tpu.memory_space<vmem>> -> memref<128xi32, #tpu.memory_space<vmem>>
    %dma_wait3A_721 = arith.constant 0 : i32
    %dma_wait3A_722 = arith.constant 0 : i32
    %dma_wait3A_723 = tpu.memref_slice %arg2[%dma_wait3A_721, %dma_wait3A_722] : memref<1000000x64xf32, #tpu.memory_space<hbm>> -> memref<1000000x64xf32, #tpu.memory_space<hbm>>
    tpu.wait_indirect_dma semaphore(%arg13 : memref<!tpu.dma_semaphore, #tpu.memory_space<semaphore_mem>>) src(%dma_wait3A_723 : memref<1000000x64xf32, #tpu.memory_space<hbm>>) dst(%dma_wait3A_717 : memref<128x64xf32, #tpu.memory_space<vmem>>)
    %dma_wait3A_724 = arith.constant 2 : i32
    %dma_wait3A_725 = arith.constant 1 : i32
    %dma_wait3A_726 = arith.constant 1 : i32
    %dma_wait3A_727 = arith.constant 0 : i32
    %dma_wait3A_728 = arith.constant 128 : i32
    %dma_wait3A_729 = arith.constant 0 : i32
    %dma_wait3A_730 = tpu.memref_slice %arg6[%dma_wait3A_727, %dma_wait3A_728, %dma_wait3A_729] : memref<2x256x64xf32, #tpu.memory_space<vmem>> -> memref<1x128x64xf32, #tpu.memory_space<vmem>>
    %dma_wait3A_731 = tpu.memref_squeeze %dma_wait3A_730 : memref<1x128x64xf32, #tpu.memory_space<vmem>> -> memref<128x64xf32, #tpu.memory_space<vmem>>
    %dma_wait3A_732 = arith.constant 0 : i32
    %dma_wait3A_733 = tpu.memref_slice %arg5[%dma_wait3A_724, %dma_wait3A_725, %dma_wait3A_726, %dma_wait3A_732] : memref<4x3x2x128xi32, #tpu.memory_space<vmem>> -> memref<1x1x1x128xi32, #tpu.memory_space<vmem>>
    %dma_wait3A_734 = tpu.memref_squeeze %dma_wait3A_733 : memref<1x1x1x128xi32, #tpu.memory_space<vmem>> -> memref<128xi32, #tpu.memory_space<vmem>>
    %dma_wait3A_735 = arith.constant 0 : i32
    %dma_wait3A_736 = arith.constant 0 : i32
    %dma_wait3A_737 = tpu.memref_slice %arg2[%dma_wait3A_735, %dma_wait3A_736] : memref<1000000x64xf32, #tpu.memory_space<hbm>> -> memref<1000000x64xf32, #tpu.memory_space<hbm>>
    tpu.wait_indirect_dma semaphore(%arg13 : memref<!tpu.dma_semaphore, #tpu.memory_space<semaphore_mem>>) src(%dma_wait3A_737 : memref<1000000x64xf32, #tpu.memory_space<hbm>>) dst(%dma_wait3A_731 : memref<128x64xf32, #tpu.memory_space<vmem>>)
    %dma_wait3A_738 = arith.constant 2 : i32
    %dma_wait3A_739 = arith.constant 2 : i32
    %dma_wait3A_740 = arith.constant 0 : i32
    %dma_wait3A_741 = arith.constant 0 : i32
    %dma_wait3A_742 = arith.constant 0 : i32
    %dma_wait3A_743 = arith.constant 0 : i32
    %dma_wait3A_744 = tpu.memref_slice %arg6[%dma_wait3A_741, %dma_wait3A_742, %dma_wait3A_743] : memref<2x256x64xf32, #tpu.memory_space<vmem>> -> memref<1x128x64xf32, #tpu.memory_space<vmem>>
    %dma_wait3A_745 = tpu.memref_squeeze %dma_wait3A_744 : memref<1x128x64xf32, #tpu.memory_space<vmem>> -> memref<128x64xf32, #tpu.memory_space<vmem>>
    %dma_wait3A_746 = arith.constant 0 : i32
    %dma_wait3A_747 = tpu.memref_slice %arg5[%dma_wait3A_738, %dma_wait3A_739, %dma_wait3A_740, %dma_wait3A_746] : memref<4x3x2x128xi32, #tpu.memory_space<vmem>> -> memref<1x1x1x128xi32, #tpu.memory_space<vmem>>
    %dma_wait3A_748 = tpu.memref_squeeze %dma_wait3A_747 : memref<1x1x1x128xi32, #tpu.memory_space<vmem>> -> memref<128xi32, #tpu.memory_space<vmem>>
    %dma_wait3A_749 = arith.constant 0 : i32
    %dma_wait3A_750 = arith.constant 0 : i32
    %dma_wait3A_751 = tpu.memref_slice %arg2[%dma_wait3A_749, %dma_wait3A_750] : memref<1000000x64xf32, #tpu.memory_space<hbm>> -> memref<1000000x64xf32, #tpu.memory_space<hbm>>
    tpu.wait_indirect_dma semaphore(%arg13 : memref<!tpu.dma_semaphore, #tpu.memory_space<semaphore_mem>>) src(%dma_wait3A_751 : memref<1000000x64xf32, #tpu.memory_space<hbm>>) dst(%dma_wait3A_745 : memref<128x64xf32, #tpu.memory_space<vmem>>)
    %dma_wait3A_752 = arith.constant 2 : i32
    %dma_wait3A_753 = arith.constant 2 : i32
    %dma_wait3A_754 = arith.constant 1 : i32
    %dma_wait3A_755 = arith.constant 0 : i32
    %dma_wait3A_756 = arith.constant 128 : i32
    %dma_wait3A_757 = arith.constant 0 : i32
    %dma_wait3A_758 = tpu.memref_slice %arg6[%dma_wait3A_755, %dma_wait3A_756, %dma_wait3A_757] : memref<2x256x64xf32, #tpu.memory_space<vmem>> -> memref<1x128x64xf32, #tpu.memory_space<vmem>>
    %dma_wait3A_759 = tpu.memref_squeeze %dma_wait3A_758 : memref<1x128x64xf32, #tpu.memory_space<vmem>> -> memref<128x64xf32, #tpu.memory_space<vmem>>
    %dma_wait3A_760 = arith.constant 0 : i32
    %dma_wait3A_761 = tpu.memref_slice %arg5[%dma_wait3A_752, %dma_wait3A_753, %dma_wait3A_754, %dma_wait3A_760] : memref<4x3x2x128xi32, #tpu.memory_space<vmem>> -> memref<1x1x1x128xi32, #tpu.memory_space<vmem>>
    %dma_wait3A_762 = tpu.memref_squeeze %dma_wait3A_761 : memref<1x1x1x128xi32, #tpu.memory_space<vmem>> -> memref<128xi32, #tpu.memory_space<vmem>>
    %dma_wait3A_763 = arith.constant 0 : i32
    %dma_wait3A_764 = arith.constant 0 : i32
    %dma_wait3A_765 = tpu.memref_slice %arg2[%dma_wait3A_763, %dma_wait3A_764] : memref<1000000x64xf32, #tpu.memory_space<hbm>> -> memref<1000000x64xf32, #tpu.memory_space<hbm>>
    tpu.wait_indirect_dma semaphore(%arg13 : memref<!tpu.dma_semaphore, #tpu.memory_space<semaphore_mem>>) src(%dma_wait3A_765 : memref<1000000x64xf32, #tpu.memory_space<hbm>>) dst(%dma_wait3A_759 : memref<128x64xf32, #tpu.memory_space<vmem>>)
    %add3A_766 = arith.constant 512 : i32
    %add3A_767 = arith.addi %mul3A_4, %add3A_766 : i32
    %dma_start3A_768 = arith.constant 0 : i32
    %dma_start3A_769 = arith.constant 0 : i32
    %dma_start3A_770 = arith.constant 0 : i32
    %dma_start3A_771 = tpu.memref_slice %arg6[%dma_start3A_768, %dma_start3A_769, %dma_start3A_770] : memref<2x256x64xf32, #tpu.memory_space<vmem>> -> memref<1x256x64xf32, #tpu.memory_space<vmem>>
    %dma_start3A_772 = tpu.memref_squeeze %dma_start3A_771 : memref<1x256x64xf32, #tpu.memory_space<vmem>> -> memref<256x64xf32, #tpu.memory_space<vmem>>
    %dma_start3A_773 = arith.constant 0 : i32
    %dma_start3A_774 = tpu.memref_slice %arg4[%add3A_767, %dma_start3A_773] : memref<819200x64xf32, #tpu.memory_space<hbm>> -> memref<256x64xf32, #tpu.memory_space<hbm>>
    %dma_start3A_775 = arith.constant 0 : i32
    %dma_start3A_776 = tpu.memref_slice %arg4[%add3A_767, %dma_start3A_775] : memref<819200x64xf32, #tpu.memory_space<hbm>> -> memref<256x64xf32, #tpu.memory_space<hbm>>
    %dma_start3A_777 = arith.constant 0 : i32
    %dma_start3A_778 = arith.constant 0 : i32
    %dma_start3A_779 = tpu.memref_slice %arg6[%dma_start3A_768, %dma_start3A_777, %dma_start3A_778] : memref<2x256x64xf32, #tpu.memory_space<vmem>> -> memref<1x256x64xf32, #tpu.memory_space<vmem>>
    %dma_start3A_780 = tpu.memref_squeeze %dma_start3A_779 : memref<1x256x64xf32, #tpu.memory_space<vmem>> -> memref<256x64xf32, #tpu.memory_space<vmem>>
    tpu.enqueue_dma source(%dma_start3A_780 : memref<256x64xf32, #tpu.memory_space<vmem>>) target(%dma_start3A_776 : memref<256x64xf32, #tpu.memory_space<hbm>>) target_semaphore(%arg15 : memref<!tpu.dma_semaphore, #tpu.memory_space<semaphore_mem>>)
    %add3A_781 = arith.constant 512 : i32
    %add3A_782 = arith.addi %mul3A_4, %add3A_781 : i32
    %dma_wait3A_783 = arith.constant 0 : i32
    %dma_wait3A_784 = arith.constant 0 : i32
    %dma_wait3A_785 = arith.constant 0 : i32
    %dma_wait3A_786 = tpu.memref_slice %arg6[%dma_wait3A_783, %dma_wait3A_784, %dma_wait3A_785] : memref<2x256x64xf32, #tpu.memory_space<vmem>> -> memref<1x256x64xf32, #tpu.memory_space<vmem>>
    %dma_wait3A_787 = tpu.memref_squeeze %dma_wait3A_786 : memref<1x256x64xf32, #tpu.memory_space<vmem>> -> memref<256x64xf32, #tpu.memory_space<vmem>>
    %dma_wait3A_788 = arith.constant 0 : i32
    %dma_wait3A_789 = tpu.memref_slice %arg4[%add3A_782, %dma_wait3A_788] : memref<819200x64xf32, #tpu.memory_space<hbm>> -> memref<256x64xf32, #tpu.memory_space<hbm>>
    %dma_wait3A_790 = arith.constant 0 : i32
    %dma_wait3A_791 = tpu.memref_slice %arg4[%add3A_782, %dma_wait3A_790] : memref<819200x64xf32, #tpu.memory_space<hbm>> -> memref<256x64xf32, #tpu.memory_space<hbm>>
    %dma_wait3A_792 = arith.constant 0 : i32
    %dma_wait3A_793 = arith.constant 0 : i32
    %dma_wait3A_794 = tpu.memref_slice %arg6[%dma_wait3A_783, %dma_wait3A_792, %dma_wait3A_793] : memref<2x256x64xf32, #tpu.memory_space<vmem>> -> memref<1x256x64xf32, #tpu.memory_space<vmem>>
    %dma_wait3A_795 = tpu.memref_squeeze %dma_wait3A_794 : memref<1x256x64xf32, #tpu.memory_space<vmem>> -> memref<256x64xf32, #tpu.memory_space<vmem>>
    tpu.wait_dma2 semaphore(%arg15 : memref<!tpu.dma_semaphore, #tpu.memory_space<semaphore_mem>>) src(%dma_wait3A_795 : memref<256x64xf32, #tpu.memory_space<vmem>>) dst(%dma_wait3A_791 : memref<256x64xf32, #tpu.memory_space<hbm>>)
    %add3A_796 = arith.constant 8 : i32
    %add3A_797 = arith.addi %mul3A_2, %add3A_796 : i32
    %dma_wait3A_798 = arith.constant 0 : i32
    %dma_wait3A_799 = arith.constant 0 : i32
    %dma_wait3A_800 = arith.constant 0 : i32
    %dma_wait3A_801 = arith.constant 0 : i32
    %dma_wait3A_802 = tpu.memref_slice %arg5[%dma_wait3A_798, %dma_wait3A_799, %dma_wait3A_800, %dma_wait3A_801] : memref<4x3x2x128xi32, #tpu.memory_space<vmem>> -> memref<1x3x2x128xi32, #tpu.memory_space<vmem>>
    %dma_wait3A_803 = tpu.memref_squeeze %dma_wait3A_802 : memref<1x3x2x128xi32, #tpu.memory_space<vmem>> -> memref<3x2x128xi32, #tpu.memory_space<vmem>>
    %dma_wait3A_804 = arith.constant 0 : i32
    %dma_wait3A_805 = arith.constant 0 : i32
    %dma_wait3A_806 = tpu.memref_slice %arg3[%dma_wait3A_804, %add3A_797, %dma_wait3A_805] : memref<3x6400x128xi32, #tpu.memory_space<hbm>> -> memref<3x2x128xi32, #tpu.memory_space<hbm>>
    %dma_wait3A_807 = arith.constant 0 : i32
    %dma_wait3A_808 = arith.constant 0 : i32
    %dma_wait3A_809 = arith.constant 0 : i32
    %dma_wait3A_810 = tpu.memref_slice %arg5[%dma_wait3A_798, %dma_wait3A_807, %dma_wait3A_808, %dma_wait3A_809] : memref<4x3x2x128xi32, #tpu.memory_space<vmem>> -> memref<1x3x2x128xi32, #tpu.memory_space<vmem>>
    %dma_wait3A_811 = tpu.memref_squeeze %dma_wait3A_810 : memref<1x3x2x128xi32, #tpu.memory_space<vmem>> -> memref<3x2x128xi32, #tpu.memory_space<vmem>>
    %dma_wait3A_812 = arith.constant 0 : i32
    %dma_wait3A_813 = arith.constant 0 : i32
    %dma_wait3A_814 = tpu.memref_slice %arg3[%dma_wait3A_812, %add3A_797, %dma_wait3A_813] : memref<3x6400x128xi32, #tpu.memory_space<hbm>> -> memref<3x2x128xi32, #tpu.memory_space<hbm>>
    tpu.wait_dma2 semaphore(%arg7 : memref<!tpu.dma_semaphore, #tpu.memory_space<semaphore_mem>>) src(%dma_wait3A_814 : memref<3x2x128xi32, #tpu.memory_space<hbm>>) dst(%dma_wait3A_811 : memref<3x2x128xi32, #tpu.memory_space<vmem>>)
    %dma_start3A_815 = arith.constant 0 : i32
    %dma_start3A_816 = arith.constant 0 : i32
    %dma_start3A_817 = arith.constant 0 : i32
    %dma_start3A_818 = arith.constant 0 : i32
    %dma_start3A_819 = arith.constant 0 : i32
    %dma_start3A_820 = arith.constant 0 : i32
    %dma_start3A_821 = tpu.memref_slice %arg6[%dma_start3A_818, %dma_start3A_819, %dma_start3A_820] : memref<2x256x64xf32, #tpu.memory_space<vmem>> -> memref<1x128x64xf32, #tpu.memory_space<vmem>>
    %dma_start3A_822 = tpu.memref_squeeze %dma_start3A_821 : memref<1x128x64xf32, #tpu.memory_space<vmem>> -> memref<128x64xf32, #tpu.memory_space<vmem>>
    %dma_start3A_823 = arith.constant 0 : i32
    %dma_start3A_824 = tpu.memref_slice %arg5[%dma_start3A_815, %dma_start3A_816, %dma_start3A_817, %dma_start3A_823] : memref<4x3x2x128xi32, #tpu.memory_space<vmem>> -> memref<1x1x1x128xi32, #tpu.memory_space<vmem>>
    %dma_start3A_825 = tpu.memref_squeeze %dma_start3A_824 : memref<1x1x1x128xi32, #tpu.memory_space<vmem>> -> memref<128xi32, #tpu.memory_space<vmem>>
    %dma_start3A_826 = arith.constant 0 : i32
    %dma_start3A_827 = arith.constant 0 : i32
    %dma_start3A_828 = tpu.memref_slice %arg2[%dma_start3A_826, %dma_start3A_827] : memref<1000000x64xf32, #tpu.memory_space<hbm>> -> memref<1000000x64xf32, #tpu.memory_space<hbm>>
    tpu.enqueue_indirect_dma source(%dma_start3A_828 : memref<1000000x64xf32, #tpu.memory_space<hbm>>) target(%dma_start3A_822 : memref<128x64xf32, #tpu.memory_space<vmem>>) offsets(%dma_start3A_825 : memref<128xi32, #tpu.memory_space<vmem>>) semaphore(%arg11 : memref<!tpu.dma_semaphore, #tpu.memory_space<semaphore_mem>>)
    %dma_start3A_829 = arith.constant 0 : i32
    %dma_start3A_830 = arith.constant 0 : i32
    %dma_start3A_831 = arith.constant 1 : i32
    %dma_start3A_832 = arith.constant 0 : i32
    %dma_start3A_833 = arith.constant 128 : i32
    %dma_start3A_834 = arith.constant 0 : i32
    %dma_start3A_835 = tpu.memref_slice %arg6[%dma_start3A_832, %dma_start3A_833, %dma_start3A_834] : memref<2x256x64xf32, #tpu.memory_space<vmem>> -> memref<1x128x64xf32, #tpu.memory_space<vmem>>
    %dma_start3A_836 = tpu.memref_squeeze %dma_start3A_835 : memref<1x128x64xf32, #tpu.memory_space<vmem>> -> memref<128x64xf32, #tpu.memory_space<vmem>>
    %dma_start3A_837 = arith.constant 0 : i32
    %dma_start3A_838 = tpu.memref_slice %arg5[%dma_start3A_829, %dma_start3A_830, %dma_start3A_831, %dma_start3A_837] : memref<4x3x2x128xi32, #tpu.memory_space<vmem>> -> memref<1x1x1x128xi32, #tpu.memory_space<vmem>>
    %dma_start3A_839 = tpu.memref_squeeze %dma_start3A_838 : memref<1x1x1x128xi32, #tpu.memory_space<vmem>> -> memref<128xi32, #tpu.memory_space<vmem>>
    %dma_start3A_840 = arith.constant 0 : i32
    %dma_start3A_841 = arith.constant 0 : i32
    %dma_start3A_842 = tpu.memref_slice %arg2[%dma_start3A_840, %dma_start3A_841] : memref<1000000x64xf32, #tpu.memory_space<hbm>> -> memref<1000000x64xf32, #tpu.memory_space<hbm>>
    tpu.enqueue_indirect_dma source(%dma_start3A_842 : memref<1000000x64xf32, #tpu.memory_space<hbm>>) target(%dma_start3A_836 : memref<128x64xf32, #tpu.memory_space<vmem>>) offsets(%dma_start3A_839 : memref<128xi32, #tpu.memory_space<vmem>>) semaphore(%arg11 : memref<!tpu.dma_semaphore, #tpu.memory_space<semaphore_mem>>)
    %dma_wait3A_843 = arith.constant 3 : i32
    %dma_wait3A_844 = arith.constant 0 : i32
    %dma_wait3A_845 = arith.constant 0 : i32
    %dma_wait3A_846 = arith.constant 1 : i32
    %dma_wait3A_847 = arith.constant 0 : i32
    %dma_wait3A_848 = arith.constant 0 : i32
    %dma_wait3A_849 = tpu.memref_slice %arg6[%dma_wait3A_846, %dma_wait3A_847, %dma_wait3A_848] : memref<2x256x64xf32, #tpu.memory_space<vmem>> -> memref<1x128x64xf32, #tpu.memory_space<vmem>>
    %dma_wait3A_850 = tpu.memref_squeeze %dma_wait3A_849 : memref<1x128x64xf32, #tpu.memory_space<vmem>> -> memref<128x64xf32, #tpu.memory_space<vmem>>
    %dma_wait3A_851 = arith.constant 0 : i32
    %dma_wait3A_852 = tpu.memref_slice %arg5[%dma_wait3A_843, %dma_wait3A_844, %dma_wait3A_845, %dma_wait3A_851] : memref<4x3x2x128xi32, #tpu.memory_space<vmem>> -> memref<1x1x1x128xi32, #tpu.memory_space<vmem>>
    %dma_wait3A_853 = tpu.memref_squeeze %dma_wait3A_852 : memref<1x1x1x128xi32, #tpu.memory_space<vmem>> -> memref<128xi32, #tpu.memory_space<vmem>>
    %dma_wait3A_854 = arith.constant 0 : i32
    %dma_wait3A_855 = arith.constant 0 : i32
    %dma_wait3A_856 = tpu.memref_slice %arg2[%dma_wait3A_854, %dma_wait3A_855] : memref<1000000x64xf32, #tpu.memory_space<hbm>> -> memref<1000000x64xf32, #tpu.memory_space<hbm>>
    tpu.wait_indirect_dma semaphore(%arg12 : memref<!tpu.dma_semaphore, #tpu.memory_space<semaphore_mem>>) src(%dma_wait3A_856 : memref<1000000x64xf32, #tpu.memory_space<hbm>>) dst(%dma_wait3A_850 : memref<128x64xf32, #tpu.memory_space<vmem>>)
    %dma_wait3A_857 = arith.constant 3 : i32
    %dma_wait3A_858 = arith.constant 0 : i32
    %dma_wait3A_859 = arith.constant 1 : i32
    %dma_wait3A_860 = arith.constant 1 : i32
    %dma_wait3A_861 = arith.constant 128 : i32
    %dma_wait3A_862 = arith.constant 0 : i32
    %dma_wait3A_863 = tpu.memref_slice %arg6[%dma_wait3A_860, %dma_wait3A_861, %dma_wait3A_862] : memref<2x256x64xf32, #tpu.memory_space<vmem>> -> memref<1x128x64xf32, #tpu.memory_space<vmem>>
    %dma_wait3A_864 = tpu.memref_squeeze %dma_wait3A_863 : memref<1x128x64xf32, #tpu.memory_space<vmem>> -> memref<128x64xf32, #tpu.memory_space<vmem>>
    %dma_wait3A_865 = arith.constant 0 : i32
    %dma_wait3A_866 = tpu.memref_slice %arg5[%dma_wait3A_857, %dma_wait3A_858, %dma_wait3A_859, %dma_wait3A_865] : memref<4x3x2x128xi32, #tpu.memory_space<vmem>> -> memref<1x1x1x128xi32, #tpu.memory_space<vmem>>
    %dma_wait3A_867 = tpu.memref_squeeze %dma_wait3A_866 : memref<1x1x1x128xi32, #tpu.memory_space<vmem>> -> memref<128xi32, #tpu.memory_space<vmem>>
    %dma_wait3A_868 = arith.constant 0 : i32
    %dma_wait3A_869 = arith.constant 0 : i32
    %dma_wait3A_870 = tpu.memref_slice %arg2[%dma_wait3A_868, %dma_wait3A_869] : memref<1000000x64xf32, #tpu.memory_space<hbm>> -> memref<1000000x64xf32, #tpu.memory_space<hbm>>
    tpu.wait_indirect_dma semaphore(%arg12 : memref<!tpu.dma_semaphore, #tpu.memory_space<semaphore_mem>>) src(%dma_wait3A_870 : memref<1000000x64xf32, #tpu.memory_space<hbm>>) dst(%dma_wait3A_864 : memref<128x64xf32, #tpu.memory_space<vmem>>)
    %dma_start3A_871 = arith.constant 3 : i32
    %dma_start3A_872 = arith.constant 1 : i32
    %dma_start3A_873 = arith.constant 0 : i32
    %dma_start3A_874 = arith.constant 1 : i32
    %dma_start3A_875 = arith.constant 0 : i32
    %dma_start3A_876 = arith.constant 0 : i32
    %dma_start3A_877 = tpu.memref_slice %arg6[%dma_start3A_874, %dma_start3A_875, %dma_start3A_876] : memref<2x256x64xf32, #tpu.memory_space<vmem>> -> memref<1x128x64xf32, #tpu.memory_space<vmem>>
    %dma_start3A_878 = tpu.memref_squeeze %dma_start3A_877 : memref<1x128x64xf32, #tpu.memory_space<vmem>> -> memref<128x64xf32, #tpu.memory_space<vmem>>
    %dma_start3A_879 = arith.constant 0 : i32
    %dma_start3A_880 = tpu.memref_slice %arg5[%dma_start3A_871, %dma_start3A_872, %dma_start3A_873, %dma_start3A_879] : memref<4x3x2x128xi32, #tpu.memory_space<vmem>> -> memref<1x1x1x128xi32, #tpu.memory_space<vmem>>
    %dma_start3A_881 = tpu.memref_squeeze %dma_start3A_880 : memref<1x1x1x128xi32, #tpu.memory_space<vmem>> -> memref<128xi32, #tpu.memory_space<vmem>>
    %dma_start3A_882 = arith.constant 0 : i32
    %dma_start3A_883 = arith.constant 0 : i32
    %dma_start3A_884 = tpu.memref_slice %arg2[%dma_start3A_882, %dma_start3A_883] : memref<1000000x64xf32, #tpu.memory_space<hbm>> -> memref<1000000x64xf32, #tpu.memory_space<hbm>>
    tpu.enqueue_indirect_dma source(%dma_start3A_884 : memref<1000000x64xf32, #tpu.memory_space<hbm>>) target(%dma_start3A_878 : memref<128x64xf32, #tpu.memory_space<vmem>>) offsets(%dma_start3A_881 : memref<128xi32, #tpu.memory_space<vmem>>) semaphore(%arg14 : memref<!tpu.dma_semaphore, #tpu.memory_space<semaphore_mem>>) {add = true}
    %dma_start3A_885 = arith.constant 3 : i32
    %dma_start3A_886 = arith.constant 1 : i32
    %dma_start3A_887 = arith.constant 1 : i32
    %dma_start3A_888 = arith.constant 1 : i32
    %dma_start3A_889 = arith.constant 128 : i32
    %dma_start3A_890 = arith.constant 0 : i32
    %dma_start3A_891 = tpu.memref_slice %arg6[%dma_start3A_888, %dma_start3A_889, %dma_start3A_890] : memref<2x256x64xf32, #tpu.memory_space<vmem>> -> memref<1x128x64xf32, #tpu.memory_space<vmem>>
    %dma_start3A_892 = tpu.memref_squeeze %dma_start3A_891 : memref<1x128x64xf32, #tpu.memory_space<vmem>> -> memref<128x64xf32, #tpu.memory_space<vmem>>
    %dma_start3A_893 = arith.constant 0 : i32
    %dma_start3A_894 = tpu.memref_slice %arg5[%dma_start3A_885, %dma_start3A_886, %dma_start3A_887, %dma_start3A_893] : memref<4x3x2x128xi32, #tpu.memory_space<vmem>> -> memref<1x1x1x128xi32, #tpu.memory_space<vmem>>
    %dma_start3A_895 = tpu.memref_squeeze %dma_start3A_894 : memref<1x1x1x128xi32, #tpu.memory_space<vmem>> -> memref<128xi32, #tpu.memory_space<vmem>>
    %dma_start3A_896 = arith.constant 0 : i32
    %dma_start3A_897 = arith.constant 0 : i32
    %dma_start3A_898 = tpu.memref_slice %arg2[%dma_start3A_896, %dma_start3A_897] : memref<1000000x64xf32, #tpu.memory_space<hbm>> -> memref<1000000x64xf32, #tpu.memory_space<hbm>>
    tpu.enqueue_indirect_dma source(%dma_start3A_898 : memref<1000000x64xf32, #tpu.memory_space<hbm>>) target(%dma_start3A_892 : memref<128x64xf32, #tpu.memory_space<vmem>>) offsets(%dma_start3A_895 : memref<128xi32, #tpu.memory_space<vmem>>) semaphore(%arg14 : memref<!tpu.dma_semaphore, #tpu.memory_space<semaphore_mem>>) {add = true}
    %dma_start3A_899 = arith.constant 3 : i32
    %dma_start3A_900 = arith.constant 2 : i32
    %dma_start3A_901 = arith.constant 0 : i32
    %dma_start3A_902 = arith.constant 1 : i32
    %dma_start3A_903 = arith.constant 0 : i32
    %dma_start3A_904 = arith.constant 0 : i32
    %dma_start3A_905 = tpu.memref_slice %arg6[%dma_start3A_902, %dma_start3A_903, %dma_start3A_904] : memref<2x256x64xf32, #tpu.memory_space<vmem>> -> memref<1x128x64xf32, #tpu.memory_space<vmem>>
    %dma_start3A_906 = tpu.memref_squeeze %dma_start3A_905 : memref<1x128x64xf32, #tpu.memory_space<vmem>> -> memref<128x64xf32, #tpu.memory_space<vmem>>
    %dma_start3A_907 = arith.constant 0 : i32
    %dma_start3A_908 = tpu.memref_slice %arg5[%dma_start3A_899, %dma_start3A_900, %dma_start3A_901, %dma_start3A_907] : memref<4x3x2x128xi32, #tpu.memory_space<vmem>> -> memref<1x1x1x128xi32, #tpu.memory_space<vmem>>
    %dma_start3A_909 = tpu.memref_squeeze %dma_start3A_908 : memref<1x1x1x128xi32, #tpu.memory_space<vmem>> -> memref<128xi32, #tpu.memory_space<vmem>>
    %dma_start3A_910 = arith.constant 0 : i32
    %dma_start3A_911 = arith.constant 0 : i32
    %dma_start3A_912 = tpu.memref_slice %arg2[%dma_start3A_910, %dma_start3A_911] : memref<1000000x64xf32, #tpu.memory_space<hbm>> -> memref<1000000x64xf32, #tpu.memory_space<hbm>>
    tpu.enqueue_indirect_dma source(%dma_start3A_912 : memref<1000000x64xf32, #tpu.memory_space<hbm>>) target(%dma_start3A_906 : memref<128x64xf32, #tpu.memory_space<vmem>>) offsets(%dma_start3A_909 : memref<128xi32, #tpu.memory_space<vmem>>) semaphore(%arg14 : memref<!tpu.dma_semaphore, #tpu.memory_space<semaphore_mem>>) {add = true}
    %dma_start3A_913 = arith.constant 3 : i32
    %dma_start3A_914 = arith.constant 2 : i32
    %dma_start3A_915 = arith.constant 1 : i32
    %dma_start3A_916 = arith.constant 1 : i32
    %dma_start3A_917 = arith.constant 128 : i32
    %dma_start3A_918 = arith.constant 0 : i32
    %dma_start3A_919 = tpu.memref_slice %arg6[%dma_start3A_916, %dma_start3A_917, %dma_start3A_918] : memref<2x256x64xf32, #tpu.memory_space<vmem>> -> memref<1x128x64xf32, #tpu.memory_space<vmem>>
    %dma_start3A_920 = tpu.memref_squeeze %dma_start3A_919 : memref<1x128x64xf32, #tpu.memory_space<vmem>> -> memref<128x64xf32, #tpu.memory_space<vmem>>
    %dma_start3A_921 = arith.constant 0 : i32
    %dma_start3A_922 = tpu.memref_slice %arg5[%dma_start3A_913, %dma_start3A_914, %dma_start3A_915, %dma_start3A_921] : memref<4x3x2x128xi32, #tpu.memory_space<vmem>> -> memref<1x1x1x128xi32, #tpu.memory_space<vmem>>
    %dma_start3A_923 = tpu.memref_squeeze %dma_start3A_922 : memref<1x1x1x128xi32, #tpu.memory_space<vmem>> -> memref<128xi32, #tpu.memory_space<vmem>>
    %dma_start3A_924 = arith.constant 0 : i32
    %dma_start3A_925 = arith.constant 0 : i32
    %dma_start3A_926 = tpu.memref_slice %arg2[%dma_start3A_924, %dma_start3A_925] : memref<1000000x64xf32, #tpu.memory_space<hbm>> -> memref<1000000x64xf32, #tpu.memory_space<hbm>>
    tpu.enqueue_indirect_dma source(%dma_start3A_926 : memref<1000000x64xf32, #tpu.memory_space<hbm>>) target(%dma_start3A_920 : memref<128x64xf32, #tpu.memory_space<vmem>>) offsets(%dma_start3A_923 : memref<128xi32, #tpu.memory_space<vmem>>) semaphore(%arg14 : memref<!tpu.dma_semaphore, #tpu.memory_space<semaphore_mem>>) {add = true}
    %add3A_927 = arith.constant 10 : i32
    %add3A_928 = arith.addi %mul3A_2, %add3A_927 : i32
    %dma_start3A_929 = arith.constant 1 : i32
    %dma_start3A_930 = arith.constant 0 : i32
    %dma_start3A_931 = arith.constant 0 : i32
    %dma_start3A_932 = arith.constant 0 : i32
    %dma_start3A_933 = tpu.memref_slice %arg5[%dma_start3A_929, %dma_start3A_930, %dma_start3A_931, %dma_start3A_932] : memref<4x3x2x128xi32, #tpu.memory_space<vmem>> -> memref<1x3x2x128xi32, #tpu.memory_space<vmem>>
    %dma_start3A_934 = tpu.memref_squeeze %dma_start3A_933 : memref<1x3x2x128xi32, #tpu.memory_space<vmem>> -> memref<3x2x128xi32, #tpu.memory_space<vmem>>
    %dma_start3A_935 = arith.constant 0 : i32
    %dma_start3A_936 = arith.constant 0 : i32
    %dma_start3A_937 = tpu.memref_slice %arg3[%dma_start3A_935, %add3A_928, %dma_start3A_936] : memref<3x6400x128xi32, #tpu.memory_space<hbm>> -> memref<3x2x128xi32, #tpu.memory_space<hbm>>
    %dma_start3A_938 = arith.constant 0 : i32
    %dma_start3A_939 = arith.constant 0 : i32
    %dma_start3A_940 = arith.constant 0 : i32
    %dma_start3A_941 = tpu.memref_slice %arg5[%dma_start3A_929, %dma_start3A_938, %dma_start3A_939, %dma_start3A_940] : memref<4x3x2x128xi32, #tpu.memory_space<vmem>> -> memref<1x3x2x128xi32, #tpu.memory_space<vmem>>
    %dma_start3A_942 = tpu.memref_squeeze %dma_start3A_941 : memref<1x3x2x128xi32, #tpu.memory_space<vmem>> -> memref<3x2x128xi32, #tpu.memory_space<vmem>>
    %dma_start3A_943 = arith.constant 0 : i32
    %dma_start3A_944 = arith.constant 0 : i32
    %dma_start3A_945 = tpu.memref_slice %arg3[%dma_start3A_943, %add3A_928, %dma_start3A_944] : memref<3x6400x128xi32, #tpu.memory_space<hbm>> -> memref<3x2x128xi32, #tpu.memory_space<hbm>>
    tpu.enqueue_dma source(%dma_start3A_945 : memref<3x2x128xi32, #tpu.memory_space<hbm>>) target(%dma_start3A_942 : memref<3x2x128xi32, #tpu.memory_space<vmem>>) target_semaphore(%arg8 : memref<!tpu.dma_semaphore, #tpu.memory_space<semaphore_mem>>)
    %dma_wait3A_946 = arith.constant 3 : i32
    %dma_wait3A_947 = arith.constant 1 : i32
    %dma_wait3A_948 = arith.constant 0 : i32
    %dma_wait3A_949 = arith.constant 1 : i32
    %dma_wait3A_950 = arith.constant 0 : i32
    %dma_wait3A_951 = arith.constant 0 : i32
    %dma_wait3A_952 = tpu.memref_slice %arg6[%dma_wait3A_949, %dma_wait3A_950, %dma_wait3A_951] : memref<2x256x64xf32, #tpu.memory_space<vmem>> -> memref<1x128x64xf32, #tpu.memory_space<vmem>>
    %dma_wait3A_953 = tpu.memref_squeeze %dma_wait3A_952 : memref<1x128x64xf32, #tpu.memory_space<vmem>> -> memref<128x64xf32, #tpu.memory_space<vmem>>
    %dma_wait3A_954 = arith.constant 0 : i32
    %dma_wait3A_955 = tpu.memref_slice %arg5[%dma_wait3A_946, %dma_wait3A_947, %dma_wait3A_948, %dma_wait3A_954] : memref<4x3x2x128xi32, #tpu.memory_space<vmem>> -> memref<1x1x1x128xi32, #tpu.memory_space<vmem>>
    %dma_wait3A_956 = tpu.memref_squeeze %dma_wait3A_955 : memref<1x1x1x128xi32, #tpu.memory_space<vmem>> -> memref<128xi32, #tpu.memory_space<vmem>>
    %dma_wait3A_957 = arith.constant 0 : i32
    %dma_wait3A_958 = arith.constant 0 : i32
    %dma_wait3A_959 = tpu.memref_slice %arg2[%dma_wait3A_957, %dma_wait3A_958] : memref<1000000x64xf32, #tpu.memory_space<hbm>> -> memref<1000000x64xf32, #tpu.memory_space<hbm>>
    tpu.wait_indirect_dma semaphore(%arg14 : memref<!tpu.dma_semaphore, #tpu.memory_space<semaphore_mem>>) src(%dma_wait3A_959 : memref<1000000x64xf32, #tpu.memory_space<hbm>>) dst(%dma_wait3A_953 : memref<128x64xf32, #tpu.memory_space<vmem>>)
    %dma_wait3A_960 = arith.constant 3 : i32
    %dma_wait3A_961 = arith.constant 1 : i32
    %dma_wait3A_962 = arith.constant 1 : i32
    %dma_wait3A_963 = arith.constant 1 : i32
    %dma_wait3A_964 = arith.constant 128 : i32
    %dma_wait3A_965 = arith.constant 0 : i32
    %dma_wait3A_966 = tpu.memref_slice %arg6[%dma_wait3A_963, %dma_wait3A_964, %dma_wait3A_965] : memref<2x256x64xf32, #tpu.memory_space<vmem>> -> memref<1x128x64xf32, #tpu.memory_space<vmem>>
    %dma_wait3A_967 = tpu.memref_squeeze %dma_wait3A_966 : memref<1x128x64xf32, #tpu.memory_space<vmem>> -> memref<128x64xf32, #tpu.memory_space<vmem>>
    %dma_wait3A_968 = arith.constant 0 : i32
    %dma_wait3A_969 = tpu.memref_slice %arg5[%dma_wait3A_960, %dma_wait3A_961, %dma_wait3A_962, %dma_wait3A_968] : memref<4x3x2x128xi32, #tpu.memory_space<vmem>> -> memref<1x1x1x128xi32, #tpu.memory_space<vmem>>
    %dma_wait3A_970 = tpu.memref_squeeze %dma_wait3A_969 : memref<1x1x1x128xi32, #tpu.memory_space<vmem>> -> memref<128xi32, #tpu.memory_space<vmem>>
    %dma_wait3A_971 = arith.constant 0 : i32
    %dma_wait3A_972 = arith.constant 0 : i32
    %dma_wait3A_973 = tpu.memref_slice %arg2[%dma_wait3A_971, %dma_wait3A_972] : memref<1000000x64xf32, #tpu.memory_space<hbm>> -> memref<1000000x64xf32, #tpu.memory_space<hbm>>
    tpu.wait_indirect_dma semaphore(%arg14 : memref<!tpu.dma_semaphore, #tpu.memory_space<semaphore_mem>>) src(%dma_wait3A_973 : memref<1000000x64xf32, #tpu.memory_space<hbm>>) dst(%dma_wait3A_967 : memref<128x64xf32, #tpu.memory_space<vmem>>)
    %dma_wait3A_974 = arith.constant 3 : i32
    %dma_wait3A_975 = arith.constant 2 : i32
    %dma_wait3A_976 = arith.constant 0 : i32
    %dma_wait3A_977 = arith.constant 1 : i32
    %dma_wait3A_978 = arith.constant 0 : i32
    %dma_wait3A_979 = arith.constant 0 : i32
    %dma_wait3A_980 = tpu.memref_slice %arg6[%dma_wait3A_977, %dma_wait3A_978, %dma_wait3A_979] : memref<2x256x64xf32, #tpu.memory_space<vmem>> -> memref<1x128x64xf32, #tpu.memory_space<vmem>>
    %dma_wait3A_981 = tpu.memref_squeeze %dma_wait3A_980 : memref<1x128x64xf32, #tpu.memory_space<vmem>> -> memref<128x64xf32, #tpu.memory_space<vmem>>
    %dma_wait3A_982 = arith.constant 0 : i32
    %dma_wait3A_983 = tpu.memref_slice %arg5[%dma_wait3A_974, %dma_wait3A_975, %dma_wait3A_976, %dma_wait3A_982] : memref<4x3x2x128xi32, #tpu.memory_space<vmem>> -> memref<1x1x1x128xi32, #tpu.memory_space<vmem>>
    %dma_wait3A_984 = tpu.memref_squeeze %dma_wait3A_983 : memref<1x1x1x128xi32, #tpu.memory_space<vmem>> -> memref<128xi32, #tpu.memory_space<vmem>>
    %dma_wait3A_985 = arith.constant 0 : i32
    %dma_wait3A_986 = arith.constant 0 : i32
    %dma_wait3A_987 = tpu.memref_slice %arg2[%dma_wait3A_985, %dma_wait3A_986] : memref<1000000x64xf32, #tpu.memory_space<hbm>> -> memref<1000000x64xf32, #tpu.memory_space<hbm>>
    tpu.wait_indirect_dma semaphore(%arg14 : memref<!tpu.dma_semaphore, #tpu.memory_space<semaphore_mem>>) src(%dma_wait3A_987 : memref<1000000x64xf32, #tpu.memory_space<hbm>>) dst(%dma_wait3A_981 : memref<128x64xf32, #tpu.memory_space<vmem>>)
    %dma_wait3A_988 = arith.constant 3 : i32
    %dma_wait3A_989 = arith.constant 2 : i32
    %dma_wait3A_990 = arith.constant 1 : i32
    %dma_wait3A_991 = arith.constant 1 : i32
    %dma_wait3A_992 = arith.constant 128 : i32
    %dma_wait3A_993 = arith.constant 0 : i32
    %dma_wait3A_994 = tpu.memref_slice %arg6[%dma_wait3A_991, %dma_wait3A_992, %dma_wait3A_993] : memref<2x256x64xf32, #tpu.memory_space<vmem>> -> memref<1x128x64xf32, #tpu.memory_space<vmem>>
    %dma_wait3A_995 = tpu.memref_squeeze %dma_wait3A_994 : memref<1x128x64xf32, #tpu.memory_space<vmem>> -> memref<128x64xf32, #tpu.memory_space<vmem>>
    %dma_wait3A_996 = arith.constant 0 : i32
    %dma_wait3A_997 = tpu.memref_slice %arg5[%dma_wait3A_988, %dma_wait3A_989, %dma_wait3A_990, %dma_wait3A_996] : memref<4x3x2x128xi32, #tpu.memory_space<vmem>> -> memref<1x1x1x128xi32, #tpu.memory_space<vmem>>
    %dma_wait3A_998 = tpu.memref_squeeze %dma_wait3A_997 : memref<1x1x1x128xi32, #tpu.memory_space<vmem>> -> memref<128xi32, #tpu.memory_space<vmem>>
    %dma_wait3A_999 = arith.constant 0 : i32
    %dma_wait3A_1000 = arith.constant 0 : i32
    %dma_wait3A_1001 = tpu.memref_slice %arg2[%dma_wait3A_999, %dma_wait3A_1000] : memref<1000000x64xf32, #tpu.memory_space<hbm>> -> memref<1000000x64xf32, #tpu.memory_space<hbm>>
    tpu.wait_indirect_dma semaphore(%arg14 : memref<!tpu.dma_semaphore, #tpu.memory_space<semaphore_mem>>) src(%dma_wait3A_1001 : memref<1000000x64xf32, #tpu.memory_space<hbm>>) dst(%dma_wait3A_995 : memref<128x64xf32, #tpu.memory_space<vmem>>)
    %add3A_1002 = arith.constant 768 : i32
    %add3A_1003 = arith.addi %mul3A_4, %add3A_1002 : i32
    %dma_start3A_1004 = arith.constant 1 : i32
    %dma_start3A_1005 = arith.constant 0 : i32
    %dma_start3A_1006 = arith.constant 0 : i32
    %dma_start3A_1007 = tpu.memref_slice %arg6[%dma_start3A_1004, %dma_start3A_1005, %dma_start3A_1006] : memref<2x256x64xf32, #tpu.memory_space<vmem>> -> memref<1x256x64xf32, #tpu.memory_space<vmem>>
    %dma_start3A_1008 = tpu.memref_squeeze %dma_start3A_1007 : memref<1x256x64xf32, #tpu.memory_space<vmem>> -> memref<256x64xf32, #tpu.memory_space<vmem>>
    %dma_start3A_1009 = arith.constant 0 : i32
    %dma_start3A_1010 = tpu.memref_slice %arg4[%add3A_1003, %dma_start3A_1009] : memref<819200x64xf32, #tpu.memory_space<hbm>> -> memref<256x64xf32, #tpu.memory_space<hbm>>
    %dma_start3A_1011 = arith.constant 0 : i32
    %dma_start3A_1012 = tpu.memref_slice %arg4[%add3A_1003, %dma_start3A_1011] : memref<819200x64xf32, #tpu.memory_space<hbm>> -> memref<256x64xf32, #tpu.memory_space<hbm>>
    %dma_start3A_1013 = arith.constant 0 : i32
    %dma_start3A_1014 = arith.constant 0 : i32
    %dma_start3A_1015 = tpu.memref_slice %arg6[%dma_start3A_1004, %dma_start3A_1013, %dma_start3A_1014] : memref<2x256x64xf32, #tpu.memory_space<vmem>> -> memref<1x256x64xf32, #tpu.memory_space<vmem>>
    %dma_start3A_1016 = tpu.memref_squeeze %dma_start3A_1015 : memref<1x256x64xf32, #tpu.memory_space<vmem>> -> memref<256x64xf32, #tpu.memory_space<vmem>>
    tpu.enqueue_dma source(%dma_start3A_1016 : memref<256x64xf32, #tpu.memory_space<vmem>>) target(%dma_start3A_1012 : memref<256x64xf32, #tpu.memory_space<hbm>>) target_semaphore(%arg16 : memref<!tpu.dma_semaphore, #tpu.memory_space<semaphore_mem>>)
    %scan3A = arith.constant 0 : i32
    %scan3A_1017 = arith.constant 1 : i32
    %scan3A_1018 = arith.constant 23 : i32
    %scan3A_1019 = arith.addi %scan3A_1017, %scan3A_1018 : i32
    %scan3A_1020 = arith.constant 1 : i32
    scf.for %scan3A_1896 = %scan3A_1017 to %scan3A_1019 step %scan3A_1020  : i32 {
      %mul3A_1897 = arith.constant 4 : i32
      %mul3A_1898 = arith.muli %mul3A_1897, %scan3A_1896 : i32
      %add3A_1899 = arith.constant 0 : i32
      %add3A_1900 = arith.addi %mul3A_1898, %add3A_1899 : i32
      %sub3A = arith.constant 1 : i32
      %sub3A_1901 = arith.subi %add3A_1900, %sub3A : i32
      %mul3A_1902 = arith.constant 256 : i32
      %mul3A_1903 = arith.muli %sub3A_1901, %mul3A_1902 : i32
      %add3A_1904 = arith.addi %mul3A_4, %mul3A_1903 : i32
      %dma_wait3A_1905 = arith.constant 1 : i32
      %dma_wait3A_1906 = arith.constant 0 : i32
      %dma_wait3A_1907 = arith.constant 0 : i32
      %dma_wait3A_1908 = tpu.memref_slice %arg6[%dma_wait3A_1905, %dma_wait3A_1906, %dma_wait3A_1907] : memref<2x256x64xf32, #tpu.memory_space<vmem>> -> memref<1x256x64xf32, #tpu.memory_space<vmem>>
      %dma_wait3A_1909 = tpu.memref_squeeze %dma_wait3A_1908 : memref<1x256x64xf32, #tpu.memory_space<vmem>> -> memref<256x64xf32, #tpu.memory_space<vmem>>
      %dma_wait3A_1910 = arith.constant 0 : i32
      %dma_wait3A_1911 = tpu.memref_slice %arg4[%add3A_1904, %dma_wait3A_1910] : memref<819200x64xf32, #tpu.memory_space<hbm>> -> memref<256x64xf32, #tpu.memory_space<hbm>>
      %dma_wait3A_1912 = arith.constant 0 : i32
      %dma_wait3A_1913 = tpu.memref_slice %arg4[%add3A_1904, %dma_wait3A_1912] : memref<819200x64xf32, #tpu.memory_space<hbm>> -> memref<256x64xf32, #tpu.memory_space<hbm>>
      %dma_wait3A_1914 = arith.constant 0 : i32
      %dma_wait3A_1915 = arith.constant 0 : i32
      %dma_wait3A_1916 = tpu.memref_slice %arg6[%dma_wait3A_1905, %dma_wait3A_1914, %dma_wait3A_1915] : memref<2x256x64xf32, #tpu.memory_space<vmem>> -> memref<1x256x64xf32, #tpu.memory_space<vmem>>
      %dma_wait3A_1917 = tpu.memref_squeeze %dma_wait3A_1916 : memref<1x256x64xf32, #tpu.memory_space<vmem>> -> memref<256x64xf32, #tpu.memory_space<vmem>>
      tpu.wait_dma2 semaphore(%arg16 : memref<!tpu.dma_semaphore, #tpu.memory_space<semaphore_mem>>) src(%dma_wait3A_1917 : memref<256x64xf32, #tpu.memory_space<vmem>>) dst(%dma_wait3A_1913 : memref<256x64xf32, #tpu.memory_space<hbm>>)
      %add3A_1918 = arith.constant 1 : i32
      %add3A_1919 = arith.addi %add3A_1900, %add3A_1918 : i32
      %mul3A_1920 = arith.constant 2 : i32
      %mul3A_1921 = arith.muli %add3A_1919, %mul3A_1920 : i32
      %add3A_1922 = arith.addi %mul3A_2, %mul3A_1921 : i32
      %dma_wait3A_1923 = arith.constant 1 : i32
      %dma_wait3A_1924 = arith.constant 0 : i32
      %dma_wait3A_1925 = arith.constant 0 : i32
      %dma_wait3A_1926 = arith.constant 0 : i32
      %dma_wait3A_1927 = tpu.memref_slice %arg5[%dma_wait3A_1923, %dma_wait3A_1924, %dma_wait3A_1925, %dma_wait3A_1926] : memref<4x3x2x128xi32, #tpu.memory_space<vmem>> -> memref<1x3x2x128xi32, #tpu.memory_space<vmem>>
      %dma_wait3A_1928 = tpu.memref_squeeze %dma_wait3A_1927 : memref<1x3x2x128xi32, #tpu.memory_space<vmem>> -> memref<3x2x128xi32, #tpu.memory_space<vmem>>
      %dma_wait3A_1929 = arith.constant 0 : i32
      %dma_wait3A_1930 = arith.constant 0 : i32
      %dma_wait3A_1931 = tpu.memref_slice %arg3[%dma_wait3A_1929, %add3A_1922, %dma_wait3A_1930] : memref<3x6400x128xi32, #tpu.memory_space<hbm>> -> memref<3x2x128xi32, #tpu.memory_space<hbm>>
      %dma_wait3A_1932 = arith.constant 0 : i32
      %dma_wait3A_1933 = arith.constant 0 : i32
      %dma_wait3A_1934 = arith.constant 0 : i32
      %dma_wait3A_1935 = tpu.memref_slice %arg5[%dma_wait3A_1923, %dma_wait3A_1932, %dma_wait3A_1933, %dma_wait3A_1934] : memref<4x3x2x128xi32, #tpu.memory_space<vmem>> -> memref<1x3x2x128xi32, #tpu.memory_space<vmem>>
      %dma_wait3A_1936 = tpu.memref_squeeze %dma_wait3A_1935 : memref<1x3x2x128xi32, #tpu.memory_space<vmem>> -> memref<3x2x128xi32, #tpu.memory_space<vmem>>
      %dma_wait3A_1937 = arith.constant 0 : i32
      %dma_wait3A_1938 = arith.constant 0 : i32
      %dma_wait3A_1939 = tpu.memref_slice %arg3[%dma_wait3A_1937, %add3A_1922, %dma_wait3A_1938] : memref<3x6400x128xi32, #tpu.memory_space<hbm>> -> memref<3x2x128xi32, #tpu.memory_space<hbm>>
      tpu.wait_dma2 semaphore(%arg8 : memref<!tpu.dma_semaphore, #tpu.memory_space<semaphore_mem>>) src(%dma_wait3A_1939 : memref<3x2x128xi32, #tpu.memory_space<hbm>>) dst(%dma_wait3A_1936 : memref<3x2x128xi32, #tpu.memory_space<vmem>>)
      %add3A_1940 = arith.constant 1 : i32
      %add3A_1941 = arith.addi %add3A_1900, %add3A_1940 : i32
      %dma_start3A_1942 = arith.constant 1 : i32
      %dma_start3A_1943 = arith.constant 0 : i32
      %dma_start3A_1944 = arith.constant 0 : i32
      %dma_start3A_1945 = arith.constant 1 : i32
      %dma_start3A_1946 = arith.constant 0 : i32
      %dma_start3A_1947 = arith.constant 0 : i32
      %dma_start3A_1948 = tpu.memref_slice %arg6[%dma_start3A_1945, %dma_start3A_1946, %dma_start3A_1947] : memref<2x256x64xf32, #tpu.memory_space<vmem>> -> memref<1x128x64xf32, #tpu.memory_space<vmem>>
      %dma_start3A_1949 = tpu.memref_squeeze %dma_start3A_1948 : memref<1x128x64xf32, #tpu.memory_space<vmem>> -> memref<128x64xf32, #tpu.memory_space<vmem>>
      %dma_start3A_1950 = arith.constant 0 : i32
      %dma_start3A_1951 = tpu.memref_slice %arg5[%dma_start3A_1942, %dma_start3A_1943, %dma_start3A_1944, %dma_start3A_1950] : memref<4x3x2x128xi32, #tpu.memory_space<vmem>> -> memref<1x1x1x128xi32, #tpu.memory_space<vmem>>
      %dma_start3A_1952 = tpu.memref_squeeze %dma_start3A_1951 : memref<1x1x1x128xi32, #tpu.memory_space<vmem>> -> memref<128xi32, #tpu.memory_space<vmem>>
      %dma_start3A_1953 = arith.constant 0 : i32
      %dma_start3A_1954 = arith.constant 0 : i32
      %dma_start3A_1955 = tpu.memref_slice %arg2[%dma_start3A_1953, %dma_start3A_1954] : memref<1000000x64xf32, #tpu.memory_space<hbm>> -> memref<1000000x64xf32, #tpu.memory_space<hbm>>
      tpu.enqueue_indirect_dma source(%dma_start3A_1955 : memref<1000000x64xf32, #tpu.memory_space<hbm>>) target(%dma_start3A_1949 : memref<128x64xf32, #tpu.memory_space<vmem>>) offsets(%dma_start3A_1952 : memref<128xi32, #tpu.memory_space<vmem>>) semaphore(%arg12 : memref<!tpu.dma_semaphore, #tpu.memory_space<semaphore_mem>>)
      %dma_start3A_1956 = arith.constant 1 : i32
      %dma_start3A_1957 = arith.constant 0 : i32
      %dma_start3A_1958 = arith.constant 1 : i32
      %dma_start3A_1959 = arith.constant 1 : i32
      %dma_start3A_1960 = arith.constant 128 : i32
      %dma_start3A_1961 = arith.constant 0 : i32
      %dma_start3A_1962 = tpu.memref_slice %arg6[%dma_start3A_1959, %dma_start3A_1960, %dma_start3A_1961] : memref<2x256x64xf32, #tpu.memory_space<vmem>> -> memref<1x128x64xf32, #tpu.memory_space<vmem>>
      %dma_start3A_1963 = tpu.memref_squeeze %dma_start3A_1962 : memref<1x128x64xf32, #tpu.memory_space<vmem>> -> memref<128x64xf32, #tpu.memory_space<vmem>>
      %dma_start3A_1964 = arith.constant 0 : i32
      %dma_start3A_1965 = tpu.memref_slice %arg5[%dma_start3A_1956, %dma_start3A_1957, %dma_start3A_1958, %dma_start3A_1964] : memref<4x3x2x128xi32, #tpu.memory_space<vmem>> -> memref<1x1x1x128xi32, #tpu.memory_space<vmem>>
      %dma_start3A_1966 = tpu.memref_squeeze %dma_start3A_1965 : memref<1x1x1x128xi32, #tpu.memory_space<vmem>> -> memref<128xi32, #tpu.memory_space<vmem>>
      %dma_start3A_1967 = arith.constant 0 : i32
      %dma_start3A_1968 = arith.constant 0 : i32
      %dma_start3A_1969 = tpu.memref_slice %arg2[%dma_start3A_1967, %dma_start3A_1968] : memref<1000000x64xf32, #tpu.memory_space<hbm>> -> memref<1000000x64xf32, #tpu.memory_space<hbm>>
      tpu.enqueue_indirect_dma source(%dma_start3A_1969 : memref<1000000x64xf32, #tpu.memory_space<hbm>>) target(%dma_start3A_1963 : memref<128x64xf32, #tpu.memory_space<vmem>>) offsets(%dma_start3A_1966 : memref<128xi32, #tpu.memory_space<vmem>>) semaphore(%arg12 : memref<!tpu.dma_semaphore, #tpu.memory_space<semaphore_mem>>)
      %dma_wait3A_1970 = arith.constant 0 : i32
      %dma_wait3A_1971 = arith.constant 0 : i32
      %dma_wait3A_1972 = arith.constant 0 : i32
      %dma_wait3A_1973 = arith.constant 0 : i32
      %dma_wait3A_1974 = arith.constant 0 : i32
      %dma_wait3A_1975 = arith.constant 0 : i32
      %dma_wait3A_1976 = tpu.memref_slice %arg6[%dma_wait3A_1973, %dma_wait3A_1974, %dma_wait3A_1975] : memref<2x256x64xf32, #tpu.memory_space<vmem>> -> memref<1x128x64xf32, #tpu.memory_space<vmem>>
      %dma_wait3A_1977 = tpu.memref_squeeze %dma_wait3A_1976 : memref<1x128x64xf32, #tpu.memory_space<vmem>> -> memref<128x64xf32, #tpu.memory_space<vmem>>
      %dma_wait3A_1978 = arith.constant 0 : i32
      %dma_wait3A_1979 = tpu.memref_slice %arg5[%dma_wait3A_1970, %dma_wait3A_1971, %dma_wait3A_1972, %dma_wait3A_1978] : memref<4x3x2x128xi32, #tpu.memory_space<vmem>> -> memref<1x1x1x128xi32, #tpu.memory_space<vmem>>
      %dma_wait3A_1980 = tpu.memref_squeeze %dma_wait3A_1979 : memref<1x1x1x128xi32, #tpu.memory_space<vmem>> -> memref<128xi32, #tpu.memory_space<vmem>>
      %dma_wait3A_1981 = arith.constant 0 : i32
      %dma_wait3A_1982 = arith.constant 0 : i32
      %dma_wait3A_1983 = tpu.memref_slice %arg2[%dma_wait3A_1981, %dma_wait3A_1982] : memref<1000000x64xf32, #tpu.memory_space<hbm>> -> memref<1000000x64xf32, #tpu.memory_space<hbm>>
      tpu.wait_indirect_dma semaphore(%arg11 : memref<!tpu.dma_semaphore, #tpu.memory_space<semaphore_mem>>) src(%dma_wait3A_1983 : memref<1000000x64xf32, #tpu.memory_space<hbm>>) dst(%dma_wait3A_1977 : memref<128x64xf32, #tpu.memory_space<vmem>>)
      %dma_wait3A_1984 = arith.constant 0 : i32
      %dma_wait3A_1985 = arith.constant 0 : i32
      %dma_wait3A_1986 = arith.constant 1 : i32
      %dma_wait3A_1987 = arith.constant 0 : i32
      %dma_wait3A_1988 = arith.constant 128 : i32
      %dma_wait3A_1989 = arith.constant 0 : i32
      %dma_wait3A_1990 = tpu.memref_slice %arg6[%dma_wait3A_1987, %dma_wait3A_1988, %dma_wait3A_1989] : memref<2x256x64xf32, #tpu.memory_space<vmem>> -> memref<1x128x64xf32, #tpu.memory_space<vmem>>
      %dma_wait3A_1991 = tpu.memref_squeeze %dma_wait3A_1990 : memref<1x128x64xf32, #tpu.memory_space<vmem>> -> memref<128x64xf32, #tpu.memory_space<vmem>>
      %dma_wait3A_1992 = arith.constant 0 : i32
      %dma_wait3A_1993 = tpu.memref_slice %arg5[%dma_wait3A_1984, %dma_wait3A_1985, %dma_wait3A_1986, %dma_wait3A_1992] : memref<4x3x2x128xi32, #tpu.memory_space<vmem>> -> memref<1x1x1x128xi32, #tpu.memory_space<vmem>>
      %dma_wait3A_1994 = tpu.memref_squeeze %dma_wait3A_1993 : memref<1x1x1x128xi32, #tpu.memory_space<vmem>> -> memref<128xi32, #tpu.memory_space<vmem>>
      %dma_wait3A_1995 = arith.constant 0 : i32
      %dma_wait3A_1996 = arith.constant 0 : i32
      %dma_wait3A_1997 = tpu.memref_slice %arg2[%dma_wait3A_1995, %dma_wait3A_1996] : memref<1000000x64xf32, #tpu.memory_space<hbm>> -> memref<1000000x64xf32, #tpu.memory_space<hbm>>
      tpu.wait_indirect_dma semaphore(%arg11 : memref<!tpu.dma_semaphore, #tpu.memory_space<semaphore_mem>>) src(%dma_wait3A_1997 : memref<1000000x64xf32, #tpu.memory_space<hbm>>) dst(%dma_wait3A_1991 : memref<128x64xf32, #tpu.memory_space<vmem>>)
      %dma_start3A_1998 = arith.constant 0 : i32
      %dma_start3A_1999 = arith.constant 1 : i32
      %dma_start3A_2000 = arith.constant 0 : i32
      %dma_start3A_2001 = arith.constant 0 : i32
      %dma_start3A_2002 = arith.constant 0 : i32
      %dma_start3A_2003 = arith.constant 0 : i32
      %dma_start3A_2004 = tpu.memref_slice %arg6[%dma_start3A_2001, %dma_start3A_2002, %dma_start3A_2003] : memref<2x256x64xf32, #tpu.memory_space<vmem>> -> memref<1x128x64xf32, #tpu.memory_space<vmem>>
      %dma_start3A_2005 = tpu.memref_squeeze %dma_start3A_2004 : memref<1x128x64xf32, #tpu.memory_space<vmem>> -> memref<128x64xf32, #tpu.memory_space<vmem>>
      %dma_start3A_2006 = arith.constant 0 : i32
      %dma_start3A_2007 = tpu.memref_slice %arg5[%dma_start3A_1998, %dma_start3A_1999, %dma_start3A_2000, %dma_start3A_2006] : memref<4x3x2x128xi32, #tpu.memory_space<vmem>> -> memref<1x1x1x128xi32, #tpu.memory_space<vmem>>
      %dma_start3A_2008 = tpu.memref_squeeze %dma_start3A_2007 : memref<1x1x1x128xi32, #tpu.memory_space<vmem>> -> memref<128xi32, #tpu.memory_space<vmem>>
      %dma_start3A_2009 = arith.constant 0 : i32
      %dma_start3A_2010 = arith.constant 0 : i32
      %dma_start3A_2011 = tpu.memref_slice %arg2[%dma_start3A_2009, %dma_start3A_2010] : memref<1000000x64xf32, #tpu.memory_space<hbm>> -> memref<1000000x64xf32, #tpu.memory_space<hbm>>
      tpu.enqueue_indirect_dma source(%dma_start3A_2011 : memref<1000000x64xf32, #tpu.memory_space<hbm>>) target(%dma_start3A_2005 : memref<128x64xf32, #tpu.memory_space<vmem>>) offsets(%dma_start3A_2008 : memref<128xi32, #tpu.memory_space<vmem>>) semaphore(%arg13 : memref<!tpu.dma_semaphore, #tpu.memory_space<semaphore_mem>>) {add = true}
      %dma_start3A_2012 = arith.constant 0 : i32
      %dma_start3A_2013 = arith.constant 1 : i32
      %dma_start3A_2014 = arith.constant 1 : i32
      %dma_start3A_2015 = arith.constant 0 : i32
      %dma_start3A_2016 = arith.constant 128 : i32
      %dma_start3A_2017 = arith.constant 0 : i32
      %dma_start3A_2018 = tpu.memref_slice %arg6[%dma_start3A_2015, %dma_start3A_2016, %dma_start3A_2017] : memref<2x256x64xf32, #tpu.memory_space<vmem>> -> memref<1x128x64xf32, #tpu.memory_space<vmem>>
      %dma_start3A_2019 = tpu.memref_squeeze %dma_start3A_2018 : memref<1x128x64xf32, #tpu.memory_space<vmem>> -> memref<128x64xf32, #tpu.memory_space<vmem>>
      %dma_start3A_2020 = arith.constant 0 : i32
      %dma_start3A_2021 = tpu.memref_slice %arg5[%dma_start3A_2012, %dma_start3A_2013, %dma_start3A_2014, %dma_start3A_2020] : memref<4x3x2x128xi32, #tpu.memory_space<vmem>> -> memref<1x1x1x128xi32, #tpu.memory_space<vmem>>
      %dma_start3A_2022 = tpu.memref_squeeze %dma_start3A_2021 : memref<1x1x1x128xi32, #tpu.memory_space<vmem>> -> memref<128xi32, #tpu.memory_space<vmem>>
      %dma_start3A_2023 = arith.constant 0 : i32
      %dma_start3A_2024 = arith.constant 0 : i32
      %dma_start3A_2025 = tpu.memref_slice %arg2[%dma_start3A_2023, %dma_start3A_2024] : memref<1000000x64xf32, #tpu.memory_space<hbm>> -> memref<1000000x64xf32, #tpu.memory_space<hbm>>
      tpu.enqueue_indirect_dma source(%dma_start3A_2025 : memref<1000000x64xf32, #tpu.memory_space<hbm>>) target(%dma_start3A_2019 : memref<128x64xf32, #tpu.memory_space<vmem>>) offsets(%dma_start3A_2022 : memref<128xi32, #tpu.memory_space<vmem>>) semaphore(%arg13 : memref<!tpu.dma_semaphore, #tpu.memory_space<semaphore_mem>>) {add = true}
      %dma_start3A_2026 = arith.constant 0 : i32
      %dma_start3A_2027 = arith.constant 2 : i32
      %dma_start3A_2028 = arith.constant 0 : i32
      %dma_start3A_2029 = arith.constant 0 : i32
      %dma_start3A_2030 = arith.constant 0 : i32
      %dma_start3A_2031 = arith.constant 0 : i32
      %dma_start3A_2032 = tpu.memref_slice %arg6[%dma_start3A_2029, %dma_start3A_2030, %dma_start3A_2031] : memref<2x256x64xf32, #tpu.memory_space<vmem>> -> memref<1x128x64xf32, #tpu.memory_space<vmem>>
      %dma_start3A_2033 = tpu.memref_squeeze %dma_start3A_2032 : memref<1x128x64xf32, #tpu.memory_space<vmem>> -> memref<128x64xf32, #tpu.memory_space<vmem>>
      %dma_start3A_2034 = arith.constant 0 : i32
      %dma_start3A_2035 = tpu.memref_slice %arg5[%dma_start3A_2026, %dma_start3A_2027, %dma_start3A_2028, %dma_start3A_2034] : memref<4x3x2x128xi32, #tpu.memory_space<vmem>> -> memref<1x1x1x128xi32, #tpu.memory_space<vmem>>
      %dma_start3A_2036 = tpu.memref_squeeze %dma_start3A_2035 : memref<1x1x1x128xi32, #tpu.memory_space<vmem>> -> memref<128xi32, #tpu.memory_space<vmem>>
      %dma_start3A_2037 = arith.constant 0 : i32
      %dma_start3A_2038 = arith.constant 0 : i32
      %dma_start3A_2039 = tpu.memref_slice %arg2[%dma_start3A_2037, %dma_start3A_2038] : memref<1000000x64xf32, #tpu.memory_space<hbm>> -> memref<1000000x64xf32, #tpu.memory_space<hbm>>
      tpu.enqueue_indirect_dma source(%dma_start3A_2039 : memref<1000000x64xf32, #tpu.memory_space<hbm>>) target(%dma_start3A_2033 : memref<128x64xf32, #tpu.memory_space<vmem>>) offsets(%dma_start3A_2036 : memref<128xi32, #tpu.memory_space<vmem>>) semaphore(%arg13 : memref<!tpu.dma_semaphore, #tpu.memory_space<semaphore_mem>>) {add = true}
      %dma_start3A_2040 = arith.constant 0 : i32
      %dma_start3A_2041 = arith.constant 2 : i32
      %dma_start3A_2042 = arith.constant 1 : i32
      %dma_start3A_2043 = arith.constant 0 : i32
      %dma_start3A_2044 = arith.constant 128 : i32
      %dma_start3A_2045 = arith.constant 0 : i32
      %dma_start3A_2046 = tpu.memref_slice %arg6[%dma_start3A_2043, %dma_start3A_2044, %dma_start3A_2045] : memref<2x256x64xf32, #tpu.memory_space<vmem>> -> memref<1x128x64xf32, #tpu.memory_space<vmem>>
      %dma_start3A_2047 = tpu.memref_squeeze %dma_start3A_2046 : memref<1x128x64xf32, #tpu.memory_space<vmem>> -> memref<128x64xf32, #tpu.memory_space<vmem>>
      %dma_start3A_2048 = arith.constant 0 : i32
      %dma_start3A_2049 = tpu.memref_slice %arg5[%dma_start3A_2040, %dma_start3A_2041, %dma_start3A_2042, %dma_start3A_2048] : memref<4x3x2x128xi32, #tpu.memory_space<vmem>> -> memref<1x1x1x128xi32, #tpu.memory_space<vmem>>
      %dma_start3A_2050 = tpu.memref_squeeze %dma_start3A_2049 : memref<1x1x1x128xi32, #tpu.memory_space<vmem>> -> memref<128xi32, #tpu.memory_space<vmem>>
      %dma_start3A_2051 = arith.constant 0 : i32
      %dma_start3A_2052 = arith.constant 0 : i32
      %dma_start3A_2053 = tpu.memref_slice %arg2[%dma_start3A_2051, %dma_start3A_2052] : memref<1000000x64xf32, #tpu.memory_space<hbm>> -> memref<1000000x64xf32, #tpu.memory_space<hbm>>
      tpu.enqueue_indirect_dma source(%dma_start3A_2053 : memref<1000000x64xf32, #tpu.memory_space<hbm>>) target(%dma_start3A_2047 : memref<128x64xf32, #tpu.memory_space<vmem>>) offsets(%dma_start3A_2050 : memref<128xi32, #tpu.memory_space<vmem>>) semaphore(%arg13 : memref<!tpu.dma_semaphore, #tpu.memory_space<semaphore_mem>>) {add = true}
      %add3A_2054 = arith.constant 2 : i32
      %add3A_2055 = arith.addi %add3A_1900, %add3A_2054 : i32
      %mul3A_2056 = arith.constant 2 : i32
      %mul3A_2057 = arith.muli %add3A_2055, %mul3A_2056 : i32
      %add3A_2058 = arith.addi %mul3A_2, %mul3A_2057 : i32
      %dma_start3A_2059 = arith.constant 2 : i32
      %dma_start3A_2060 = arith.constant 0 : i32
      %dma_start3A_2061 = arith.constant 0 : i32
      %dma_start3A_2062 = arith.constant 0 : i32
      %dma_start3A_2063 = tpu.memref_slice %arg5[%dma_start3A_2059, %dma_start3A_2060, %dma_start3A_2061, %dma_start3A_2062] : memref<4x3x2x128xi32, #tpu.memory_space<vmem>> -> memref<1x3x2x128xi32, #tpu.memory_space<vmem>>
      %dma_start3A_2064 = tpu.memref_squeeze %dma_start3A_2063 : memref<1x3x2x128xi32, #tpu.memory_space<vmem>> -> memref<3x2x128xi32, #tpu.memory_space<vmem>>
      %dma_start3A_2065 = arith.constant 0 : i32
      %dma_start3A_2066 = arith.constant 0 : i32
      %dma_start3A_2067 = tpu.memref_slice %arg3[%dma_start3A_2065, %add3A_2058, %dma_start3A_2066] : memref<3x6400x128xi32, #tpu.memory_space<hbm>> -> memref<3x2x128xi32, #tpu.memory_space<hbm>>
      %dma_start3A_2068 = arith.constant 0 : i32
      %dma_start3A_2069 = arith.constant 0 : i32
      %dma_start3A_2070 = arith.constant 0 : i32
      %dma_start3A_2071 = tpu.memref_slice %arg5[%dma_start3A_2059, %dma_start3A_2068, %dma_start3A_2069, %dma_start3A_2070] : memref<4x3x2x128xi32, #tpu.memory_space<vmem>> -> memref<1x3x2x128xi32, #tpu.memory_space<vmem>>
      %dma_start3A_2072 = tpu.memref_squeeze %dma_start3A_2071 : memref<1x3x2x128xi32, #tpu.memory_space<vmem>> -> memref<3x2x128xi32, #tpu.memory_space<vmem>>
      %dma_start3A_2073 = arith.constant 0 : i32
      %dma_start3A_2074 = arith.constant 0 : i32
      %dma_start3A_2075 = tpu.memref_slice %arg3[%dma_start3A_2073, %add3A_2058, %dma_start3A_2074] : memref<3x6400x128xi32, #tpu.memory_space<hbm>> -> memref<3x2x128xi32, #tpu.memory_space<hbm>>
      tpu.enqueue_dma source(%dma_start3A_2075 : memref<3x2x128xi32, #tpu.memory_space<hbm>>) target(%dma_start3A_2072 : memref<3x2x128xi32, #tpu.memory_space<vmem>>) target_semaphore(%arg9 : memref<!tpu.dma_semaphore, #tpu.memory_space<semaphore_mem>>)
      %dma_wait3A_2076 = arith.constant 0 : i32
      %dma_wait3A_2077 = arith.constant 1 : i32
      %dma_wait3A_2078 = arith.constant 0 : i32
      %dma_wait3A_2079 = arith.constant 0 : i32
      %dma_wait3A_2080 = arith.constant 0 : i32
      %dma_wait3A_2081 = arith.constant 0 : i32
      %dma_wait3A_2082 = tpu.memref_slice %arg6[%dma_wait3A_2079, %dma_wait3A_2080, %dma_wait3A_2081] : memref<2x256x64xf32, #tpu.memory_space<vmem>> -> memref<1x128x64xf32, #tpu.memory_space<vmem>>
      %dma_wait3A_2083 = tpu.memref_squeeze %dma_wait3A_2082 : memref<1x128x64xf32, #tpu.memory_space<vmem>> -> memref<128x64xf32, #tpu.memory_space<vmem>>
      %dma_wait3A_2084 = arith.constant 0 : i32
      %dma_wait3A_2085 = tpu.memref_slice %arg5[%dma_wait3A_2076, %dma_wait3A_2077, %dma_wait3A_2078, %dma_wait3A_2084] : memref<4x3x2x128xi32, #tpu.memory_space<vmem>> -> memref<1x1x1x128xi32, #tpu.memory_space<vmem>>
      %dma_wait3A_2086 = tpu.memref_squeeze %dma_wait3A_2085 : memref<1x1x1x128xi32, #tpu.memory_space<vmem>> -> memref<128xi32, #tpu.memory_space<vmem>>
      %dma_wait3A_2087 = arith.constant 0 : i32
      %dma_wait3A_2088 = arith.constant 0 : i32
      %dma_wait3A_2089 = tpu.memref_slice %arg2[%dma_wait3A_2087, %dma_wait3A_2088] : memref<1000000x64xf32, #tpu.memory_space<hbm>> -> memref<1000000x64xf32, #tpu.memory_space<hbm>>
      tpu.wait_indirect_dma semaphore(%arg13 : memref<!tpu.dma_semaphore, #tpu.memory_space<semaphore_mem>>) src(%dma_wait3A_2089 : memref<1000000x64xf32, #tpu.memory_space<hbm>>) dst(%dma_wait3A_2083 : memref<128x64xf32, #tpu.memory_space<vmem>>)
      %dma_wait3A_2090 = arith.constant 0 : i32
      %dma_wait3A_2091 = arith.constant 1 : i32
      %dma_wait3A_2092 = arith.constant 1 : i32
      %dma_wait3A_2093 = arith.constant 0 : i32
      %dma_wait3A_2094 = arith.constant 128 : i32
      %dma_wait3A_2095 = arith.constant 0 : i32
      %dma_wait3A_2096 = tpu.memref_slice %arg6[%dma_wait3A_2093, %dma_wait3A_2094, %dma_wait3A_2095] : memref<2x256x64xf32, #tpu.memory_space<vmem>> -> memref<1x128x64xf32, #tpu.memory_space<vmem>>
      %dma_wait3A_2097 = tpu.memref_squeeze %dma_wait3A_2096 : memref<1x128x64xf32, #tpu.memory_space<vmem>> -> memref<128x64xf32, #tpu.memory_space<vmem>>
      %dma_wait3A_2098 = arith.constant 0 : i32
      %dma_wait3A_2099 = tpu.memref_slice %arg5[%dma_wait3A_2090, %dma_wait3A_2091, %dma_wait3A_2092, %dma_wait3A_2098] : memref<4x3x2x128xi32, #tpu.memory_space<vmem>> -> memref<1x1x1x128xi32, #tpu.memory_space<vmem>>
      %dma_wait3A_2100 = tpu.memref_squeeze %dma_wait3A_2099 : memref<1x1x1x128xi32, #tpu.memory_space<vmem>> -> memref<128xi32, #tpu.memory_space<vmem>>
      %dma_wait3A_2101 = arith.constant 0 : i32
      %dma_wait3A_2102 = arith.constant 0 : i32
      %dma_wait3A_2103 = tpu.memref_slice %arg2[%dma_wait3A_2101, %dma_wait3A_2102] : memref<1000000x64xf32, #tpu.memory_space<hbm>> -> memref<1000000x64xf32, #tpu.memory_space<hbm>>
      tpu.wait_indirect_dma semaphore(%arg13 : memref<!tpu.dma_semaphore, #tpu.memory_space<semaphore_mem>>) src(%dma_wait3A_2103 : memref<1000000x64xf32, #tpu.memory_space<hbm>>) dst(%dma_wait3A_2097 : memref<128x64xf32, #tpu.memory_space<vmem>>)
      %dma_wait3A_2104 = arith.constant 0 : i32
      %dma_wait3A_2105 = arith.constant 2 : i32
      %dma_wait3A_2106 = arith.constant 0 : i32
      %dma_wait3A_2107 = arith.constant 0 : i32
      %dma_wait3A_2108 = arith.constant 0 : i32
      %dma_wait3A_2109 = arith.constant 0 : i32
      %dma_wait3A_2110 = tpu.memref_slice %arg6[%dma_wait3A_2107, %dma_wait3A_2108, %dma_wait3A_2109] : memref<2x256x64xf32, #tpu.memory_space<vmem>> -> memref<1x128x64xf32, #tpu.memory_space<vmem>>
      %dma_wait3A_2111 = tpu.memref_squeeze %dma_wait3A_2110 : memref<1x128x64xf32, #tpu.memory_space<vmem>> -> memref<128x64xf32, #tpu.memory_space<vmem>>
      %dma_wait3A_2112 = arith.constant 0 : i32
      %dma_wait3A_2113 = tpu.memref_slice %arg5[%dma_wait3A_2104, %dma_wait3A_2105, %dma_wait3A_2106, %dma_wait3A_2112] : memref<4x3x2x128xi32, #tpu.memory_space<vmem>> -> memref<1x1x1x128xi32, #tpu.memory_space<vmem>>
      %dma_wait3A_2114 = tpu.memref_squeeze %dma_wait3A_2113 : memref<1x1x1x128xi32, #tpu.memory_space<vmem>> -> memref<128xi32, #tpu.memory_space<vmem>>
      %dma_wait3A_2115 = arith.constant 0 : i32
      %dma_wait3A_2116 = arith.constant 0 : i32
      %dma_wait3A_2117 = tpu.memref_slice %arg2[%dma_wait3A_2115, %dma_wait3A_2116] : memref<1000000x64xf32, #tpu.memory_space<hbm>> -> memref<1000000x64xf32, #tpu.memory_space<hbm>>
      tpu.wait_indirect_dma semaphore(%arg13 : memref<!tpu.dma_semaphore, #tpu.memory_space<semaphore_mem>>) src(%dma_wait3A_2117 : memref<1000000x64xf32, #tpu.memory_space<hbm>>) dst(%dma_wait3A_2111 : memref<128x64xf32, #tpu.memory_space<vmem>>)
      %dma_wait3A_2118 = arith.constant 0 : i32
      %dma_wait3A_2119 = arith.constant 2 : i32
      %dma_wait3A_2120 = arith.constant 1 : i32
      %dma_wait3A_2121 = arith.constant 0 : i32
      %dma_wait3A_2122 = arith.constant 128 : i32
      %dma_wait3A_2123 = arith.constant 0 : i32
      %dma_wait3A_2124 = tpu.memref_slice %arg6[%dma_wait3A_2121, %dma_wait3A_2122, %dma_wait3A_2123] : memref<2x256x64xf32, #tpu.memory_space<vmem>> -> memref<1x128x64xf32, #tpu.memory_space<vmem>>
      %dma_wait3A_2125 = tpu.memref_squeeze %dma_wait3A_2124 : memref<1x128x64xf32, #tpu.memory_space<vmem>> -> memref<128x64xf32, #tpu.memory_space<vmem>>
      %dma_wait3A_2126 = arith.constant 0 : i32
      %dma_wait3A_2127 = tpu.memref_slice %arg5[%dma_wait3A_2118, %dma_wait3A_2119, %dma_wait3A_2120, %dma_wait3A_2126] : memref<4x3x2x128xi32, #tpu.memory_space<vmem>> -> memref<1x1x1x128xi32, #tpu.memory_space<vmem>>
      %dma_wait3A_2128 = tpu.memref_squeeze %dma_wait3A_2127 : memref<1x1x1x128xi32, #tpu.memory_space<vmem>> -> memref<128xi32, #tpu.memory_space<vmem>>
      %dma_wait3A_2129 = arith.constant 0 : i32
      %dma_wait3A_2130 = arith.constant 0 : i32
      %dma_wait3A_2131 = tpu.memref_slice %arg2[%dma_wait3A_2129, %dma_wait3A_2130] : memref<1000000x64xf32, #tpu.memory_space<hbm>> -> memref<1000000x64xf32, #tpu.memory_space<hbm>>
      tpu.wait_indirect_dma semaphore(%arg13 : memref<!tpu.dma_semaphore, #tpu.memory_space<semaphore_mem>>) src(%dma_wait3A_2131 : memref<1000000x64xf32, #tpu.memory_space<hbm>>) dst(%dma_wait3A_2125 : memref<128x64xf32, #tpu.memory_space<vmem>>)
      %mul3A_2132 = arith.constant 256 : i32
      %mul3A_2133 = arith.muli %add3A_1900, %mul3A_2132 : i32
      %add3A_2134 = arith.addi %mul3A_4, %mul3A_2133 : i32
      %dma_start3A_2135 = arith.constant 0 : i32
      %dma_start3A_2136 = arith.constant 0 : i32
      %dma_start3A_2137 = arith.constant 0 : i32
      %dma_start3A_2138 = tpu.memref_slice %arg6[%dma_start3A_2135, %dma_start3A_2136, %dma_start3A_2137] : memref<2x256x64xf32, #tpu.memory_space<vmem>> -> memref<1x256x64xf32, #tpu.memory_space<vmem>>
      %dma_start3A_2139 = tpu.memref_squeeze %dma_start3A_2138 : memref<1x256x64xf32, #tpu.memory_space<vmem>> -> memref<256x64xf32, #tpu.memory_space<vmem>>
      %dma_start3A_2140 = arith.constant 0 : i32
      %dma_start3A_2141 = tpu.memref_slice %arg4[%add3A_2134, %dma_start3A_2140] : memref<819200x64xf32, #tpu.memory_space<hbm>> -> memref<256x64xf32, #tpu.memory_space<hbm>>
      %dma_start3A_2142 = arith.constant 0 : i32
      %dma_start3A_2143 = tpu.memref_slice %arg4[%add3A_2134, %dma_start3A_2142] : memref<819200x64xf32, #tpu.memory_space<hbm>> -> memref<256x64xf32, #tpu.memory_space<hbm>>
      %dma_start3A_2144 = arith.constant 0 : i32
      %dma_start3A_2145 = arith.constant 0 : i32
      %dma_start3A_2146 = tpu.memref_slice %arg6[%dma_start3A_2135, %dma_start3A_2144, %dma_start3A_2145] : memref<2x256x64xf32, #tpu.memory_space<vmem>> -> memref<1x256x64xf32, #tpu.memory_space<vmem>>
      %dma_start3A_2147 = tpu.memref_squeeze %dma_start3A_2146 : memref<1x256x64xf32, #tpu.memory_space<vmem>> -> memref<256x64xf32, #tpu.memory_space<vmem>>
      tpu.enqueue_dma source(%dma_start3A_2147 : memref<256x64xf32, #tpu.memory_space<vmem>>) target(%dma_start3A_2143 : memref<256x64xf32, #tpu.memory_space<hbm>>) target_semaphore(%arg15 : memref<!tpu.dma_semaphore, #tpu.memory_space<semaphore_mem>>)
      %mul3A_2148 = arith.constant 4 : i32
      %mul3A_2149 = arith.muli %mul3A_2148, %scan3A_1896 : i32
      %add3A_2150 = arith.constant 1 : i32
      %add3A_2151 = arith.addi %mul3A_2149, %add3A_2150 : i32
      %sub3A_2152 = arith.constant 1 : i32
      %sub3A_2153 = arith.subi %add3A_2151, %sub3A_2152 : i32
      %mul3A_2154 = arith.constant 256 : i32
      %mul3A_2155 = arith.muli %sub3A_2153, %mul3A_2154 : i32
      %add3A_2156 = arith.addi %mul3A_4, %mul3A_2155 : i32
      %dma_wait3A_2157 = arith.constant 0 : i32
      %dma_wait3A_2158 = arith.constant 0 : i32
      %dma_wait3A_2159 = arith.constant 0 : i32
      %dma_wait3A_2160 = tpu.memref_slice %arg6[%dma_wait3A_2157, %dma_wait3A_2158, %dma_wait3A_2159] : memref<2x256x64xf32, #tpu.memory_space<vmem>> -> memref<1x256x64xf32, #tpu.memory_space<vmem>>
      %dma_wait3A_2161 = tpu.memref_squeeze %dma_wait3A_2160 : memref<1x256x64xf32, #tpu.memory_space<vmem>> -> memref<256x64xf32, #tpu.memory_space<vmem>>
      %dma_wait3A_2162 = arith.constant 0 : i32
      %dma_wait3A_2163 = tpu.memref_slice %arg4[%add3A_2156, %dma_wait3A_2162] : memref<819200x64xf32, #tpu.memory_space<hbm>> -> memref<256x64xf32, #tpu.memory_space<hbm>>
      %dma_wait3A_2164 = arith.constant 0 : i32
      %dma_wait3A_2165 = tpu.memref_slice %arg4[%add3A_2156, %dma_wait3A_2164] : memref<819200x64xf32, #tpu.memory_space<hbm>> -> memref<256x64xf32, #tpu.memory_space<hbm>>
      %dma_wait3A_2166 = arith.constant 0 : i32
      %dma_wait3A_2167 = arith.constant 0 : i32
      %dma_wait3A_2168 = tpu.memref_slice %arg6[%dma_wait3A_2157, %dma_wait3A_2166, %dma_wait3A_2167] : memref<2x256x64xf32, #tpu.memory_space<vmem>> -> memref<1x256x64xf32, #tpu.memory_space<vmem>>
      %dma_wait3A_2169 = tpu.memref_squeeze %dma_wait3A_2168 : memref<1x256x64xf32, #tpu.memory_space<vmem>> -> memref<256x64xf32, #tpu.memory_space<vmem>>
      tpu.wait_dma2 semaphore(%arg15 : memref<!tpu.dma_semaphore, #tpu.memory_space<semaphore_mem>>) src(%dma_wait3A_2169 : memref<256x64xf32, #tpu.memory_space<vmem>>) dst(%dma_wait3A_2165 : memref<256x64xf32, #tpu.memory_space<hbm>>)
      %add3A_2170 = arith.constant 1 : i32
      %add3A_2171 = arith.addi %add3A_2151, %add3A_2170 : i32
      %mul3A_2172 = arith.constant 2 : i32
      %mul3A_2173 = arith.muli %add3A_2171, %mul3A_2172 : i32
      %add3A_2174 = arith.addi %mul3A_2, %mul3A_2173 : i32
      %dma_wait3A_2175 = arith.constant 2 : i32
      %dma_wait3A_2176 = arith.constant 0 : i32
      %dma_wait3A_2177 = arith.constant 0 : i32
      %dma_wait3A_2178 = arith.constant 0 : i32
      %dma_wait3A_2179 = tpu.memref_slice %arg5[%dma_wait3A_2175, %dma_wait3A_2176, %dma_wait3A_2177, %dma_wait3A_2178] : memref<4x3x2x128xi32, #tpu.memory_space<vmem>> -> memref<1x3x2x128xi32, #tpu.memory_space<vmem>>
      %dma_wait3A_2180 = tpu.memref_squeeze %dma_wait3A_2179 : memref<1x3x2x128xi32, #tpu.memory_space<vmem>> -> memref<3x2x128xi32, #tpu.memory_space<vmem>>
      %dma_wait3A_2181 = arith.constant 0 : i32
      %dma_wait3A_2182 = arith.constant 0 : i32
      %dma_wait3A_2183 = tpu.memref_slice %arg3[%dma_wait3A_2181, %add3A_2174, %dma_wait3A_2182] : memref<3x6400x128xi32, #tpu.memory_space<hbm>> -> memref<3x2x128xi32, #tpu.memory_space<hbm>>
      %dma_wait3A_2184 = arith.constant 0 : i32
      %dma_wait3A_2185 = arith.constant 0 : i32
      %dma_wait3A_2186 = arith.constant 0 : i32
      %dma_wait3A_2187 = tpu.memref_slice %arg5[%dma_wait3A_2175, %dma_wait3A_2184, %dma_wait3A_2185, %dma_wait3A_2186] : memref<4x3x2x128xi32, #tpu.memory_space<vmem>> -> memref<1x3x2x128xi32, #tpu.memory_space<vmem>>
      %dma_wait3A_2188 = tpu.memref_squeeze %dma_wait3A_2187 : memref<1x3x2x128xi32, #tpu.memory_space<vmem>> -> memref<3x2x128xi32, #tpu.memory_space<vmem>>
      %dma_wait3A_2189 = arith.constant 0 : i32
      %dma_wait3A_2190 = arith.constant 0 : i32
      %dma_wait3A_2191 = tpu.memref_slice %arg3[%dma_wait3A_2189, %add3A_2174, %dma_wait3A_2190] : memref<3x6400x128xi32, #tpu.memory_space<hbm>> -> memref<3x2x128xi32, #tpu.memory_space<hbm>>
      tpu.wait_dma2 semaphore(%arg9 : memref<!tpu.dma_semaphore, #tpu.memory_space<semaphore_mem>>) src(%dma_wait3A_2191 : memref<3x2x128xi32, #tpu.memory_space<hbm>>) dst(%dma_wait3A_2188 : memref<3x2x128xi32, #tpu.memory_space<vmem>>)
      %add3A_2192 = arith.constant 1 : i32
      %add3A_2193 = arith.addi %add3A_2151, %add3A_2192 : i32
      %dma_start3A_2194 = arith.constant 2 : i32
      %dma_start3A_2195 = arith.constant 0 : i32
      %dma_start3A_2196 = arith.constant 0 : i32
      %dma_start3A_2197 = arith.constant 0 : i32
      %dma_start3A_2198 = arith.constant 0 : i32
      %dma_start3A_2199 = arith.constant 0 : i32
      %dma_start3A_2200 = tpu.memref_slice %arg6[%dma_start3A_2197, %dma_start3A_2198, %dma_start3A_2199] : memref<2x256x64xf32, #tpu.memory_space<vmem>> -> memref<1x128x64xf32, #tpu.memory_space<vmem>>
      %dma_start3A_2201 = tpu.memref_squeeze %dma_start3A_2200 : memref<1x128x64xf32, #tpu.memory_space<vmem>> -> memref<128x64xf32, #tpu.memory_space<vmem>>
      %dma_start3A_2202 = arith.constant 0 : i32
      %dma_start3A_2203 = tpu.memref_slice %arg5[%dma_start3A_2194, %dma_start3A_2195, %dma_start3A_2196, %dma_start3A_2202] : memref<4x3x2x128xi32, #tpu.memory_space<vmem>> -> memref<1x1x1x128xi32, #tpu.memory_space<vmem>>
      %dma_start3A_2204 = tpu.memref_squeeze %dma_start3A_2203 : memref<1x1x1x128xi32, #tpu.memory_space<vmem>> -> memref<128xi32, #tpu.memory_space<vmem>>
      %dma_start3A_2205 = arith.constant 0 : i32
      %dma_start3A_2206 = arith.constant 0 : i32
      %dma_start3A_2207 = tpu.memref_slice %arg2[%dma_start3A_2205, %dma_start3A_2206] : memref<1000000x64xf32, #tpu.memory_space<hbm>> -> memref<1000000x64xf32, #tpu.memory_space<hbm>>
      tpu.enqueue_indirect_dma source(%dma_start3A_2207 : memref<1000000x64xf32, #tpu.memory_space<hbm>>) target(%dma_start3A_2201 : memref<128x64xf32, #tpu.memory_space<vmem>>) offsets(%dma_start3A_2204 : memref<128xi32, #tpu.memory_space<vmem>>) semaphore(%arg11 : memref<!tpu.dma_semaphore, #tpu.memory_space<semaphore_mem>>)
      %dma_start3A_2208 = arith.constant 2 : i32
      %dma_start3A_2209 = arith.constant 0 : i32
      %dma_start3A_2210 = arith.constant 1 : i32
      %dma_start3A_2211 = arith.constant 0 : i32
      %dma_start3A_2212 = arith.constant 128 : i32
      %dma_start3A_2213 = arith.constant 0 : i32
      %dma_start3A_2214 = tpu.memref_slice %arg6[%dma_start3A_2211, %dma_start3A_2212, %dma_start3A_2213] : memref<2x256x64xf32, #tpu.memory_space<vmem>> -> memref<1x128x64xf32, #tpu.memory_space<vmem>>
      %dma_start3A_2215 = tpu.memref_squeeze %dma_start3A_2214 : memref<1x128x64xf32, #tpu.memory_space<vmem>> -> memref<128x64xf32, #tpu.memory_space<vmem>>
      %dma_start3A_2216 = arith.constant 0 : i32
      %dma_start3A_2217 = tpu.memref_slice %arg5[%dma_start3A_2208, %dma_start3A_2209, %dma_start3A_2210, %dma_start3A_2216] : memref<4x3x2x128xi32, #tpu.memory_space<vmem>> -> memref<1x1x1x128xi32, #tpu.memory_space<vmem>>
      %dma_start3A_2218 = tpu.memref_squeeze %dma_start3A_2217 : memref<1x1x1x128xi32, #tpu.memory_space<vmem>> -> memref<128xi32, #tpu.memory_space<vmem>>
      %dma_start3A_2219 = arith.constant 0 : i32
      %dma_start3A_2220 = arith.constant 0 : i32
      %dma_start3A_2221 = tpu.memref_slice %arg2[%dma_start3A_2219, %dma_start3A_2220] : memref<1000000x64xf32, #tpu.memory_space<hbm>> -> memref<1000000x64xf32, #tpu.memory_space<hbm>>
      tpu.enqueue_indirect_dma source(%dma_start3A_2221 : memref<1000000x64xf32, #tpu.memory_space<hbm>>) target(%dma_start3A_2215 : memref<128x64xf32, #tpu.memory_space<vmem>>) offsets(%dma_start3A_2218 : memref<128xi32, #tpu.memory_space<vmem>>) semaphore(%arg11 : memref<!tpu.dma_semaphore, #tpu.memory_space<semaphore_mem>>)
      %dma_wait3A_2222 = arith.constant 1 : i32
      %dma_wait3A_2223 = arith.constant 0 : i32
      %dma_wait3A_2224 = arith.constant 0 : i32
      %dma_wait3A_2225 = arith.constant 1 : i32
      %dma_wait3A_2226 = arith.constant 0 : i32
      %dma_wait3A_2227 = arith.constant 0 : i32
      %dma_wait3A_2228 = tpu.memref_slice %arg6[%dma_wait3A_2225, %dma_wait3A_2226, %dma_wait3A_2227] : memref<2x256x64xf32, #tpu.memory_space<vmem>> -> memref<1x128x64xf32, #tpu.memory_space<vmem>>
      %dma_wait3A_2229 = tpu.memref_squeeze %dma_wait3A_2228 : memref<1x128x64xf32, #tpu.memory_space<vmem>> -> memref<128x64xf32, #tpu.memory_space<vmem>>
      %dma_wait3A_2230 = arith.constant 0 : i32
      %dma_wait3A_2231 = tpu.memref_slice %arg5[%dma_wait3A_2222, %dma_wait3A_2223, %dma_wait3A_2224, %dma_wait3A_2230] : memref<4x3x2x128xi32, #tpu.memory_space<vmem>> -> memref<1x1x1x128xi32, #tpu.memory_space<vmem>>
      %dma_wait3A_2232 = tpu.memref_squeeze %dma_wait3A_2231 : memref<1x1x1x128xi32, #tpu.memory_space<vmem>> -> memref<128xi32, #tpu.memory_space<vmem>>
      %dma_wait3A_2233 = arith.constant 0 : i32
      %dma_wait3A_2234 = arith.constant 0 : i32
      %dma_wait3A_2235 = tpu.memref_slice %arg2[%dma_wait3A_2233, %dma_wait3A_2234] : memref<1000000x64xf32, #tpu.memory_space<hbm>> -> memref<1000000x64xf32, #tpu.memory_space<hbm>>
      tpu.wait_indirect_dma semaphore(%arg12 : memref<!tpu.dma_semaphore, #tpu.memory_space<semaphore_mem>>) src(%dma_wait3A_2235 : memref<1000000x64xf32, #tpu.memory_space<hbm>>) dst(%dma_wait3A_2229 : memref<128x64xf32, #tpu.memory_space<vmem>>)
      %dma_wait3A_2236 = arith.constant 1 : i32
      %dma_wait3A_2237 = arith.constant 0 : i32
      %dma_wait3A_2238 = arith.constant 1 : i32
      %dma_wait3A_2239 = arith.constant 1 : i32
      %dma_wait3A_2240 = arith.constant 128 : i32
      %dma_wait3A_2241 = arith.constant 0 : i32
      %dma_wait3A_2242 = tpu.memref_slice %arg6[%dma_wait3A_2239, %dma_wait3A_2240, %dma_wait3A_2241] : memref<2x256x64xf32, #tpu.memory_space<vmem>> -> memref<1x128x64xf32, #tpu.memory_space<vmem>>
      %dma_wait3A_2243 = tpu.memref_squeeze %dma_wait3A_2242 : memref<1x128x64xf32, #tpu.memory_space<vmem>> -> memref<128x64xf32, #tpu.memory_space<vmem>>
      %dma_wait3A_2244 = arith.constant 0 : i32
      %dma_wait3A_2245 = tpu.memref_slice %arg5[%dma_wait3A_2236, %dma_wait3A_2237, %dma_wait3A_2238, %dma_wait3A_2244] : memref<4x3x2x128xi32, #tpu.memory_space<vmem>> -> memref<1x1x1x128xi32, #tpu.memory_space<vmem>>
      %dma_wait3A_2246 = tpu.memref_squeeze %dma_wait3A_2245 : memref<1x1x1x128xi32, #tpu.memory_space<vmem>> -> memref<128xi32, #tpu.memory_space<vmem>>
      %dma_wait3A_2247 = arith.constant 0 : i32
      %dma_wait3A_2248 = arith.constant 0 : i32
      %dma_wait3A_2249 = tpu.memref_slice %arg2[%dma_wait3A_2247, %dma_wait3A_2248] : memref<1000000x64xf32, #tpu.memory_space<hbm>> -> memref<1000000x64xf32, #tpu.memory_space<hbm>>
      tpu.wait_indirect_dma semaphore(%arg12 : memref<!tpu.dma_semaphore, #tpu.memory_space<semaphore_mem>>) src(%dma_wait3A_2249 : memref<1000000x64xf32, #tpu.memory_space<hbm>>) dst(%dma_wait3A_2243 : memref<128x64xf32, #tpu.memory_space<vmem>>)
      %dma_start3A_2250 = arith.constant 1 : i32
      %dma_start3A_2251 = arith.constant 1 : i32
      %dma_start3A_2252 = arith.constant 0 : i32
      %dma_start3A_2253 = arith.constant 1 : i32
      %dma_start3A_2254 = arith.constant 0 : i32
      %dma_start3A_2255 = arith.constant 0 : i32
      %dma_start3A_2256 = tpu.memref_slice %arg6[%dma_start3A_2253, %dma_start3A_2254, %dma_start3A_2255] : memref<2x256x64xf32, #tpu.memory_space<vmem>> -> memref<1x128x64xf32, #tpu.memory_space<vmem>>
      %dma_start3A_2257 = tpu.memref_squeeze %dma_start3A_2256 : memref<1x128x64xf32, #tpu.memory_space<vmem>> -> memref<128x64xf32, #tpu.memory_space<vmem>>
      %dma_start3A_2258 = arith.constant 0 : i32
      %dma_start3A_2259 = tpu.memref_slice %arg5[%dma_start3A_2250, %dma_start3A_2251, %dma_start3A_2252, %dma_start3A_2258] : memref<4x3x2x128xi32, #tpu.memory_space<vmem>> -> memref<1x1x1x128xi32, #tpu.memory_space<vmem>>
      %dma_start3A_2260 = tpu.memref_squeeze %dma_start3A_2259 : memref<1x1x1x128xi32, #tpu.memory_space<vmem>> -> memref<128xi32, #tpu.memory_space<vmem>>
      %dma_start3A_2261 = arith.constant 0 : i32
      %dma_start3A_2262 = arith.constant 0 : i32
      %dma_start3A_2263 = tpu.memref_slice %arg2[%dma_start3A_2261, %dma_start3A_2262] : memref<1000000x64xf32, #tpu.memory_space<hbm>> -> memref<1000000x64xf32, #tpu.memory_space<hbm>>
      tpu.enqueue_indirect_dma source(%dma_start3A_2263 : memref<1000000x64xf32, #tpu.memory_space<hbm>>) target(%dma_start3A_2257 : memref<128x64xf32, #tpu.memory_space<vmem>>) offsets(%dma_start3A_2260 : memref<128xi32, #tpu.memory_space<vmem>>) semaphore(%arg14 : memref<!tpu.dma_semaphore, #tpu.memory_space<semaphore_mem>>) {add = true}
      %dma_start3A_2264 = arith.constant 1 : i32
      %dma_start3A_2265 = arith.constant 1 : i32
      %dma_start3A_2266 = arith.constant 1 : i32
      %dma_start3A_2267 = arith.constant 1 : i32
      %dma_start3A_2268 = arith.constant 128 : i32
      %dma_start3A_2269 = arith.constant 0 : i32
      %dma_start3A_2270 = tpu.memref_slice %arg6[%dma_start3A_2267, %dma_start3A_2268, %dma_start3A_2269] : memref<2x256x64xf32, #tpu.memory_space<vmem>> -> memref<1x128x64xf32, #tpu.memory_space<vmem>>
      %dma_start3A_2271 = tpu.memref_squeeze %dma_start3A_2270 : memref<1x128x64xf32, #tpu.memory_space<vmem>> -> memref<128x64xf32, #tpu.memory_space<vmem>>
      %dma_start3A_2272 = arith.constant 0 : i32
      %dma_start3A_2273 = tpu.memref_slice %arg5[%dma_start3A_2264, %dma_start3A_2265, %dma_start3A_2266, %dma_start3A_2272] : memref<4x3x2x128xi32, #tpu.memory_space<vmem>> -> memref<1x1x1x128xi32, #tpu.memory_space<vmem>>
      %dma_start3A_2274 = tpu.memref_squeeze %dma_start3A_2273 : memref<1x1x1x128xi32, #tpu.memory_space<vmem>> -> memref<128xi32, #tpu.memory_space<vmem>>
      %dma_start3A_2275 = arith.constant 0 : i32
      %dma_start3A_2276 = arith.constant 0 : i32
      %dma_start3A_2277 = tpu.memref_slice %arg2[%dma_start3A_2275, %dma_start3A_2276] : memref<1000000x64xf32, #tpu.memory_space<hbm>> -> memref<1000000x64xf32, #tpu.memory_space<hbm>>
      tpu.enqueue_indirect_dma source(%dma_start3A_2277 : memref<1000000x64xf32, #tpu.memory_space<hbm>>) target(%dma_start3A_2271 : memref<128x64xf32, #tpu.memory_space<vmem>>) offsets(%dma_start3A_2274 : memref<128xi32, #tpu.memory_space<vmem>>) semaphore(%arg14 : memref<!tpu.dma_semaphore, #tpu.memory_space<semaphore_mem>>) {add = true}
      %dma_start3A_2278 = arith.constant 1 : i32
      %dma_start3A_2279 = arith.constant 2 : i32
      %dma_start3A_2280 = arith.constant 0 : i32
      %dma_start3A_2281 = arith.constant 1 : i32
      %dma_start3A_2282 = arith.constant 0 : i32
      %dma_start3A_2283 = arith.constant 0 : i32
      %dma_start3A_2284 = tpu.memref_slice %arg6[%dma_start3A_2281, %dma_start3A_2282, %dma_start3A_2283] : memref<2x256x64xf32, #tpu.memory_space<vmem>> -> memref<1x128x64xf32, #tpu.memory_space<vmem>>
      %dma_start3A_2285 = tpu.memref_squeeze %dma_start3A_2284 : memref<1x128x64xf32, #tpu.memory_space<vmem>> -> memref<128x64xf32, #tpu.memory_space<vmem>>
      %dma_start3A_2286 = arith.constant 0 : i32
      %dma_start3A_2287 = tpu.memref_slice %arg5[%dma_start3A_2278, %dma_start3A_2279, %dma_start3A_2280, %dma_start3A_2286] : memref<4x3x2x128xi32, #tpu.memory_space<vmem>> -> memref<1x1x1x128xi32, #tpu.memory_space<vmem>>
      %dma_start3A_2288 = tpu.memref_squeeze %dma_start3A_2287 : memref<1x1x1x128xi32, #tpu.memory_space<vmem>> -> memref<128xi32, #tpu.memory_space<vmem>>
      %dma_start3A_2289 = arith.constant 0 : i32
      %dma_start3A_2290 = arith.constant 0 : i32
      %dma_start3A_2291 = tpu.memref_slice %arg2[%dma_start3A_2289, %dma_start3A_2290] : memref<1000000x64xf32, #tpu.memory_space<hbm>> -> memref<1000000x64xf32, #tpu.memory_space<hbm>>
      tpu.enqueue_indirect_dma source(%dma_start3A_2291 : memref<1000000x64xf32, #tpu.memory_space<hbm>>) target(%dma_start3A_2285 : memref<128x64xf32, #tpu.memory_space<vmem>>) offsets(%dma_start3A_2288 : memref<128xi32, #tpu.memory_space<vmem>>) semaphore(%arg14 : memref<!tpu.dma_semaphore, #tpu.memory_space<semaphore_mem>>) {add = true}
      %dma_start3A_2292 = arith.constant 1 : i32
      %dma_start3A_2293 = arith.constant 2 : i32
      %dma_start3A_2294 = arith.constant 1 : i32
      %dma_start3A_2295 = arith.constant 1 : i32
      %dma_start3A_2296 = arith.constant 128 : i32
      %dma_start3A_2297 = arith.constant 0 : i32
      %dma_start3A_2298 = tpu.memref_slice %arg6[%dma_start3A_2295, %dma_start3A_2296, %dma_start3A_2297] : memref<2x256x64xf32, #tpu.memory_space<vmem>> -> memref<1x128x64xf32, #tpu.memory_space<vmem>>
      %dma_start3A_2299 = tpu.memref_squeeze %dma_start3A_2298 : memref<1x128x64xf32, #tpu.memory_space<vmem>> -> memref<128x64xf32, #tpu.memory_space<vmem>>
      %dma_start3A_2300 = arith.constant 0 : i32
      %dma_start3A_2301 = tpu.memref_slice %arg5[%dma_start3A_2292, %dma_start3A_2293, %dma_start3A_2294, %dma_start3A_2300] : memref<4x3x2x128xi32, #tpu.memory_space<vmem>> -> memref<1x1x1x128xi32, #tpu.memory_space<vmem>>
      %dma_start3A_2302 = tpu.memref_squeeze %dma_start3A_2301 : memref<1x1x1x128xi32, #tpu.memory_space<vmem>> -> memref<128xi32, #tpu.memory_space<vmem>>
      %dma_start3A_2303 = arith.constant 0 : i32
      %dma_start3A_2304 = arith.constant 0 : i32
      %dma_start3A_2305 = tpu.memref_slice %arg2[%dma_start3A_2303, %dma_start3A_2304] : memref<1000000x64xf32, #tpu.memory_space<hbm>> -> memref<1000000x64xf32, #tpu.memory_space<hbm>>
      tpu.enqueue_indirect_dma source(%dma_start3A_2305 : memref<1000000x64xf32, #tpu.memory_space<hbm>>) target(%dma_start3A_2299 : memref<128x64xf32, #tpu.memory_space<vmem>>) offsets(%dma_start3A_2302 : memref<128xi32, #tpu.memory_space<vmem>>) semaphore(%arg14 : memref<!tpu.dma_semaphore, #tpu.memory_space<semaphore_mem>>) {add = true}
      %add3A_2306 = arith.constant 2 : i32
      %add3A_2307 = arith.addi %add3A_2151, %add3A_2306 : i32
      %mul3A_2308 = arith.constant 2 : i32
      %mul3A_2309 = arith.muli %add3A_2307, %mul3A_2308 : i32
      %add3A_2310 = arith.addi %mul3A_2, %mul3A_2309 : i32
      %dma_start3A_2311 = arith.constant 3 : i32
      %dma_start3A_2312 = arith.constant 0 : i32
      %dma_start3A_2313 = arith.constant 0 : i32
      %dma_start3A_2314 = arith.constant 0 : i32
      %dma_start3A_2315 = tpu.memref_slice %arg5[%dma_start3A_2311, %dma_start3A_2312, %dma_start3A_2313, %dma_start3A_2314] : memref<4x3x2x128xi32, #tpu.memory_space<vmem>> -> memref<1x3x2x128xi32, #tpu.memory_space<vmem>>
      %dma_start3A_2316 = tpu.memref_squeeze %dma_start3A_2315 : memref<1x3x2x128xi32, #tpu.memory_space<vmem>> -> memref<3x2x128xi32, #tpu.memory_space<vmem>>
      %dma_start3A_2317 = arith.constant 0 : i32
      %dma_start3A_2318 = arith.constant 0 : i32
      %dma_start3A_2319 = tpu.memref_slice %arg3[%dma_start3A_2317, %add3A_2310, %dma_start3A_2318] : memref<3x6400x128xi32, #tpu.memory_space<hbm>> -> memref<3x2x128xi32, #tpu.memory_space<hbm>>
      %dma_start3A_2320 = arith.constant 0 : i32
      %dma_start3A_2321 = arith.constant 0 : i32
      %dma_start3A_2322 = arith.constant 0 : i32
      %dma_start3A_2323 = tpu.memref_slice %arg5[%dma_start3A_2311, %dma_start3A_2320, %dma_start3A_2321, %dma_start3A_2322] : memref<4x3x2x128xi32, #tpu.memory_space<vmem>> -> memref<1x3x2x128xi32, #tpu.memory_space<vmem>>
      %dma_start3A_2324 = tpu.memref_squeeze %dma_start3A_2323 : memref<1x3x2x128xi32, #tpu.memory_space<vmem>> -> memref<3x2x128xi32, #tpu.memory_space<vmem>>
      %dma_start3A_2325 = arith.constant 0 : i32
      %dma_start3A_2326 = arith.constant 0 : i32
      %dma_start3A_2327 = tpu.memref_slice %arg3[%dma_start3A_2325, %add3A_2310, %dma_start3A_2326] : memref<3x6400x128xi32, #tpu.memory_space<hbm>> -> memref<3x2x128xi32, #tpu.memory_space<hbm>>
      tpu.enqueue_dma source(%dma_start3A_2327 : memref<3x2x128xi32, #tpu.memory_space<hbm>>) target(%dma_start3A_2324 : memref<3x2x128xi32, #tpu.memory_space<vmem>>) target_semaphore(%arg10 : memref<!tpu.dma_semaphore, #tpu.memory_space<semaphore_mem>>)
      %dma_wait3A_2328 = arith.constant 1 : i32
      %dma_wait3A_2329 = arith.constant 1 : i32
      %dma_wait3A_2330 = arith.constant 0 : i32
      %dma_wait3A_2331 = arith.constant 1 : i32
      %dma_wait3A_2332 = arith.constant 0 : i32
      %dma_wait3A_2333 = arith.constant 0 : i32
      %dma_wait3A_2334 = tpu.memref_slice %arg6[%dma_wait3A_2331, %dma_wait3A_2332, %dma_wait3A_2333] : memref<2x256x64xf32, #tpu.memory_space<vmem>> -> memref<1x128x64xf32, #tpu.memory_space<vmem>>
      %dma_wait3A_2335 = tpu.memref_squeeze %dma_wait3A_2334 : memref<1x128x64xf32, #tpu.memory_space<vmem>> -> memref<128x64xf32, #tpu.memory_space<vmem>>
      %dma_wait3A_2336 = arith.constant 0 : i32
      %dma_wait3A_2337 = tpu.memref_slice %arg5[%dma_wait3A_2328, %dma_wait3A_2329, %dma_wait3A_2330, %dma_wait3A_2336] : memref<4x3x2x128xi32, #tpu.memory_space<vmem>> -> memref<1x1x1x128xi32, #tpu.memory_space<vmem>>
      %dma_wait3A_2338 = tpu.memref_squeeze %dma_wait3A_2337 : memref<1x1x1x128xi32, #tpu.memory_space<vmem>> -> memref<128xi32, #tpu.memory_space<vmem>>
      %dma_wait3A_2339 = arith.constant 0 : i32
      %dma_wait3A_2340 = arith.constant 0 : i32
      %dma_wait3A_2341 = tpu.memref_slice %arg2[%dma_wait3A_2339, %dma_wait3A_2340] : memref<1000000x64xf32, #tpu.memory_space<hbm>> -> memref<1000000x64xf32, #tpu.memory_space<hbm>>
      tpu.wait_indirect_dma semaphore(%arg14 : memref<!tpu.dma_semaphore, #tpu.memory_space<semaphore_mem>>) src(%dma_wait3A_2341 : memref<1000000x64xf32, #tpu.memory_space<hbm>>) dst(%dma_wait3A_2335 : memref<128x64xf32, #tpu.memory_space<vmem>>)
      %dma_wait3A_2342 = arith.constant 1 : i32
      %dma_wait3A_2343 = arith.constant 1 : i32
      %dma_wait3A_2344 = arith.constant 1 : i32
      %dma_wait3A_2345 = arith.constant 1 : i32
      %dma_wait3A_2346 = arith.constant 128 : i32
      %dma_wait3A_2347 = arith.constant 0 : i32
      %dma_wait3A_2348 = tpu.memref_slice %arg6[%dma_wait3A_2345, %dma_wait3A_2346, %dma_wait3A_2347] : memref<2x256x64xf32, #tpu.memory_space<vmem>> -> memref<1x128x64xf32, #tpu.memory_space<vmem>>
      %dma_wait3A_2349 = tpu.memref_squeeze %dma_wait3A_2348 : memref<1x128x64xf32, #tpu.memory_space<vmem>> -> memref<128x64xf32, #tpu.memory_space<vmem>>
      %dma_wait3A_2350 = arith.constant 0 : i32
      %dma_wait3A_2351 = tpu.memref_slice %arg5[%dma_wait3A_2342, %dma_wait3A_2343, %dma_wait3A_2344, %dma_wait3A_2350] : memref<4x3x2x128xi32, #tpu.memory_space<vmem>> -> memref<1x1x1x128xi32, #tpu.memory_space<vmem>>
      %dma_wait3A_2352 = tpu.memref_squeeze %dma_wait3A_2351 : memref<1x1x1x128xi32, #tpu.memory_space<vmem>> -> memref<128xi32, #tpu.memory_space<vmem>>
      %dma_wait3A_2353 = arith.constant 0 : i32
      %dma_wait3A_2354 = arith.constant 0 : i32
      %dma_wait3A_2355 = tpu.memref_slice %arg2[%dma_wait3A_2353, %dma_wait3A_2354] : memref<1000000x64xf32, #tpu.memory_space<hbm>> -> memref<1000000x64xf32, #tpu.memory_space<hbm>>
      tpu.wait_indirect_dma semaphore(%arg14 : memref<!tpu.dma_semaphore, #tpu.memory_space<semaphore_mem>>) src(%dma_wait3A_2355 : memref<1000000x64xf32, #tpu.memory_space<hbm>>) dst(%dma_wait3A_2349 : memref<128x64xf32, #tpu.memory_space<vmem>>)
      %dma_wait3A_2356 = arith.constant 1 : i32
      %dma_wait3A_2357 = arith.constant 2 : i32
      %dma_wait3A_2358 = arith.constant 0 : i32
      %dma_wait3A_2359 = arith.constant 1 : i32
      %dma_wait3A_2360 = arith.constant 0 : i32
      %dma_wait3A_2361 = arith.constant 0 : i32
      %dma_wait3A_2362 = tpu.memref_slice %arg6[%dma_wait3A_2359, %dma_wait3A_2360, %dma_wait3A_2361] : memref<2x256x64xf32, #tpu.memory_space<vmem>> -> memref<1x128x64xf32, #tpu.memory_space<vmem>>
      %dma_wait3A_2363 = tpu.memref_squeeze %dma_wait3A_2362 : memref<1x128x64xf32, #tpu.memory_space<vmem>> -> memref<128x64xf32, #tpu.memory_space<vmem>>
      %dma_wait3A_2364 = arith.constant 0 : i32
      %dma_wait3A_2365 = tpu.memref_slice %arg5[%dma_wait3A_2356, %dma_wait3A_2357, %dma_wait3A_2358, %dma_wait3A_2364] : memref<4x3x2x128xi32, #tpu.memory_space<vmem>> -> memref<1x1x1x128xi32, #tpu.memory_space<vmem>>
      %dma_wait3A_2366 = tpu.memref_squeeze %dma_wait3A_2365 : memref<1x1x1x128xi32, #tpu.memory_space<vmem>> -> memref<128xi32, #tpu.memory_space<vmem>>
      %dma_wait3A_2367 = arith.constant 0 : i32
      %dma_wait3A_2368 = arith.constant 0 : i32
      %dma_wait3A_2369 = tpu.memref_slice %arg2[%dma_wait3A_2367, %dma_wait3A_2368] : memref<1000000x64xf32, #tpu.memory_space<hbm>> -> memref<1000000x64xf32, #tpu.memory_space<hbm>>
      tpu.wait_indirect_dma semaphore(%arg14 : memref<!tpu.dma_semaphore, #tpu.memory_space<semaphore_mem>>) src(%dma_wait3A_2369 : memref<1000000x64xf32, #tpu.memory_space<hbm>>) dst(%dma_wait3A_2363 : memref<128x64xf32, #tpu.memory_space<vmem>>)
      %dma_wait3A_2370 = arith.constant 1 : i32
      %dma_wait3A_2371 = arith.constant 2 : i32
      %dma_wait3A_2372 = arith.constant 1 : i32
      %dma_wait3A_2373 = arith.constant 1 : i32
      %dma_wait3A_2374 = arith.constant 128 : i32
      %dma_wait3A_2375 = arith.constant 0 : i32
      %dma_wait3A_2376 = tpu.memref_slice %arg6[%dma_wait3A_2373, %dma_wait3A_2374, %dma_wait3A_2375] : memref<2x256x64xf32, #tpu.memory_space<vmem>> -> memref<1x128x64xf32, #tpu.memory_space<vmem>>
      %dma_wait3A_2377 = tpu.memref_squeeze %dma_wait3A_2376 : memref<1x128x64xf32, #tpu.memory_space<vmem>> -> memref<128x64xf32, #tpu.memory_space<vmem>>
      %dma_wait3A_2378 = arith.constant 0 : i32
      %dma_wait3A_2379 = tpu.memref_slice %arg5[%dma_wait3A_2370, %dma_wait3A_2371, %dma_wait3A_2372, %dma_wait3A_2378] : memref<4x3x2x128xi32, #tpu.memory_space<vmem>> -> memref<1x1x1x128xi32, #tpu.memory_space<vmem>>
      %dma_wait3A_2380 = tpu.memref_squeeze %dma_wait3A_2379 : memref<1x1x1x128xi32, #tpu.memory_space<vmem>> -> memref<128xi32, #tpu.memory_space<vmem>>
      %dma_wait3A_2381 = arith.constant 0 : i32
      %dma_wait3A_2382 = arith.constant 0 : i32
      %dma_wait3A_2383 = tpu.memref_slice %arg2[%dma_wait3A_2381, %dma_wait3A_2382] : memref<1000000x64xf32, #tpu.memory_space<hbm>> -> memref<1000000x64xf32, #tpu.memory_space<hbm>>
      tpu.wait_indirect_dma semaphore(%arg14 : memref<!tpu.dma_semaphore, #tpu.memory_space<semaphore_mem>>) src(%dma_wait3A_2383 : memref<1000000x64xf32, #tpu.memory_space<hbm>>) dst(%dma_wait3A_2377 : memref<128x64xf32, #tpu.memory_space<vmem>>)
      %mul3A_2384 = arith.constant 256 : i32
      %mul3A_2385 = arith.muli %add3A_2151, %mul3A_2384 : i32
      %add3A_2386 = arith.addi %mul3A_4, %mul3A_2385 : i32
      %dma_start3A_2387 = arith.constant 1 : i32
      %dma_start3A_2388 = arith.constant 0 : i32
      %dma_start3A_2389 = arith.constant 0 : i32
      %dma_start3A_2390 = tpu.memref_slice %arg6[%dma_start3A_2387, %dma_start3A_2388, %dma_start3A_2389] : memref<2x256x64xf32, #tpu.memory_space<vmem>> -> memref<1x256x64xf32, #tpu.memory_space<vmem>>
      %dma_start3A_2391 = tpu.memref_squeeze %dma_start3A_2390 : memref<1x256x64xf32, #tpu.memory_space<vmem>> -> memref<256x64xf32, #tpu.memory_space<vmem>>
      %dma_start3A_2392 = arith.constant 0 : i32
      %dma_start3A_2393 = tpu.memref_slice %arg4[%add3A_2386, %dma_start3A_2392] : memref<819200x64xf32, #tpu.memory_space<hbm>> -> memref<256x64xf32, #tpu.memory_space<hbm>>
      %dma_start3A_2394 = arith.constant 0 : i32
      %dma_start3A_2395 = tpu.memref_slice %arg4[%add3A_2386, %dma_start3A_2394] : memref<819200x64xf32, #tpu.memory_space<hbm>> -> memref<256x64xf32, #tpu.memory_space<hbm>>
      %dma_start3A_2396 = arith.constant 0 : i32
      %dma_start3A_2397 = arith.constant 0 : i32
      %dma_start3A_2398 = tpu.memref_slice %arg6[%dma_start3A_2387, %dma_start3A_2396, %dma_start3A_2397] : memref<2x256x64xf32, #tpu.memory_space<vmem>> -> memref<1x256x64xf32, #tpu.memory_space<vmem>>
      %dma_start3A_2399 = tpu.memref_squeeze %dma_start3A_2398 : memref<1x256x64xf32, #tpu.memory_space<vmem>> -> memref<256x64xf32, #tpu.memory_space<vmem>>
      tpu.enqueue_dma source(%dma_start3A_2399 : memref<256x64xf32, #tpu.memory_space<vmem>>) target(%dma_start3A_2395 : memref<256x64xf32, #tpu.memory_space<hbm>>) target_semaphore(%arg16 : memref<!tpu.dma_semaphore, #tpu.memory_space<semaphore_mem>>)
      %mul3A_2400 = arith.constant 4 : i32
      %mul3A_2401 = arith.muli %mul3A_2400, %scan3A_1896 : i32
      %add3A_2402 = arith.constant 2 : i32
      %add3A_2403 = arith.addi %mul3A_2401, %add3A_2402 : i32
      %sub3A_2404 = arith.constant 1 : i32
      %sub3A_2405 = arith.subi %add3A_2403, %sub3A_2404 : i32
      %mul3A_2406 = arith.constant 256 : i32
      %mul3A_2407 = arith.muli %sub3A_2405, %mul3A_2406 : i32
      %add3A_2408 = arith.addi %mul3A_4, %mul3A_2407 : i32
      %dma_wait3A_2409 = arith.constant 1 : i32
      %dma_wait3A_2410 = arith.constant 0 : i32
      %dma_wait3A_2411 = arith.constant 0 : i32
      %dma_wait3A_2412 = tpu.memref_slice %arg6[%dma_wait3A_2409, %dma_wait3A_2410, %dma_wait3A_2411] : memref<2x256x64xf32, #tpu.memory_space<vmem>> -> memref<1x256x64xf32, #tpu.memory_space<vmem>>
      %dma_wait3A_2413 = tpu.memref_squeeze %dma_wait3A_2412 : memref<1x256x64xf32, #tpu.memory_space<vmem>> -> memref<256x64xf32, #tpu.memory_space<vmem>>
      %dma_wait3A_2414 = arith.constant 0 : i32
      %dma_wait3A_2415 = tpu.memref_slice %arg4[%add3A_2408, %dma_wait3A_2414] : memref<819200x64xf32, #tpu.memory_space<hbm>> -> memref<256x64xf32, #tpu.memory_space<hbm>>
      %dma_wait3A_2416 = arith.constant 0 : i32
      %dma_wait3A_2417 = tpu.memref_slice %arg4[%add3A_2408, %dma_wait3A_2416] : memref<819200x64xf32, #tpu.memory_space<hbm>> -> memref<256x64xf32, #tpu.memory_space<hbm>>
      %dma_wait3A_2418 = arith.constant 0 : i32
      %dma_wait3A_2419 = arith.constant 0 : i32
      %dma_wait3A_2420 = tpu.memref_slice %arg6[%dma_wait3A_2409, %dma_wait3A_2418, %dma_wait3A_2419] : memref<2x256x64xf32, #tpu.memory_space<vmem>> -> memref<1x256x64xf32, #tpu.memory_space<vmem>>
      %dma_wait3A_2421 = tpu.memref_squeeze %dma_wait3A_2420 : memref<1x256x64xf32, #tpu.memory_space<vmem>> -> memref<256x64xf32, #tpu.memory_space<vmem>>
      tpu.wait_dma2 semaphore(%arg16 : memref<!tpu.dma_semaphore, #tpu.memory_space<semaphore_mem>>) src(%dma_wait3A_2421 : memref<256x64xf32, #tpu.memory_space<vmem>>) dst(%dma_wait3A_2417 : memref<256x64xf32, #tpu.memory_space<hbm>>)
      %add3A_2422 = arith.constant 1 : i32
      %add3A_2423 = arith.addi %add3A_2403, %add3A_2422 : i32
      %mul3A_2424 = arith.constant 2 : i32
      %mul3A_2425 = arith.muli %add3A_2423, %mul3A_2424 : i32
      %add3A_2426 = arith.addi %mul3A_2, %mul3A_2425 : i32
      %dma_wait3A_2427 = arith.constant 3 : i32
      %dma_wait3A_2428 = arith.constant 0 : i32
      %dma_wait3A_2429 = arith.constant 0 : i32
      %dma_wait3A_2430 = arith.constant 0 : i32
      %dma_wait3A_2431 = tpu.memref_slice %arg5[%dma_wait3A_2427, %dma_wait3A_2428, %dma_wait3A_2429, %dma_wait3A_2430] : memref<4x3x2x128xi32, #tpu.memory_space<vmem>> -> memref<1x3x2x128xi32, #tpu.memory_space<vmem>>
      %dma_wait3A_2432 = tpu.memref_squeeze %dma_wait3A_2431 : memref<1x3x2x128xi32, #tpu.memory_space<vmem>> -> memref<3x2x128xi32, #tpu.memory_space<vmem>>
      %dma_wait3A_2433 = arith.constant 0 : i32
      %dma_wait3A_2434 = arith.constant 0 : i32
      %dma_wait3A_2435 = tpu.memref_slice %arg3[%dma_wait3A_2433, %add3A_2426, %dma_wait3A_2434] : memref<3x6400x128xi32, #tpu.memory_space<hbm>> -> memref<3x2x128xi32, #tpu.memory_space<hbm>>
      %dma_wait3A_2436 = arith.constant 0 : i32
      %dma_wait3A_2437 = arith.constant 0 : i32
      %dma_wait3A_2438 = arith.constant 0 : i32
      %dma_wait3A_2439 = tpu.memref_slice %arg5[%dma_wait3A_2427, %dma_wait3A_2436, %dma_wait3A_2437, %dma_wait3A_2438] : memref<4x3x2x128xi32, #tpu.memory_space<vmem>> -> memref<1x3x2x128xi32, #tpu.memory_space<vmem>>
      %dma_wait3A_2440 = tpu.memref_squeeze %dma_wait3A_2439 : memref<1x3x2x128xi32, #tpu.memory_space<vmem>> -> memref<3x2x128xi32, #tpu.memory_space<vmem>>
      %dma_wait3A_2441 = arith.constant 0 : i32
      %dma_wait3A_2442 = arith.constant 0 : i32
      %dma_wait3A_2443 = tpu.memref_slice %arg3[%dma_wait3A_2441, %add3A_2426, %dma_wait3A_2442] : memref<3x6400x128xi32, #tpu.memory_space<hbm>> -> memref<3x2x128xi32, #tpu.memory_space<hbm>>
      tpu.wait_dma2 semaphore(%arg10 : memref<!tpu.dma_semaphore, #tpu.memory_space<semaphore_mem>>) src(%dma_wait3A_2443 : memref<3x2x128xi32, #tpu.memory_space<hbm>>) dst(%dma_wait3A_2440 : memref<3x2x128xi32, #tpu.memory_space<vmem>>)
      %add3A_2444 = arith.constant 1 : i32
      %add3A_2445 = arith.addi %add3A_2403, %add3A_2444 : i32
      %dma_start3A_2446 = arith.constant 3 : i32
      %dma_start3A_2447 = arith.constant 0 : i32
      %dma_start3A_2448 = arith.constant 0 : i32
      %dma_start3A_2449 = arith.constant 1 : i32
      %dma_start3A_2450 = arith.constant 0 : i32
      %dma_start3A_2451 = arith.constant 0 : i32
      %dma_start3A_2452 = tpu.memref_slice %arg6[%dma_start3A_2449, %dma_start3A_2450, %dma_start3A_2451] : memref<2x256x64xf32, #tpu.memory_space<vmem>> -> memref<1x128x64xf32, #tpu.memory_space<vmem>>
      %dma_start3A_2453 = tpu.memref_squeeze %dma_start3A_2452 : memref<1x128x64xf32, #tpu.memory_space<vmem>> -> memref<128x64xf32, #tpu.memory_space<vmem>>
      %dma_start3A_2454 = arith.constant 0 : i32
      %dma_start3A_2455 = tpu.memref_slice %arg5[%dma_start3A_2446, %dma_start3A_2447, %dma_start3A_2448, %dma_start3A_2454] : memref<4x3x2x128xi32, #tpu.memory_space<vmem>> -> memref<1x1x1x128xi32, #tpu.memory_space<vmem>>
      %dma_start3A_2456 = tpu.memref_squeeze %dma_start3A_2455 : memref<1x1x1x128xi32, #tpu.memory_space<vmem>> -> memref<128xi32, #tpu.memory_space<vmem>>
      %dma_start3A_2457 = arith.constant 0 : i32
      %dma_start3A_2458 = arith.constant 0 : i32
      %dma_start3A_2459 = tpu.memref_slice %arg2[%dma_start3A_2457, %dma_start3A_2458] : memref<1000000x64xf32, #tpu.memory_space<hbm>> -> memref<1000000x64xf32, #tpu.memory_space<hbm>>
      tpu.enqueue_indirect_dma source(%dma_start3A_2459 : memref<1000000x64xf32, #tpu.memory_space<hbm>>) target(%dma_start3A_2453 : memref<128x64xf32, #tpu.memory_space<vmem>>) offsets(%dma_start3A_2456 : memref<128xi32, #tpu.memory_space<vmem>>) semaphore(%arg12 : memref<!tpu.dma_semaphore, #tpu.memory_space<semaphore_mem>>)
      %dma_start3A_2460 = arith.constant 3 : i32
      %dma_start3A_2461 = arith.constant 0 : i32
      %dma_start3A_2462 = arith.constant 1 : i32
      %dma_start3A_2463 = arith.constant 1 : i32
      %dma_start3A_2464 = arith.constant 128 : i32
      %dma_start3A_2465 = arith.constant 0 : i32
      %dma_start3A_2466 = tpu.memref_slice %arg6[%dma_start3A_2463, %dma_start3A_2464, %dma_start3A_2465] : memref<2x256x64xf32, #tpu.memory_space<vmem>> -> memref<1x128x64xf32, #tpu.memory_space<vmem>>
      %dma_start3A_2467 = tpu.memref_squeeze %dma_start3A_2466 : memref<1x128x64xf32, #tpu.memory_space<vmem>> -> memref<128x64xf32, #tpu.memory_space<vmem>>
      %dma_start3A_2468 = arith.constant 0 : i32
      %dma_start3A_2469 = tpu.memref_slice %arg5[%dma_start3A_2460, %dma_start3A_2461, %dma_start3A_2462, %dma_start3A_2468] : memref<4x3x2x128xi32, #tpu.memory_space<vmem>> -> memref<1x1x1x128xi32, #tpu.memory_space<vmem>>
      %dma_start3A_2470 = tpu.memref_squeeze %dma_start3A_2469 : memref<1x1x1x128xi32, #tpu.memory_space<vmem>> -> memref<128xi32, #tpu.memory_space<vmem>>
      %dma_start3A_2471 = arith.constant 0 : i32
      %dma_start3A_2472 = arith.constant 0 : i32
      %dma_start3A_2473 = tpu.memref_slice %arg2[%dma_start3A_2471, %dma_start3A_2472] : memref<1000000x64xf32, #tpu.memory_space<hbm>> -> memref<1000000x64xf32, #tpu.memory_space<hbm>>
      tpu.enqueue_indirect_dma source(%dma_start3A_2473 : memref<1000000x64xf32, #tpu.memory_space<hbm>>) target(%dma_start3A_2467 : memref<128x64xf32, #tpu.memory_space<vmem>>) offsets(%dma_start3A_2470 : memref<128xi32, #tpu.memory_space<vmem>>) semaphore(%arg12 : memref<!tpu.dma_semaphore, #tpu.memory_space<semaphore_mem>>)
      %dma_wait3A_2474 = arith.constant 2 : i32
      %dma_wait3A_2475 = arith.constant 0 : i32
      %dma_wait3A_2476 = arith.constant 0 : i32
      %dma_wait3A_2477 = arith.constant 0 : i32
      %dma_wait3A_2478 = arith.constant 0 : i32
      %dma_wait3A_2479 = arith.constant 0 : i32
      %dma_wait3A_2480 = tpu.memref_slice %arg6[%dma_wait3A_2477, %dma_wait3A_2478, %dma_wait3A_2479] : memref<2x256x64xf32, #tpu.memory_space<vmem>> -> memref<1x128x64xf32, #tpu.memory_space<vmem>>
      %dma_wait3A_2481 = tpu.memref_squeeze %dma_wait3A_2480 : memref<1x128x64xf32, #tpu.memory_space<vmem>> -> memref<128x64xf32, #tpu.memory_space<vmem>>
      %dma_wait3A_2482 = arith.constant 0 : i32
      %dma_wait3A_2483 = tpu.memref_slice %arg5[%dma_wait3A_2474, %dma_wait3A_2475, %dma_wait3A_2476, %dma_wait3A_2482] : memref<4x3x2x128xi32, #tpu.memory_space<vmem>> -> memref<1x1x1x128xi32, #tpu.memory_space<vmem>>
      %dma_wait3A_2484 = tpu.memref_squeeze %dma_wait3A_2483 : memref<1x1x1x128xi32, #tpu.memory_space<vmem>> -> memref<128xi32, #tpu.memory_space<vmem>>
      %dma_wait3A_2485 = arith.constant 0 : i32
      %dma_wait3A_2486 = arith.constant 0 : i32
      %dma_wait3A_2487 = tpu.memref_slice %arg2[%dma_wait3A_2485, %dma_wait3A_2486] : memref<1000000x64xf32, #tpu.memory_space<hbm>> -> memref<1000000x64xf32, #tpu.memory_space<hbm>>
      tpu.wait_indirect_dma semaphore(%arg11 : memref<!tpu.dma_semaphore, #tpu.memory_space<semaphore_mem>>) src(%dma_wait3A_2487 : memref<1000000x64xf32, #tpu.memory_space<hbm>>) dst(%dma_wait3A_2481 : memref<128x64xf32, #tpu.memory_space<vmem>>)
      %dma_wait3A_2488 = arith.constant 2 : i32
      %dma_wait3A_2489 = arith.constant 0 : i32
      %dma_wait3A_2490 = arith.constant 1 : i32
      %dma_wait3A_2491 = arith.constant 0 : i32
      %dma_wait3A_2492 = arith.constant 128 : i32
      %dma_wait3A_2493 = arith.constant 0 : i32
      %dma_wait3A_2494 = tpu.memref_slice %arg6[%dma_wait3A_2491, %dma_wait3A_2492, %dma_wait3A_2493] : memref<2x256x64xf32, #tpu.memory_space<vmem>> -> memref<1x128x64xf32, #tpu.memory_space<vmem>>
      %dma_wait3A_2495 = tpu.memref_squeeze %dma_wait3A_2494 : memref<1x128x64xf32, #tpu.memory_space<vmem>> -> memref<128x64xf32, #tpu.memory_space<vmem>>
      %dma_wait3A_2496 = arith.constant 0 : i32
      %dma_wait3A_2497 = tpu.memref_slice %arg5[%dma_wait3A_2488, %dma_wait3A_2489, %dma_wait3A_2490, %dma_wait3A_2496] : memref<4x3x2x128xi32, #tpu.memory_space<vmem>> -> memref<1x1x1x128xi32, #tpu.memory_space<vmem>>
      %dma_wait3A_2498 = tpu.memref_squeeze %dma_wait3A_2497 : memref<1x1x1x128xi32, #tpu.memory_space<vmem>> -> memref<128xi32, #tpu.memory_space<vmem>>
      %dma_wait3A_2499 = arith.constant 0 : i32
      %dma_wait3A_2500 = arith.constant 0 : i32
      %dma_wait3A_2501 = tpu.memref_slice %arg2[%dma_wait3A_2499, %dma_wait3A_2500] : memref<1000000x64xf32, #tpu.memory_space<hbm>> -> memref<1000000x64xf32, #tpu.memory_space<hbm>>
      tpu.wait_indirect_dma semaphore(%arg11 : memref<!tpu.dma_semaphore, #tpu.memory_space<semaphore_mem>>) src(%dma_wait3A_2501 : memref<1000000x64xf32, #tpu.memory_space<hbm>>) dst(%dma_wait3A_2495 : memref<128x64xf32, #tpu.memory_space<vmem>>)
      %dma_start3A_2502 = arith.constant 2 : i32
      %dma_start3A_2503 = arith.constant 1 : i32
      %dma_start3A_2504 = arith.constant 0 : i32
      %dma_start3A_2505 = arith.constant 0 : i32
      %dma_start3A_2506 = arith.constant 0 : i32
      %dma_start3A_2507 = arith.constant 0 : i32
      %dma_start3A_2508 = tpu.memref_slice %arg6[%dma_start3A_2505, %dma_start3A_2506, %dma_start3A_2507] : memref<2x256x64xf32, #tpu.memory_space<vmem>> -> memref<1x128x64xf32, #tpu.memory_space<vmem>>
      %dma_start3A_2509 = tpu.memref_squeeze %dma_start3A_2508 : memref<1x128x64xf32, #tpu.memory_space<vmem>> -> memref<128x64xf32, #tpu.memory_space<vmem>>
      %dma_start3A_2510 = arith.constant 0 : i32
      %dma_start3A_2511 = tpu.memref_slice %arg5[%dma_start3A_2502, %dma_start3A_2503, %dma_start3A_2504, %dma_start3A_2510] : memref<4x3x2x128xi32, #tpu.memory_space<vmem>> -> memref<1x1x1x128xi32, #tpu.memory_space<vmem>>
      %dma_start3A_2512 = tpu.memref_squeeze %dma_start3A_2511 : memref<1x1x1x128xi32, #tpu.memory_space<vmem>> -> memref<128xi32, #tpu.memory_space<vmem>>
      %dma_start3A_2513 = arith.constant 0 : i32
      %dma_start3A_2514 = arith.constant 0 : i32
      %dma_start3A_2515 = tpu.memref_slice %arg2[%dma_start3A_2513, %dma_start3A_2514] : memref<1000000x64xf32, #tpu.memory_space<hbm>> -> memref<1000000x64xf32, #tpu.memory_space<hbm>>
      tpu.enqueue_indirect_dma source(%dma_start3A_2515 : memref<1000000x64xf32, #tpu.memory_space<hbm>>) target(%dma_start3A_2509 : memref<128x64xf32, #tpu.memory_space<vmem>>) offsets(%dma_start3A_2512 : memref<128xi32, #tpu.memory_space<vmem>>) semaphore(%arg13 : memref<!tpu.dma_semaphore, #tpu.memory_space<semaphore_mem>>) {add = true}
      %dma_start3A_2516 = arith.constant 2 : i32
      %dma_start3A_2517 = arith.constant 1 : i32
      %dma_start3A_2518 = arith.constant 1 : i32
      %dma_start3A_2519 = arith.constant 0 : i32
      %dma_start3A_2520 = arith.constant 128 : i32
      %dma_start3A_2521 = arith.constant 0 : i32
      %dma_start3A_2522 = tpu.memref_slice %arg6[%dma_start3A_2519, %dma_start3A_2520, %dma_start3A_2521] : memref<2x256x64xf32, #tpu.memory_space<vmem>> -> memref<1x128x64xf32, #tpu.memory_space<vmem>>
      %dma_start3A_2523 = tpu.memref_squeeze %dma_start3A_2522 : memref<1x128x64xf32, #tpu.memory_space<vmem>> -> memref<128x64xf32, #tpu.memory_space<vmem>>
      %dma_start3A_2524 = arith.constant 0 : i32
      %dma_start3A_2525 = tpu.memref_slice %arg5[%dma_start3A_2516, %dma_start3A_2517, %dma_start3A_2518, %dma_start3A_2524] : memref<4x3x2x128xi32, #tpu.memory_space<vmem>> -> memref<1x1x1x128xi32, #tpu.memory_space<vmem>>
      %dma_start3A_2526 = tpu.memref_squeeze %dma_start3A_2525 : memref<1x1x1x128xi32, #tpu.memory_space<vmem>> -> memref<128xi32, #tpu.memory_space<vmem>>
      %dma_start3A_2527 = arith.constant 0 : i32
      %dma_start3A_2528 = arith.constant 0 : i32
      %dma_start3A_2529 = tpu.memref_slice %arg2[%dma_start3A_2527, %dma_start3A_2528] : memref<1000000x64xf32, #tpu.memory_space<hbm>> -> memref<1000000x64xf32, #tpu.memory_space<hbm>>
      tpu.enqueue_indirect_dma source(%dma_start3A_2529 : memref<1000000x64xf32, #tpu.memory_space<hbm>>) target(%dma_start3A_2523 : memref<128x64xf32, #tpu.memory_space<vmem>>) offsets(%dma_start3A_2526 : memref<128xi32, #tpu.memory_space<vmem>>) semaphore(%arg13 : memref<!tpu.dma_semaphore, #tpu.memory_space<semaphore_mem>>) {add = true}
      %dma_start3A_2530 = arith.constant 2 : i32
      %dma_start3A_2531 = arith.constant 2 : i32
      %dma_start3A_2532 = arith.constant 0 : i32
      %dma_start3A_2533 = arith.constant 0 : i32
      %dma_start3A_2534 = arith.constant 0 : i32
      %dma_start3A_2535 = arith.constant 0 : i32
      %dma_start3A_2536 = tpu.memref_slice %arg6[%dma_start3A_2533, %dma_start3A_2534, %dma_start3A_2535] : memref<2x256x64xf32, #tpu.memory_space<vmem>> -> memref<1x128x64xf32, #tpu.memory_space<vmem>>
      %dma_start3A_2537 = tpu.memref_squeeze %dma_start3A_2536 : memref<1x128x64xf32, #tpu.memory_space<vmem>> -> memref<128x64xf32, #tpu.memory_space<vmem>>
      %dma_start3A_2538 = arith.constant 0 : i32
      %dma_start3A_2539 = tpu.memref_slice %arg5[%dma_start3A_2530, %dma_start3A_2531, %dma_start3A_2532, %dma_start3A_2538] : memref<4x3x2x128xi32, #tpu.memory_space<vmem>> -> memref<1x1x1x128xi32, #tpu.memory_space<vmem>>
      %dma_start3A_2540 = tpu.memref_squeeze %dma_start3A_2539 : memref<1x1x1x128xi32, #tpu.memory_space<vmem>> -> memref<128xi32, #tpu.memory_space<vmem>>
      %dma_start3A_2541 = arith.constant 0 : i32
      %dma_start3A_2542 = arith.constant 0 : i32
      %dma_start3A_2543 = tpu.memref_slice %arg2[%dma_start3A_2541, %dma_start3A_2542] : memref<1000000x64xf32, #tpu.memory_space<hbm>> -> memref<1000000x64xf32, #tpu.memory_space<hbm>>
      tpu.enqueue_indirect_dma source(%dma_start3A_2543 : memref<1000000x64xf32, #tpu.memory_space<hbm>>) target(%dma_start3A_2537 : memref<128x64xf32, #tpu.memory_space<vmem>>) offsets(%dma_start3A_2540 : memref<128xi32, #tpu.memory_space<vmem>>) semaphore(%arg13 : memref<!tpu.dma_semaphore, #tpu.memory_space<semaphore_mem>>) {add = true}
      %dma_start3A_2544 = arith.constant 2 : i32
      %dma_start3A_2545 = arith.constant 2 : i32
      %dma_start3A_2546 = arith.constant 1 : i32
      %dma_start3A_2547 = arith.constant 0 : i32
      %dma_start3A_2548 = arith.constant 128 : i32
      %dma_start3A_2549 = arith.constant 0 : i32
      %dma_start3A_2550 = tpu.memref_slice %arg6[%dma_start3A_2547, %dma_start3A_2548, %dma_start3A_2549] : memref<2x256x64xf32, #tpu.memory_space<vmem>> -> memref<1x128x64xf32, #tpu.memory_space<vmem>>
      %dma_start3A_2551 = tpu.memref_squeeze %dma_start3A_2550 : memref<1x128x64xf32, #tpu.memory_space<vmem>> -> memref<128x64xf32, #tpu.memory_space<vmem>>
      %dma_start3A_2552 = arith.constant 0 : i32
      %dma_start3A_2553 = tpu.memref_slice %arg5[%dma_start3A_2544, %dma_start3A_2545, %dma_start3A_2546, %dma_start3A_2552] : memref<4x3x2x128xi32, #tpu.memory_space<vmem>> -> memref<1x1x1x128xi32, #tpu.memory_space<vmem>>
      %dma_start3A_2554 = tpu.memref_squeeze %dma_start3A_2553 : memref<1x1x1x128xi32, #tpu.memory_space<vmem>> -> memref<128xi32, #tpu.memory_space<vmem>>
      %dma_start3A_2555 = arith.constant 0 : i32
      %dma_start3A_2556 = arith.constant 0 : i32
      %dma_start3A_2557 = tpu.memref_slice %arg2[%dma_start3A_2555, %dma_start3A_2556] : memref<1000000x64xf32, #tpu.memory_space<hbm>> -> memref<1000000x64xf32, #tpu.memory_space<hbm>>
      tpu.enqueue_indirect_dma source(%dma_start3A_2557 : memref<1000000x64xf32, #tpu.memory_space<hbm>>) target(%dma_start3A_2551 : memref<128x64xf32, #tpu.memory_space<vmem>>) offsets(%dma_start3A_2554 : memref<128xi32, #tpu.memory_space<vmem>>) semaphore(%arg13 : memref<!tpu.dma_semaphore, #tpu.memory_space<semaphore_mem>>) {add = true}
      %add3A_2558 = arith.constant 2 : i32
      %add3A_2559 = arith.addi %add3A_2403, %add3A_2558 : i32
      %mul3A_2560 = arith.constant 2 : i32
      %mul3A_2561 = arith.muli %add3A_2559, %mul3A_2560 : i32
      %add3A_2562 = arith.addi %mul3A_2, %mul3A_2561 : i32
      %dma_start3A_2563 = arith.constant 0 : i32
      %dma_start3A_2564 = arith.constant 0 : i32
      %dma_start3A_2565 = arith.constant 0 : i32
      %dma_start3A_2566 = arith.constant 0 : i32
      %dma_start3A_2567 = tpu.memref_slice %arg5[%dma_start3A_2563, %dma_start3A_2564, %dma_start3A_2565, %dma_start3A_2566] : memref<4x3x2x128xi32, #tpu.memory_space<vmem>> -> memref<1x3x2x128xi32, #tpu.memory_space<vmem>>
      %dma_start3A_2568 = tpu.memref_squeeze %dma_start3A_2567 : memref<1x3x2x128xi32, #tpu.memory_space<vmem>> -> memref<3x2x128xi32, #tpu.memory_space<vmem>>
      %dma_start3A_2569 = arith.constant 0 : i32
      %dma_start3A_2570 = arith.constant 0 : i32
      %dma_start3A_2571 = tpu.memref_slice %arg3[%dma_start3A_2569, %add3A_2562, %dma_start3A_2570] : memref<3x6400x128xi32, #tpu.memory_space<hbm>> -> memref<3x2x128xi32, #tpu.memory_space<hbm>>
      %dma_start3A_2572 = arith.constant 0 : i32
      %dma_start3A_2573 = arith.constant 0 : i32
      %dma_start3A_2574 = arith.constant 0 : i32
      %dma_start3A_2575 = tpu.memref_slice %arg5[%dma_start3A_2563, %dma_start3A_2572, %dma_start3A_2573, %dma_start3A_2574] : memref<4x3x2x128xi32, #tpu.memory_space<vmem>> -> memref<1x3x2x128xi32, #tpu.memory_space<vmem>>
      %dma_start3A_2576 = tpu.memref_squeeze %dma_start3A_2575 : memref<1x3x2x128xi32, #tpu.memory_space<vmem>> -> memref<3x2x128xi32, #tpu.memory_space<vmem>>
      %dma_start3A_2577 = arith.constant 0 : i32
      %dma_start3A_2578 = arith.constant 0 : i32
      %dma_start3A_2579 = tpu.memref_slice %arg3[%dma_start3A_2577, %add3A_2562, %dma_start3A_2578] : memref<3x6400x128xi32, #tpu.memory_space<hbm>> -> memref<3x2x128xi32, #tpu.memory_space<hbm>>
      tpu.enqueue_dma source(%dma_start3A_2579 : memref<3x2x128xi32, #tpu.memory_space<hbm>>) target(%dma_start3A_2576 : memref<3x2x128xi32, #tpu.memory_space<vmem>>) target_semaphore(%arg7 : memref<!tpu.dma_semaphore, #tpu.memory_space<semaphore_mem>>)
      %dma_wait3A_2580 = arith.constant 2 : i32
      %dma_wait3A_2581 = arith.constant 1 : i32
      %dma_wait3A_2582 = arith.constant 0 : i32
      %dma_wait3A_2583 = arith.constant 0 : i32
      %dma_wait3A_2584 = arith.constant 0 : i32
      %dma_wait3A_2585 = arith.constant 0 : i32
      %dma_wait3A_2586 = tpu.memref_slice %arg6[%dma_wait3A_2583, %dma_wait3A_2584, %dma_wait3A_2585] : memref<2x256x64xf32, #tpu.memory_space<vmem>> -> memref<1x128x64xf32, #tpu.memory_space<vmem>>
      %dma_wait3A_2587 = tpu.memref_squeeze %dma_wait3A_2586 : memref<1x128x64xf32, #tpu.memory_space<vmem>> -> memref<128x64xf32, #tpu.memory_space<vmem>>
      %dma_wait3A_2588 = arith.constant 0 : i32
      %dma_wait3A_2589 = tpu.memref_slice %arg5[%dma_wait3A_2580, %dma_wait3A_2581, %dma_wait3A_2582, %dma_wait3A_2588] : memref<4x3x2x128xi32, #tpu.memory_space<vmem>> -> memref<1x1x1x128xi32, #tpu.memory_space<vmem>>
      %dma_wait3A_2590 = tpu.memref_squeeze %dma_wait3A_2589 : memref<1x1x1x128xi32, #tpu.memory_space<vmem>> -> memref<128xi32, #tpu.memory_space<vmem>>
      %dma_wait3A_2591 = arith.constant 0 : i32
      %dma_wait3A_2592 = arith.constant 0 : i32
      %dma_wait3A_2593 = tpu.memref_slice %arg2[%dma_wait3A_2591, %dma_wait3A_2592] : memref<1000000x64xf32, #tpu.memory_space<hbm>> -> memref<1000000x64xf32, #tpu.memory_space<hbm>>
      tpu.wait_indirect_dma semaphore(%arg13 : memref<!tpu.dma_semaphore, #tpu.memory_space<semaphore_mem>>) src(%dma_wait3A_2593 : memref<1000000x64xf32, #tpu.memory_space<hbm>>) dst(%dma_wait3A_2587 : memref<128x64xf32, #tpu.memory_space<vmem>>)
      %dma_wait3A_2594 = arith.constant 2 : i32
      %dma_wait3A_2595 = arith.constant 1 : i32
      %dma_wait3A_2596 = arith.constant 1 : i32
      %dma_wait3A_2597 = arith.constant 0 : i32
      %dma_wait3A_2598 = arith.constant 128 : i32
      %dma_wait3A_2599 = arith.constant 0 : i32
      %dma_wait3A_2600 = tpu.memref_slice %arg6[%dma_wait3A_2597, %dma_wait3A_2598, %dma_wait3A_2599] : memref<2x256x64xf32, #tpu.memory_space<vmem>> -> memref<1x128x64xf32, #tpu.memory_space<vmem>>
      %dma_wait3A_2601 = tpu.memref_squeeze %dma_wait3A_2600 : memref<1x128x64xf32, #tpu.memory_space<vmem>> -> memref<128x64xf32, #tpu.memory_space<vmem>>
      %dma_wait3A_2602 = arith.constant 0 : i32
      %dma_wait3A_2603 = tpu.memref_slice %arg5[%dma_wait3A_2594, %dma_wait3A_2595, %dma_wait3A_2596, %dma_wait3A_2602] : memref<4x3x2x128xi32, #tpu.memory_space<vmem>> -> memref<1x1x1x128xi32, #tpu.memory_space<vmem>>
      %dma_wait3A_2604 = tpu.memref_squeeze %dma_wait3A_2603 : memref<1x1x1x128xi32, #tpu.memory_space<vmem>> -> memref<128xi32, #tpu.memory_space<vmem>>
      %dma_wait3A_2605 = arith.constant 0 : i32
      %dma_wait3A_2606 = arith.constant 0 : i32
      %dma_wait3A_2607 = tpu.memref_slice %arg2[%dma_wait3A_2605, %dma_wait3A_2606] : memref<1000000x64xf32, #tpu.memory_space<hbm>> -> memref<1000000x64xf32, #tpu.memory_space<hbm>>
      tpu.wait_indirect_dma semaphore(%arg13 : memref<!tpu.dma_semaphore, #tpu.memory_space<semaphore_mem>>) src(%dma_wait3A_2607 : memref<1000000x64xf32, #tpu.memory_space<hbm>>) dst(%dma_wait3A_2601 : memref<128x64xf32, #tpu.memory_space<vmem>>)
      %dma_wait3A_2608 = arith.constant 2 : i32
      %dma_wait3A_2609 = arith.constant 2 : i32
      %dma_wait3A_2610 = arith.constant 0 : i32
      %dma_wait3A_2611 = arith.constant 0 : i32
      %dma_wait3A_2612 = arith.constant 0 : i32
      %dma_wait3A_2613 = arith.constant 0 : i32
      %dma_wait3A_2614 = tpu.memref_slice %arg6[%dma_wait3A_2611, %dma_wait3A_2612, %dma_wait3A_2613] : memref<2x256x64xf32, #tpu.memory_space<vmem>> -> memref<1x128x64xf32, #tpu.memory_space<vmem>>
      %dma_wait3A_2615 = tpu.memref_squeeze %dma_wait3A_2614 : memref<1x128x64xf32, #tpu.memory_space<vmem>> -> memref<128x64xf32, #tpu.memory_space<vmem>>
      %dma_wait3A_2616 = arith.constant 0 : i32
      %dma_wait3A_2617 = tpu.memref_slice %arg5[%dma_wait3A_2608, %dma_wait3A_2609, %dma_wait3A_2610, %dma_wait3A_2616] : memref<4x3x2x128xi32, #tpu.memory_space<vmem>> -> memref<1x1x1x128xi32, #tpu.memory_space<vmem>>
      %dma_wait3A_2618 = tpu.memref_squeeze %dma_wait3A_2617 : memref<1x1x1x128xi32, #tpu.memory_space<vmem>> -> memref<128xi32, #tpu.memory_space<vmem>>
      %dma_wait3A_2619 = arith.constant 0 : i32
      %dma_wait3A_2620 = arith.constant 0 : i32
      %dma_wait3A_2621 = tpu.memref_slice %arg2[%dma_wait3A_2619, %dma_wait3A_2620] : memref<1000000x64xf32, #tpu.memory_space<hbm>> -> memref<1000000x64xf32, #tpu.memory_space<hbm>>
      tpu.wait_indirect_dma semaphore(%arg13 : memref<!tpu.dma_semaphore, #tpu.memory_space<semaphore_mem>>) src(%dma_wait3A_2621 : memref<1000000x64xf32, #tpu.memory_space<hbm>>) dst(%dma_wait3A_2615 : memref<128x64xf32, #tpu.memory_space<vmem>>)
      %dma_wait3A_2622 = arith.constant 2 : i32
      %dma_wait3A_2623 = arith.constant 2 : i32
      %dma_wait3A_2624 = arith.constant 1 : i32
      %dma_wait3A_2625 = arith.constant 0 : i32
      %dma_wait3A_2626 = arith.constant 128 : i32
      %dma_wait3A_2627 = arith.constant 0 : i32
      %dma_wait3A_2628 = tpu.memref_slice %arg6[%dma_wait3A_2625, %dma_wait3A_2626, %dma_wait3A_2627] : memref<2x256x64xf32, #tpu.memory_space<vmem>> -> memref<1x128x64xf32, #tpu.memory_space<vmem>>
      %dma_wait3A_2629 = tpu.memref_squeeze %dma_wait3A_2628 : memref<1x128x64xf32, #tpu.memory_space<vmem>> -> memref<128x64xf32, #tpu.memory_space<vmem>>
      %dma_wait3A_2630 = arith.constant 0 : i32
      %dma_wait3A_2631 = tpu.memref_slice %arg5[%dma_wait3A_2622, %dma_wait3A_2623, %dma_wait3A_2624, %dma_wait3A_2630] : memref<4x3x2x128xi32, #tpu.memory_space<vmem>> -> memref<1x1x1x128xi32, #tpu.memory_space<vmem>>
      %dma_wait3A_2632 = tpu.memref_squeeze %dma_wait3A_2631 : memref<1x1x1x128xi32, #tpu.memory_space<vmem>> -> memref<128xi32, #tpu.memory_space<vmem>>
      %dma_wait3A_2633 = arith.constant 0 : i32
      %dma_wait3A_2634 = arith.constant 0 : i32
      %dma_wait3A_2635 = tpu.memref_slice %arg2[%dma_wait3A_2633, %dma_wait3A_2634] : memref<1000000x64xf32, #tpu.memory_space<hbm>> -> memref<1000000x64xf32, #tpu.memory_space<hbm>>
      tpu.wait_indirect_dma semaphore(%arg13 : memref<!tpu.dma_semaphore, #tpu.memory_space<semaphore_mem>>) src(%dma_wait3A_2635 : memref<1000000x64xf32, #tpu.memory_space<hbm>>) dst(%dma_wait3A_2629 : memref<128x64xf32, #tpu.memory_space<vmem>>)
      %mul3A_2636 = arith.constant 256 : i32
      %mul3A_2637 = arith.muli %add3A_2403, %mul3A_2636 : i32
      %add3A_2638 = arith.addi %mul3A_4, %mul3A_2637 : i32
      %dma_start3A_2639 = arith.constant 0 : i32
      %dma_start3A_2640 = arith.constant 0 : i32
      %dma_start3A_2641 = arith.constant 0 : i32
      %dma_start3A_2642 = tpu.memref_slice %arg6[%dma_start3A_2639, %dma_start3A_2640, %dma_start3A_2641] : memref<2x256x64xf32, #tpu.memory_space<vmem>> -> memref<1x256x64xf32, #tpu.memory_space<vmem>>
      %dma_start3A_2643 = tpu.memref_squeeze %dma_start3A_2642 : memref<1x256x64xf32, #tpu.memory_space<vmem>> -> memref<256x64xf32, #tpu.memory_space<vmem>>
      %dma_start3A_2644 = arith.constant 0 : i32
      %dma_start3A_2645 = tpu.memref_slice %arg4[%add3A_2638, %dma_start3A_2644] : memref<819200x64xf32, #tpu.memory_space<hbm>> -> memref<256x64xf32, #tpu.memory_space<hbm>>
      %dma_start3A_2646 = arith.constant 0 : i32
      %dma_start3A_2647 = tpu.memref_slice %arg4[%add3A_2638, %dma_start3A_2646] : memref<819200x64xf32, #tpu.memory_space<hbm>> -> memref<256x64xf32, #tpu.memory_space<hbm>>
      %dma_start3A_2648 = arith.constant 0 : i32
      %dma_start3A_2649 = arith.constant 0 : i32
      %dma_start3A_2650 = tpu.memref_slice %arg6[%dma_start3A_2639, %dma_start3A_2648, %dma_start3A_2649] : memref<2x256x64xf32, #tpu.memory_space<vmem>> -> memref<1x256x64xf32, #tpu.memory_space<vmem>>
      %dma_start3A_2651 = tpu.memref_squeeze %dma_start3A_2650 : memref<1x256x64xf32, #tpu.memory_space<vmem>> -> memref<256x64xf32, #tpu.memory_space<vmem>>
      tpu.enqueue_dma source(%dma_start3A_2651 : memref<256x64xf32, #tpu.memory_space<vmem>>) target(%dma_start3A_2647 : memref<256x64xf32, #tpu.memory_space<hbm>>) target_semaphore(%arg15 : memref<!tpu.dma_semaphore, #tpu.memory_space<semaphore_mem>>)
      %mul3A_2652 = arith.constant 4 : i32
      %mul3A_2653 = arith.muli %mul3A_2652, %scan3A_1896 : i32
      %add3A_2654 = arith.constant 3 : i32
      %add3A_2655 = arith.addi %mul3A_2653, %add3A_2654 : i32
      %sub3A_2656 = arith.constant 1 : i32
      %sub3A_2657 = arith.subi %add3A_2655, %sub3A_2656 : i32
      %mul3A_2658 = arith.constant 256 : i32
      %mul3A_2659 = arith.muli %sub3A_2657, %mul3A_2658 : i32
      %add3A_2660 = arith.addi %mul3A_4, %mul3A_2659 : i32
      %dma_wait3A_2661 = arith.constant 0 : i32
      %dma_wait3A_2662 = arith.constant 0 : i32
      %dma_wait3A_2663 = arith.constant 0 : i32
      %dma_wait3A_2664 = tpu.memref_slice %arg6[%dma_wait3A_2661, %dma_wait3A_2662, %dma_wait3A_2663] : memref<2x256x64xf32, #tpu.memory_space<vmem>> -> memref<1x256x64xf32, #tpu.memory_space<vmem>>
      %dma_wait3A_2665 = tpu.memref_squeeze %dma_wait3A_2664 : memref<1x256x64xf32, #tpu.memory_space<vmem>> -> memref<256x64xf32, #tpu.memory_space<vmem>>
      %dma_wait3A_2666 = arith.constant 0 : i32
      %dma_wait3A_2667 = tpu.memref_slice %arg4[%add3A_2660, %dma_wait3A_2666] : memref<819200x64xf32, #tpu.memory_space<hbm>> -> memref<256x64xf32, #tpu.memory_space<hbm>>
      %dma_wait3A_2668 = arith.constant 0 : i32
      %dma_wait3A_2669 = tpu.memref_slice %arg4[%add3A_2660, %dma_wait3A_2668] : memref<819200x64xf32, #tpu.memory_space<hbm>> -> memref<256x64xf32, #tpu.memory_space<hbm>>
      %dma_wait3A_2670 = arith.constant 0 : i32
      %dma_wait3A_2671 = arith.constant 0 : i32
      %dma_wait3A_2672 = tpu.memref_slice %arg6[%dma_wait3A_2661, %dma_wait3A_2670, %dma_wait3A_2671] : memref<2x256x64xf32, #tpu.memory_space<vmem>> -> memref<1x256x64xf32, #tpu.memory_space<vmem>>
      %dma_wait3A_2673 = tpu.memref_squeeze %dma_wait3A_2672 : memref<1x256x64xf32, #tpu.memory_space<vmem>> -> memref<256x64xf32, #tpu.memory_space<vmem>>
      tpu.wait_dma2 semaphore(%arg15 : memref<!tpu.dma_semaphore, #tpu.memory_space<semaphore_mem>>) src(%dma_wait3A_2673 : memref<256x64xf32, #tpu.memory_space<vmem>>) dst(%dma_wait3A_2669 : memref<256x64xf32, #tpu.memory_space<hbm>>)
      %add3A_2674 = arith.constant 1 : i32
      %add3A_2675 = arith.addi %add3A_2655, %add3A_2674 : i32
      %mul3A_2676 = arith.constant 2 : i32
      %mul3A_2677 = arith.muli %add3A_2675, %mul3A_2676 : i32
      %add3A_2678 = arith.addi %mul3A_2, %mul3A_2677 : i32
      %dma_wait3A_2679 = arith.constant 0 : i32
      %dma_wait3A_2680 = arith.constant 0 : i32
      %dma_wait3A_2681 = arith.constant 0 : i32
      %dma_wait3A_2682 = arith.constant 0 : i32
      %dma_wait3A_2683 = tpu.memref_slice %arg5[%dma_wait3A_2679, %dma_wait3A_2680, %dma_wait3A_2681, %dma_wait3A_2682] : memref<4x3x2x128xi32, #tpu.memory_space<vmem>> -> memref<1x3x2x128xi32, #tpu.memory_space<vmem>>
      %dma_wait3A_2684 = tpu.memref_squeeze %dma_wait3A_2683 : memref<1x3x2x128xi32, #tpu.memory_space<vmem>> -> memref<3x2x128xi32, #tpu.memory_space<vmem>>
      %dma_wait3A_2685 = arith.constant 0 : i32
      %dma_wait3A_2686 = arith.constant 0 : i32
      %dma_wait3A_2687 = tpu.memref_slice %arg3[%dma_wait3A_2685, %add3A_2678, %dma_wait3A_2686] : memref<3x6400x128xi32, #tpu.memory_space<hbm>> -> memref<3x2x128xi32, #tpu.memory_space<hbm>>
      %dma_wait3A_2688 = arith.constant 0 : i32
      %dma_wait3A_2689 = arith.constant 0 : i32
      %dma_wait3A_2690 = arith.constant 0 : i32
      %dma_wait3A_2691 = tpu.memref_slice %arg5[%dma_wait3A_2679, %dma_wait3A_2688, %dma_wait3A_2689, %dma_wait3A_2690] : memref<4x3x2x128xi32, #tpu.memory_space<vmem>> -> memref<1x3x2x128xi32, #tpu.memory_space<vmem>>
      %dma_wait3A_2692 = tpu.memref_squeeze %dma_wait3A_2691 : memref<1x3x2x128xi32, #tpu.memory_space<vmem>> -> memref<3x2x128xi32, #tpu.memory_space<vmem>>
      %dma_wait3A_2693 = arith.constant 0 : i32
      %dma_wait3A_2694 = arith.constant 0 : i32
      %dma_wait3A_2695 = tpu.memref_slice %arg3[%dma_wait3A_2693, %add3A_2678, %dma_wait3A_2694] : memref<3x6400x128xi32, #tpu.memory_space<hbm>> -> memref<3x2x128xi32, #tpu.memory_space<hbm>>
      tpu.wait_dma2 semaphore(%arg7 : memref<!tpu.dma_semaphore, #tpu.memory_space<semaphore_mem>>) src(%dma_wait3A_2695 : memref<3x2x128xi32, #tpu.memory_space<hbm>>) dst(%dma_wait3A_2692 : memref<3x2x128xi32, #tpu.memory_space<vmem>>)
      %add3A_2696 = arith.constant 1 : i32
      %add3A_2697 = arith.addi %add3A_2655, %add3A_2696 : i32
      %dma_start3A_2698 = arith.constant 0 : i32
      %dma_start3A_2699 = arith.constant 0 : i32
      %dma_start3A_2700 = arith.constant 0 : i32
      %dma_start3A_2701 = arith.constant 0 : i32
      %dma_start3A_2702 = arith.constant 0 : i32
      %dma_start3A_2703 = arith.constant 0 : i32
      %dma_start3A_2704 = tpu.memref_slice %arg6[%dma_start3A_2701, %dma_start3A_2702, %dma_start3A_2703] : memref<2x256x64xf32, #tpu.memory_space<vmem>> -> memref<1x128x64xf32, #tpu.memory_space<vmem>>
      %dma_start3A_2705 = tpu.memref_squeeze %dma_start3A_2704 : memref<1x128x64xf32, #tpu.memory_space<vmem>> -> memref<128x64xf32, #tpu.memory_space<vmem>>
      %dma_start3A_2706 = arith.constant 0 : i32
      %dma_start3A_2707 = tpu.memref_slice %arg5[%dma_start3A_2698, %dma_start3A_2699, %dma_start3A_2700, %dma_start3A_2706] : memref<4x3x2x128xi32, #tpu.memory_space<vmem>> -> memref<1x1x1x128xi32, #tpu.memory_space<vmem>>
      %dma_start3A_2708 = tpu.memref_squeeze %dma_start3A_2707 : memref<1x1x1x128xi32, #tpu.memory_space<vmem>> -> memref<128xi32, #tpu.memory_space<vmem>>
      %dma_start3A_2709 = arith.constant 0 : i32
      %dma_start3A_2710 = arith.constant 0 : i32
      %dma_start3A_2711 = tpu.memref_slice %arg2[%dma_start3A_2709, %dma_start3A_2710] : memref<1000000x64xf32, #tpu.memory_space<hbm>> -> memref<1000000x64xf32, #tpu.memory_space<hbm>>
      tpu.enqueue_indirect_dma source(%dma_start3A_2711 : memref<1000000x64xf32, #tpu.memory_space<hbm>>) target(%dma_start3A_2705 : memref<128x64xf32, #tpu.memory_space<vmem>>) offsets(%dma_start3A_2708 : memref<128xi32, #tpu.memory_space<vmem>>) semaphore(%arg11 : memref<!tpu.dma_semaphore, #tpu.memory_space<semaphore_mem>>)
      %dma_start3A_2712 = arith.constant 0 : i32
      %dma_start3A_2713 = arith.constant 0 : i32
      %dma_start3A_2714 = arith.constant 1 : i32
      %dma_start3A_2715 = arith.constant 0 : i32
      %dma_start3A_2716 = arith.constant 128 : i32
      %dma_start3A_2717 = arith.constant 0 : i32
      %dma_start3A_2718 = tpu.memref_slice %arg6[%dma_start3A_2715, %dma_start3A_2716, %dma_start3A_2717] : memref<2x256x64xf32, #tpu.memory_space<vmem>> -> memref<1x128x64xf32, #tpu.memory_space<vmem>>
      %dma_start3A_2719 = tpu.memref_squeeze %dma_start3A_2718 : memref<1x128x64xf32, #tpu.memory_space<vmem>> -> memref<128x64xf32, #tpu.memory_space<vmem>>
      %dma_start3A_2720 = arith.constant 0 : i32
      %dma_start3A_2721 = tpu.memref_slice %arg5[%dma_start3A_2712, %dma_start3A_2713, %dma_start3A_2714, %dma_start3A_2720] : memref<4x3x2x128xi32, #tpu.memory_space<vmem>> -> memref<1x1x1x128xi32, #tpu.memory_space<vmem>>
      %dma_start3A_2722 = tpu.memref_squeeze %dma_start3A_2721 : memref<1x1x1x128xi32, #tpu.memory_space<vmem>> -> memref<128xi32, #tpu.memory_space<vmem>>
      %dma_start3A_2723 = arith.constant 0 : i32
      %dma_start3A_2724 = arith.constant 0 : i32
      %dma_start3A_2725 = tpu.memref_slice %arg2[%dma_start3A_2723, %dma_start3A_2724] : memref<1000000x64xf32, #tpu.memory_space<hbm>> -> memref<1000000x64xf32, #tpu.memory_space<hbm>>
      tpu.enqueue_indirect_dma source(%dma_start3A_2725 : memref<1000000x64xf32, #tpu.memory_space<hbm>>) target(%dma_start3A_2719 : memref<128x64xf32, #tpu.memory_space<vmem>>) offsets(%dma_start3A_2722 : memref<128xi32, #tpu.memory_space<vmem>>) semaphore(%arg11 : memref<!tpu.dma_semaphore, #tpu.memory_space<semaphore_mem>>)
      %dma_wait3A_2726 = arith.constant 3 : i32
      %dma_wait3A_2727 = arith.constant 0 : i32
      %dma_wait3A_2728 = arith.constant 0 : i32
      %dma_wait3A_2729 = arith.constant 1 : i32
      %dma_wait3A_2730 = arith.constant 0 : i32
      %dma_wait3A_2731 = arith.constant 0 : i32
      %dma_wait3A_2732 = tpu.memref_slice %arg6[%dma_wait3A_2729, %dma_wait3A_2730, %dma_wait3A_2731] : memref<2x256x64xf32, #tpu.memory_space<vmem>> -> memref<1x128x64xf32, #tpu.memory_space<vmem>>
      %dma_wait3A_2733 = tpu.memref_squeeze %dma_wait3A_2732 : memref<1x128x64xf32, #tpu.memory_space<vmem>> -> memref<128x64xf32, #tpu.memory_space<vmem>>
      %dma_wait3A_2734 = arith.constant 0 : i32
      %dma_wait3A_2735 = tpu.memref_slice %arg5[%dma_wait3A_2726, %dma_wait3A_2727, %dma_wait3A_2728, %dma_wait3A_2734] : memref<4x3x2x128xi32, #tpu.memory_space<vmem>> -> memref<1x1x1x128xi32, #tpu.memory_space<vmem>>
      %dma_wait3A_2736 = tpu.memref_squeeze %dma_wait3A_2735 : memref<1x1x1x128xi32, #tpu.memory_space<vmem>> -> memref<128xi32, #tpu.memory_space<vmem>>
      %dma_wait3A_2737 = arith.constant 0 : i32
      %dma_wait3A_2738 = arith.constant 0 : i32
      %dma_wait3A_2739 = tpu.memref_slice %arg2[%dma_wait3A_2737, %dma_wait3A_2738] : memref<1000000x64xf32, #tpu.memory_space<hbm>> -> memref<1000000x64xf32, #tpu.memory_space<hbm>>
      tpu.wait_indirect_dma semaphore(%arg12 : memref<!tpu.dma_semaphore, #tpu.memory_space<semaphore_mem>>) src(%dma_wait3A_2739 : memref<1000000x64xf32, #tpu.memory_space<hbm>>) dst(%dma_wait3A_2733 : memref<128x64xf32, #tpu.memory_space<vmem>>)
      %dma_wait3A_2740 = arith.constant 3 : i32
      %dma_wait3A_2741 = arith.constant 0 : i32
      %dma_wait3A_2742 = arith.constant 1 : i32
      %dma_wait3A_2743 = arith.constant 1 : i32
      %dma_wait3A_2744 = arith.constant 128 : i32
      %dma_wait3A_2745 = arith.constant 0 : i32
      %dma_wait3A_2746 = tpu.memref_slice %arg6[%dma_wait3A_2743, %dma_wait3A_2744, %dma_wait3A_2745] : memref<2x256x64xf32, #tpu.memory_space<vmem>> -> memref<1x128x64xf32, #tpu.memory_space<vmem>>
      %dma_wait3A_2747 = tpu.memref_squeeze %dma_wait3A_2746 : memref<1x128x64xf32, #tpu.memory_space<vmem>> -> memref<128x64xf32, #tpu.memory_space<vmem>>
      %dma_wait3A_2748 = arith.constant 0 : i32
      %dma_wait3A_2749 = tpu.memref_slice %arg5[%dma_wait3A_2740, %dma_wait3A_2741, %dma_wait3A_2742, %dma_wait3A_2748] : memref<4x3x2x128xi32, #tpu.memory_space<vmem>> -> memref<1x1x1x128xi32, #tpu.memory_space<vmem>>
      %dma_wait3A_2750 = tpu.memref_squeeze %dma_wait3A_2749 : memref<1x1x1x128xi32, #tpu.memory_space<vmem>> -> memref<128xi32, #tpu.memory_space<vmem>>
      %dma_wait3A_2751 = arith.constant 0 : i32
      %dma_wait3A_2752 = arith.constant 0 : i32
      %dma_wait3A_2753 = tpu.memref_slice %arg2[%dma_wait3A_2751, %dma_wait3A_2752] : memref<1000000x64xf32, #tpu.memory_space<hbm>> -> memref<1000000x64xf32, #tpu.memory_space<hbm>>
      tpu.wait_indirect_dma semaphore(%arg12 : memref<!tpu.dma_semaphore, #tpu.memory_space<semaphore_mem>>) src(%dma_wait3A_2753 : memref<1000000x64xf32, #tpu.memory_space<hbm>>) dst(%dma_wait3A_2747 : memref<128x64xf32, #tpu.memory_space<vmem>>)
      %dma_start3A_2754 = arith.constant 3 : i32
      %dma_start3A_2755 = arith.constant 1 : i32
      %dma_start3A_2756 = arith.constant 0 : i32
      %dma_start3A_2757 = arith.constant 1 : i32
      %dma_start3A_2758 = arith.constant 0 : i32
      %dma_start3A_2759 = arith.constant 0 : i32
      %dma_start3A_2760 = tpu.memref_slice %arg6[%dma_start3A_2757, %dma_start3A_2758, %dma_start3A_2759] : memref<2x256x64xf32, #tpu.memory_space<vmem>> -> memref<1x128x64xf32, #tpu.memory_space<vmem>>
      %dma_start3A_2761 = tpu.memref_squeeze %dma_start3A_2760 : memref<1x128x64xf32, #tpu.memory_space<vmem>> -> memref<128x64xf32, #tpu.memory_space<vmem>>
      %dma_start3A_2762 = arith.constant 0 : i32
      %dma_start3A_2763 = tpu.memref_slice %arg5[%dma_start3A_2754, %dma_start3A_2755, %dma_start3A_2756, %dma_start3A_2762] : memref<4x3x2x128xi32, #tpu.memory_space<vmem>> -> memref<1x1x1x128xi32, #tpu.memory_space<vmem>>
      %dma_start3A_2764 = tpu.memref_squeeze %dma_start3A_2763 : memref<1x1x1x128xi32, #tpu.memory_space<vmem>> -> memref<128xi32, #tpu.memory_space<vmem>>
      %dma_start3A_2765 = arith.constant 0 : i32
      %dma_start3A_2766 = arith.constant 0 : i32
      %dma_start3A_2767 = tpu.memref_slice %arg2[%dma_start3A_2765, %dma_start3A_2766] : memref<1000000x64xf32, #tpu.memory_space<hbm>> -> memref<1000000x64xf32, #tpu.memory_space<hbm>>
      tpu.enqueue_indirect_dma source(%dma_start3A_2767 : memref<1000000x64xf32, #tpu.memory_space<hbm>>) target(%dma_start3A_2761 : memref<128x64xf32, #tpu.memory_space<vmem>>) offsets(%dma_start3A_2764 : memref<128xi32, #tpu.memory_space<vmem>>) semaphore(%arg14 : memref<!tpu.dma_semaphore, #tpu.memory_space<semaphore_mem>>) {add = true}
      %dma_start3A_2768 = arith.constant 3 : i32
      %dma_start3A_2769 = arith.constant 1 : i32
      %dma_start3A_2770 = arith.constant 1 : i32
      %dma_start3A_2771 = arith.constant 1 : i32
      %dma_start3A_2772 = arith.constant 128 : i32
      %dma_start3A_2773 = arith.constant 0 : i32
      %dma_start3A_2774 = tpu.memref_slice %arg6[%dma_start3A_2771, %dma_start3A_2772, %dma_start3A_2773] : memref<2x256x64xf32, #tpu.memory_space<vmem>> -> memref<1x128x64xf32, #tpu.memory_space<vmem>>
      %dma_start3A_2775 = tpu.memref_squeeze %dma_start3A_2774 : memref<1x128x64xf32, #tpu.memory_space<vmem>> -> memref<128x64xf32, #tpu.memory_space<vmem>>
      %dma_start3A_2776 = arith.constant 0 : i32
      %dma_start3A_2777 = tpu.memref_slice %arg5[%dma_start3A_2768, %dma_start3A_2769, %dma_start3A_2770, %dma_start3A_2776] : memref<4x3x2x128xi32, #tpu.memory_space<vmem>> -> memref<1x1x1x128xi32, #tpu.memory_space<vmem>>
      %dma_start3A_2778 = tpu.memref_squeeze %dma_start3A_2777 : memref<1x1x1x128xi32, #tpu.memory_space<vmem>> -> memref<128xi32, #tpu.memory_space<vmem>>
      %dma_start3A_2779 = arith.constant 0 : i32
      %dma_start3A_2780 = arith.constant 0 : i32
      %dma_start3A_2781 = tpu.memref_slice %arg2[%dma_start3A_2779, %dma_start3A_2780] : memref<1000000x64xf32, #tpu.memory_space<hbm>> -> memref<1000000x64xf32, #tpu.memory_space<hbm>>
      tpu.enqueue_indirect_dma source(%dma_start3A_2781 : memref<1000000x64xf32, #tpu.memory_space<hbm>>) target(%dma_start3A_2775 : memref<128x64xf32, #tpu.memory_space<vmem>>) offsets(%dma_start3A_2778 : memref<128xi32, #tpu.memory_space<vmem>>) semaphore(%arg14 : memref<!tpu.dma_semaphore, #tpu.memory_space<semaphore_mem>>) {add = true}
      %dma_start3A_2782 = arith.constant 3 : i32
      %dma_start3A_2783 = arith.constant 2 : i32
      %dma_start3A_2784 = arith.constant 0 : i32
      %dma_start3A_2785 = arith.constant 1 : i32
      %dma_start3A_2786 = arith.constant 0 : i32
      %dma_start3A_2787 = arith.constant 0 : i32
      %dma_start3A_2788 = tpu.memref_slice %arg6[%dma_start3A_2785, %dma_start3A_2786, %dma_start3A_2787] : memref<2x256x64xf32, #tpu.memory_space<vmem>> -> memref<1x128x64xf32, #tpu.memory_space<vmem>>
      %dma_start3A_2789 = tpu.memref_squeeze %dma_start3A_2788 : memref<1x128x64xf32, #tpu.memory_space<vmem>> -> memref<128x64xf32, #tpu.memory_space<vmem>>
      %dma_start3A_2790 = arith.constant 0 : i32
      %dma_start3A_2791 = tpu.memref_slice %arg5[%dma_start3A_2782, %dma_start3A_2783, %dma_start3A_2784, %dma_start3A_2790] : memref<4x3x2x128xi32, #tpu.memory_space<vmem>> -> memref<1x1x1x128xi32, #tpu.memory_space<vmem>>
      %dma_start3A_2792 = tpu.memref_squeeze %dma_start3A_2791 : memref<1x1x1x128xi32, #tpu.memory_space<vmem>> -> memref<128xi32, #tpu.memory_space<vmem>>
      %dma_start3A_2793 = arith.constant 0 : i32
      %dma_start3A_2794 = arith.constant 0 : i32
      %dma_start3A_2795 = tpu.memref_slice %arg2[%dma_start3A_2793, %dma_start3A_2794] : memref<1000000x64xf32, #tpu.memory_space<hbm>> -> memref<1000000x64xf32, #tpu.memory_space<hbm>>
      tpu.enqueue_indirect_dma source(%dma_start3A_2795 : memref<1000000x64xf32, #tpu.memory_space<hbm>>) target(%dma_start3A_2789 : memref<128x64xf32, #tpu.memory_space<vmem>>) offsets(%dma_start3A_2792 : memref<128xi32, #tpu.memory_space<vmem>>) semaphore(%arg14 : memref<!tpu.dma_semaphore, #tpu.memory_space<semaphore_mem>>) {add = true}
      %dma_start3A_2796 = arith.constant 3 : i32
      %dma_start3A_2797 = arith.constant 2 : i32
      %dma_start3A_2798 = arith.constant 1 : i32
      %dma_start3A_2799 = arith.constant 1 : i32
      %dma_start3A_2800 = arith.constant 128 : i32
      %dma_start3A_2801 = arith.constant 0 : i32
      %dma_start3A_2802 = tpu.memref_slice %arg6[%dma_start3A_2799, %dma_start3A_2800, %dma_start3A_2801] : memref<2x256x64xf32, #tpu.memory_space<vmem>> -> memref<1x128x64xf32, #tpu.memory_space<vmem>>
      %dma_start3A_2803 = tpu.memref_squeeze %dma_start3A_2802 : memref<1x128x64xf32, #tpu.memory_space<vmem>> -> memref<128x64xf32, #tpu.memory_space<vmem>>
      %dma_start3A_2804 = arith.constant 0 : i32
      %dma_start3A_2805 = tpu.memref_slice %arg5[%dma_start3A_2796, %dma_start3A_2797, %dma_start3A_2798, %dma_start3A_2804] : memref<4x3x2x128xi32, #tpu.memory_space<vmem>> -> memref<1x1x1x128xi32, #tpu.memory_space<vmem>>
      %dma_start3A_2806 = tpu.memref_squeeze %dma_start3A_2805 : memref<1x1x1x128xi32, #tpu.memory_space<vmem>> -> memref<128xi32, #tpu.memory_space<vmem>>
      %dma_start3A_2807 = arith.constant 0 : i32
      %dma_start3A_2808 = arith.constant 0 : i32
      %dma_start3A_2809 = tpu.memref_slice %arg2[%dma_start3A_2807, %dma_start3A_2808] : memref<1000000x64xf32, #tpu.memory_space<hbm>> -> memref<1000000x64xf32, #tpu.memory_space<hbm>>
      tpu.enqueue_indirect_dma source(%dma_start3A_2809 : memref<1000000x64xf32, #tpu.memory_space<hbm>>) target(%dma_start3A_2803 : memref<128x64xf32, #tpu.memory_space<vmem>>) offsets(%dma_start3A_2806 : memref<128xi32, #tpu.memory_space<vmem>>) semaphore(%arg14 : memref<!tpu.dma_semaphore, #tpu.memory_space<semaphore_mem>>) {add = true}
      %add3A_2810 = arith.constant 2 : i32
      %add3A_2811 = arith.addi %add3A_2655, %add3A_2810 : i32
      %mul3A_2812 = arith.constant 2 : i32
      %mul3A_2813 = arith.muli %add3A_2811, %mul3A_2812 : i32
      %add3A_2814 = arith.addi %mul3A_2, %mul3A_2813 : i32
      %dma_start3A_2815 = arith.constant 1 : i32
      %dma_start3A_2816 = arith.constant 0 : i32
      %dma_start3A_2817 = arith.constant 0 : i32
      %dma_start3A_2818 = arith.constant 0 : i32
      %dma_start3A_2819 = tpu.memref_slice %arg5[%dma_start3A_2815, %dma_start3A_2816, %dma_start3A_2817, %dma_start3A_2818] : memref<4x3x2x128xi32, #tpu.memory_space<vmem>> -> memref<1x3x2x128xi32, #tpu.memory_space<vmem>>
      %dma_start3A_2820 = tpu.memref_squeeze %dma_start3A_2819 : memref<1x3x2x128xi32, #tpu.memory_space<vmem>> -> memref<3x2x128xi32, #tpu.memory_space<vmem>>
      %dma_start3A_2821 = arith.constant 0 : i32
      %dma_start3A_2822 = arith.constant 0 : i32
      %dma_start3A_2823 = tpu.memref_slice %arg3[%dma_start3A_2821, %add3A_2814, %dma_start3A_2822] : memref<3x6400x128xi32, #tpu.memory_space<hbm>> -> memref<3x2x128xi32, #tpu.memory_space<hbm>>
      %dma_start3A_2824 = arith.constant 0 : i32
      %dma_start3A_2825 = arith.constant 0 : i32
      %dma_start3A_2826 = arith.constant 0 : i32
      %dma_start3A_2827 = tpu.memref_slice %arg5[%dma_start3A_2815, %dma_start3A_2824, %dma_start3A_2825, %dma_start3A_2826] : memref<4x3x2x128xi32, #tpu.memory_space<vmem>> -> memref<1x3x2x128xi32, #tpu.memory_space<vmem>>
      %dma_start3A_2828 = tpu.memref_squeeze %dma_start3A_2827 : memref<1x3x2x128xi32, #tpu.memory_space<vmem>> -> memref<3x2x128xi32, #tpu.memory_space<vmem>>
      %dma_start3A_2829 = arith.constant 0 : i32
      %dma_start3A_2830 = arith.constant 0 : i32
      %dma_start3A_2831 = tpu.memref_slice %arg3[%dma_start3A_2829, %add3A_2814, %dma_start3A_2830] : memref<3x6400x128xi32, #tpu.memory_space<hbm>> -> memref<3x2x128xi32, #tpu.memory_space<hbm>>
      tpu.enqueue_dma source(%dma_start3A_2831 : memref<3x2x128xi32, #tpu.memory_space<hbm>>) target(%dma_start3A_2828 : memref<3x2x128xi32, #tpu.memory_space<vmem>>) target_semaphore(%arg8 : memref<!tpu.dma_semaphore, #tpu.memory_space<semaphore_mem>>)
      %dma_wait3A_2832 = arith.constant 3 : i32
      %dma_wait3A_2833 = arith.constant 1 : i32
      %dma_wait3A_2834 = arith.constant 0 : i32
      %dma_wait3A_2835 = arith.constant 1 : i32
      %dma_wait3A_2836 = arith.constant 0 : i32
      %dma_wait3A_2837 = arith.constant 0 : i32
      %dma_wait3A_2838 = tpu.memref_slice %arg6[%dma_wait3A_2835, %dma_wait3A_2836, %dma_wait3A_2837] : memref<2x256x64xf32, #tpu.memory_space<vmem>> -> memref<1x128x64xf32, #tpu.memory_space<vmem>>
      %dma_wait3A_2839 = tpu.memref_squeeze %dma_wait3A_2838 : memref<1x128x64xf32, #tpu.memory_space<vmem>> -> memref<128x64xf32, #tpu.memory_space<vmem>>
      %dma_wait3A_2840 = arith.constant 0 : i32
      %dma_wait3A_2841 = tpu.memref_slice %arg5[%dma_wait3A_2832, %dma_wait3A_2833, %dma_wait3A_2834, %dma_wait3A_2840] : memref<4x3x2x128xi32, #tpu.memory_space<vmem>> -> memref<1x1x1x128xi32, #tpu.memory_space<vmem>>
      %dma_wait3A_2842 = tpu.memref_squeeze %dma_wait3A_2841 : memref<1x1x1x128xi32, #tpu.memory_space<vmem>> -> memref<128xi32, #tpu.memory_space<vmem>>
      %dma_wait3A_2843 = arith.constant 0 : i32
      %dma_wait3A_2844 = arith.constant 0 : i32
      %dma_wait3A_2845 = tpu.memref_slice %arg2[%dma_wait3A_2843, %dma_wait3A_2844] : memref<1000000x64xf32, #tpu.memory_space<hbm>> -> memref<1000000x64xf32, #tpu.memory_space<hbm>>
      tpu.wait_indirect_dma semaphore(%arg14 : memref<!tpu.dma_semaphore, #tpu.memory_space<semaphore_mem>>) src(%dma_wait3A_2845 : memref<1000000x64xf32, #tpu.memory_space<hbm>>) dst(%dma_wait3A_2839 : memref<128x64xf32, #tpu.memory_space<vmem>>)
      %dma_wait3A_2846 = arith.constant 3 : i32
      %dma_wait3A_2847 = arith.constant 1 : i32
      %dma_wait3A_2848 = arith.constant 1 : i32
      %dma_wait3A_2849 = arith.constant 1 : i32
      %dma_wait3A_2850 = arith.constant 128 : i32
      %dma_wait3A_2851 = arith.constant 0 : i32
      %dma_wait3A_2852 = tpu.memref_slice %arg6[%dma_wait3A_2849, %dma_wait3A_2850, %dma_wait3A_2851] : memref<2x256x64xf32, #tpu.memory_space<vmem>> -> memref<1x128x64xf32, #tpu.memory_space<vmem>>
      %dma_wait3A_2853 = tpu.memref_squeeze %dma_wait3A_2852 : memref<1x128x64xf32, #tpu.memory_space<vmem>> -> memref<128x64xf32, #tpu.memory_space<vmem>>
      %dma_wait3A_2854 = arith.constant 0 : i32
      %dma_wait3A_2855 = tpu.memref_slice %arg5[%dma_wait3A_2846, %dma_wait3A_2847, %dma_wait3A_2848, %dma_wait3A_2854] : memref<4x3x2x128xi32, #tpu.memory_space<vmem>> -> memref<1x1x1x128xi32, #tpu.memory_space<vmem>>
      %dma_wait3A_2856 = tpu.memref_squeeze %dma_wait3A_2855 : memref<1x1x1x128xi32, #tpu.memory_space<vmem>> -> memref<128xi32, #tpu.memory_space<vmem>>
      %dma_wait3A_2857 = arith.constant 0 : i32
      %dma_wait3A_2858 = arith.constant 0 : i32
      %dma_wait3A_2859 = tpu.memref_slice %arg2[%dma_wait3A_2857, %dma_wait3A_2858] : memref<1000000x64xf32, #tpu.memory_space<hbm>> -> memref<1000000x64xf32, #tpu.memory_space<hbm>>
      tpu.wait_indirect_dma semaphore(%arg14 : memref<!tpu.dma_semaphore, #tpu.memory_space<semaphore_mem>>) src(%dma_wait3A_2859 : memref<1000000x64xf32, #tpu.memory_space<hbm>>) dst(%dma_wait3A_2853 : memref<128x64xf32, #tpu.memory_space<vmem>>)
      %dma_wait3A_2860 = arith.constant 3 : i32
      %dma_wait3A_2861 = arith.constant 2 : i32
      %dma_wait3A_2862 = arith.constant 0 : i32
      %dma_wait3A_2863 = arith.constant 1 : i32
      %dma_wait3A_2864 = arith.constant 0 : i32
      %dma_wait3A_2865 = arith.constant 0 : i32
      %dma_wait3A_2866 = tpu.memref_slice %arg6[%dma_wait3A_2863, %dma_wait3A_2864, %dma_wait3A_2865] : memref<2x256x64xf32, #tpu.memory_space<vmem>> -> memref<1x128x64xf32, #tpu.memory_space<vmem>>
      %dma_wait3A_2867 = tpu.memref_squeeze %dma_wait3A_2866 : memref<1x128x64xf32, #tpu.memory_space<vmem>> -> memref<128x64xf32, #tpu.memory_space<vmem>>
      %dma_wait3A_2868 = arith.constant 0 : i32
      %dma_wait3A_2869 = tpu.memref_slice %arg5[%dma_wait3A_2860, %dma_wait3A_2861, %dma_wait3A_2862, %dma_wait3A_2868] : memref<4x3x2x128xi32, #tpu.memory_space<vmem>> -> memref<1x1x1x128xi32, #tpu.memory_space<vmem>>
      %dma_wait3A_2870 = tpu.memref_squeeze %dma_wait3A_2869 : memref<1x1x1x128xi32, #tpu.memory_space<vmem>> -> memref<128xi32, #tpu.memory_space<vmem>>
      %dma_wait3A_2871 = arith.constant 0 : i32
      %dma_wait3A_2872 = arith.constant 0 : i32
      %dma_wait3A_2873 = tpu.memref_slice %arg2[%dma_wait3A_2871, %dma_wait3A_2872] : memref<1000000x64xf32, #tpu.memory_space<hbm>> -> memref<1000000x64xf32, #tpu.memory_space<hbm>>
      tpu.wait_indirect_dma semaphore(%arg14 : memref<!tpu.dma_semaphore, #tpu.memory_space<semaphore_mem>>) src(%dma_wait3A_2873 : memref<1000000x64xf32, #tpu.memory_space<hbm>>) dst(%dma_wait3A_2867 : memref<128x64xf32, #tpu.memory_space<vmem>>)
      %dma_wait3A_2874 = arith.constant 3 : i32
      %dma_wait3A_2875 = arith.constant 2 : i32
      %dma_wait3A_2876 = arith.constant 1 : i32
      %dma_wait3A_2877 = arith.constant 1 : i32
      %dma_wait3A_2878 = arith.constant 128 : i32
      %dma_wait3A_2879 = arith.constant 0 : i32
      %dma_wait3A_2880 = tpu.memref_slice %arg6[%dma_wait3A_2877, %dma_wait3A_2878, %dma_wait3A_2879] : memref<2x256x64xf32, #tpu.memory_space<vmem>> -> memref<1x128x64xf32, #tpu.memory_space<vmem>>
      %dma_wait3A_2881 = tpu.memref_squeeze %dma_wait3A_2880 : memref<1x128x64xf32, #tpu.memory_space<vmem>> -> memref<128x64xf32, #tpu.memory_space<vmem>>
      %dma_wait3A_2882 = arith.constant 0 : i32
      %dma_wait3A_2883 = tpu.memref_slice %arg5[%dma_wait3A_2874, %dma_wait3A_2875, %dma_wait3A_2876, %dma_wait3A_2882] : memref<4x3x2x128xi32, #tpu.memory_space<vmem>> -> memref<1x1x1x128xi32, #tpu.memory_space<vmem>>
      %dma_wait3A_2884 = tpu.memref_squeeze %dma_wait3A_2883 : memref<1x1x1x128xi32, #tpu.memory_space<vmem>> -> memref<128xi32, #tpu.memory_space<vmem>>
      %dma_wait3A_2885 = arith.constant 0 : i32
      %dma_wait3A_2886 = arith.constant 0 : i32
      %dma_wait3A_2887 = tpu.memref_slice %arg2[%dma_wait3A_2885, %dma_wait3A_2886] : memref<1000000x64xf32, #tpu.memory_space<hbm>> -> memref<1000000x64xf32, #tpu.memory_space<hbm>>
      tpu.wait_indirect_dma semaphore(%arg14 : memref<!tpu.dma_semaphore, #tpu.memory_space<semaphore_mem>>) src(%dma_wait3A_2887 : memref<1000000x64xf32, #tpu.memory_space<hbm>>) dst(%dma_wait3A_2881 : memref<128x64xf32, #tpu.memory_space<vmem>>)
      %mul3A_2888 = arith.constant 256 : i32
      %mul3A_2889 = arith.muli %add3A_2655, %mul3A_2888 : i32
      %add3A_2890 = arith.addi %mul3A_4, %mul3A_2889 : i32
      %dma_start3A_2891 = arith.constant 1 : i32
      %dma_start3A_2892 = arith.constant 0 : i32
      %dma_start3A_2893 = arith.constant 0 : i32
      %dma_start3A_2894 = tpu.memref_slice %arg6[%dma_start3A_2891, %dma_start3A_2892, %dma_start3A_2893] : memref<2x256x64xf32, #tpu.memory_space<vmem>> -> memref<1x256x64xf32, #tpu.memory_space<vmem>>
      %dma_start3A_2895 = tpu.memref_squeeze %dma_start3A_2894 : memref<1x256x64xf32, #tpu.memory_space<vmem>> -> memref<256x64xf32, #tpu.memory_space<vmem>>
      %dma_start3A_2896 = arith.constant 0 : i32
      %dma_start3A_2897 = tpu.memref_slice %arg4[%add3A_2890, %dma_start3A_2896] : memref<819200x64xf32, #tpu.memory_space<hbm>> -> memref<256x64xf32, #tpu.memory_space<hbm>>
      %dma_start3A_2898 = arith.constant 0 : i32
      %dma_start3A_2899 = tpu.memref_slice %arg4[%add3A_2890, %dma_start3A_2898] : memref<819200x64xf32, #tpu.memory_space<hbm>> -> memref<256x64xf32, #tpu.memory_space<hbm>>
      %dma_start3A_2900 = arith.constant 0 : i32
      %dma_start3A_2901 = arith.constant 0 : i32
      %dma_start3A_2902 = tpu.memref_slice %arg6[%dma_start3A_2891, %dma_start3A_2900, %dma_start3A_2901] : memref<2x256x64xf32, #tpu.memory_space<vmem>> -> memref<1x256x64xf32, #tpu.memory_space<vmem>>
      %dma_start3A_2903 = tpu.memref_squeeze %dma_start3A_2902 : memref<1x256x64xf32, #tpu.memory_space<vmem>> -> memref<256x64xf32, #tpu.memory_space<vmem>>
      tpu.enqueue_dma source(%dma_start3A_2903 : memref<256x64xf32, #tpu.memory_space<vmem>>) target(%dma_start3A_2899 : memref<256x64xf32, #tpu.memory_space<hbm>>) target_semaphore(%arg16 : memref<!tpu.dma_semaphore, #tpu.memory_space<semaphore_mem>>)
    }
    %scan3A_1021 = arith.constant 23 : i32
    %add3A_1022 = arith.constant 24320 : i32
    %add3A_1023 = arith.addi %mul3A_4, %add3A_1022 : i32
    %dma_wait3A_1024 = arith.constant 1 : i32
    %dma_wait3A_1025 = arith.constant 0 : i32
    %dma_wait3A_1026 = arith.constant 0 : i32
    %dma_wait3A_1027 = tpu.memref_slice %arg6[%dma_wait3A_1024, %dma_wait3A_1025, %dma_wait3A_1026] : memref<2x256x64xf32, #tpu.memory_space<vmem>> -> memref<1x256x64xf32, #tpu.memory_space<vmem>>
    %dma_wait3A_1028 = tpu.memref_squeeze %dma_wait3A_1027 : memref<1x256x64xf32, #tpu.memory_space<vmem>> -> memref<256x64xf32, #tpu.memory_space<vmem>>
    %dma_wait3A_1029 = arith.constant 0 : i32
    %dma_wait3A_1030 = tpu.memref_slice %arg4[%add3A_1023, %dma_wait3A_1029] : memref<819200x64xf32, #tpu.memory_space<hbm>> -> memref<256x64xf32, #tpu.memory_space<hbm>>
    %dma_wait3A_1031 = arith.constant 0 : i32
    %dma_wait3A_1032 = tpu.memref_slice %arg4[%add3A_1023, %dma_wait3A_1031] : memref<819200x64xf32, #tpu.memory_space<hbm>> -> memref<256x64xf32, #tpu.memory_space<hbm>>
    %dma_wait3A_1033 = arith.constant 0 : i32
    %dma_wait3A_1034 = arith.constant 0 : i32
    %dma_wait3A_1035 = tpu.memref_slice %arg6[%dma_wait3A_1024, %dma_wait3A_1033, %dma_wait3A_1034] : memref<2x256x64xf32, #tpu.memory_space<vmem>> -> memref<1x256x64xf32, #tpu.memory_space<vmem>>
    %dma_wait3A_1036 = tpu.memref_squeeze %dma_wait3A_1035 : memref<1x256x64xf32, #tpu.memory_space<vmem>> -> memref<256x64xf32, #tpu.memory_space<vmem>>
    tpu.wait_dma2 semaphore(%arg16 : memref<!tpu.dma_semaphore, #tpu.memory_space<semaphore_mem>>) src(%dma_wait3A_1036 : memref<256x64xf32, #tpu.memory_space<vmem>>) dst(%dma_wait3A_1032 : memref<256x64xf32, #tpu.memory_space<hbm>>)
    %add3A_1037 = arith.constant 194 : i32
    %add3A_1038 = arith.addi %mul3A_2, %add3A_1037 : i32
    %dma_wait3A_1039 = arith.constant 1 : i32
    %dma_wait3A_1040 = arith.constant 0 : i32
    %dma_wait3A_1041 = arith.constant 0 : i32
    %dma_wait3A_1042 = arith.constant 0 : i32
    %dma_wait3A_1043 = tpu.memref_slice %arg5[%dma_wait3A_1039, %dma_wait3A_1040, %dma_wait3A_1041, %dma_wait3A_1042] : memref<4x3x2x128xi32, #tpu.memory_space<vmem>> -> memref<1x3x2x128xi32, #tpu.memory_space<vmem>>
    %dma_wait3A_1044 = tpu.memref_squeeze %dma_wait3A_1043 : memref<1x3x2x128xi32, #tpu.memory_space<vmem>> -> memref<3x2x128xi32, #tpu.memory_space<vmem>>
    %dma_wait3A_1045 = arith.constant 0 : i32
    %dma_wait3A_1046 = arith.constant 0 : i32
    %dma_wait3A_1047 = tpu.memref_slice %arg3[%dma_wait3A_1045, %add3A_1038, %dma_wait3A_1046] : memref<3x6400x128xi32, #tpu.memory_space<hbm>> -> memref<3x2x128xi32, #tpu.memory_space<hbm>>
    %dma_wait3A_1048 = arith.constant 0 : i32
    %dma_wait3A_1049 = arith.constant 0 : i32
    %dma_wait3A_1050 = arith.constant 0 : i32
    %dma_wait3A_1051 = tpu.memref_slice %arg5[%dma_wait3A_1039, %dma_wait3A_1048, %dma_wait3A_1049, %dma_wait3A_1050] : memref<4x3x2x128xi32, #tpu.memory_space<vmem>> -> memref<1x3x2x128xi32, #tpu.memory_space<vmem>>
    %dma_wait3A_1052 = tpu.memref_squeeze %dma_wait3A_1051 : memref<1x3x2x128xi32, #tpu.memory_space<vmem>> -> memref<3x2x128xi32, #tpu.memory_space<vmem>>
    %dma_wait3A_1053 = arith.constant 0 : i32
    %dma_wait3A_1054 = arith.constant 0 : i32
    %dma_wait3A_1055 = tpu.memref_slice %arg3[%dma_wait3A_1053, %add3A_1038, %dma_wait3A_1054] : memref<3x6400x128xi32, #tpu.memory_space<hbm>> -> memref<3x2x128xi32, #tpu.memory_space<hbm>>
    tpu.wait_dma2 semaphore(%arg8 : memref<!tpu.dma_semaphore, #tpu.memory_space<semaphore_mem>>) src(%dma_wait3A_1055 : memref<3x2x128xi32, #tpu.memory_space<hbm>>) dst(%dma_wait3A_1052 : memref<3x2x128xi32, #tpu.memory_space<vmem>>)
    %dma_start3A_1056 = arith.constant 1 : i32
    %dma_start3A_1057 = arith.constant 0 : i32
    %dma_start3A_1058 = arith.constant 0 : i32
    %dma_start3A_1059 = arith.constant 1 : i32
    %dma_start3A_1060 = arith.constant 0 : i32
    %dma_start3A_1061 = arith.constant 0 : i32
    %dma_start3A_1062 = tpu.memref_slice %arg6[%dma_start3A_1059, %dma_start3A_1060, %dma_start3A_1061] : memref<2x256x64xf32, #tpu.memory_space<vmem>> -> memref<1x128x64xf32, #tpu.memory_space<vmem>>
    %dma_start3A_1063 = tpu.memref_squeeze %dma_start3A_1062 : memref<1x128x64xf32, #tpu.memory_space<vmem>> -> memref<128x64xf32, #tpu.memory_space<vmem>>
    %dma_start3A_1064 = arith.constant 0 : i32
    %dma_start3A_1065 = tpu.memref_slice %arg5[%dma_start3A_1056, %dma_start3A_1057, %dma_start3A_1058, %dma_start3A_1064] : memref<4x3x2x128xi32, #tpu.memory_space<vmem>> -> memref<1x1x1x128xi32, #tpu.memory_space<vmem>>
    %dma_start3A_1066 = tpu.memref_squeeze %dma_start3A_1065 : memref<1x1x1x128xi32, #tpu.memory_space<vmem>> -> memref<128xi32, #tpu.memory_space<vmem>>
    %dma_start3A_1067 = arith.constant 0 : i32
    %dma_start3A_1068 = arith.constant 0 : i32
    %dma_start3A_1069 = tpu.memref_slice %arg2[%dma_start3A_1067, %dma_start3A_1068] : memref<1000000x64xf32, #tpu.memory_space<hbm>> -> memref<1000000x64xf32, #tpu.memory_space<hbm>>
    tpu.enqueue_indirect_dma source(%dma_start3A_1069 : memref<1000000x64xf32, #tpu.memory_space<hbm>>) target(%dma_start3A_1063 : memref<128x64xf32, #tpu.memory_space<vmem>>) offsets(%dma_start3A_1066 : memref<128xi32, #tpu.memory_space<vmem>>) semaphore(%arg12 : memref<!tpu.dma_semaphore, #tpu.memory_space<semaphore_mem>>)
    %dma_start3A_1070 = arith.constant 1 : i32
    %dma_start3A_1071 = arith.constant 0 : i32
    %dma_start3A_1072 = arith.constant 1 : i32
    %dma_start3A_1073 = arith.constant 1 : i32
    %dma_start3A_1074 = arith.constant 128 : i32
    %dma_start3A_1075 = arith.constant 0 : i32
    %dma_start3A_1076 = tpu.memref_slice %arg6[%dma_start3A_1073, %dma_start3A_1074, %dma_start3A_1075] : memref<2x256x64xf32, #tpu.memory_space<vmem>> -> memref<1x128x64xf32, #tpu.memory_space<vmem>>
    %dma_start3A_1077 = tpu.memref_squeeze %dma_start3A_1076 : memref<1x128x64xf32, #tpu.memory_space<vmem>> -> memref<128x64xf32, #tpu.memory_space<vmem>>
    %dma_start3A_1078 = arith.constant 0 : i32
    %dma_start3A_1079 = tpu.memref_slice %arg5[%dma_start3A_1070, %dma_start3A_1071, %dma_start3A_1072, %dma_start3A_1078] : memref<4x3x2x128xi32, #tpu.memory_space<vmem>> -> memref<1x1x1x128xi32, #tpu.memory_space<vmem>>
    %dma_start3A_1080 = tpu.memref_squeeze %dma_start3A_1079 : memref<1x1x1x128xi32, #tpu.memory_space<vmem>> -> memref<128xi32, #tpu.memory_space<vmem>>
    %dma_start3A_1081 = arith.constant 0 : i32
    %dma_start3A_1082 = arith.constant 0 : i32
    %dma_start3A_1083 = tpu.memref_slice %arg2[%dma_start3A_1081, %dma_start3A_1082] : memref<1000000x64xf32, #tpu.memory_space<hbm>> -> memref<1000000x64xf32, #tpu.memory_space<hbm>>
    tpu.enqueue_indirect_dma source(%dma_start3A_1083 : memref<1000000x64xf32, #tpu.memory_space<hbm>>) target(%dma_start3A_1077 : memref<128x64xf32, #tpu.memory_space<vmem>>) offsets(%dma_start3A_1080 : memref<128xi32, #tpu.memory_space<vmem>>) semaphore(%arg12 : memref<!tpu.dma_semaphore, #tpu.memory_space<semaphore_mem>>)
    %dma_wait3A_1084 = arith.constant 0 : i32
    %dma_wait3A_1085 = arith.constant 0 : i32
    %dma_wait3A_1086 = arith.constant 0 : i32
    %dma_wait3A_1087 = arith.constant 0 : i32
    %dma_wait3A_1088 = arith.constant 0 : i32
    %dma_wait3A_1089 = arith.constant 0 : i32
    %dma_wait3A_1090 = tpu.memref_slice %arg6[%dma_wait3A_1087, %dma_wait3A_1088, %dma_wait3A_1089] : memref<2x256x64xf32, #tpu.memory_space<vmem>> -> memref<1x128x64xf32, #tpu.memory_space<vmem>>
    %dma_wait3A_1091 = tpu.memref_squeeze %dma_wait3A_1090 : memref<1x128x64xf32, #tpu.memory_space<vmem>> -> memref<128x64xf32, #tpu.memory_space<vmem>>
    %dma_wait3A_1092 = arith.constant 0 : i32
    %dma_wait3A_1093 = tpu.memref_slice %arg5[%dma_wait3A_1084, %dma_wait3A_1085, %dma_wait3A_1086, %dma_wait3A_1092] : memref<4x3x2x128xi32, #tpu.memory_space<vmem>> -> memref<1x1x1x128xi32, #tpu.memory_space<vmem>>
    %dma_wait3A_1094 = tpu.memref_squeeze %dma_wait3A_1093 : memref<1x1x1x128xi32, #tpu.memory_space<vmem>> -> memref<128xi32, #tpu.memory_space<vmem>>
    %dma_wait3A_1095 = arith.constant 0 : i32
    %dma_wait3A_1096 = arith.constant 0 : i32
    %dma_wait3A_1097 = tpu.memref_slice %arg2[%dma_wait3A_1095, %dma_wait3A_1096] : memref<1000000x64xf32, #tpu.memory_space<hbm>> -> memref<1000000x64xf32, #tpu.memory_space<hbm>>
    tpu.wait_indirect_dma semaphore(%arg11 : memref<!tpu.dma_semaphore, #tpu.memory_space<semaphore_mem>>) src(%dma_wait3A_1097 : memref<1000000x64xf32, #tpu.memory_space<hbm>>) dst(%dma_wait3A_1091 : memref<128x64xf32, #tpu.memory_space<vmem>>)
    %dma_wait3A_1098 = arith.constant 0 : i32
    %dma_wait3A_1099 = arith.constant 0 : i32
    %dma_wait3A_1100 = arith.constant 1 : i32
    %dma_wait3A_1101 = arith.constant 0 : i32
    %dma_wait3A_1102 = arith.constant 128 : i32
    %dma_wait3A_1103 = arith.constant 0 : i32
    %dma_wait3A_1104 = tpu.memref_slice %arg6[%dma_wait3A_1101, %dma_wait3A_1102, %dma_wait3A_1103] : memref<2x256x64xf32, #tpu.memory_space<vmem>> -> memref<1x128x64xf32, #tpu.memory_space<vmem>>
    %dma_wait3A_1105 = tpu.memref_squeeze %dma_wait3A_1104 : memref<1x128x64xf32, #tpu.memory_space<vmem>> -> memref<128x64xf32, #tpu.memory_space<vmem>>
    %dma_wait3A_1106 = arith.constant 0 : i32
    %dma_wait3A_1107 = tpu.memref_slice %arg5[%dma_wait3A_1098, %dma_wait3A_1099, %dma_wait3A_1100, %dma_wait3A_1106] : memref<4x3x2x128xi32, #tpu.memory_space<vmem>> -> memref<1x1x1x128xi32, #tpu.memory_space<vmem>>
    %dma_wait3A_1108 = tpu.memref_squeeze %dma_wait3A_1107 : memref<1x1x1x128xi32, #tpu.memory_space<vmem>> -> memref<128xi32, #tpu.memory_space<vmem>>
    %dma_wait3A_1109 = arith.constant 0 : i32
    %dma_wait3A_1110 = arith.constant 0 : i32
    %dma_wait3A_1111 = tpu.memref_slice %arg2[%dma_wait3A_1109, %dma_wait3A_1110] : memref<1000000x64xf32, #tpu.memory_space<hbm>> -> memref<1000000x64xf32, #tpu.memory_space<hbm>>
    tpu.wait_indirect_dma semaphore(%arg11 : memref<!tpu.dma_semaphore, #tpu.memory_space<semaphore_mem>>) src(%dma_wait3A_1111 : memref<1000000x64xf32, #tpu.memory_space<hbm>>) dst(%dma_wait3A_1105 : memref<128x64xf32, #tpu.memory_space<vmem>>)
    %dma_start3A_1112 = arith.constant 0 : i32
    %dma_start3A_1113 = arith.constant 1 : i32
    %dma_start3A_1114 = arith.constant 0 : i32
    %dma_start3A_1115 = arith.constant 0 : i32
    %dma_start3A_1116 = arith.constant 0 : i32
    %dma_start3A_1117 = arith.constant 0 : i32
    %dma_start3A_1118 = tpu.memref_slice %arg6[%dma_start3A_1115, %dma_start3A_1116, %dma_start3A_1117] : memref<2x256x64xf32, #tpu.memory_space<vmem>> -> memref<1x128x64xf32, #tpu.memory_space<vmem>>
    %dma_start3A_1119 = tpu.memref_squeeze %dma_start3A_1118 : memref<1x128x64xf32, #tpu.memory_space<vmem>> -> memref<128x64xf32, #tpu.memory_space<vmem>>
    %dma_start3A_1120 = arith.constant 0 : i32
    %dma_start3A_1121 = tpu.memref_slice %arg5[%dma_start3A_1112, %dma_start3A_1113, %dma_start3A_1114, %dma_start3A_1120] : memref<4x3x2x128xi32, #tpu.memory_space<vmem>> -> memref<1x1x1x128xi32, #tpu.memory_space<vmem>>
    %dma_start3A_1122 = tpu.memref_squeeze %dma_start3A_1121 : memref<1x1x1x128xi32, #tpu.memory_space<vmem>> -> memref<128xi32, #tpu.memory_space<vmem>>
    %dma_start3A_1123 = arith.constant 0 : i32
    %dma_start3A_1124 = arith.constant 0 : i32
    %dma_start3A_1125 = tpu.memref_slice %arg2[%dma_start3A_1123, %dma_start3A_1124] : memref<1000000x64xf32, #tpu.memory_space<hbm>> -> memref<1000000x64xf32, #tpu.memory_space<hbm>>
    tpu.enqueue_indirect_dma source(%dma_start3A_1125 : memref<1000000x64xf32, #tpu.memory_space<hbm>>) target(%dma_start3A_1119 : memref<128x64xf32, #tpu.memory_space<vmem>>) offsets(%dma_start3A_1122 : memref<128xi32, #tpu.memory_space<vmem>>) semaphore(%arg13 : memref<!tpu.dma_semaphore, #tpu.memory_space<semaphore_mem>>) {add = true}
    %dma_start3A_1126 = arith.constant 0 : i32
    %dma_start3A_1127 = arith.constant 1 : i32
    %dma_start3A_1128 = arith.constant 1 : i32
    %dma_start3A_1129 = arith.constant 0 : i32
    %dma_start3A_1130 = arith.constant 128 : i32
    %dma_start3A_1131 = arith.constant 0 : i32
    %dma_start3A_1132 = tpu.memref_slice %arg6[%dma_start3A_1129, %dma_start3A_1130, %dma_start3A_1131] : memref<2x256x64xf32, #tpu.memory_space<vmem>> -> memref<1x128x64xf32, #tpu.memory_space<vmem>>
    %dma_start3A_1133 = tpu.memref_squeeze %dma_start3A_1132 : memref<1x128x64xf32, #tpu.memory_space<vmem>> -> memref<128x64xf32, #tpu.memory_space<vmem>>
    %dma_start3A_1134 = arith.constant 0 : i32
    %dma_start3A_1135 = tpu.memref_slice %arg5[%dma_start3A_1126, %dma_start3A_1127, %dma_start3A_1128, %dma_start3A_1134] : memref<4x3x2x128xi32, #tpu.memory_space<vmem>> -> memref<1x1x1x128xi32, #tpu.memory_space<vmem>>
    %dma_start3A_1136 = tpu.memref_squeeze %dma_start3A_1135 : memref<1x1x1x128xi32, #tpu.memory_space<vmem>> -> memref<128xi32, #tpu.memory_space<vmem>>
    %dma_start3A_1137 = arith.constant 0 : i32
    %dma_start3A_1138 = arith.constant 0 : i32
    %dma_start3A_1139 = tpu.memref_slice %arg2[%dma_start3A_1137, %dma_start3A_1138] : memref<1000000x64xf32, #tpu.memory_space<hbm>> -> memref<1000000x64xf32, #tpu.memory_space<hbm>>
    tpu.enqueue_indirect_dma source(%dma_start3A_1139 : memref<1000000x64xf32, #tpu.memory_space<hbm>>) target(%dma_start3A_1133 : memref<128x64xf32, #tpu.memory_space<vmem>>) offsets(%dma_start3A_1136 : memref<128xi32, #tpu.memory_space<vmem>>) semaphore(%arg13 : memref<!tpu.dma_semaphore, #tpu.memory_space<semaphore_mem>>) {add = true}
    %dma_start3A_1140 = arith.constant 0 : i32
    %dma_start3A_1141 = arith.constant 2 : i32
    %dma_start3A_1142 = arith.constant 0 : i32
    %dma_start3A_1143 = arith.constant 0 : i32
    %dma_start3A_1144 = arith.constant 0 : i32
    %dma_start3A_1145 = arith.constant 0 : i32
    %dma_start3A_1146 = tpu.memref_slice %arg6[%dma_start3A_1143, %dma_start3A_1144, %dma_start3A_1145] : memref<2x256x64xf32, #tpu.memory_space<vmem>> -> memref<1x128x64xf32, #tpu.memory_space<vmem>>
    %dma_start3A_1147 = tpu.memref_squeeze %dma_start3A_1146 : memref<1x128x64xf32, #tpu.memory_space<vmem>> -> memref<128x64xf32, #tpu.memory_space<vmem>>
    %dma_start3A_1148 = arith.constant 0 : i32
    %dma_start3A_1149 = tpu.memref_slice %arg5[%dma_start3A_1140, %dma_start3A_1141, %dma_start3A_1142, %dma_start3A_1148] : memref<4x3x2x128xi32, #tpu.memory_space<vmem>> -> memref<1x1x1x128xi32, #tpu.memory_space<vmem>>
    %dma_start3A_1150 = tpu.memref_squeeze %dma_start3A_1149 : memref<1x1x1x128xi32, #tpu.memory_space<vmem>> -> memref<128xi32, #tpu.memory_space<vmem>>
    %dma_start3A_1151 = arith.constant 0 : i32
    %dma_start3A_1152 = arith.constant 0 : i32
    %dma_start3A_1153 = tpu.memref_slice %arg2[%dma_start3A_1151, %dma_start3A_1152] : memref<1000000x64xf32, #tpu.memory_space<hbm>> -> memref<1000000x64xf32, #tpu.memory_space<hbm>>
    tpu.enqueue_indirect_dma source(%dma_start3A_1153 : memref<1000000x64xf32, #tpu.memory_space<hbm>>) target(%dma_start3A_1147 : memref<128x64xf32, #tpu.memory_space<vmem>>) offsets(%dma_start3A_1150 : memref<128xi32, #tpu.memory_space<vmem>>) semaphore(%arg13 : memref<!tpu.dma_semaphore, #tpu.memory_space<semaphore_mem>>) {add = true}
    %dma_start3A_1154 = arith.constant 0 : i32
    %dma_start3A_1155 = arith.constant 2 : i32
    %dma_start3A_1156 = arith.constant 1 : i32
    %dma_start3A_1157 = arith.constant 0 : i32
    %dma_start3A_1158 = arith.constant 128 : i32
    %dma_start3A_1159 = arith.constant 0 : i32
    %dma_start3A_1160 = tpu.memref_slice %arg6[%dma_start3A_1157, %dma_start3A_1158, %dma_start3A_1159] : memref<2x256x64xf32, #tpu.memory_space<vmem>> -> memref<1x128x64xf32, #tpu.memory_space<vmem>>
    %dma_start3A_1161 = tpu.memref_squeeze %dma_start3A_1160 : memref<1x128x64xf32, #tpu.memory_space<vmem>> -> memref<128x64xf32, #tpu.memory_space<vmem>>
    %dma_start3A_1162 = arith.constant 0 : i32
    %dma_start3A_1163 = tpu.memref_slice %arg5[%dma_start3A_1154, %dma_start3A_1155, %dma_start3A_1156, %dma_start3A_1162] : memref<4x3x2x128xi32, #tpu.memory_space<vmem>> -> memref<1x1x1x128xi32, #tpu.memory_space<vmem>>
    %dma_start3A_1164 = tpu.memref_squeeze %dma_start3A_1163 : memref<1x1x1x128xi32, #tpu.memory_space<vmem>> -> memref<128xi32, #tpu.memory_space<vmem>>
    %dma_start3A_1165 = arith.constant 0 : i32
    %dma_start3A_1166 = arith.constant 0 : i32
    %dma_start3A_1167 = tpu.memref_slice %arg2[%dma_start3A_1165, %dma_start3A_1166] : memref<1000000x64xf32, #tpu.memory_space<hbm>> -> memref<1000000x64xf32, #tpu.memory_space<hbm>>
    tpu.enqueue_indirect_dma source(%dma_start3A_1167 : memref<1000000x64xf32, #tpu.memory_space<hbm>>) target(%dma_start3A_1161 : memref<128x64xf32, #tpu.memory_space<vmem>>) offsets(%dma_start3A_1164 : memref<128xi32, #tpu.memory_space<vmem>>) semaphore(%arg13 : memref<!tpu.dma_semaphore, #tpu.memory_space<semaphore_mem>>) {add = true}
    %add3A_1168 = arith.constant 196 : i32
    %add3A_1169 = arith.addi %mul3A_2, %add3A_1168 : i32
    %dma_start3A_1170 = arith.constant 2 : i32
    %dma_start3A_1171 = arith.constant 0 : i32
    %dma_start3A_1172 = arith.constant 0 : i32
    %dma_start3A_1173 = arith.constant 0 : i32
    %dma_start3A_1174 = tpu.memref_slice %arg5[%dma_start3A_1170, %dma_start3A_1171, %dma_start3A_1172, %dma_start3A_1173] : memref<4x3x2x128xi32, #tpu.memory_space<vmem>> -> memref<1x3x2x128xi32, #tpu.memory_space<vmem>>
    %dma_start3A_1175 = tpu.memref_squeeze %dma_start3A_1174 : memref<1x3x2x128xi32, #tpu.memory_space<vmem>> -> memref<3x2x128xi32, #tpu.memory_space<vmem>>
    %dma_start3A_1176 = arith.constant 0 : i32
    %dma_start3A_1177 = arith.constant 0 : i32
    %dma_start3A_1178 = tpu.memref_slice %arg3[%dma_start3A_1176, %add3A_1169, %dma_start3A_1177] : memref<3x6400x128xi32, #tpu.memory_space<hbm>> -> memref<3x2x128xi32, #tpu.memory_space<hbm>>
    %dma_start3A_1179 = arith.constant 0 : i32
    %dma_start3A_1180 = arith.constant 0 : i32
    %dma_start3A_1181 = arith.constant 0 : i32
    %dma_start3A_1182 = tpu.memref_slice %arg5[%dma_start3A_1170, %dma_start3A_1179, %dma_start3A_1180, %dma_start3A_1181] : memref<4x3x2x128xi32, #tpu.memory_space<vmem>> -> memref<1x3x2x128xi32, #tpu.memory_space<vmem>>
    %dma_start3A_1183 = tpu.memref_squeeze %dma_start3A_1182 : memref<1x3x2x128xi32, #tpu.memory_space<vmem>> -> memref<3x2x128xi32, #tpu.memory_space<vmem>>
    %dma_start3A_1184 = arith.constant 0 : i32
    %dma_start3A_1185 = arith.constant 0 : i32
    %dma_start3A_1186 = tpu.memref_slice %arg3[%dma_start3A_1184, %add3A_1169, %dma_start3A_1185] : memref<3x6400x128xi32, #tpu.memory_space<hbm>> -> memref<3x2x128xi32, #tpu.memory_space<hbm>>
    tpu.enqueue_dma source(%dma_start3A_1186 : memref<3x2x128xi32, #tpu.memory_space<hbm>>) target(%dma_start3A_1183 : memref<3x2x128xi32, #tpu.memory_space<vmem>>) target_semaphore(%arg9 : memref<!tpu.dma_semaphore, #tpu.memory_space<semaphore_mem>>)
    %dma_wait3A_1187 = arith.constant 0 : i32
    %dma_wait3A_1188 = arith.constant 1 : i32
    %dma_wait3A_1189 = arith.constant 0 : i32
    %dma_wait3A_1190 = arith.constant 0 : i32
    %dma_wait3A_1191 = arith.constant 0 : i32
    %dma_wait3A_1192 = arith.constant 0 : i32
    %dma_wait3A_1193 = tpu.memref_slice %arg6[%dma_wait3A_1190, %dma_wait3A_1191, %dma_wait3A_1192] : memref<2x256x64xf32, #tpu.memory_space<vmem>> -> memref<1x128x64xf32, #tpu.memory_space<vmem>>
    %dma_wait3A_1194 = tpu.memref_squeeze %dma_wait3A_1193 : memref<1x128x64xf32, #tpu.memory_space<vmem>> -> memref<128x64xf32, #tpu.memory_space<vmem>>
    %dma_wait3A_1195 = arith.constant 0 : i32
    %dma_wait3A_1196 = tpu.memref_slice %arg5[%dma_wait3A_1187, %dma_wait3A_1188, %dma_wait3A_1189, %dma_wait3A_1195] : memref<4x3x2x128xi32, #tpu.memory_space<vmem>> -> memref<1x1x1x128xi32, #tpu.memory_space<vmem>>
    %dma_wait3A_1197 = tpu.memref_squeeze %dma_wait3A_1196 : memref<1x1x1x128xi32, #tpu.memory_space<vmem>> -> memref<128xi32, #tpu.memory_space<vmem>>
    %dma_wait3A_1198 = arith.constant 0 : i32
    %dma_wait3A_1199 = arith.constant 0 : i32
    %dma_wait3A_1200 = tpu.memref_slice %arg2[%dma_wait3A_1198, %dma_wait3A_1199] : memref<1000000x64xf32, #tpu.memory_space<hbm>> -> memref<1000000x64xf32, #tpu.memory_space<hbm>>
    tpu.wait_indirect_dma semaphore(%arg13 : memref<!tpu.dma_semaphore, #tpu.memory_space<semaphore_mem>>) src(%dma_wait3A_1200 : memref<1000000x64xf32, #tpu.memory_space<hbm>>) dst(%dma_wait3A_1194 : memref<128x64xf32, #tpu.memory_space<vmem>>)
    %dma_wait3A_1201 = arith.constant 0 : i32
    %dma_wait3A_1202 = arith.constant 1 : i32
    %dma_wait3A_1203 = arith.constant 1 : i32
    %dma_wait3A_1204 = arith.constant 0 : i32
    %dma_wait3A_1205 = arith.constant 128 : i32
    %dma_wait3A_1206 = arith.constant 0 : i32
    %dma_wait3A_1207 = tpu.memref_slice %arg6[%dma_wait3A_1204, %dma_wait3A_1205, %dma_wait3A_1206] : memref<2x256x64xf32, #tpu.memory_space<vmem>> -> memref<1x128x64xf32, #tpu.memory_space<vmem>>
    %dma_wait3A_1208 = tpu.memref_squeeze %dma_wait3A_1207 : memref<1x128x64xf32, #tpu.memory_space<vmem>> -> memref<128x64xf32, #tpu.memory_space<vmem>>
    %dma_wait3A_1209 = arith.constant 0 : i32
    %dma_wait3A_1210 = tpu.memref_slice %arg5[%dma_wait3A_1201, %dma_wait3A_1202, %dma_wait3A_1203, %dma_wait3A_1209] : memref<4x3x2x128xi32, #tpu.memory_space<vmem>> -> memref<1x1x1x128xi32, #tpu.memory_space<vmem>>
    %dma_wait3A_1211 = tpu.memref_squeeze %dma_wait3A_1210 : memref<1x1x1x128xi32, #tpu.memory_space<vmem>> -> memref<128xi32, #tpu.memory_space<vmem>>
    %dma_wait3A_1212 = arith.constant 0 : i32
    %dma_wait3A_1213 = arith.constant 0 : i32
    %dma_wait3A_1214 = tpu.memref_slice %arg2[%dma_wait3A_1212, %dma_wait3A_1213] : memref<1000000x64xf32, #tpu.memory_space<hbm>> -> memref<1000000x64xf32, #tpu.memory_space<hbm>>
    tpu.wait_indirect_dma semaphore(%arg13 : memref<!tpu.dma_semaphore, #tpu.memory_space<semaphore_mem>>) src(%dma_wait3A_1214 : memref<1000000x64xf32, #tpu.memory_space<hbm>>) dst(%dma_wait3A_1208 : memref<128x64xf32, #tpu.memory_space<vmem>>)
    %dma_wait3A_1215 = arith.constant 0 : i32
    %dma_wait3A_1216 = arith.constant 2 : i32
    %dma_wait3A_1217 = arith.constant 0 : i32
    %dma_wait3A_1218 = arith.constant 0 : i32
    %dma_wait3A_1219 = arith.constant 0 : i32
    %dma_wait3A_1220 = arith.constant 0 : i32
    %dma_wait3A_1221 = tpu.memref_slice %arg6[%dma_wait3A_1218, %dma_wait3A_1219, %dma_wait3A_1220] : memref<2x256x64xf32, #tpu.memory_space<vmem>> -> memref<1x128x64xf32, #tpu.memory_space<vmem>>
    %dma_wait3A_1222 = tpu.memref_squeeze %dma_wait3A_1221 : memref<1x128x64xf32, #tpu.memory_space<vmem>> -> memref<128x64xf32, #tpu.memory_space<vmem>>
    %dma_wait3A_1223 = arith.constant 0 : i32
    %dma_wait3A_1224 = tpu.memref_slice %arg5[%dma_wait3A_1215, %dma_wait3A_1216, %dma_wait3A_1217, %dma_wait3A_1223] : memref<4x3x2x128xi32, #tpu.memory_space<vmem>> -> memref<1x1x1x128xi32, #tpu.memory_space<vmem>>
    %dma_wait3A_1225 = tpu.memref_squeeze %dma_wait3A_1224 : memref<1x1x1x128xi32, #tpu.memory_space<vmem>> -> memref<128xi32, #tpu.memory_space<vmem>>
    %dma_wait3A_1226 = arith.constant 0 : i32
    %dma_wait3A_1227 = arith.constant 0 : i32
    %dma_wait3A_1228 = tpu.memref_slice %arg2[%dma_wait3A_1226, %dma_wait3A_1227] : memref<1000000x64xf32, #tpu.memory_space<hbm>> -> memref<1000000x64xf32, #tpu.memory_space<hbm>>
    tpu.wait_indirect_dma semaphore(%arg13 : memref<!tpu.dma_semaphore, #tpu.memory_space<semaphore_mem>>) src(%dma_wait3A_1228 : memref<1000000x64xf32, #tpu.memory_space<hbm>>) dst(%dma_wait3A_1222 : memref<128x64xf32, #tpu.memory_space<vmem>>)
    %dma_wait3A_1229 = arith.constant 0 : i32
    %dma_wait3A_1230 = arith.constant 2 : i32
    %dma_wait3A_1231 = arith.constant 1 : i32
    %dma_wait3A_1232 = arith.constant 0 : i32
    %dma_wait3A_1233 = arith.constant 128 : i32
    %dma_wait3A_1234 = arith.constant 0 : i32
    %dma_wait3A_1235 = tpu.memref_slice %arg6[%dma_wait3A_1232, %dma_wait3A_1233, %dma_wait3A_1234] : memref<2x256x64xf32, #tpu.memory_space<vmem>> -> memref<1x128x64xf32, #tpu.memory_space<vmem>>
    %dma_wait3A_1236 = tpu.memref_squeeze %dma_wait3A_1235 : memref<1x128x64xf32, #tpu.memory_space<vmem>> -> memref<128x64xf32, #tpu.memory_space<vmem>>
    %dma_wait3A_1237 = arith.constant 0 : i32
    %dma_wait3A_1238 = tpu.memref_slice %arg5[%dma_wait3A_1229, %dma_wait3A_1230, %dma_wait3A_1231, %dma_wait3A_1237] : memref<4x3x2x128xi32, #tpu.memory_space<vmem>> -> memref<1x1x1x128xi32, #tpu.memory_space<vmem>>
    %dma_wait3A_1239 = tpu.memref_squeeze %dma_wait3A_1238 : memref<1x1x1x128xi32, #tpu.memory_space<vmem>> -> memref<128xi32, #tpu.memory_space<vmem>>
    %dma_wait3A_1240 = arith.constant 0 : i32
    %dma_wait3A_1241 = arith.constant 0 : i32
    %dma_wait3A_1242 = tpu.memref_slice %arg2[%dma_wait3A_1240, %dma_wait3A_1241] : memref<1000000x64xf32, #tpu.memory_space<hbm>> -> memref<1000000x64xf32, #tpu.memory_space<hbm>>
    tpu.wait_indirect_dma semaphore(%arg13 : memref<!tpu.dma_semaphore, #tpu.memory_space<semaphore_mem>>) src(%dma_wait3A_1242 : memref<1000000x64xf32, #tpu.memory_space<hbm>>) dst(%dma_wait3A_1236 : memref<128x64xf32, #tpu.memory_space<vmem>>)
    %add3A_1243 = arith.constant 24576 : i32
    %add3A_1244 = arith.addi %mul3A_4, %add3A_1243 : i32
    %dma_start3A_1245 = arith.constant 0 : i32
    %dma_start3A_1246 = arith.constant 0 : i32
    %dma_start3A_1247 = arith.constant 0 : i32
    %dma_start3A_1248 = tpu.memref_slice %arg6[%dma_start3A_1245, %dma_start3A_1246, %dma_start3A_1247] : memref<2x256x64xf32, #tpu.memory_space<vmem>> -> memref<1x256x64xf32, #tpu.memory_space<vmem>>
    %dma_start3A_1249 = tpu.memref_squeeze %dma_start3A_1248 : memref<1x256x64xf32, #tpu.memory_space<vmem>> -> memref<256x64xf32, #tpu.memory_space<vmem>>
    %dma_start3A_1250 = arith.constant 0 : i32
    %dma_start3A_1251 = tpu.memref_slice %arg4[%add3A_1244, %dma_start3A_1250] : memref<819200x64xf32, #tpu.memory_space<hbm>> -> memref<256x64xf32, #tpu.memory_space<hbm>>
    %dma_start3A_1252 = arith.constant 0 : i32
    %dma_start3A_1253 = tpu.memref_slice %arg4[%add3A_1244, %dma_start3A_1252] : memref<819200x64xf32, #tpu.memory_space<hbm>> -> memref<256x64xf32, #tpu.memory_space<hbm>>
    %dma_start3A_1254 = arith.constant 0 : i32
    %dma_start3A_1255 = arith.constant 0 : i32
    %dma_start3A_1256 = tpu.memref_slice %arg6[%dma_start3A_1245, %dma_start3A_1254, %dma_start3A_1255] : memref<2x256x64xf32, #tpu.memory_space<vmem>> -> memref<1x256x64xf32, #tpu.memory_space<vmem>>
    %dma_start3A_1257 = tpu.memref_squeeze %dma_start3A_1256 : memref<1x256x64xf32, #tpu.memory_space<vmem>> -> memref<256x64xf32, #tpu.memory_space<vmem>>
    tpu.enqueue_dma source(%dma_start3A_1257 : memref<256x64xf32, #tpu.memory_space<vmem>>) target(%dma_start3A_1253 : memref<256x64xf32, #tpu.memory_space<hbm>>) target_semaphore(%arg15 : memref<!tpu.dma_semaphore, #tpu.memory_space<semaphore_mem>>)
    %add3A_1258 = arith.constant 24576 : i32
    %add3A_1259 = arith.addi %mul3A_4, %add3A_1258 : i32
    %dma_wait3A_1260 = arith.constant 0 : i32
    %dma_wait3A_1261 = arith.constant 0 : i32
    %dma_wait3A_1262 = arith.constant 0 : i32
    %dma_wait3A_1263 = tpu.memref_slice %arg6[%dma_wait3A_1260, %dma_wait3A_1261, %dma_wait3A_1262] : memref<2x256x64xf32, #tpu.memory_space<vmem>> -> memref<1x256x64xf32, #tpu.memory_space<vmem>>
    %dma_wait3A_1264 = tpu.memref_squeeze %dma_wait3A_1263 : memref<1x256x64xf32, #tpu.memory_space<vmem>> -> memref<256x64xf32, #tpu.memory_space<vmem>>
    %dma_wait3A_1265 = arith.constant 0 : i32
    %dma_wait3A_1266 = tpu.memref_slice %arg4[%add3A_1259, %dma_wait3A_1265] : memref<819200x64xf32, #tpu.memory_space<hbm>> -> memref<256x64xf32, #tpu.memory_space<hbm>>
    %dma_wait3A_1267 = arith.constant 0 : i32
    %dma_wait3A_1268 = tpu.memref_slice %arg4[%add3A_1259, %dma_wait3A_1267] : memref<819200x64xf32, #tpu.memory_space<hbm>> -> memref<256x64xf32, #tpu.memory_space<hbm>>
    %dma_wait3A_1269 = arith.constant 0 : i32
    %dma_wait3A_1270 = arith.constant 0 : i32
    %dma_wait3A_1271 = tpu.memref_slice %arg6[%dma_wait3A_1260, %dma_wait3A_1269, %dma_wait3A_1270] : memref<2x256x64xf32, #tpu.memory_space<vmem>> -> memref<1x256x64xf32, #tpu.memory_space<vmem>>
    %dma_wait3A_1272 = tpu.memref_squeeze %dma_wait3A_1271 : memref<1x256x64xf32, #tpu.memory_space<vmem>> -> memref<256x64xf32, #tpu.memory_space<vmem>>
    tpu.wait_dma2 semaphore(%arg15 : memref<!tpu.dma_semaphore, #tpu.memory_space<semaphore_mem>>) src(%dma_wait3A_1272 : memref<256x64xf32, #tpu.memory_space<vmem>>) dst(%dma_wait3A_1268 : memref<256x64xf32, #tpu.memory_space<hbm>>)
    %add3A_1273 = arith.constant 196 : i32
    %add3A_1274 = arith.addi %mul3A_2, %add3A_1273 : i32
    %dma_wait3A_1275 = arith.constant 2 : i32
    %dma_wait3A_1276 = arith.constant 0 : i32
    %dma_wait3A_1277 = arith.constant 0 : i32
    %dma_wait3A_1278 = arith.constant 0 : i32
    %dma_wait3A_1279 = tpu.memref_slice %arg5[%dma_wait3A_1275, %dma_wait3A_1276, %dma_wait3A_1277, %dma_wait3A_1278] : memref<4x3x2x128xi32, #tpu.memory_space<vmem>> -> memref<1x3x2x128xi32, #tpu.memory_space<vmem>>
    %dma_wait3A_1280 = tpu.memref_squeeze %dma_wait3A_1279 : memref<1x3x2x128xi32, #tpu.memory_space<vmem>> -> memref<3x2x128xi32, #tpu.memory_space<vmem>>
    %dma_wait3A_1281 = arith.constant 0 : i32
    %dma_wait3A_1282 = arith.constant 0 : i32
    %dma_wait3A_1283 = tpu.memref_slice %arg3[%dma_wait3A_1281, %add3A_1274, %dma_wait3A_1282] : memref<3x6400x128xi32, #tpu.memory_space<hbm>> -> memref<3x2x128xi32, #tpu.memory_space<hbm>>
    %dma_wait3A_1284 = arith.constant 0 : i32
    %dma_wait3A_1285 = arith.constant 0 : i32
    %dma_wait3A_1286 = arith.constant 0 : i32
    %dma_wait3A_1287 = tpu.memref_slice %arg5[%dma_wait3A_1275, %dma_wait3A_1284, %dma_wait3A_1285, %dma_wait3A_1286] : memref<4x3x2x128xi32, #tpu.memory_space<vmem>> -> memref<1x3x2x128xi32, #tpu.memory_space<vmem>>
    %dma_wait3A_1288 = tpu.memref_squeeze %dma_wait3A_1287 : memref<1x3x2x128xi32, #tpu.memory_space<vmem>> -> memref<3x2x128xi32, #tpu.memory_space<vmem>>
    %dma_wait3A_1289 = arith.constant 0 : i32
    %dma_wait3A_1290 = arith.constant 0 : i32
    %dma_wait3A_1291 = tpu.memref_slice %arg3[%dma_wait3A_1289, %add3A_1274, %dma_wait3A_1290] : memref<3x6400x128xi32, #tpu.memory_space<hbm>> -> memref<3x2x128xi32, #tpu.memory_space<hbm>>
    tpu.wait_dma2 semaphore(%arg9 : memref<!tpu.dma_semaphore, #tpu.memory_space<semaphore_mem>>) src(%dma_wait3A_1291 : memref<3x2x128xi32, #tpu.memory_space<hbm>>) dst(%dma_wait3A_1288 : memref<3x2x128xi32, #tpu.memory_space<vmem>>)
    %dma_start3A_1292 = arith.constant 2 : i32
    %dma_start3A_1293 = arith.constant 0 : i32
    %dma_start3A_1294 = arith.constant 0 : i32
    %dma_start3A_1295 = arith.constant 0 : i32
    %dma_start3A_1296 = arith.constant 0 : i32
    %dma_start3A_1297 = arith.constant 0 : i32
    %dma_start3A_1298 = tpu.memref_slice %arg6[%dma_start3A_1295, %dma_start3A_1296, %dma_start3A_1297] : memref<2x256x64xf32, #tpu.memory_space<vmem>> -> memref<1x128x64xf32, #tpu.memory_space<vmem>>
    %dma_start3A_1299 = tpu.memref_squeeze %dma_start3A_1298 : memref<1x128x64xf32, #tpu.memory_space<vmem>> -> memref<128x64xf32, #tpu.memory_space<vmem>>
    %dma_start3A_1300 = arith.constant 0 : i32
    %dma_start3A_1301 = tpu.memref_slice %arg5[%dma_start3A_1292, %dma_start3A_1293, %dma_start3A_1294, %dma_start3A_1300] : memref<4x3x2x128xi32, #tpu.memory_space<vmem>> -> memref<1x1x1x128xi32, #tpu.memory_space<vmem>>
    %dma_start3A_1302 = tpu.memref_squeeze %dma_start3A_1301 : memref<1x1x1x128xi32, #tpu.memory_space<vmem>> -> memref<128xi32, #tpu.memory_space<vmem>>
    %dma_start3A_1303 = arith.constant 0 : i32
    %dma_start3A_1304 = arith.constant 0 : i32
    %dma_start3A_1305 = tpu.memref_slice %arg2[%dma_start3A_1303, %dma_start3A_1304] : memref<1000000x64xf32, #tpu.memory_space<hbm>> -> memref<1000000x64xf32, #tpu.memory_space<hbm>>
    tpu.enqueue_indirect_dma source(%dma_start3A_1305 : memref<1000000x64xf32, #tpu.memory_space<hbm>>) target(%dma_start3A_1299 : memref<128x64xf32, #tpu.memory_space<vmem>>) offsets(%dma_start3A_1302 : memref<128xi32, #tpu.memory_space<vmem>>) semaphore(%arg11 : memref<!tpu.dma_semaphore, #tpu.memory_space<semaphore_mem>>)
    %dma_start3A_1306 = arith.constant 2 : i32
    %dma_start3A_1307 = arith.constant 0 : i32
    %dma_start3A_1308 = arith.constant 1 : i32
    %dma_start3A_1309 = arith.constant 0 : i32
    %dma_start3A_1310 = arith.constant 128 : i32
    %dma_start3A_1311 = arith.constant 0 : i32
    %dma_start3A_1312 = tpu.memref_slice %arg6[%dma_start3A_1309, %dma_start3A_1310, %dma_start3A_1311] : memref<2x256x64xf32, #tpu.memory_space<vmem>> -> memref<1x128x64xf32, #tpu.memory_space<vmem>>
    %dma_start3A_1313 = tpu.memref_squeeze %dma_start3A_1312 : memref<1x128x64xf32, #tpu.memory_space<vmem>> -> memref<128x64xf32, #tpu.memory_space<vmem>>
    %dma_start3A_1314 = arith.constant 0 : i32
    %dma_start3A_1315 = tpu.memref_slice %arg5[%dma_start3A_1306, %dma_start3A_1307, %dma_start3A_1308, %dma_start3A_1314] : memref<4x3x2x128xi32, #tpu.memory_space<vmem>> -> memref<1x1x1x128xi32, #tpu.memory_space<vmem>>
    %dma_start3A_1316 = tpu.memref_squeeze %dma_start3A_1315 : memref<1x1x1x128xi32, #tpu.memory_space<vmem>> -> memref<128xi32, #tpu.memory_space<vmem>>
    %dma_start3A_1317 = arith.constant 0 : i32
    %dma_start3A_1318 = arith.constant 0 : i32
    %dma_start3A_1319 = tpu.memref_slice %arg2[%dma_start3A_1317, %dma_start3A_1318] : memref<1000000x64xf32, #tpu.memory_space<hbm>> -> memref<1000000x64xf32, #tpu.memory_space<hbm>>
    tpu.enqueue_indirect_dma source(%dma_start3A_1319 : memref<1000000x64xf32, #tpu.memory_space<hbm>>) target(%dma_start3A_1313 : memref<128x64xf32, #tpu.memory_space<vmem>>) offsets(%dma_start3A_1316 : memref<128xi32, #tpu.memory_space<vmem>>) semaphore(%arg11 : memref<!tpu.dma_semaphore, #tpu.memory_space<semaphore_mem>>)
    %dma_wait3A_1320 = arith.constant 1 : i32
    %dma_wait3A_1321 = arith.constant 0 : i32
    %dma_wait3A_1322 = arith.constant 0 : i32
    %dma_wait3A_1323 = arith.constant 1 : i32
    %dma_wait3A_1324 = arith.constant 0 : i32
    %dma_wait3A_1325 = arith.constant 0 : i32
    %dma_wait3A_1326 = tpu.memref_slice %arg6[%dma_wait3A_1323, %dma_wait3A_1324, %dma_wait3A_1325] : memref<2x256x64xf32, #tpu.memory_space<vmem>> -> memref<1x128x64xf32, #tpu.memory_space<vmem>>
    %dma_wait3A_1327 = tpu.memref_squeeze %dma_wait3A_1326 : memref<1x128x64xf32, #tpu.memory_space<vmem>> -> memref<128x64xf32, #tpu.memory_space<vmem>>
    %dma_wait3A_1328 = arith.constant 0 : i32
    %dma_wait3A_1329 = tpu.memref_slice %arg5[%dma_wait3A_1320, %dma_wait3A_1321, %dma_wait3A_1322, %dma_wait3A_1328] : memref<4x3x2x128xi32, #tpu.memory_space<vmem>> -> memref<1x1x1x128xi32, #tpu.memory_space<vmem>>
    %dma_wait3A_1330 = tpu.memref_squeeze %dma_wait3A_1329 : memref<1x1x1x128xi32, #tpu.memory_space<vmem>> -> memref<128xi32, #tpu.memory_space<vmem>>
    %dma_wait3A_1331 = arith.constant 0 : i32
    %dma_wait3A_1332 = arith.constant 0 : i32
    %dma_wait3A_1333 = tpu.memref_slice %arg2[%dma_wait3A_1331, %dma_wait3A_1332] : memref<1000000x64xf32, #tpu.memory_space<hbm>> -> memref<1000000x64xf32, #tpu.memory_space<hbm>>
    tpu.wait_indirect_dma semaphore(%arg12 : memref<!tpu.dma_semaphore, #tpu.memory_space<semaphore_mem>>) src(%dma_wait3A_1333 : memref<1000000x64xf32, #tpu.memory_space<hbm>>) dst(%dma_wait3A_1327 : memref<128x64xf32, #tpu.memory_space<vmem>>)
    %dma_wait3A_1334 = arith.constant 1 : i32
    %dma_wait3A_1335 = arith.constant 0 : i32
    %dma_wait3A_1336 = arith.constant 1 : i32
    %dma_wait3A_1337 = arith.constant 1 : i32
    %dma_wait3A_1338 = arith.constant 128 : i32
    %dma_wait3A_1339 = arith.constant 0 : i32
    %dma_wait3A_1340 = tpu.memref_slice %arg6[%dma_wait3A_1337, %dma_wait3A_1338, %dma_wait3A_1339] : memref<2x256x64xf32, #tpu.memory_space<vmem>> -> memref<1x128x64xf32, #tpu.memory_space<vmem>>
    %dma_wait3A_1341 = tpu.memref_squeeze %dma_wait3A_1340 : memref<1x128x64xf32, #tpu.memory_space<vmem>> -> memref<128x64xf32, #tpu.memory_space<vmem>>
    %dma_wait3A_1342 = arith.constant 0 : i32
    %dma_wait3A_1343 = tpu.memref_slice %arg5[%dma_wait3A_1334, %dma_wait3A_1335, %dma_wait3A_1336, %dma_wait3A_1342] : memref<4x3x2x128xi32, #tpu.memory_space<vmem>> -> memref<1x1x1x128xi32, #tpu.memory_space<vmem>>
    %dma_wait3A_1344 = tpu.memref_squeeze %dma_wait3A_1343 : memref<1x1x1x128xi32, #tpu.memory_space<vmem>> -> memref<128xi32, #tpu.memory_space<vmem>>
    %dma_wait3A_1345 = arith.constant 0 : i32
    %dma_wait3A_1346 = arith.constant 0 : i32
    %dma_wait3A_1347 = tpu.memref_slice %arg2[%dma_wait3A_1345, %dma_wait3A_1346] : memref<1000000x64xf32, #tpu.memory_space<hbm>> -> memref<1000000x64xf32, #tpu.memory_space<hbm>>
    tpu.wait_indirect_dma semaphore(%arg12 : memref<!tpu.dma_semaphore, #tpu.memory_space<semaphore_mem>>) src(%dma_wait3A_1347 : memref<1000000x64xf32, #tpu.memory_space<hbm>>) dst(%dma_wait3A_1341 : memref<128x64xf32, #tpu.memory_space<vmem>>)
    %dma_start3A_1348 = arith.constant 1 : i32
    %dma_start3A_1349 = arith.constant 1 : i32
    %dma_start3A_1350 = arith.constant 0 : i32
    %dma_start3A_1351 = arith.constant 1 : i32
    %dma_start3A_1352 = arith.constant 0 : i32
    %dma_start3A_1353 = arith.constant 0 : i32
    %dma_start3A_1354 = tpu.memref_slice %arg6[%dma_start3A_1351, %dma_start3A_1352, %dma_start3A_1353] : memref<2x256x64xf32, #tpu.memory_space<vmem>> -> memref<1x128x64xf32, #tpu.memory_space<vmem>>
    %dma_start3A_1355 = tpu.memref_squeeze %dma_start3A_1354 : memref<1x128x64xf32, #tpu.memory_space<vmem>> -> memref<128x64xf32, #tpu.memory_space<vmem>>
    %dma_start3A_1356 = arith.constant 0 : i32
    %dma_start3A_1357 = tpu.memref_slice %arg5[%dma_start3A_1348, %dma_start3A_1349, %dma_start3A_1350, %dma_start3A_1356] : memref<4x3x2x128xi32, #tpu.memory_space<vmem>> -> memref<1x1x1x128xi32, #tpu.memory_space<vmem>>
    %dma_start3A_1358 = tpu.memref_squeeze %dma_start3A_1357 : memref<1x1x1x128xi32, #tpu.memory_space<vmem>> -> memref<128xi32, #tpu.memory_space<vmem>>
    %dma_start3A_1359 = arith.constant 0 : i32
    %dma_start3A_1360 = arith.constant 0 : i32
    %dma_start3A_1361 = tpu.memref_slice %arg2[%dma_start3A_1359, %dma_start3A_1360] : memref<1000000x64xf32, #tpu.memory_space<hbm>> -> memref<1000000x64xf32, #tpu.memory_space<hbm>>
    tpu.enqueue_indirect_dma source(%dma_start3A_1361 : memref<1000000x64xf32, #tpu.memory_space<hbm>>) target(%dma_start3A_1355 : memref<128x64xf32, #tpu.memory_space<vmem>>) offsets(%dma_start3A_1358 : memref<128xi32, #tpu.memory_space<vmem>>) semaphore(%arg14 : memref<!tpu.dma_semaphore, #tpu.memory_space<semaphore_mem>>) {add = true}
    %dma_start3A_1362 = arith.constant 1 : i32
    %dma_start3A_1363 = arith.constant 1 : i32
    %dma_start3A_1364 = arith.constant 1 : i32
    %dma_start3A_1365 = arith.constant 1 : i32
    %dma_start3A_1366 = arith.constant 128 : i32
    %dma_start3A_1367 = arith.constant 0 : i32
    %dma_start3A_1368 = tpu.memref_slice %arg6[%dma_start3A_1365, %dma_start3A_1366, %dma_start3A_1367] : memref<2x256x64xf32, #tpu.memory_space<vmem>> -> memref<1x128x64xf32, #tpu.memory_space<vmem>>
    %dma_start3A_1369 = tpu.memref_squeeze %dma_start3A_1368 : memref<1x128x64xf32, #tpu.memory_space<vmem>> -> memref<128x64xf32, #tpu.memory_space<vmem>>
    %dma_start3A_1370 = arith.constant 0 : i32
    %dma_start3A_1371 = tpu.memref_slice %arg5[%dma_start3A_1362, %dma_start3A_1363, %dma_start3A_1364, %dma_start3A_1370] : memref<4x3x2x128xi32, #tpu.memory_space<vmem>> -> memref<1x1x1x128xi32, #tpu.memory_space<vmem>>
    %dma_start3A_1372 = tpu.memref_squeeze %dma_start3A_1371 : memref<1x1x1x128xi32, #tpu.memory_space<vmem>> -> memref<128xi32, #tpu.memory_space<vmem>>
    %dma_start3A_1373 = arith.constant 0 : i32
    %dma_start3A_1374 = arith.constant 0 : i32
    %dma_start3A_1375 = tpu.memref_slice %arg2[%dma_start3A_1373, %dma_start3A_1374] : memref<1000000x64xf32, #tpu.memory_space<hbm>> -> memref<1000000x64xf32, #tpu.memory_space<hbm>>
    tpu.enqueue_indirect_dma source(%dma_start3A_1375 : memref<1000000x64xf32, #tpu.memory_space<hbm>>) target(%dma_start3A_1369 : memref<128x64xf32, #tpu.memory_space<vmem>>) offsets(%dma_start3A_1372 : memref<128xi32, #tpu.memory_space<vmem>>) semaphore(%arg14 : memref<!tpu.dma_semaphore, #tpu.memory_space<semaphore_mem>>) {add = true}
    %dma_start3A_1376 = arith.constant 1 : i32
    %dma_start3A_1377 = arith.constant 2 : i32
    %dma_start3A_1378 = arith.constant 0 : i32
    %dma_start3A_1379 = arith.constant 1 : i32
    %dma_start3A_1380 = arith.constant 0 : i32
    %dma_start3A_1381 = arith.constant 0 : i32
    %dma_start3A_1382 = tpu.memref_slice %arg6[%dma_start3A_1379, %dma_start3A_1380, %dma_start3A_1381] : memref<2x256x64xf32, #tpu.memory_space<vmem>> -> memref<1x128x64xf32, #tpu.memory_space<vmem>>
    %dma_start3A_1383 = tpu.memref_squeeze %dma_start3A_1382 : memref<1x128x64xf32, #tpu.memory_space<vmem>> -> memref<128x64xf32, #tpu.memory_space<vmem>>
    %dma_start3A_1384 = arith.constant 0 : i32
    %dma_start3A_1385 = tpu.memref_slice %arg5[%dma_start3A_1376, %dma_start3A_1377, %dma_start3A_1378, %dma_start3A_1384] : memref<4x3x2x128xi32, #tpu.memory_space<vmem>> -> memref<1x1x1x128xi32, #tpu.memory_space<vmem>>
    %dma_start3A_1386 = tpu.memref_squeeze %dma_start3A_1385 : memref<1x1x1x128xi32, #tpu.memory_space<vmem>> -> memref<128xi32, #tpu.memory_space<vmem>>
    %dma_start3A_1387 = arith.constant 0 : i32
    %dma_start3A_1388 = arith.constant 0 : i32
    %dma_start3A_1389 = tpu.memref_slice %arg2[%dma_start3A_1387, %dma_start3A_1388] : memref<1000000x64xf32, #tpu.memory_space<hbm>> -> memref<1000000x64xf32, #tpu.memory_space<hbm>>
    tpu.enqueue_indirect_dma source(%dma_start3A_1389 : memref<1000000x64xf32, #tpu.memory_space<hbm>>) target(%dma_start3A_1383 : memref<128x64xf32, #tpu.memory_space<vmem>>) offsets(%dma_start3A_1386 : memref<128xi32, #tpu.memory_space<vmem>>) semaphore(%arg14 : memref<!tpu.dma_semaphore, #tpu.memory_space<semaphore_mem>>) {add = true}
    %dma_start3A_1390 = arith.constant 1 : i32
    %dma_start3A_1391 = arith.constant 2 : i32
    %dma_start3A_1392 = arith.constant 1 : i32
    %dma_start3A_1393 = arith.constant 1 : i32
    %dma_start3A_1394 = arith.constant 128 : i32
    %dma_start3A_1395 = arith.constant 0 : i32
    %dma_start3A_1396 = tpu.memref_slice %arg6[%dma_start3A_1393, %dma_start3A_1394, %dma_start3A_1395] : memref<2x256x64xf32, #tpu.memory_space<vmem>> -> memref<1x128x64xf32, #tpu.memory_space<vmem>>
    %dma_start3A_1397 = tpu.memref_squeeze %dma_start3A_1396 : memref<1x128x64xf32, #tpu.memory_space<vmem>> -> memref<128x64xf32, #tpu.memory_space<vmem>>
    %dma_start3A_1398 = arith.constant 0 : i32
    %dma_start3A_1399 = tpu.memref_slice %arg5[%dma_start3A_1390, %dma_start3A_1391, %dma_start3A_1392, %dma_start3A_1398] : memref<4x3x2x128xi32, #tpu.memory_space<vmem>> -> memref<1x1x1x128xi32, #tpu.memory_space<vmem>>
    %dma_start3A_1400 = tpu.memref_squeeze %dma_start3A_1399 : memref<1x1x1x128xi32, #tpu.memory_space<vmem>> -> memref<128xi32, #tpu.memory_space<vmem>>
    %dma_start3A_1401 = arith.constant 0 : i32
    %dma_start3A_1402 = arith.constant 0 : i32
    %dma_start3A_1403 = tpu.memref_slice %arg2[%dma_start3A_1401, %dma_start3A_1402] : memref<1000000x64xf32, #tpu.memory_space<hbm>> -> memref<1000000x64xf32, #tpu.memory_space<hbm>>
    tpu.enqueue_indirect_dma source(%dma_start3A_1403 : memref<1000000x64xf32, #tpu.memory_space<hbm>>) target(%dma_start3A_1397 : memref<128x64xf32, #tpu.memory_space<vmem>>) offsets(%dma_start3A_1400 : memref<128xi32, #tpu.memory_space<vmem>>) semaphore(%arg14 : memref<!tpu.dma_semaphore, #tpu.memory_space<semaphore_mem>>) {add = true}
    %add3A_1404 = arith.constant 198 : i32
    %add3A_1405 = arith.addi %mul3A_2, %add3A_1404 : i32
    %dma_start3A_1406 = arith.constant 3 : i32
    %dma_start3A_1407 = arith.constant 0 : i32
    %dma_start3A_1408 = arith.constant 0 : i32
    %dma_start3A_1409 = arith.constant 0 : i32
    %dma_start3A_1410 = tpu.memref_slice %arg5[%dma_start3A_1406, %dma_start3A_1407, %dma_start3A_1408, %dma_start3A_1409] : memref<4x3x2x128xi32, #tpu.memory_space<vmem>> -> memref<1x3x2x128xi32, #tpu.memory_space<vmem>>
    %dma_start3A_1411 = tpu.memref_squeeze %dma_start3A_1410 : memref<1x3x2x128xi32, #tpu.memory_space<vmem>> -> memref<3x2x128xi32, #tpu.memory_space<vmem>>
    %dma_start3A_1412 = arith.constant 0 : i32
    %dma_start3A_1413 = arith.constant 0 : i32
    %dma_start3A_1414 = tpu.memref_slice %arg3[%dma_start3A_1412, %add3A_1405, %dma_start3A_1413] : memref<3x6400x128xi32, #tpu.memory_space<hbm>> -> memref<3x2x128xi32, #tpu.memory_space<hbm>>
    %dma_start3A_1415 = arith.constant 0 : i32
    %dma_start3A_1416 = arith.constant 0 : i32
    %dma_start3A_1417 = arith.constant 0 : i32
    %dma_start3A_1418 = tpu.memref_slice %arg5[%dma_start3A_1406, %dma_start3A_1415, %dma_start3A_1416, %dma_start3A_1417] : memref<4x3x2x128xi32, #tpu.memory_space<vmem>> -> memref<1x3x2x128xi32, #tpu.memory_space<vmem>>
    %dma_start3A_1419 = tpu.memref_squeeze %dma_start3A_1418 : memref<1x3x2x128xi32, #tpu.memory_space<vmem>> -> memref<3x2x128xi32, #tpu.memory_space<vmem>>
    %dma_start3A_1420 = arith.constant 0 : i32
    %dma_start3A_1421 = arith.constant 0 : i32
    %dma_start3A_1422 = tpu.memref_slice %arg3[%dma_start3A_1420, %add3A_1405, %dma_start3A_1421] : memref<3x6400x128xi32, #tpu.memory_space<hbm>> -> memref<3x2x128xi32, #tpu.memory_space<hbm>>
    tpu.enqueue_dma source(%dma_start3A_1422 : memref<3x2x128xi32, #tpu.memory_space<hbm>>) target(%dma_start3A_1419 : memref<3x2x128xi32, #tpu.memory_space<vmem>>) target_semaphore(%arg10 : memref<!tpu.dma_semaphore, #tpu.memory_space<semaphore_mem>>)
    %dma_wait3A_1423 = arith.constant 1 : i32
    %dma_wait3A_1424 = arith.constant 1 : i32
    %dma_wait3A_1425 = arith.constant 0 : i32
    %dma_wait3A_1426 = arith.constant 1 : i32
    %dma_wait3A_1427 = arith.constant 0 : i32
    %dma_wait3A_1428 = arith.constant 0 : i32
    %dma_wait3A_1429 = tpu.memref_slice %arg6[%dma_wait3A_1426, %dma_wait3A_1427, %dma_wait3A_1428] : memref<2x256x64xf32, #tpu.memory_space<vmem>> -> memref<1x128x64xf32, #tpu.memory_space<vmem>>
    %dma_wait3A_1430 = tpu.memref_squeeze %dma_wait3A_1429 : memref<1x128x64xf32, #tpu.memory_space<vmem>> -> memref<128x64xf32, #tpu.memory_space<vmem>>
    %dma_wait3A_1431 = arith.constant 0 : i32
    %dma_wait3A_1432 = tpu.memref_slice %arg5[%dma_wait3A_1423, %dma_wait3A_1424, %dma_wait3A_1425, %dma_wait3A_1431] : memref<4x3x2x128xi32, #tpu.memory_space<vmem>> -> memref<1x1x1x128xi32, #tpu.memory_space<vmem>>
    %dma_wait3A_1433 = tpu.memref_squeeze %dma_wait3A_1432 : memref<1x1x1x128xi32, #tpu.memory_space<vmem>> -> memref<128xi32, #tpu.memory_space<vmem>>
    %dma_wait3A_1434 = arith.constant 0 : i32
    %dma_wait3A_1435 = arith.constant 0 : i32
    %dma_wait3A_1436 = tpu.memref_slice %arg2[%dma_wait3A_1434, %dma_wait3A_1435] : memref<1000000x64xf32, #tpu.memory_space<hbm>> -> memref<1000000x64xf32, #tpu.memory_space<hbm>>
    tpu.wait_indirect_dma semaphore(%arg14 : memref<!tpu.dma_semaphore, #tpu.memory_space<semaphore_mem>>) src(%dma_wait3A_1436 : memref<1000000x64xf32, #tpu.memory_space<hbm>>) dst(%dma_wait3A_1430 : memref<128x64xf32, #tpu.memory_space<vmem>>)
    %dma_wait3A_1437 = arith.constant 1 : i32
    %dma_wait3A_1438 = arith.constant 1 : i32
    %dma_wait3A_1439 = arith.constant 1 : i32
    %dma_wait3A_1440 = arith.constant 1 : i32
    %dma_wait3A_1441 = arith.constant 128 : i32
    %dma_wait3A_1442 = arith.constant 0 : i32
    %dma_wait3A_1443 = tpu.memref_slice %arg6[%dma_wait3A_1440, %dma_wait3A_1441, %dma_wait3A_1442] : memref<2x256x64xf32, #tpu.memory_space<vmem>> -> memref<1x128x64xf32, #tpu.memory_space<vmem>>
    %dma_wait3A_1444 = tpu.memref_squeeze %dma_wait3A_1443 : memref<1x128x64xf32, #tpu.memory_space<vmem>> -> memref<128x64xf32, #tpu.memory_space<vmem>>
    %dma_wait3A_1445 = arith.constant 0 : i32
    %dma_wait3A_1446 = tpu.memref_slice %arg5[%dma_wait3A_1437, %dma_wait3A_1438, %dma_wait3A_1439, %dma_wait3A_1445] : memref<4x3x2x128xi32, #tpu.memory_space<vmem>> -> memref<1x1x1x128xi32, #tpu.memory_space<vmem>>
    %dma_wait3A_1447 = tpu.memref_squeeze %dma_wait3A_1446 : memref<1x1x1x128xi32, #tpu.memory_space<vmem>> -> memref<128xi32, #tpu.memory_space<vmem>>
    %dma_wait3A_1448 = arith.constant 0 : i32
    %dma_wait3A_1449 = arith.constant 0 : i32
    %dma_wait3A_1450 = tpu.memref_slice %arg2[%dma_wait3A_1448, %dma_wait3A_1449] : memref<1000000x64xf32, #tpu.memory_space<hbm>> -> memref<1000000x64xf32, #tpu.memory_space<hbm>>
    tpu.wait_indirect_dma semaphore(%arg14 : memref<!tpu.dma_semaphore, #tpu.memory_space<semaphore_mem>>) src(%dma_wait3A_1450 : memref<1000000x64xf32, #tpu.memory_space<hbm>>) dst(%dma_wait3A_1444 : memref<128x64xf32, #tpu.memory_space<vmem>>)
    %dma_wait3A_1451 = arith.constant 1 : i32
    %dma_wait3A_1452 = arith.constant 2 : i32
    %dma_wait3A_1453 = arith.constant 0 : i32
    %dma_wait3A_1454 = arith.constant 1 : i32
    %dma_wait3A_1455 = arith.constant 0 : i32
    %dma_wait3A_1456 = arith.constant 0 : i32
    %dma_wait3A_1457 = tpu.memref_slice %arg6[%dma_wait3A_1454, %dma_wait3A_1455, %dma_wait3A_1456] : memref<2x256x64xf32, #tpu.memory_space<vmem>> -> memref<1x128x64xf32, #tpu.memory_space<vmem>>
    %dma_wait3A_1458 = tpu.memref_squeeze %dma_wait3A_1457 : memref<1x128x64xf32, #tpu.memory_space<vmem>> -> memref<128x64xf32, #tpu.memory_space<vmem>>
    %dma_wait3A_1459 = arith.constant 0 : i32
    %dma_wait3A_1460 = tpu.memref_slice %arg5[%dma_wait3A_1451, %dma_wait3A_1452, %dma_wait3A_1453, %dma_wait3A_1459] : memref<4x3x2x128xi32, #tpu.memory_space<vmem>> -> memref<1x1x1x128xi32, #tpu.memory_space<vmem>>
    %dma_wait3A_1461 = tpu.memref_squeeze %dma_wait3A_1460 : memref<1x1x1x128xi32, #tpu.memory_space<vmem>> -> memref<128xi32, #tpu.memory_space<vmem>>
    %dma_wait3A_1462 = arith.constant 0 : i32
    %dma_wait3A_1463 = arith.constant 0 : i32
    %dma_wait3A_1464 = tpu.memref_slice %arg2[%dma_wait3A_1462, %dma_wait3A_1463] : memref<1000000x64xf32, #tpu.memory_space<hbm>> -> memref<1000000x64xf32, #tpu.memory_space<hbm>>
    tpu.wait_indirect_dma semaphore(%arg14 : memref<!tpu.dma_semaphore, #tpu.memory_space<semaphore_mem>>) src(%dma_wait3A_1464 : memref<1000000x64xf32, #tpu.memory_space<hbm>>) dst(%dma_wait3A_1458 : memref<128x64xf32, #tpu.memory_space<vmem>>)
    %dma_wait3A_1465 = arith.constant 1 : i32
    %dma_wait3A_1466 = arith.constant 2 : i32
    %dma_wait3A_1467 = arith.constant 1 : i32
    %dma_wait3A_1468 = arith.constant 1 : i32
    %dma_wait3A_1469 = arith.constant 128 : i32
    %dma_wait3A_1470 = arith.constant 0 : i32
    %dma_wait3A_1471 = tpu.memref_slice %arg6[%dma_wait3A_1468, %dma_wait3A_1469, %dma_wait3A_1470] : memref<2x256x64xf32, #tpu.memory_space<vmem>> -> memref<1x128x64xf32, #tpu.memory_space<vmem>>
    %dma_wait3A_1472 = tpu.memref_squeeze %dma_wait3A_1471 : memref<1x128x64xf32, #tpu.memory_space<vmem>> -> memref<128x64xf32, #tpu.memory_space<vmem>>
    %dma_wait3A_1473 = arith.constant 0 : i32
    %dma_wait3A_1474 = tpu.memref_slice %arg5[%dma_wait3A_1465, %dma_wait3A_1466, %dma_wait3A_1467, %dma_wait3A_1473] : memref<4x3x2x128xi32, #tpu.memory_space<vmem>> -> memref<1x1x1x128xi32, #tpu.memory_space<vmem>>
    %dma_wait3A_1475 = tpu.memref_squeeze %dma_wait3A_1474 : memref<1x1x1x128xi32, #tpu.memory_space<vmem>> -> memref<128xi32, #tpu.memory_space<vmem>>
    %dma_wait3A_1476 = arith.constant 0 : i32
    %dma_wait3A_1477 = arith.constant 0 : i32
    %dma_wait3A_1478 = tpu.memref_slice %arg2[%dma_wait3A_1476, %dma_wait3A_1477] : memref<1000000x64xf32, #tpu.memory_space<hbm>> -> memref<1000000x64xf32, #tpu.memory_space<hbm>>
    tpu.wait_indirect_dma semaphore(%arg14 : memref<!tpu.dma_semaphore, #tpu.memory_space<semaphore_mem>>) src(%dma_wait3A_1478 : memref<1000000x64xf32, #tpu.memory_space<hbm>>) dst(%dma_wait3A_1472 : memref<128x64xf32, #tpu.memory_space<vmem>>)
    %add3A_1479 = arith.constant 24832 : i32
    %add3A_1480 = arith.addi %mul3A_4, %add3A_1479 : i32
    %dma_start3A_1481 = arith.constant 1 : i32
    %dma_start3A_1482 = arith.constant 0 : i32
    %dma_start3A_1483 = arith.constant 0 : i32
    %dma_start3A_1484 = tpu.memref_slice %arg6[%dma_start3A_1481, %dma_start3A_1482, %dma_start3A_1483] : memref<2x256x64xf32, #tpu.memory_space<vmem>> -> memref<1x256x64xf32, #tpu.memory_space<vmem>>
    %dma_start3A_1485 = tpu.memref_squeeze %dma_start3A_1484 : memref<1x256x64xf32, #tpu.memory_space<vmem>> -> memref<256x64xf32, #tpu.memory_space<vmem>>
    %dma_start3A_1486 = arith.constant 0 : i32
    %dma_start3A_1487 = tpu.memref_slice %arg4[%add3A_1480, %dma_start3A_1486] : memref<819200x64xf32, #tpu.memory_space<hbm>> -> memref<256x64xf32, #tpu.memory_space<hbm>>
    %dma_start3A_1488 = arith.constant 0 : i32
    %dma_start3A_1489 = tpu.memref_slice %arg4[%add3A_1480, %dma_start3A_1488] : memref<819200x64xf32, #tpu.memory_space<hbm>> -> memref<256x64xf32, #tpu.memory_space<hbm>>
    %dma_start3A_1490 = arith.constant 0 : i32
    %dma_start3A_1491 = arith.constant 0 : i32
    %dma_start3A_1492 = tpu.memref_slice %arg6[%dma_start3A_1481, %dma_start3A_1490, %dma_start3A_1491] : memref<2x256x64xf32, #tpu.memory_space<vmem>> -> memref<1x256x64xf32, #tpu.memory_space<vmem>>
    %dma_start3A_1493 = tpu.memref_squeeze %dma_start3A_1492 : memref<1x256x64xf32, #tpu.memory_space<vmem>> -> memref<256x64xf32, #tpu.memory_space<vmem>>
    tpu.enqueue_dma source(%dma_start3A_1493 : memref<256x64xf32, #tpu.memory_space<vmem>>) target(%dma_start3A_1489 : memref<256x64xf32, #tpu.memory_space<hbm>>) target_semaphore(%arg16 : memref<!tpu.dma_semaphore, #tpu.memory_space<semaphore_mem>>)
    %add3A_1494 = arith.constant 24832 : i32
    %add3A_1495 = arith.addi %mul3A_4, %add3A_1494 : i32
    %dma_wait3A_1496 = arith.constant 1 : i32
    %dma_wait3A_1497 = arith.constant 0 : i32
    %dma_wait3A_1498 = arith.constant 0 : i32
    %dma_wait3A_1499 = tpu.memref_slice %arg6[%dma_wait3A_1496, %dma_wait3A_1497, %dma_wait3A_1498] : memref<2x256x64xf32, #tpu.memory_space<vmem>> -> memref<1x256x64xf32, #tpu.memory_space<vmem>>
    %dma_wait3A_1500 = tpu.memref_squeeze %dma_wait3A_1499 : memref<1x256x64xf32, #tpu.memory_space<vmem>> -> memref<256x64xf32, #tpu.memory_space<vmem>>
    %dma_wait3A_1501 = arith.constant 0 : i32
    %dma_wait3A_1502 = tpu.memref_slice %arg4[%add3A_1495, %dma_wait3A_1501] : memref<819200x64xf32, #tpu.memory_space<hbm>> -> memref<256x64xf32, #tpu.memory_space<hbm>>
    %dma_wait3A_1503 = arith.constant 0 : i32
    %dma_wait3A_1504 = tpu.memref_slice %arg4[%add3A_1495, %dma_wait3A_1503] : memref<819200x64xf32, #tpu.memory_space<hbm>> -> memref<256x64xf32, #tpu.memory_space<hbm>>
    %dma_wait3A_1505 = arith.constant 0 : i32
    %dma_wait3A_1506 = arith.constant 0 : i32
    %dma_wait3A_1507 = tpu.memref_slice %arg6[%dma_wait3A_1496, %dma_wait3A_1505, %dma_wait3A_1506] : memref<2x256x64xf32, #tpu.memory_space<vmem>> -> memref<1x256x64xf32, #tpu.memory_space<vmem>>
    %dma_wait3A_1508 = tpu.memref_squeeze %dma_wait3A_1507 : memref<1x256x64xf32, #tpu.memory_space<vmem>> -> memref<256x64xf32, #tpu.memory_space<vmem>>
    tpu.wait_dma2 semaphore(%arg16 : memref<!tpu.dma_semaphore, #tpu.memory_space<semaphore_mem>>) src(%dma_wait3A_1508 : memref<256x64xf32, #tpu.memory_space<vmem>>) dst(%dma_wait3A_1504 : memref<256x64xf32, #tpu.memory_space<hbm>>)
    %add3A_1509 = arith.constant 198 : i32
    %add3A_1510 = arith.addi %mul3A_2, %add3A_1509 : i32
    %dma_wait3A_1511 = arith.constant 3 : i32
    %dma_wait3A_1512 = arith.constant 0 : i32
    %dma_wait3A_1513 = arith.constant 0 : i32
    %dma_wait3A_1514 = arith.constant 0 : i32
    %dma_wait3A_1515 = tpu.memref_slice %arg5[%dma_wait3A_1511, %dma_wait3A_1512, %dma_wait3A_1513, %dma_wait3A_1514] : memref<4x3x2x128xi32, #tpu.memory_space<vmem>> -> memref<1x3x2x128xi32, #tpu.memory_space<vmem>>
    %dma_wait3A_1516 = tpu.memref_squeeze %dma_wait3A_1515 : memref<1x3x2x128xi32, #tpu.memory_space<vmem>> -> memref<3x2x128xi32, #tpu.memory_space<vmem>>
    %dma_wait3A_1517 = arith.constant 0 : i32
    %dma_wait3A_1518 = arith.constant 0 : i32
    %dma_wait3A_1519 = tpu.memref_slice %arg3[%dma_wait3A_1517, %add3A_1510, %dma_wait3A_1518] : memref<3x6400x128xi32, #tpu.memory_space<hbm>> -> memref<3x2x128xi32, #tpu.memory_space<hbm>>
    %dma_wait3A_1520 = arith.constant 0 : i32
    %dma_wait3A_1521 = arith.constant 0 : i32
    %dma_wait3A_1522 = arith.constant 0 : i32
    %dma_wait3A_1523 = tpu.memref_slice %arg5[%dma_wait3A_1511, %dma_wait3A_1520, %dma_wait3A_1521, %dma_wait3A_1522] : memref<4x3x2x128xi32, #tpu.memory_space<vmem>> -> memref<1x3x2x128xi32, #tpu.memory_space<vmem>>
    %dma_wait3A_1524 = tpu.memref_squeeze %dma_wait3A_1523 : memref<1x3x2x128xi32, #tpu.memory_space<vmem>> -> memref<3x2x128xi32, #tpu.memory_space<vmem>>
    %dma_wait3A_1525 = arith.constant 0 : i32
    %dma_wait3A_1526 = arith.constant 0 : i32
    %dma_wait3A_1527 = tpu.memref_slice %arg3[%dma_wait3A_1525, %add3A_1510, %dma_wait3A_1526] : memref<3x6400x128xi32, #tpu.memory_space<hbm>> -> memref<3x2x128xi32, #tpu.memory_space<hbm>>
    tpu.wait_dma2 semaphore(%arg10 : memref<!tpu.dma_semaphore, #tpu.memory_space<semaphore_mem>>) src(%dma_wait3A_1527 : memref<3x2x128xi32, #tpu.memory_space<hbm>>) dst(%dma_wait3A_1524 : memref<3x2x128xi32, #tpu.memory_space<vmem>>)
    %dma_start3A_1528 = arith.constant 3 : i32
    %dma_start3A_1529 = arith.constant 0 : i32
    %dma_start3A_1530 = arith.constant 0 : i32
    %dma_start3A_1531 = arith.constant 1 : i32
    %dma_start3A_1532 = arith.constant 0 : i32
    %dma_start3A_1533 = arith.constant 0 : i32
    %dma_start3A_1534 = tpu.memref_slice %arg6[%dma_start3A_1531, %dma_start3A_1532, %dma_start3A_1533] : memref<2x256x64xf32, #tpu.memory_space<vmem>> -> memref<1x128x64xf32, #tpu.memory_space<vmem>>
    %dma_start3A_1535 = tpu.memref_squeeze %dma_start3A_1534 : memref<1x128x64xf32, #tpu.memory_space<vmem>> -> memref<128x64xf32, #tpu.memory_space<vmem>>
    %dma_start3A_1536 = arith.constant 0 : i32
    %dma_start3A_1537 = tpu.memref_slice %arg5[%dma_start3A_1528, %dma_start3A_1529, %dma_start3A_1530, %dma_start3A_1536] : memref<4x3x2x128xi32, #tpu.memory_space<vmem>> -> memref<1x1x1x128xi32, #tpu.memory_space<vmem>>
    %dma_start3A_1538 = tpu.memref_squeeze %dma_start3A_1537 : memref<1x1x1x128xi32, #tpu.memory_space<vmem>> -> memref<128xi32, #tpu.memory_space<vmem>>
    %dma_start3A_1539 = arith.constant 0 : i32
    %dma_start3A_1540 = arith.constant 0 : i32
    %dma_start3A_1541 = tpu.memref_slice %arg2[%dma_start3A_1539, %dma_start3A_1540] : memref<1000000x64xf32, #tpu.memory_space<hbm>> -> memref<1000000x64xf32, #tpu.memory_space<hbm>>
    tpu.enqueue_indirect_dma source(%dma_start3A_1541 : memref<1000000x64xf32, #tpu.memory_space<hbm>>) target(%dma_start3A_1535 : memref<128x64xf32, #tpu.memory_space<vmem>>) offsets(%dma_start3A_1538 : memref<128xi32, #tpu.memory_space<vmem>>) semaphore(%arg12 : memref<!tpu.dma_semaphore, #tpu.memory_space<semaphore_mem>>)
    %dma_start3A_1542 = arith.constant 3 : i32
    %dma_start3A_1543 = arith.constant 0 : i32
    %dma_start3A_1544 = arith.constant 1 : i32
    %dma_start3A_1545 = arith.constant 1 : i32
    %dma_start3A_1546 = arith.constant 128 : i32
    %dma_start3A_1547 = arith.constant 0 : i32
    %dma_start3A_1548 = tpu.memref_slice %arg6[%dma_start3A_1545, %dma_start3A_1546, %dma_start3A_1547] : memref<2x256x64xf32, #tpu.memory_space<vmem>> -> memref<1x128x64xf32, #tpu.memory_space<vmem>>
    %dma_start3A_1549 = tpu.memref_squeeze %dma_start3A_1548 : memref<1x128x64xf32, #tpu.memory_space<vmem>> -> memref<128x64xf32, #tpu.memory_space<vmem>>
    %dma_start3A_1550 = arith.constant 0 : i32
    %dma_start3A_1551 = tpu.memref_slice %arg5[%dma_start3A_1542, %dma_start3A_1543, %dma_start3A_1544, %dma_start3A_1550] : memref<4x3x2x128xi32, #tpu.memory_space<vmem>> -> memref<1x1x1x128xi32, #tpu.memory_space<vmem>>
    %dma_start3A_1552 = tpu.memref_squeeze %dma_start3A_1551 : memref<1x1x1x128xi32, #tpu.memory_space<vmem>> -> memref<128xi32, #tpu.memory_space<vmem>>
    %dma_start3A_1553 = arith.constant 0 : i32
    %dma_start3A_1554 = arith.constant 0 : i32
    %dma_start3A_1555 = tpu.memref_slice %arg2[%dma_start3A_1553, %dma_start3A_1554] : memref<1000000x64xf32, #tpu.memory_space<hbm>> -> memref<1000000x64xf32, #tpu.memory_space<hbm>>
    tpu.enqueue_indirect_dma source(%dma_start3A_1555 : memref<1000000x64xf32, #tpu.memory_space<hbm>>) target(%dma_start3A_1549 : memref<128x64xf32, #tpu.memory_space<vmem>>) offsets(%dma_start3A_1552 : memref<128xi32, #tpu.memory_space<vmem>>) semaphore(%arg12 : memref<!tpu.dma_semaphore, #tpu.memory_space<semaphore_mem>>)
    %dma_wait3A_1556 = arith.constant 2 : i32
    %dma_wait3A_1557 = arith.constant 0 : i32
    %dma_wait3A_1558 = arith.constant 0 : i32
    %dma_wait3A_1559 = arith.constant 0 : i32
    %dma_wait3A_1560 = arith.constant 0 : i32
    %dma_wait3A_1561 = arith.constant 0 : i32
    %dma_wait3A_1562 = tpu.memref_slice %arg6[%dma_wait3A_1559, %dma_wait3A_1560, %dma_wait3A_1561] : memref<2x256x64xf32, #tpu.memory_space<vmem>> -> memref<1x128x64xf32, #tpu.memory_space<vmem>>
    %dma_wait3A_1563 = tpu.memref_squeeze %dma_wait3A_1562 : memref<1x128x64xf32, #tpu.memory_space<vmem>> -> memref<128x64xf32, #tpu.memory_space<vmem>>
    %dma_wait3A_1564 = arith.constant 0 : i32
    %dma_wait3A_1565 = tpu.memref_slice %arg5[%dma_wait3A_1556, %dma_wait3A_1557, %dma_wait3A_1558, %dma_wait3A_1564] : memref<4x3x2x128xi32, #tpu.memory_space<vmem>> -> memref<1x1x1x128xi32, #tpu.memory_space<vmem>>
    %dma_wait3A_1566 = tpu.memref_squeeze %dma_wait3A_1565 : memref<1x1x1x128xi32, #tpu.memory_space<vmem>> -> memref<128xi32, #tpu.memory_space<vmem>>
    %dma_wait3A_1567 = arith.constant 0 : i32
    %dma_wait3A_1568 = arith.constant 0 : i32
    %dma_wait3A_1569 = tpu.memref_slice %arg2[%dma_wait3A_1567, %dma_wait3A_1568] : memref<1000000x64xf32, #tpu.memory_space<hbm>> -> memref<1000000x64xf32, #tpu.memory_space<hbm>>
    tpu.wait_indirect_dma semaphore(%arg11 : memref<!tpu.dma_semaphore, #tpu.memory_space<semaphore_mem>>) src(%dma_wait3A_1569 : memref<1000000x64xf32, #tpu.memory_space<hbm>>) dst(%dma_wait3A_1563 : memref<128x64xf32, #tpu.memory_space<vmem>>)
    %dma_wait3A_1570 = arith.constant 2 : i32
    %dma_wait3A_1571 = arith.constant 0 : i32
    %dma_wait3A_1572 = arith.constant 1 : i32
    %dma_wait3A_1573 = arith.constant 0 : i32
    %dma_wait3A_1574 = arith.constant 128 : i32
    %dma_wait3A_1575 = arith.constant 0 : i32
    %dma_wait3A_1576 = tpu.memref_slice %arg6[%dma_wait3A_1573, %dma_wait3A_1574, %dma_wait3A_1575] : memref<2x256x64xf32, #tpu.memory_space<vmem>> -> memref<1x128x64xf32, #tpu.memory_space<vmem>>
    %dma_wait3A_1577 = tpu.memref_squeeze %dma_wait3A_1576 : memref<1x128x64xf32, #tpu.memory_space<vmem>> -> memref<128x64xf32, #tpu.memory_space<vmem>>
    %dma_wait3A_1578 = arith.constant 0 : i32
    %dma_wait3A_1579 = tpu.memref_slice %arg5[%dma_wait3A_1570, %dma_wait3A_1571, %dma_wait3A_1572, %dma_wait3A_1578] : memref<4x3x2x128xi32, #tpu.memory_space<vmem>> -> memref<1x1x1x128xi32, #tpu.memory_space<vmem>>
    %dma_wait3A_1580 = tpu.memref_squeeze %dma_wait3A_1579 : memref<1x1x1x128xi32, #tpu.memory_space<vmem>> -> memref<128xi32, #tpu.memory_space<vmem>>
    %dma_wait3A_1581 = arith.constant 0 : i32
    %dma_wait3A_1582 = arith.constant 0 : i32
    %dma_wait3A_1583 = tpu.memref_slice %arg2[%dma_wait3A_1581, %dma_wait3A_1582] : memref<1000000x64xf32, #tpu.memory_space<hbm>> -> memref<1000000x64xf32, #tpu.memory_space<hbm>>
    tpu.wait_indirect_dma semaphore(%arg11 : memref<!tpu.dma_semaphore, #tpu.memory_space<semaphore_mem>>) src(%dma_wait3A_1583 : memref<1000000x64xf32, #tpu.memory_space<hbm>>) dst(%dma_wait3A_1577 : memref<128x64xf32, #tpu.memory_space<vmem>>)
    %dma_start3A_1584 = arith.constant 2 : i32
    %dma_start3A_1585 = arith.constant 1 : i32
    %dma_start3A_1586 = arith.constant 0 : i32
    %dma_start3A_1587 = arith.constant 0 : i32
    %dma_start3A_1588 = arith.constant 0 : i32
    %dma_start3A_1589 = arith.constant 0 : i32
    %dma_start3A_1590 = tpu.memref_slice %arg6[%dma_start3A_1587, %dma_start3A_1588, %dma_start3A_1589] : memref<2x256x64xf32, #tpu.memory_space<vmem>> -> memref<1x128x64xf32, #tpu.memory_space<vmem>>
    %dma_start3A_1591 = tpu.memref_squeeze %dma_start3A_1590 : memref<1x128x64xf32, #tpu.memory_space<vmem>> -> memref<128x64xf32, #tpu.memory_space<vmem>>
    %dma_start3A_1592 = arith.constant 0 : i32
    %dma_start3A_1593 = tpu.memref_slice %arg5[%dma_start3A_1584, %dma_start3A_1585, %dma_start3A_1586, %dma_start3A_1592] : memref<4x3x2x128xi32, #tpu.memory_space<vmem>> -> memref<1x1x1x128xi32, #tpu.memory_space<vmem>>
    %dma_start3A_1594 = tpu.memref_squeeze %dma_start3A_1593 : memref<1x1x1x128xi32, #tpu.memory_space<vmem>> -> memref<128xi32, #tpu.memory_space<vmem>>
    %dma_start3A_1595 = arith.constant 0 : i32
    %dma_start3A_1596 = arith.constant 0 : i32
    %dma_start3A_1597 = tpu.memref_slice %arg2[%dma_start3A_1595, %dma_start3A_1596] : memref<1000000x64xf32, #tpu.memory_space<hbm>> -> memref<1000000x64xf32, #tpu.memory_space<hbm>>
    tpu.enqueue_indirect_dma source(%dma_start3A_1597 : memref<1000000x64xf32, #tpu.memory_space<hbm>>) target(%dma_start3A_1591 : memref<128x64xf32, #tpu.memory_space<vmem>>) offsets(%dma_start3A_1594 : memref<128xi32, #tpu.memory_space<vmem>>) semaphore(%arg13 : memref<!tpu.dma_semaphore, #tpu.memory_space<semaphore_mem>>) {add = true}
    %dma_start3A_1598 = arith.constant 2 : i32
    %dma_start3A_1599 = arith.constant 1 : i32
    %dma_start3A_1600 = arith.constant 1 : i32
    %dma_start3A_1601 = arith.constant 0 : i32
    %dma_start3A_1602 = arith.constant 128 : i32
    %dma_start3A_1603 = arith.constant 0 : i32
    %dma_start3A_1604 = tpu.memref_slice %arg6[%dma_start3A_1601, %dma_start3A_1602, %dma_start3A_1603] : memref<2x256x64xf32, #tpu.memory_space<vmem>> -> memref<1x128x64xf32, #tpu.memory_space<vmem>>
    %dma_start3A_1605 = tpu.memref_squeeze %dma_start3A_1604 : memref<1x128x64xf32, #tpu.memory_space<vmem>> -> memref<128x64xf32, #tpu.memory_space<vmem>>
    %dma_start3A_1606 = arith.constant 0 : i32
    %dma_start3A_1607 = tpu.memref_slice %arg5[%dma_start3A_1598, %dma_start3A_1599, %dma_start3A_1600, %dma_start3A_1606] : memref<4x3x2x128xi32, #tpu.memory_space<vmem>> -> memref<1x1x1x128xi32, #tpu.memory_space<vmem>>
    %dma_start3A_1608 = tpu.memref_squeeze %dma_start3A_1607 : memref<1x1x1x128xi32, #tpu.memory_space<vmem>> -> memref<128xi32, #tpu.memory_space<vmem>>
    %dma_start3A_1609 = arith.constant 0 : i32
    %dma_start3A_1610 = arith.constant 0 : i32
    %dma_start3A_1611 = tpu.memref_slice %arg2[%dma_start3A_1609, %dma_start3A_1610] : memref<1000000x64xf32, #tpu.memory_space<hbm>> -> memref<1000000x64xf32, #tpu.memory_space<hbm>>
    tpu.enqueue_indirect_dma source(%dma_start3A_1611 : memref<1000000x64xf32, #tpu.memory_space<hbm>>) target(%dma_start3A_1605 : memref<128x64xf32, #tpu.memory_space<vmem>>) offsets(%dma_start3A_1608 : memref<128xi32, #tpu.memory_space<vmem>>) semaphore(%arg13 : memref<!tpu.dma_semaphore, #tpu.memory_space<semaphore_mem>>) {add = true}
    %dma_start3A_1612 = arith.constant 2 : i32
    %dma_start3A_1613 = arith.constant 2 : i32
    %dma_start3A_1614 = arith.constant 0 : i32
    %dma_start3A_1615 = arith.constant 0 : i32
    %dma_start3A_1616 = arith.constant 0 : i32
    %dma_start3A_1617 = arith.constant 0 : i32
    %dma_start3A_1618 = tpu.memref_slice %arg6[%dma_start3A_1615, %dma_start3A_1616, %dma_start3A_1617] : memref<2x256x64xf32, #tpu.memory_space<vmem>> -> memref<1x128x64xf32, #tpu.memory_space<vmem>>
    %dma_start3A_1619 = tpu.memref_squeeze %dma_start3A_1618 : memref<1x128x64xf32, #tpu.memory_space<vmem>> -> memref<128x64xf32, #tpu.memory_space<vmem>>
    %dma_start3A_1620 = arith.constant 0 : i32
    %dma_start3A_1621 = tpu.memref_slice %arg5[%dma_start3A_1612, %dma_start3A_1613, %dma_start3A_1614, %dma_start3A_1620] : memref<4x3x2x128xi32, #tpu.memory_space<vmem>> -> memref<1x1x1x128xi32, #tpu.memory_space<vmem>>
    %dma_start3A_1622 = tpu.memref_squeeze %dma_start3A_1621 : memref<1x1x1x128xi32, #tpu.memory_space<vmem>> -> memref<128xi32, #tpu.memory_space<vmem>>
    %dma_start3A_1623 = arith.constant 0 : i32
    %dma_start3A_1624 = arith.constant 0 : i32
    %dma_start3A_1625 = tpu.memref_slice %arg2[%dma_start3A_1623, %dma_start3A_1624] : memref<1000000x64xf32, #tpu.memory_space<hbm>> -> memref<1000000x64xf32, #tpu.memory_space<hbm>>
    tpu.enqueue_indirect_dma source(%dma_start3A_1625 : memref<1000000x64xf32, #tpu.memory_space<hbm>>) target(%dma_start3A_1619 : memref<128x64xf32, #tpu.memory_space<vmem>>) offsets(%dma_start3A_1622 : memref<128xi32, #tpu.memory_space<vmem>>) semaphore(%arg13 : memref<!tpu.dma_semaphore, #tpu.memory_space<semaphore_mem>>) {add = true}
    %dma_start3A_1626 = arith.constant 2 : i32
    %dma_start3A_1627 = arith.constant 2 : i32
    %dma_start3A_1628 = arith.constant 1 : i32
    %dma_start3A_1629 = arith.constant 0 : i32
    %dma_start3A_1630 = arith.constant 128 : i32
    %dma_start3A_1631 = arith.constant 0 : i32
    %dma_start3A_1632 = tpu.memref_slice %arg6[%dma_start3A_1629, %dma_start3A_1630, %dma_start3A_1631] : memref<2x256x64xf32, #tpu.memory_space<vmem>> -> memref<1x128x64xf32, #tpu.memory_space<vmem>>
    %dma_start3A_1633 = tpu.memref_squeeze %dma_start3A_1632 : memref<1x128x64xf32, #tpu.memory_space<vmem>> -> memref<128x64xf32, #tpu.memory_space<vmem>>
    %dma_start3A_1634 = arith.constant 0 : i32
    %dma_start3A_1635 = tpu.memref_slice %arg5[%dma_start3A_1626, %dma_start3A_1627, %dma_start3A_1628, %dma_start3A_1634] : memref<4x3x2x128xi32, #tpu.memory_space<vmem>> -> memref<1x1x1x128xi32, #tpu.memory_space<vmem>>
    %dma_start3A_1636 = tpu.memref_squeeze %dma_start3A_1635 : memref<1x1x1x128xi32, #tpu.memory_space<vmem>> -> memref<128xi32, #tpu.memory_space<vmem>>
    %dma_start3A_1637 = arith.constant 0 : i32
    %dma_start3A_1638 = arith.constant 0 : i32
    %dma_start3A_1639 = tpu.memref_slice %arg2[%dma_start3A_1637, %dma_start3A_1638] : memref<1000000x64xf32, #tpu.memory_space<hbm>> -> memref<1000000x64xf32, #tpu.memory_space<hbm>>
    tpu.enqueue_indirect_dma source(%dma_start3A_1639 : memref<1000000x64xf32, #tpu.memory_space<hbm>>) target(%dma_start3A_1633 : memref<128x64xf32, #tpu.memory_space<vmem>>) offsets(%dma_start3A_1636 : memref<128xi32, #tpu.memory_space<vmem>>) semaphore(%arg13 : memref<!tpu.dma_semaphore, #tpu.memory_space<semaphore_mem>>) {add = true}
    %dma_wait3A_1640 = arith.constant 2 : i32
    %dma_wait3A_1641 = arith.constant 1 : i32
    %dma_wait3A_1642 = arith.constant 0 : i32
    %dma_wait3A_1643 = arith.constant 0 : i32
    %dma_wait3A_1644 = arith.constant 0 : i32
    %dma_wait3A_1645 = arith.constant 0 : i32
    %dma_wait3A_1646 = tpu.memref_slice %arg6[%dma_wait3A_1643, %dma_wait3A_1644, %dma_wait3A_1645] : memref<2x256x64xf32, #tpu.memory_space<vmem>> -> memref<1x128x64xf32, #tpu.memory_space<vmem>>
    %dma_wait3A_1647 = tpu.memref_squeeze %dma_wait3A_1646 : memref<1x128x64xf32, #tpu.memory_space<vmem>> -> memref<128x64xf32, #tpu.memory_space<vmem>>
    %dma_wait3A_1648 = arith.constant 0 : i32
    %dma_wait3A_1649 = tpu.memref_slice %arg5[%dma_wait3A_1640, %dma_wait3A_1641, %dma_wait3A_1642, %dma_wait3A_1648] : memref<4x3x2x128xi32, #tpu.memory_space<vmem>> -> memref<1x1x1x128xi32, #tpu.memory_space<vmem>>
    %dma_wait3A_1650 = tpu.memref_squeeze %dma_wait3A_1649 : memref<1x1x1x128xi32, #tpu.memory_space<vmem>> -> memref<128xi32, #tpu.memory_space<vmem>>
    %dma_wait3A_1651 = arith.constant 0 : i32
    %dma_wait3A_1652 = arith.constant 0 : i32
    %dma_wait3A_1653 = tpu.memref_slice %arg2[%dma_wait3A_1651, %dma_wait3A_1652] : memref<1000000x64xf32, #tpu.memory_space<hbm>> -> memref<1000000x64xf32, #tpu.memory_space<hbm>>
    tpu.wait_indirect_dma semaphore(%arg13 : memref<!tpu.dma_semaphore, #tpu.memory_space<semaphore_mem>>) src(%dma_wait3A_1653 : memref<1000000x64xf32, #tpu.memory_space<hbm>>) dst(%dma_wait3A_1647 : memref<128x64xf32, #tpu.memory_space<vmem>>)
    %dma_wait3A_1654 = arith.constant 2 : i32
    %dma_wait3A_1655 = arith.constant 1 : i32
    %dma_wait3A_1656 = arith.constant 1 : i32
    %dma_wait3A_1657 = arith.constant 0 : i32
    %dma_wait3A_1658 = arith.constant 128 : i32
    %dma_wait3A_1659 = arith.constant 0 : i32
    %dma_wait3A_1660 = tpu.memref_slice %arg6[%dma_wait3A_1657, %dma_wait3A_1658, %dma_wait3A_1659] : memref<2x256x64xf32, #tpu.memory_space<vmem>> -> memref<1x128x64xf32, #tpu.memory_space<vmem>>
    %dma_wait3A_1661 = tpu.memref_squeeze %dma_wait3A_1660 : memref<1x128x64xf32, #tpu.memory_space<vmem>> -> memref<128x64xf32, #tpu.memory_space<vmem>>
    %dma_wait3A_1662 = arith.constant 0 : i32
    %dma_wait3A_1663 = tpu.memref_slice %arg5[%dma_wait3A_1654, %dma_wait3A_1655, %dma_wait3A_1656, %dma_wait3A_1662] : memref<4x3x2x128xi32, #tpu.memory_space<vmem>> -> memref<1x1x1x128xi32, #tpu.memory_space<vmem>>
    %dma_wait3A_1664 = tpu.memref_squeeze %dma_wait3A_1663 : memref<1x1x1x128xi32, #tpu.memory_space<vmem>> -> memref<128xi32, #tpu.memory_space<vmem>>
    %dma_wait3A_1665 = arith.constant 0 : i32
    %dma_wait3A_1666 = arith.constant 0 : i32
    %dma_wait3A_1667 = tpu.memref_slice %arg2[%dma_wait3A_1665, %dma_wait3A_1666] : memref<1000000x64xf32, #tpu.memory_space<hbm>> -> memref<1000000x64xf32, #tpu.memory_space<hbm>>
    tpu.wait_indirect_dma semaphore(%arg13 : memref<!tpu.dma_semaphore, #tpu.memory_space<semaphore_mem>>) src(%dma_wait3A_1667 : memref<1000000x64xf32, #tpu.memory_space<hbm>>) dst(%dma_wait3A_1661 : memref<128x64xf32, #tpu.memory_space<vmem>>)
    %dma_wait3A_1668 = arith.constant 2 : i32
    %dma_wait3A_1669 = arith.constant 2 : i32
    %dma_wait3A_1670 = arith.constant 0 : i32
    %dma_wait3A_1671 = arith.constant 0 : i32
    %dma_wait3A_1672 = arith.constant 0 : i32
    %dma_wait3A_1673 = arith.constant 0 : i32
    %dma_wait3A_1674 = tpu.memref_slice %arg6[%dma_wait3A_1671, %dma_wait3A_1672, %dma_wait3A_1673] : memref<2x256x64xf32, #tpu.memory_space<vmem>> -> memref<1x128x64xf32, #tpu.memory_space<vmem>>
    %dma_wait3A_1675 = tpu.memref_squeeze %dma_wait3A_1674 : memref<1x128x64xf32, #tpu.memory_space<vmem>> -> memref<128x64xf32, #tpu.memory_space<vmem>>
    %dma_wait3A_1676 = arith.constant 0 : i32
    %dma_wait3A_1677 = tpu.memref_slice %arg5[%dma_wait3A_1668, %dma_wait3A_1669, %dma_wait3A_1670, %dma_wait3A_1676] : memref<4x3x2x128xi32, #tpu.memory_space<vmem>> -> memref<1x1x1x128xi32, #tpu.memory_space<vmem>>
    %dma_wait3A_1678 = tpu.memref_squeeze %dma_wait3A_1677 : memref<1x1x1x128xi32, #tpu.memory_space<vmem>> -> memref<128xi32, #tpu.memory_space<vmem>>
    %dma_wait3A_1679 = arith.constant 0 : i32
    %dma_wait3A_1680 = arith.constant 0 : i32
    %dma_wait3A_1681 = tpu.memref_slice %arg2[%dma_wait3A_1679, %dma_wait3A_1680] : memref<1000000x64xf32, #tpu.memory_space<hbm>> -> memref<1000000x64xf32, #tpu.memory_space<hbm>>
    tpu.wait_indirect_dma semaphore(%arg13 : memref<!tpu.dma_semaphore, #tpu.memory_space<semaphore_mem>>) src(%dma_wait3A_1681 : memref<1000000x64xf32, #tpu.memory_space<hbm>>) dst(%dma_wait3A_1675 : memref<128x64xf32, #tpu.memory_space<vmem>>)
    %dma_wait3A_1682 = arith.constant 2 : i32
    %dma_wait3A_1683 = arith.constant 2 : i32
    %dma_wait3A_1684 = arith.constant 1 : i32
    %dma_wait3A_1685 = arith.constant 0 : i32
    %dma_wait3A_1686 = arith.constant 128 : i32
    %dma_wait3A_1687 = arith.constant 0 : i32
    %dma_wait3A_1688 = tpu.memref_slice %arg6[%dma_wait3A_1685, %dma_wait3A_1686, %dma_wait3A_1687] : memref<2x256x64xf32, #tpu.memory_space<vmem>> -> memref<1x128x64xf32, #tpu.memory_space<vmem>>
    %dma_wait3A_1689 = tpu.memref_squeeze %dma_wait3A_1688 : memref<1x128x64xf32, #tpu.memory_space<vmem>> -> memref<128x64xf32, #tpu.memory_space<vmem>>
    %dma_wait3A_1690 = arith.constant 0 : i32
    %dma_wait3A_1691 = tpu.memref_slice %arg5[%dma_wait3A_1682, %dma_wait3A_1683, %dma_wait3A_1684, %dma_wait3A_1690] : memref<4x3x2x128xi32, #tpu.memory_space<vmem>> -> memref<1x1x1x128xi32, #tpu.memory_space<vmem>>
    %dma_wait3A_1692 = tpu.memref_squeeze %dma_wait3A_1691 : memref<1x1x1x128xi32, #tpu.memory_space<vmem>> -> memref<128xi32, #tpu.memory_space<vmem>>
    %dma_wait3A_1693 = arith.constant 0 : i32
    %dma_wait3A_1694 = arith.constant 0 : i32
    %dma_wait3A_1695 = tpu.memref_slice %arg2[%dma_wait3A_1693, %dma_wait3A_1694] : memref<1000000x64xf32, #tpu.memory_space<hbm>> -> memref<1000000x64xf32, #tpu.memory_space<hbm>>
    tpu.wait_indirect_dma semaphore(%arg13 : memref<!tpu.dma_semaphore, #tpu.memory_space<semaphore_mem>>) src(%dma_wait3A_1695 : memref<1000000x64xf32, #tpu.memory_space<hbm>>) dst(%dma_wait3A_1689 : memref<128x64xf32, #tpu.memory_space<vmem>>)
    %add3A_1696 = arith.constant 25088 : i32
    %add3A_1697 = arith.addi %mul3A_4, %add3A_1696 : i32
    %dma_start3A_1698 = arith.constant 0 : i32
    %dma_start3A_1699 = arith.constant 0 : i32
    %dma_start3A_1700 = arith.constant 0 : i32
    %dma_start3A_1701 = tpu.memref_slice %arg6[%dma_start3A_1698, %dma_start3A_1699, %dma_start3A_1700] : memref<2x256x64xf32, #tpu.memory_space<vmem>> -> memref<1x256x64xf32, #tpu.memory_space<vmem>>
    %dma_start3A_1702 = tpu.memref_squeeze %dma_start3A_1701 : memref<1x256x64xf32, #tpu.memory_space<vmem>> -> memref<256x64xf32, #tpu.memory_space<vmem>>
    %dma_start3A_1703 = arith.constant 0 : i32
    %dma_start3A_1704 = tpu.memref_slice %arg4[%add3A_1697, %dma_start3A_1703] : memref<819200x64xf32, #tpu.memory_space<hbm>> -> memref<256x64xf32, #tpu.memory_space<hbm>>
    %dma_start3A_1705 = arith.constant 0 : i32
    %dma_start3A_1706 = tpu.memref_slice %arg4[%add3A_1697, %dma_start3A_1705] : memref<819200x64xf32, #tpu.memory_space<hbm>> -> memref<256x64xf32, #tpu.memory_space<hbm>>
    %dma_start3A_1707 = arith.constant 0 : i32
    %dma_start3A_1708 = arith.constant 0 : i32
    %dma_start3A_1709 = tpu.memref_slice %arg6[%dma_start3A_1698, %dma_start3A_1707, %dma_start3A_1708] : memref<2x256x64xf32, #tpu.memory_space<vmem>> -> memref<1x256x64xf32, #tpu.memory_space<vmem>>
    %dma_start3A_1710 = tpu.memref_squeeze %dma_start3A_1709 : memref<1x256x64xf32, #tpu.memory_space<vmem>> -> memref<256x64xf32, #tpu.memory_space<vmem>>
    tpu.enqueue_dma source(%dma_start3A_1710 : memref<256x64xf32, #tpu.memory_space<vmem>>) target(%dma_start3A_1706 : memref<256x64xf32, #tpu.memory_space<hbm>>) target_semaphore(%arg15 : memref<!tpu.dma_semaphore, #tpu.memory_space<semaphore_mem>>)
    %dma_wait3A_1711 = arith.constant 3 : i32
    %dma_wait3A_1712 = arith.constant 0 : i32
    %dma_wait3A_1713 = arith.constant 0 : i32
    %dma_wait3A_1714 = arith.constant 1 : i32
    %dma_wait3A_1715 = arith.constant 0 : i32
    %dma_wait3A_1716 = arith.constant 0 : i32
    %dma_wait3A_1717 = tpu.memref_slice %arg6[%dma_wait3A_1714, %dma_wait3A_1715, %dma_wait3A_1716] : memref<2x256x64xf32, #tpu.memory_space<vmem>> -> memref<1x128x64xf32, #tpu.memory_space<vmem>>
    %dma_wait3A_1718 = tpu.memref_squeeze %dma_wait3A_1717 : memref<1x128x64xf32, #tpu.memory_space<vmem>> -> memref<128x64xf32, #tpu.memory_space<vmem>>
    %dma_wait3A_1719 = arith.constant 0 : i32
    %dma_wait3A_1720 = tpu.memref_slice %arg5[%dma_wait3A_1711, %dma_wait3A_1712, %dma_wait3A_1713, %dma_wait3A_1719] : memref<4x3x2x128xi32, #tpu.memory_space<vmem>> -> memref<1x1x1x128xi32, #tpu.memory_space<vmem>>
    %dma_wait3A_1721 = tpu.memref_squeeze %dma_wait3A_1720 : memref<1x1x1x128xi32, #tpu.memory_space<vmem>> -> memref<128xi32, #tpu.memory_space<vmem>>
    %dma_wait3A_1722 = arith.constant 0 : i32
    %dma_wait3A_1723 = arith.constant 0 : i32
    %dma_wait3A_1724 = tpu.memref_slice %arg2[%dma_wait3A_1722, %dma_wait3A_1723] : memref<1000000x64xf32, #tpu.memory_space<hbm>> -> memref<1000000x64xf32, #tpu.memory_space<hbm>>
    tpu.wait_indirect_dma semaphore(%arg12 : memref<!tpu.dma_semaphore, #tpu.memory_space<semaphore_mem>>) src(%dma_wait3A_1724 : memref<1000000x64xf32, #tpu.memory_space<hbm>>) dst(%dma_wait3A_1718 : memref<128x64xf32, #tpu.memory_space<vmem>>)
    %dma_wait3A_1725 = arith.constant 3 : i32
    %dma_wait3A_1726 = arith.constant 0 : i32
    %dma_wait3A_1727 = arith.constant 1 : i32
    %dma_wait3A_1728 = arith.constant 1 : i32
    %dma_wait3A_1729 = arith.constant 128 : i32
    %dma_wait3A_1730 = arith.constant 0 : i32
    %dma_wait3A_1731 = tpu.memref_slice %arg6[%dma_wait3A_1728, %dma_wait3A_1729, %dma_wait3A_1730] : memref<2x256x64xf32, #tpu.memory_space<vmem>> -> memref<1x128x64xf32, #tpu.memory_space<vmem>>
    %dma_wait3A_1732 = tpu.memref_squeeze %dma_wait3A_1731 : memref<1x128x64xf32, #tpu.memory_space<vmem>> -> memref<128x64xf32, #tpu.memory_space<vmem>>
    %dma_wait3A_1733 = arith.constant 0 : i32
    %dma_wait3A_1734 = tpu.memref_slice %arg5[%dma_wait3A_1725, %dma_wait3A_1726, %dma_wait3A_1727, %dma_wait3A_1733] : memref<4x3x2x128xi32, #tpu.memory_space<vmem>> -> memref<1x1x1x128xi32, #tpu.memory_space<vmem>>
    %dma_wait3A_1735 = tpu.memref_squeeze %dma_wait3A_1734 : memref<1x1x1x128xi32, #tpu.memory_space<vmem>> -> memref<128xi32, #tpu.memory_space<vmem>>
    %dma_wait3A_1736 = arith.constant 0 : i32
    %dma_wait3A_1737 = arith.constant 0 : i32
    %dma_wait3A_1738 = tpu.memref_slice %arg2[%dma_wait3A_1736, %dma_wait3A_1737] : memref<1000000x64xf32, #tpu.memory_space<hbm>> -> memref<1000000x64xf32, #tpu.memory_space<hbm>>
    tpu.wait_indirect_dma semaphore(%arg12 : memref<!tpu.dma_semaphore, #tpu.memory_space<semaphore_mem>>) src(%dma_wait3A_1738 : memref<1000000x64xf32, #tpu.memory_space<hbm>>) dst(%dma_wait3A_1732 : memref<128x64xf32, #tpu.memory_space<vmem>>)
    %dma_start3A_1739 = arith.constant 3 : i32
    %dma_start3A_1740 = arith.constant 1 : i32
    %dma_start3A_1741 = arith.constant 0 : i32
    %dma_start3A_1742 = arith.constant 1 : i32
    %dma_start3A_1743 = arith.constant 0 : i32
    %dma_start3A_1744 = arith.constant 0 : i32
    %dma_start3A_1745 = tpu.memref_slice %arg6[%dma_start3A_1742, %dma_start3A_1743, %dma_start3A_1744] : memref<2x256x64xf32, #tpu.memory_space<vmem>> -> memref<1x128x64xf32, #tpu.memory_space<vmem>>
    %dma_start3A_1746 = tpu.memref_squeeze %dma_start3A_1745 : memref<1x128x64xf32, #tpu.memory_space<vmem>> -> memref<128x64xf32, #tpu.memory_space<vmem>>
    %dma_start3A_1747 = arith.constant 0 : i32
    %dma_start3A_1748 = tpu.memref_slice %arg5[%dma_start3A_1739, %dma_start3A_1740, %dma_start3A_1741, %dma_start3A_1747] : memref<4x3x2x128xi32, #tpu.memory_space<vmem>> -> memref<1x1x1x128xi32, #tpu.memory_space<vmem>>
    %dma_start3A_1749 = tpu.memref_squeeze %dma_start3A_1748 : memref<1x1x1x128xi32, #tpu.memory_space<vmem>> -> memref<128xi32, #tpu.memory_space<vmem>>
    %dma_start3A_1750 = arith.constant 0 : i32
    %dma_start3A_1751 = arith.constant 0 : i32
    %dma_start3A_1752 = tpu.memref_slice %arg2[%dma_start3A_1750, %dma_start3A_1751] : memref<1000000x64xf32, #tpu.memory_space<hbm>> -> memref<1000000x64xf32, #tpu.memory_space<hbm>>
    tpu.enqueue_indirect_dma source(%dma_start3A_1752 : memref<1000000x64xf32, #tpu.memory_space<hbm>>) target(%dma_start3A_1746 : memref<128x64xf32, #tpu.memory_space<vmem>>) offsets(%dma_start3A_1749 : memref<128xi32, #tpu.memory_space<vmem>>) semaphore(%arg14 : memref<!tpu.dma_semaphore, #tpu.memory_space<semaphore_mem>>) {add = true}
    %dma_start3A_1753 = arith.constant 3 : i32
    %dma_start3A_1754 = arith.constant 1 : i32
    %dma_start3A_1755 = arith.constant 1 : i32
    %dma_start3A_1756 = arith.constant 1 : i32
    %dma_start3A_1757 = arith.constant 128 : i32
    %dma_start3A_1758 = arith.constant 0 : i32
    %dma_start3A_1759 = tpu.memref_slice %arg6[%dma_start3A_1756, %dma_start3A_1757, %dma_start3A_1758] : memref<2x256x64xf32, #tpu.memory_space<vmem>> -> memref<1x128x64xf32, #tpu.memory_space<vmem>>
    %dma_start3A_1760 = tpu.memref_squeeze %dma_start3A_1759 : memref<1x128x64xf32, #tpu.memory_space<vmem>> -> memref<128x64xf32, #tpu.memory_space<vmem>>
    %dma_start3A_1761 = arith.constant 0 : i32
    %dma_start3A_1762 = tpu.memref_slice %arg5[%dma_start3A_1753, %dma_start3A_1754, %dma_start3A_1755, %dma_start3A_1761] : memref<4x3x2x128xi32, #tpu.memory_space<vmem>> -> memref<1x1x1x128xi32, #tpu.memory_space<vmem>>
    %dma_start3A_1763 = tpu.memref_squeeze %dma_start3A_1762 : memref<1x1x1x128xi32, #tpu.memory_space<vmem>> -> memref<128xi32, #tpu.memory_space<vmem>>
    %dma_start3A_1764 = arith.constant 0 : i32
    %dma_start3A_1765 = arith.constant 0 : i32
    %dma_start3A_1766 = tpu.memref_slice %arg2[%dma_start3A_1764, %dma_start3A_1765] : memref<1000000x64xf32, #tpu.memory_space<hbm>> -> memref<1000000x64xf32, #tpu.memory_space<hbm>>
    tpu.enqueue_indirect_dma source(%dma_start3A_1766 : memref<1000000x64xf32, #tpu.memory_space<hbm>>) target(%dma_start3A_1760 : memref<128x64xf32, #tpu.memory_space<vmem>>) offsets(%dma_start3A_1763 : memref<128xi32, #tpu.memory_space<vmem>>) semaphore(%arg14 : memref<!tpu.dma_semaphore, #tpu.memory_space<semaphore_mem>>) {add = true}
    %dma_start3A_1767 = arith.constant 3 : i32
    %dma_start3A_1768 = arith.constant 2 : i32
    %dma_start3A_1769 = arith.constant 0 : i32
    %dma_start3A_1770 = arith.constant 1 : i32
    %dma_start3A_1771 = arith.constant 0 : i32
    %dma_start3A_1772 = arith.constant 0 : i32
    %dma_start3A_1773 = tpu.memref_slice %arg6[%dma_start3A_1770, %dma_start3A_1771, %dma_start3A_1772] : memref<2x256x64xf32, #tpu.memory_space<vmem>> -> memref<1x128x64xf32, #tpu.memory_space<vmem>>
    %dma_start3A_1774 = tpu.memref_squeeze %dma_start3A_1773 : memref<1x128x64xf32, #tpu.memory_space<vmem>> -> memref<128x64xf32, #tpu.memory_space<vmem>>
    %dma_start3A_1775 = arith.constant 0 : i32
    %dma_start3A_1776 = tpu.memref_slice %arg5[%dma_start3A_1767, %dma_start3A_1768, %dma_start3A_1769, %dma_start3A_1775] : memref<4x3x2x128xi32, #tpu.memory_space<vmem>> -> memref<1x1x1x128xi32, #tpu.memory_space<vmem>>
    %dma_start3A_1777 = tpu.memref_squeeze %dma_start3A_1776 : memref<1x1x1x128xi32, #tpu.memory_space<vmem>> -> memref<128xi32, #tpu.memory_space<vmem>>
    %dma_start3A_1778 = arith.constant 0 : i32
    %dma_start3A_1779 = arith.constant 0 : i32
    %dma_start3A_1780 = tpu.memref_slice %arg2[%dma_start3A_1778, %dma_start3A_1779] : memref<1000000x64xf32, #tpu.memory_space<hbm>> -> memref<1000000x64xf32, #tpu.memory_space<hbm>>
    tpu.enqueue_indirect_dma source(%dma_start3A_1780 : memref<1000000x64xf32, #tpu.memory_space<hbm>>) target(%dma_start3A_1774 : memref<128x64xf32, #tpu.memory_space<vmem>>) offsets(%dma_start3A_1777 : memref<128xi32, #tpu.memory_space<vmem>>) semaphore(%arg14 : memref<!tpu.dma_semaphore, #tpu.memory_space<semaphore_mem>>) {add = true}
    %dma_start3A_1781 = arith.constant 3 : i32
    %dma_start3A_1782 = arith.constant 2 : i32
    %dma_start3A_1783 = arith.constant 1 : i32
    %dma_start3A_1784 = arith.constant 1 : i32
    %dma_start3A_1785 = arith.constant 128 : i32
    %dma_start3A_1786 = arith.constant 0 : i32
    %dma_start3A_1787 = tpu.memref_slice %arg6[%dma_start3A_1784, %dma_start3A_1785, %dma_start3A_1786] : memref<2x256x64xf32, #tpu.memory_space<vmem>> -> memref<1x128x64xf32, #tpu.memory_space<vmem>>
    %dma_start3A_1788 = tpu.memref_squeeze %dma_start3A_1787 : memref<1x128x64xf32, #tpu.memory_space<vmem>> -> memref<128x64xf32, #tpu.memory_space<vmem>>
    %dma_start3A_1789 = arith.constant 0 : i32
    %dma_start3A_1790 = tpu.memref_slice %arg5[%dma_start3A_1781, %dma_start3A_1782, %dma_start3A_1783, %dma_start3A_1789] : memref<4x3x2x128xi32, #tpu.memory_space<vmem>> -> memref<1x1x1x128xi32, #tpu.memory_space<vmem>>
    %dma_start3A_1791 = tpu.memref_squeeze %dma_start3A_1790 : memref<1x1x1x128xi32, #tpu.memory_space<vmem>> -> memref<128xi32, #tpu.memory_space<vmem>>
    %dma_start3A_1792 = arith.constant 0 : i32
    %dma_start3A_1793 = arith.constant 0 : i32
    %dma_start3A_1794 = tpu.memref_slice %arg2[%dma_start3A_1792, %dma_start3A_1793] : memref<1000000x64xf32, #tpu.memory_space<hbm>> -> memref<1000000x64xf32, #tpu.memory_space<hbm>>
    tpu.enqueue_indirect_dma source(%dma_start3A_1794 : memref<1000000x64xf32, #tpu.memory_space<hbm>>) target(%dma_start3A_1788 : memref<128x64xf32, #tpu.memory_space<vmem>>) offsets(%dma_start3A_1791 : memref<128xi32, #tpu.memory_space<vmem>>) semaphore(%arg14 : memref<!tpu.dma_semaphore, #tpu.memory_space<semaphore_mem>>) {add = true}
    %dma_wait3A_1795 = arith.constant 3 : i32
    %dma_wait3A_1796 = arith.constant 1 : i32
    %dma_wait3A_1797 = arith.constant 0 : i32
    %dma_wait3A_1798 = arith.constant 1 : i32
    %dma_wait3A_1799 = arith.constant 0 : i32
    %dma_wait3A_1800 = arith.constant 0 : i32
    %dma_wait3A_1801 = tpu.memref_slice %arg6[%dma_wait3A_1798, %dma_wait3A_1799, %dma_wait3A_1800] : memref<2x256x64xf32, #tpu.memory_space<vmem>> -> memref<1x128x64xf32, #tpu.memory_space<vmem>>
    %dma_wait3A_1802 = tpu.memref_squeeze %dma_wait3A_1801 : memref<1x128x64xf32, #tpu.memory_space<vmem>> -> memref<128x64xf32, #tpu.memory_space<vmem>>
    %dma_wait3A_1803 = arith.constant 0 : i32
    %dma_wait3A_1804 = tpu.memref_slice %arg5[%dma_wait3A_1795, %dma_wait3A_1796, %dma_wait3A_1797, %dma_wait3A_1803] : memref<4x3x2x128xi32, #tpu.memory_space<vmem>> -> memref<1x1x1x128xi32, #tpu.memory_space<vmem>>
    %dma_wait3A_1805 = tpu.memref_squeeze %dma_wait3A_1804 : memref<1x1x1x128xi32, #tpu.memory_space<vmem>> -> memref<128xi32, #tpu.memory_space<vmem>>
    %dma_wait3A_1806 = arith.constant 0 : i32
    %dma_wait3A_1807 = arith.constant 0 : i32
    %dma_wait3A_1808 = tpu.memref_slice %arg2[%dma_wait3A_1806, %dma_wait3A_1807] : memref<1000000x64xf32, #tpu.memory_space<hbm>> -> memref<1000000x64xf32, #tpu.memory_space<hbm>>
    tpu.wait_indirect_dma semaphore(%arg14 : memref<!tpu.dma_semaphore, #tpu.memory_space<semaphore_mem>>) src(%dma_wait3A_1808 : memref<1000000x64xf32, #tpu.memory_space<hbm>>) dst(%dma_wait3A_1802 : memref<128x64xf32, #tpu.memory_space<vmem>>)
    %dma_wait3A_1809 = arith.constant 3 : i32
    %dma_wait3A_1810 = arith.constant 1 : i32
    %dma_wait3A_1811 = arith.constant 1 : i32
    %dma_wait3A_1812 = arith.constant 1 : i32
    %dma_wait3A_1813 = arith.constant 128 : i32
    %dma_wait3A_1814 = arith.constant 0 : i32
    %dma_wait3A_1815 = tpu.memref_slice %arg6[%dma_wait3A_1812, %dma_wait3A_1813, %dma_wait3A_1814] : memref<2x256x64xf32, #tpu.memory_space<vmem>> -> memref<1x128x64xf32, #tpu.memory_space<vmem>>
    %dma_wait3A_1816 = tpu.memref_squeeze %dma_wait3A_1815 : memref<1x128x64xf32, #tpu.memory_space<vmem>> -> memref<128x64xf32, #tpu.memory_space<vmem>>
    %dma_wait3A_1817 = arith.constant 0 : i32
    %dma_wait3A_1818 = tpu.memref_slice %arg5[%dma_wait3A_1809, %dma_wait3A_1810, %dma_wait3A_1811, %dma_wait3A_1817] : memref<4x3x2x128xi32, #tpu.memory_space<vmem>> -> memref<1x1x1x128xi32, #tpu.memory_space<vmem>>
    %dma_wait3A_1819 = tpu.memref_squeeze %dma_wait3A_1818 : memref<1x1x1x128xi32, #tpu.memory_space<vmem>> -> memref<128xi32, #tpu.memory_space<vmem>>
    %dma_wait3A_1820 = arith.constant 0 : i32
    %dma_wait3A_1821 = arith.constant 0 : i32
    %dma_wait3A_1822 = tpu.memref_slice %arg2[%dma_wait3A_1820, %dma_wait3A_1821] : memref<1000000x64xf32, #tpu.memory_space<hbm>> -> memref<1000000x64xf32, #tpu.memory_space<hbm>>
    tpu.wait_indirect_dma semaphore(%arg14 : memref<!tpu.dma_semaphore, #tpu.memory_space<semaphore_mem>>) src(%dma_wait3A_1822 : memref<1000000x64xf32, #tpu.memory_space<hbm>>) dst(%dma_wait3A_1816 : memref<128x64xf32, #tpu.memory_space<vmem>>)
    %dma_wait3A_1823 = arith.constant 3 : i32
    %dma_wait3A_1824 = arith.constant 2 : i32
    %dma_wait3A_1825 = arith.constant 0 : i32
    %dma_wait3A_1826 = arith.constant 1 : i32
    %dma_wait3A_1827 = arith.constant 0 : i32
    %dma_wait3A_1828 = arith.constant 0 : i32
    %dma_wait3A_1829 = tpu.memref_slice %arg6[%dma_wait3A_1826, %dma_wait3A_1827, %dma_wait3A_1828] : memref<2x256x64xf32, #tpu.memory_space<vmem>> -> memref<1x128x64xf32, #tpu.memory_space<vmem>>
    %dma_wait3A_1830 = tpu.memref_squeeze %dma_wait3A_1829 : memref<1x128x64xf32, #tpu.memory_space<vmem>> -> memref<128x64xf32, #tpu.memory_space<vmem>>
    %dma_wait3A_1831 = arith.constant 0 : i32
    %dma_wait3A_1832 = tpu.memref_slice %arg5[%dma_wait3A_1823, %dma_wait3A_1824, %dma_wait3A_1825, %dma_wait3A_1831] : memref<4x3x2x128xi32, #tpu.memory_space<vmem>> -> memref<1x1x1x128xi32, #tpu.memory_space<vmem>>
    %dma_wait3A_1833 = tpu.memref_squeeze %dma_wait3A_1832 : memref<1x1x1x128xi32, #tpu.memory_space<vmem>> -> memref<128xi32, #tpu.memory_space<vmem>>
    %dma_wait3A_1834 = arith.constant 0 : i32
    %dma_wait3A_1835 = arith.constant 0 : i32
    %dma_wait3A_1836 = tpu.memref_slice %arg2[%dma_wait3A_1834, %dma_wait3A_1835] : memref<1000000x64xf32, #tpu.memory_space<hbm>> -> memref<1000000x64xf32, #tpu.memory_space<hbm>>
    tpu.wait_indirect_dma semaphore(%arg14 : memref<!tpu.dma_semaphore, #tpu.memory_space<semaphore_mem>>) src(%dma_wait3A_1836 : memref<1000000x64xf32, #tpu.memory_space<hbm>>) dst(%dma_wait3A_1830 : memref<128x64xf32, #tpu.memory_space<vmem>>)
    %dma_wait3A_1837 = arith.constant 3 : i32
    %dma_wait3A_1838 = arith.constant 2 : i32
    %dma_wait3A_1839 = arith.constant 1 : i32
    %dma_wait3A_1840 = arith.constant 1 : i32
    %dma_wait3A_1841 = arith.constant 128 : i32
    %dma_wait3A_1842 = arith.constant 0 : i32
    %dma_wait3A_1843 = tpu.memref_slice %arg6[%dma_wait3A_1840, %dma_wait3A_1841, %dma_wait3A_1842] : memref<2x256x64xf32, #tpu.memory_space<vmem>> -> memref<1x128x64xf32, #tpu.memory_space<vmem>>
    %dma_wait3A_1844 = tpu.memref_squeeze %dma_wait3A_1843 : memref<1x128x64xf32, #tpu.memory_space<vmem>> -> memref<128x64xf32, #tpu.memory_space<vmem>>
    %dma_wait3A_1845 = arith.constant 0 : i32
    %dma_wait3A_1846 = tpu.memref_slice %arg5[%dma_wait3A_1837, %dma_wait3A_1838, %dma_wait3A_1839, %dma_wait3A_1845] : memref<4x3x2x128xi32, #tpu.memory_space<vmem>> -> memref<1x1x1x128xi32, #tpu.memory_space<vmem>>
    %dma_wait3A_1847 = tpu.memref_squeeze %dma_wait3A_1846 : memref<1x1x1x128xi32, #tpu.memory_space<vmem>> -> memref<128xi32, #tpu.memory_space<vmem>>
    %dma_wait3A_1848 = arith.constant 0 : i32
    %dma_wait3A_1849 = arith.constant 0 : i32
    %dma_wait3A_1850 = tpu.memref_slice %arg2[%dma_wait3A_1848, %dma_wait3A_1849] : memref<1000000x64xf32, #tpu.memory_space<hbm>> -> memref<1000000x64xf32, #tpu.memory_space<hbm>>
    tpu.wait_indirect_dma semaphore(%arg14 : memref<!tpu.dma_semaphore, #tpu.memory_space<semaphore_mem>>) src(%dma_wait3A_1850 : memref<1000000x64xf32, #tpu.memory_space<hbm>>) dst(%dma_wait3A_1844 : memref<128x64xf32, #tpu.memory_space<vmem>>)
    %add3A_1851 = arith.constant 25344 : i32
    %add3A_1852 = arith.addi %mul3A_4, %add3A_1851 : i32
    %dma_start3A_1853 = arith.constant 1 : i32
    %dma_start3A_1854 = arith.constant 0 : i32
    %dma_start3A_1855 = arith.constant 0 : i32
    %dma_start3A_1856 = tpu.memref_slice %arg6[%dma_start3A_1853, %dma_start3A_1854, %dma_start3A_1855] : memref<2x256x64xf32, #tpu.memory_space<vmem>> -> memref<1x256x64xf32, #tpu.memory_space<vmem>>
    %dma_start3A_1857 = tpu.memref_squeeze %dma_start3A_1856 : memref<1x256x64xf32, #tpu.memory_space<vmem>> -> memref<256x64xf32, #tpu.memory_space<vmem>>
    %dma_start3A_1858 = arith.constant 0 : i32
    %dma_start3A_1859 = tpu.memref_slice %arg4[%add3A_1852, %dma_start3A_1858] : memref<819200x64xf32, #tpu.memory_space<hbm>> -> memref<256x64xf32, #tpu.memory_space<hbm>>
    %dma_start3A_1860 = arith.constant 0 : i32
    %dma_start3A_1861 = tpu.memref_slice %arg4[%add3A_1852, %dma_start3A_1860] : memref<819200x64xf32, #tpu.memory_space<hbm>> -> memref<256x64xf32, #tpu.memory_space<hbm>>
    %dma_start3A_1862 = arith.constant 0 : i32
    %dma_start3A_1863 = arith.constant 0 : i32
    %dma_start3A_1864 = tpu.memref_slice %arg6[%dma_start3A_1853, %dma_start3A_1862, %dma_start3A_1863] : memref<2x256x64xf32, #tpu.memory_space<vmem>> -> memref<1x256x64xf32, #tpu.memory_space<vmem>>
    %dma_start3A_1865 = tpu.memref_squeeze %dma_start3A_1864 : memref<1x256x64xf32, #tpu.memory_space<vmem>> -> memref<256x64xf32, #tpu.memory_space<vmem>>
    tpu.enqueue_dma source(%dma_start3A_1865 : memref<256x64xf32, #tpu.memory_space<vmem>>) target(%dma_start3A_1861 : memref<256x64xf32, #tpu.memory_space<hbm>>) target_semaphore(%arg16 : memref<!tpu.dma_semaphore, #tpu.memory_space<semaphore_mem>>)
    %add3A_1866 = arith.constant 25088 : i32
    %add3A_1867 = arith.addi %mul3A_4, %add3A_1866 : i32
    %dma_wait3A_1868 = arith.constant 0 : i32
    %dma_wait3A_1869 = arith.constant 0 : i32
    %dma_wait3A_1870 = arith.constant 0 : i32
    %dma_wait3A_1871 = tpu.memref_slice %arg6[%dma_wait3A_1868, %dma_wait3A_1869, %dma_wait3A_1870] : memref<2x256x64xf32, #tpu.memory_space<vmem>> -> memref<1x256x64xf32, #tpu.memory_space<vmem>>
    %dma_wait3A_1872 = tpu.memref_squeeze %dma_wait3A_1871 : memref<1x256x64xf32, #tpu.memory_space<vmem>> -> memref<256x64xf32, #tpu.memory_space<vmem>>
    %dma_wait3A_1873 = arith.constant 0 : i32
    %dma_wait3A_1874 = tpu.memref_slice %arg4[%add3A_1867, %dma_wait3A_1873] : memref<819200x64xf32, #tpu.memory_space<hbm>> -> memref<256x64xf32, #tpu.memory_space<hbm>>
    %dma_wait3A_1875 = arith.constant 0 : i32
    %dma_wait3A_1876 = tpu.memref_slice %arg4[%add3A_1867, %dma_wait3A_1875] : memref<819200x64xf32, #tpu.memory_space<hbm>> -> memref<256x64xf32, #tpu.memory_space<hbm>>
    %dma_wait3A_1877 = arith.constant 0 : i32
    %dma_wait3A_1878 = arith.constant 0 : i32
    %dma_wait3A_1879 = tpu.memref_slice %arg6[%dma_wait3A_1868, %dma_wait3A_1877, %dma_wait3A_1878] : memref<2x256x64xf32, #tpu.memory_space<vmem>> -> memref<1x256x64xf32, #tpu.memory_space<vmem>>
    %dma_wait3A_1880 = tpu.memref_squeeze %dma_wait3A_1879 : memref<1x256x64xf32, #tpu.memory_space<vmem>> -> memref<256x64xf32, #tpu.memory_space<vmem>>
    tpu.wait_dma2 semaphore(%arg15 : memref<!tpu.dma_semaphore, #tpu.memory_space<semaphore_mem>>) src(%dma_wait3A_1880 : memref<256x64xf32, #tpu.memory_space<vmem>>) dst(%dma_wait3A_1876 : memref<256x64xf32, #tpu.memory_space<hbm>>)
    %add3A_1881 = arith.constant 25344 : i32
    %add3A_1882 = arith.addi %mul3A_4, %add3A_1881 : i32
    %dma_wait3A_1883 = arith.constant 1 : i32
    %dma_wait3A_1884 = arith.constant 0 : i32
    %dma_wait3A_1885 = arith.constant 0 : i32
    %dma_wait3A_1886 = tpu.memref_slice %arg6[%dma_wait3A_1883, %dma_wait3A_1884, %dma_wait3A_1885] : memref<2x256x64xf32, #tpu.memory_space<vmem>> -> memref<1x256x64xf32, #tpu.memory_space<vmem>>
    %dma_wait3A_1887 = tpu.memref_squeeze %dma_wait3A_1886 : memref<1x256x64xf32, #tpu.memory_space<vmem>> -> memref<256x64xf32, #tpu.memory_space<vmem>>
    %dma_wait3A_1888 = arith.constant 0 : i32
    %dma_wait3A_1889 = tpu.memref_slice %arg4[%add3A_1882, %dma_wait3A_1888] : memref<819200x64xf32, #tpu.memory_space<hbm>> -> memref<256x64xf32, #tpu.memory_space<hbm>>
    %dma_wait3A_1890 = arith.constant 0 : i32
    %dma_wait3A_1891 = tpu.memref_slice %arg4[%add3A_1882, %dma_wait3A_1890] : memref<819200x64xf32, #tpu.memory_space<hbm>> -> memref<256x64xf32, #tpu.memory_space<hbm>>
    %dma_wait3A_1892 = arith.constant 0 : i32
    %dma_wait3A_1893 = arith.constant 0 : i32
    %dma_wait3A_1894 = tpu.memref_slice %arg6[%dma_wait3A_1883, %dma_wait3A_1892, %dma_wait3A_1893] : memref<2x256x64xf32, #tpu.memory_space<vmem>> -> memref<1x256x64xf32, #tpu.memory_space<vmem>>
    %dma_wait3A_1895 = tpu.memref_squeeze %dma_wait3A_1894 : memref<1x256x64xf32, #tpu.memory_space<vmem>> -> memref<256x64xf32, #tpu.memory_space<vmem>>
    tpu.wait_dma2 semaphore(%arg16 : memref<!tpu.dma_semaphore, #tpu.memory_space<semaphore_mem>>) src(%dma_wait3A_1895 : memref<256x64xf32, #tpu.memory_space<vmem>>) dst(%dma_wait3A_1891 : memref<256x64xf32, #tpu.memory_space<hbm>>)
    return
  }
}

</mosaic_0001>

<sc_bundles>
// kernel: _call.3.cloned.1.call-start
scs
__scs_entry_jumppad:
0x0: {  	(pc) =	sbr.rel $0x88, $3  }
0x1: {  	(tag) =	ssettag $0x0;
	lr =	simm.s32 $0x1  }
0x2: {  	[smem:$0x3F9F] =	sst lr;
	_ =	strace $0xD0000000  }
0x3: {  	_ = 	snop  }
0x4: {  	_ = 	snop  }
0x5: {  	_ = 	snop  }
0x6: {  	_ = 	snop  }
0x7: {  	_ = 	snop  }
__scs_overlays_trampoline_lowered:
0x8: {  	[smem:$0x3FAE] =	sst s0  }
0x9: {  	[smem:$0x3FAF] =	sst s1  }
0xa: {  	[smem:$0x3FB0] =	sst s2  }
0xb: {  	[smem:$0x3FB1] =	sst s3  }
0xc: {  	[smem:$0x3FB2] =	sst s4  }
0xd: {  	[smem:$0x3FB3] =	sst s5  }
0xe: {  	[smem:$0x3FB4] =	sst s6  }
0xf: {  	[smem:$0x3FB5] =	sst s7  }
0x10: {  	[smem:$0x3FB6] =	sst s8  }
0x11: {  	[smem:$0x3FB7] =	sst s9;
	s0 =	simm.s32 @!p0 $0x0  }
0x12: {  	s1 =	sld [smem:$0x3F9D];
	s0 =	simm.s32 @p0 $0x1  }
0x13: {  	[smem:$0x3FB8] =	sst s0;
	s0 =	simm.s32 @!p1 $0x0  }
0x14: {  	s2 =	sld [smem:$0x3F9C];
	s0 =	simm.s32 @p1 $0x1  }
0x15: {  	[smem:$0x3FB9] =	sst s0;
	s0 =	simm.s32 @!p2 $0x0  }
0x16: {  	s3 =	sld [smem:$0x3FDB];
	s0 =	simm.s32 @p2 $0x1  }
0x17: {  	s4 =	simm.s32 $0x1BF5;
	[smem:$0x3FBB] =	sst s0  }
0x18: {  	s0 =	sld [smem:$0x3F9E];
	_ =	swait.ge [sflag:s4], $0x0  }
0x19: {  	s7 =	sld [smem:$0x3F9F]  }
0x1a: {  	s8 =	sadd.s32 $0xFFFFE003, lr  }
0x1b: {  	s9 =	sadd.s32 $0xFFFFFEF7, lr;
	s5 =	simm.s32 $0xFFFFFFFF;
	p2 =	slt.u32 s8, $0xFFFFF086  }
0x1c: {  	p1 =	slt.u32 s9, $0xF7A;
	s5 =	simm.s32 @!p2 $0x0  }
0x1d: {  	s5 =	simm.s32 @p1 $0x1;
	p0 =	seq.s32 s7, s2  }
0x1e: {  	s7 =	smul.u32 @!p0 $0xF7A, s2;
	p2 =	seq.s32 @!p0 s5, $0x0  }
0x1f: {  	s9 =	smul.u32 $0xF7A, s1;
	s8 =	simm.s32 @!p0 $0x1BF5;
	p2 =	por !p2, p0  }
0x20: {  	[sflag:s8] =	ssyncset.s32 @!p0 $0xFFFFF086;
	s6 =	sadd.s32 @!p0 s3, s7;
	s7 =	simm.s32 @!p0 $0x108  }
0x21: {  	s3 =	sadd.s32 s3, s9;
	s6 =	sadd.s32 @!p0 $0x88, s6;
	s7 =	simm.s32 @p2 $0x1082  }
0x22: {  	[simem:s7], [sflag:s8] =	dma.local @!p0 [hbm:s6], $0xF7A  }
0x23: {  	s9 =	sor.u32 $0xD0000000, s2;
	s6 =	simm.s32 $0x108;
	_ =	swait.ge @!p0 [sflag:s8], $0x0  }
0x24: {  	s3 =	sadd.s32 $0x88, s3;
	s6 =	simm.s32 @!p1 $0x1082;
	[sflag:s4] =	ssyncset.s32 $0xFFFFF086  }
0x25: {  	[simem:s6], [sflag:s4] =	dma.local [hbm:s3], $0xF7A  }
0x26: {  	[smem:$0x3F9F] =	sst s1;
	(tag) =	ssettag s2;
	_ =	strace s9  }
0x27: {  	s1 =	sld [smem:$0x3FAF]  }
0x28: {  	s2 =	sld [smem:$0x3FB0]  }
0x29: {  	s4 =	sld [smem:$0x3FB2]  }
0x2a: {  	p0 =	seq.s32 s5, $0x0;
	s5 =	sld [smem:$0x3FB3]  }
0x2b: {  	s6 =	sld [smem:$0x3FB4]  }
0x2c: {  	s7 =	sld [smem:$0x3FB5]  }
0x2d: {  	s3 =	simm.s32 $0x108;
	s8 =	sld [smem:$0x3FB6]  }
0x2e: {  	s3 =	simm.s32 @!p0 $0x1082;
	s9 =	sld [smem:$0x3FB7]  }
0x2f: {  	lr =	sadd.s32 s0, s3;
	s0 =	sld [smem:$0x3FAE]  }
0x30: {  	s3 =	sld [smem:$0x3FB1]  }
0x31: {  	[smem:$0x3FBA] =	sst s10  }
0x32: {  	s10 =	sld [smem:$0x3FB8];
	_ =	sdelay $0x3  }
0x33: {  	p0 =	seq.s32 s10, $0x1;
	s10 =	sld [smem:$0x3FBA];
	_ =	sdelay $0x3  }
0x34: {  	[smem:$0x3FBA] =	sst s10  }
0x35: {  	s10 =	sld [smem:$0x3FB9];
	_ =	sdelay $0x3  }
0x36: {  	p1 =	seq.s32 s10, $0x1;
	s10 =	sld [smem:$0x3FBA];
	_ =	sdelay $0x3  }
0x37: {  	[smem:$0x3FBA] =	sst s10  }
0x38: {  	s10 =	sld [smem:$0x3FBB]  }
0x39: {  	_ = 	snop;
	(pc) =	sbr.ind lr, $3  }
0x3a: {  	_ = 	snop  }
0x3b: {  	_ = 	snop  }
0x3c: {  	p2 =	seq.s32 s10, $0x1;
	s10 =	sld [smem:$0x3FBA]  }
0x3d: {  	_ =	shalt  }
0x3e: {  	_ =	shalt  }
0x3f: {  	_ =	shalt  }
0x40: {  	_ =	shalt  }
0x41: {  	_ =	shalt  }
0x42: {  	_ =	shalt  }
0x43: {  	_ =	shalt  }
0x44: {  	_ =	shalt  }
0x45: {  	_ =	shalt  }
0x46: {  	_ =	shalt  }
0x47: {  	_ =	shalt  }
0x48: {  	_ =	shalt  }
0x49: {  	_ =	shalt  }
0x4a: {  	_ =	shalt  }
0x4b: {  	_ =	shalt  }
0x4c: {  	_ =	shalt  }
0x4d: {  	_ =	shalt  }
0x4e: {  	_ =	shalt  }
0x4f: {  	_ =	shalt  }
0x50: {  	_ =	shalt  }
0x51: {  	_ =	shalt  }
0x52: {  	_ =	shalt  }
0x53: {  	_ =	shalt  }
0x54: {  	_ =	shalt  }
0x55: {  	_ =	shalt  }
0x56: {  	_ =	shalt  }
0x57: {  	_ =	shalt  }
0x58: {  	_ =	shalt  }
0x59: {  	_ =	shalt  }
0x5a: {  	_ =	shalt  }
0x5b: {  	_ =	shalt  }
0x5c: {  	_ =	shalt  }
0x5d: {  	_ =	shalt  }
0x5e: {  	_ =	shalt  }
0x5f: {  	_ =	shalt  }
0x60: {  	_ =	shalt  }
0x61: {  	_ =	shalt  }
0x62: {  	_ =	shalt  }
0x63: {  	_ =	shalt  }
0x64: {  	_ =	shalt  }
0x65: {  	_ =	shalt  }
0x66: {  	_ =	shalt  }
0x67: {  	_ =	shalt  }
0x68: {  	_ =	shalt  }
0x69: {  	_ =	shalt  }
0x6a: {  	_ =	shalt  }
0x6b: {  	_ =	shalt  }
0x6c: {  	_ =	shalt  }
0x6d: {  	_ =	shalt  }
0x6e: {  	_ =	shalt  }
0x6f: {  	_ =	shalt  }
0x70: {  	_ =	shalt  }
0x71: {  	_ =	shalt  }
0x72: {  	_ =	shalt  }
0x73: {  	_ =	shalt  }
0x74: {  	_ =	shalt  }
0x75: {  	_ =	shalt  }
0x76: {  	_ =	shalt  }
0x77: {  	_ =	shalt  }
0x78: {  	_ =	shalt  }
0x79: {  	_ =	shalt  }
0x7a: {  	_ =	shalt  }
0x7b: {  	_ =	shalt  }
0x7c: {  	_ =	shalt  }
0x7d: {  	_ =	shalt  }
0x7e: {  	_ =	shalt  }
0x7f: {  	_ =	shalt  }
0x80: {  	_ =	shalt  }
0x81: {  	_ =	shalt  }
0x82: {  	_ =	shalt  }
0x83: {  	_ =	shalt  }
0x84: {  	_ =	shalt  }
0x85: {  	_ =	shalt  }
0x86: {  	_ =	shalt  }
0x87: {  	_ =	shalt  }
.Lfunc_end0:
.L_simem_size_0:
called_computation.1_lowered:
.L_overlay_start_0:
0x88: {  	s2 =	sld [smem:$0x3FD9]  }
0x89: {  	s3 =	sld [smem:$0x3FFE];
	_ =	sdelay $0x1  }
0x8a: {  	s1 =	srdreg.scid  }
0x8b: {  	s0 =	sand.u32 $0x1, s1  }
0x8c: {  	s17 =	sshll.u32 s0, $0xA;
	s2 =	sadd.s32 s3, s2  }
0x8d: {  	s2 =	sadd.s32 s2, s17  }
0x8e: {  	[smem:$0x3FC6] =	sst s2  }
0x8f: {  	_ = 	snop  }
0x90: {  	s2 =	sld [smem:$0x3FC8]  }
0x91: {  	s18 =	sld [smem:$0x3FD0];
	(tm) =	ssettm $0x1  }
0x92: {  	s4 =	sld [smem:$0x3FFB];
	_ =	sdelay $0x3  }
0x93: {  	_ =	strace s4  }
0x94: {  	s4 =	sld [smem:$0x3FFC];
	_ =	sdelay $0x3  }
0x95: {  	_ =	strace s4  }
0x96: {  	s4 =	sld [smem:$0x3FFD];
	_ =	sdelay $0x3  }
0x97: {  	_ =	strace s4  }
0x98: {  	_ =	strace $0x8FFFFFFF  }
0x99: {  	s19 =	sld [smem:$0x3FDB];
	_ =	sdelay $0x1  }
0x9a: {  	s5 =	simm.s32 $_scs_section_size  }
0x9b: {  	s6 =	simm.s32 $_size__tile_overlayer_lowered;
	s7 =	simm.s32 $_tile_overlayer_lowered  }
0x9c: {  	s22 =	simm.s32 $0x1BFF;
	s21 =	sshll.u32 s7, $0x1;
	s4 =	sadd.s32 s5, s19  }
0x9d: {  	s8 =	simm.s32 $0x0;
	s20 =	sshll.u32 s6, $0x1;
	s6 =	sadd.s32 s21, s4  }
0x9e: {  	[timem:s8], [sflag:s22] =	dma.local [hbm:s6], s20  }
0x9f: {  	_ =	swait.ge [sflag:s22], s20  }
0xa0: {  	s5 =	ssub.s32 $0x0, s20;
	[sflag:s22] =	ssyncset.done $0x0  }
0xa1: {  	[sflag:s22] =	ssyncadd.s32 s5;
	_ =	sdelay $0x1  }
0xa2: {  	s23 =	simm.s32 $0x1B8B  }
0xa3: {  	_ =	swait.ge [sflag:s23], $0x1  }
0xa4: {  	[sflag:s23] =	ssyncset.done $0x0  }
0xa5: {  	s25 =	simm.s32 $0x1B8E;
	s24 =	sld [smem:$0x3FFE];
	[sflag:s23] =	ssyncadd.s32 $0xFFFFFFFF  }
0xa6: {  	s26 =	simm.s32 $execute0_lowered;
	[smem:$0x3FD2] =	sst s25  }
0xa7: {  	s6 =	sshll.u32 s26, $0x1;
	_ =	strace $0x80000046;
	[dreg:$0x1] =	wrdreg $0xFFFFFFFF  }
0xa8: {  	s28 =	simm.s32 $_size_execute0_lowered;
	s4 =	sadd.s32 s4, s6;
	[dreg:$0x0] =	wrdreg $0x0  }
0xa9: {  	s6 =	sshll.u32 s28, $0x1;
	[dreg:$0x2] =	wrdreg s4  }
0xaa: {  	[dreg:$0x3] =	wrdreg s6  }
0xab: {  	[dreg:$0x4] =	wrdreg $0xC0  }
0xac: {  	_ =	task [dreg:s8], $0x5FFFF  }
0xad: {  	[dreg:$0x1] =	wrdreg $0xFFFFFFFF  }
0xae: {  	[dreg:$0x0] =	wrdreg $0x60  }
0xaf: {  	[dreg:$0x2] =	wrdreg s24  }
0xb0: {  	[dreg:$0x3] =	wrdreg s2  }
0xb1: {  	[dreg:$0x4] =	wrdreg s18  }
0xb2: {  	[dreg:$0x5] =	wrdreg $0x9  }
0xb3: {  	_ =	task.clear_ibuf [dreg:s8], $0x6FFFF;
	_ =	strace $0x90000046  }
0xb4: {  	s29 =	simm.s32 $0x9;
	_ =	strace $0x80000048  }
0xb5: {  	_ =	swait.ge [sflag:s29], $0x1  }
0xb6: {  	[sflag:s29] =	ssyncadd.s32 $0xFFFFFFFF  }
0xb7: {  	_ =	strace $0x90000048  }
0xb8: {  	_ =	sfence  }
0xb9: {  	s30 =	sld [smem:$0x0];
	_ =	sdelay $0x2  }
0xba: {  	s31 =	sshll.u32 s1, $0xD;
	s1 =	sshrl.u32 s1, $0x2  }
0xbb: {  	s3 =	sand.u32 $0x4000, s31;
	s1 =	sadd.s32 s1, s30  }
0xbc: {  	s0 =	sor.u32 s3, s0;
	s1 =	sshll.u32 s1, $0x11  }
0xbd: {  	s0 =	sor.u32 s1, s0  }
0xbe: {  	s0 =	sadd.s32 $0x8F2B, s0  }
0xbf: {  	[sflag:s0] =	ssyncadd.remote.s32 $0x1  }
0xc0: {  	_ =	sfence.sel $0xFFFF  }
0xc1: {  	[dreg:$0x0] =	wrdreg $0xFFFFFFFF;
	(pc) =	sbr.abs _section_cstart, $3  }
0xc2: {  	[dreg:$0x1] =	wrdreg $0xFFFFFFFF  }
0xc3: {  	_ =	task.clear_ibuf [dreg:s8], $0x2FFFF;
	_ =	strace $0x9FFFFFFF  }
0xc4: {  	(tm) =	ssettm $0x7FFFFFFF  }
0xc5: {  	_ =	shalt  }
tec
execute0_lowered:
.L_overlay_start_1:
0x0: {  	(tag) =	ssettag $0x1  }
0x1: {  	s1 =	rddreg [dreg:$0x0]  }
0x2: {  	s0 =	rddreg [dreg:$0x1]  }
0x3: {  	s22 =	rddreg [dreg:$0x2];
	s12 =	stileid.u32  }
0x4: {  	s2 =	srdreg.scid;
	s3 =	simm.s32 $0x0;
	s18 =	smul.u32 $0x64000, s12  }
0x5: {  	s28 =	simm.s32 $0xC8000;
	s30 =	simm.s32 $0x1;
	s23 =	smul.u32 $0x320000, s12  }
0x6: {  	s2 =	sand.u32 $0x1, s2;
	s4 =	sshll.u32 s12, $0x1;
	s25 =	smul.u32 $0x190, s12  }
0x7: {  	[smem:$0x7FF] =	sst s3;
	s5 =	sor.u32 s2, s4;
	s20 =	smul.u32 $0x32000, s2  }
0x8: {  	s31 =	simm.s32 $0x80;
	_ =	strace $0x80000047;
	s6 =	smul.u32 $0xC80, s5  }
0x9: {  	s4 =	sadd.s32 $0xF42C00, s1;
	s14 =	ssub.s32 $0x2, s2;
	s15 =	smul.u32 $0x32000, s5  }
0xa: {  	s29 =	smul.u32 $0x190000, s2;
	s8 =	sshrl.u32 s14, $0x1;
	s9 =	sadd.s32 s0, s6  }
0xb: {  	s1 =	ssub.s32 s14, s8;
	s13 =	sadd.s32 s22, s15;
	[dreg:$0x8] =	wrdreg s9  }
0xc: {  	s8 =	sadd.s32 s29, s23;
	s1 =	smax.u32 s1, $0x1;
	[dreg:$0xb] =	wrdreg s13  }
0xd: {  	s26 =	smul.u32 $0xC8, s2;
	s29 =	sadd.s32 $0x10000, s8;
	[dreg:$0x18] =	wrdreg s1  }
0xe: {  	s2 =	smul.u32 $0x6400, s2;
	s16 =	sadd.s32 $0x20, s9;
	[dreg:$0x1a] =	wrdreg s29  }
0xf: {  	s7 =	smul.u32 $0x6400, s5;
	s17 =	sadd.s32 $0x40, s9;
	[dreg:$0x9] =	wrdreg s16  }
0x10: {  	s5 =	smul.u32 $0x190000, s5;
	s19 =	sadd.s32 $0x60, s9;
	[dreg:$0xa] =	wrdreg s17  }
0x11: {  	s7 =	sshrl.u32 s7, $0x3;
	s21 =	sadd.s32 $0x800, s13;
	[dreg:$0xc] =	wrdreg s19  }
0x12: {  	s6 =	sadd.s32 s18, s22;
	s24 =	sadd.s32 $0x1000, s13;
	[dreg:$0xd] =	wrdreg s21  }
0x13: {  	s7 =	sadd.s32 s0, s7;
	s13 =	sadd.s32 $0x1800, s13;
	[dreg:$0xf] =	wrdreg s24  }
0x14: {  	s15 =	smul.u32 $0xC800, s12;
	s10 =	sadd.s32 $0x80, s7;
	[dreg:$0x11] =	wrdreg s13  }
0x15: {  	s5 =	sshrl.u32 s5, $0x3;
	s11 =	sadd.s32 $0xA0, s7;
	[dreg:$0xe] =	wrdreg s10  }
0x16: {  	s5 =	sadd.s32 s22, s5;
	s14 =	sadd.s32 $0xC40, s7;
	[dreg:$0x10] =	wrdreg s11  }
0x17: {  	s6 =	sadd.s32 s20, s6;
	s17 =	sadd.s32 $0x30000, s5;
	[dreg:$0x12] =	wrdreg s14  }
0x18: {  	s2 =	sadd.s32 s2, s15;
	s7 =	sadd.s32 $0xC60, s7;
	[dreg:$0x13] =	wrdreg s17  }
0x19: {  	s21 =	sadd.s32 $0x30800, s5;
	s23 =	sadd.s32 $0x31000, s5;
	[dreg:$0x14] =	wrdreg s7  }
0x1a: {  	s5 =	sadd.s32 $0x31800, s5;
	s24 =	sadd.s32 $0x1C000, s8;
	[dreg:$0x15] =	wrdreg s21  }
0x1b: {  	s10 =	sadd.s32 s26, s25;
	s19 =	sadd.s32 $0x700, s2;
	[dreg:$0x16] =	wrdreg s23  }
0x1c: {  	s2 =	sadd.s32 $0x600, s2;
	[dreg:$0x17] =	wrdreg s5;
	s25 =	sadd.s32 $0x18000, s8  }
0x1d: {  	s26 =	sadd.s32 $0x2800, s6;
	s1 =	sshrl.u32 s24, $0x3;
	s6 =	simm.s32 $0x2  }
0x1e: {  	s11 =	simm.s32 $0x5;
	s17 =	simm.s32 $0x9;
	s23 =	simm.s32 $0x900  }
0x1f: {  	s24 =	simm.s32 $0xA;
	s8 =	simm.s32 $0x0;
	s10 =	sshll.u32 s10, $0x4  }
0x20: {  	s20 =	sshrl.u32 s19, $0x3;
	s2 =	sshrl.u32 s2, $0x3;
	[dreg:$0x19] =	wrdreg s26  }
0x21: {  	s1 =	sadd.s32 s1, s22;
	s26 =	simm.s32 $0x100;
	s16 =	sadd.s32 s0, s10  }
0x22: {  	s7 =	sadd.s32 s20, s0;
	s0 =	sadd.s32 s2, s0;
	[dreg:$0x1b] =	wrdreg s1  }
0x23: {  	s1 =	simm.s32 $0x2C00;
	s10 =	simm.s32 $0x6C00;
	s20 =	simm.s32 $0x6  }
0x24: {  	s2 =	simm.s32 $0x4;
	s18 =	sadd.s32 $0x120, s16;
	[dreg:$0x6] =	wrdreg s7  }
0x25: {  	s9 =	sadd.s32 $0x100, s16;
	[dreg:$0x7] =	wrdreg s0;
	s0 =	sshrl.u32 s25, $0x3  }
0x26: {  	s7 =	simm.s32 $0x4C00;
	s16 =	simm.s32 $0x7;
	[dreg:$0x4] =	wrdreg s18  }
0x27: {  	s25 =	simm.s32 $0x8;
	[dreg:$0x5] =	wrdreg s9;
	s0 =	sadd.s32 s0, s22  }
0x28: {  	s18 =	simm.s32 $0x3;
	[dreg:$0x1c] =	wrdreg s0;
	s0 =	simm.s32 $0xC00  }
.LBB2_1:
0x29: {  	[dreg:$0x1d] =	wrdreg s8  }
0x2a: {  	s5 =	rddreg [dreg:$0x8]  }
0x2b: {  	[tilespmem:s3], [sflag:$0x1] =	stream.strided.gather [hbm4b:s5+s26], $0x300, s28, s26, $0x38;
	[tilespmem:$0x8C00] =	vst v63  }
0x2c: {  	s19 =	rddreg [dreg:$0x9];
	s14 =	simm.s32 $0x300  }
0x2d: {  	[tilespmem:s14], [sflag:$0x2] =	stream.strided.gather [hbm4b:s19+s26], $0x300, s28, s26, $0x38;
	[tilespmem:$0x8C00] =	vst v63  }
0x2e: {  	_ =	swait.ge [sflag:s30], $0x300  }
0x2f: {  	[sflag:s30] =	ssyncset.done $0x0  }
0x30: {  	[sflag:s30] =	ssyncadd.s32 $0xFFFFFD00  }
0x31: {  	[tilespmem:s0], [sflag:$0x5] =	stream.indirect.gather [hbm4b:s4+s31], $0x40, s3, s31, $0xb8;
	[tilespmem:$0x8C00] =	vst v63  }
0x32: {  	_ = 	snop  }
0x33: {  	[tilespmem:s1], [sflag:$0x5] =	stream.indirect.gather [hbm4b:s4+s31], $0x40, s31, s31, $0xb8;
	[tilespmem:$0x8C00] =	vst v63  }
0x34: {  	_ =	swait.ge [sflag:s6], $0x300  }
0x35: {  	[sflag:s6] =	ssyncset.done $0x0  }
0x36: {  	[sflag:s6] =	ssyncadd.s32 $0xFFFFFD00  }
0x37: {  	[tilespmem:s7], [sflag:$0x6] =	stream.indirect.gather [hbm4b:s4+s31], $0x40, s14, s31, $0xb8;
	[tilespmem:$0x8C00] =	vst v63  }
0x38: {  	s8 =	simm.s32 $0x380  }
0x39: {  	[tilespmem:s10], [sflag:$0x6] =	stream.indirect.gather [hbm4b:s4+s31], $0x40, s8, s31, $0xb8;
	[tilespmem:$0x8C00] =	vst v63  }
0x3a: {  	_ =	swait.ge [sflag:s11], $0x2000  }
0x3b: {  	[sflag:s11] =	ssyncset.done $0x0  }
0x3c: {  	[sflag:s11] =	ssyncadd.s32 $0xFFFFE000  }
0x3d: {  	_ =	swait.ge [sflag:s11], $0x2000  }
0x3e: {  	[sflag:s11] =	ssyncset.done $0x0  }
0x3f: {  	[sflag:s11] =	ssyncadd.s32 $0xFFFFE000  }
0x40: {  	[tilespmem:s0], [sflag:$0x7] =	stream.indirect.gather.add.f32 [hbm:s4], $0x40, s26, s31, $0xb8;
	[tilespmem:$0x8C00] =	vst v63  }
0x41: {  	s9 =	simm.s32 $0x180  }
0x42: {  	[tilespmem:s1], [sflag:$0x7] =	stream.indirect.gather.add.f32 [hbm:s4], $0x40, s9, s31, $0xb8;
	[tilespmem:$0x8C00] =	vst v63  }
0x43: {  	s12 =	simm.s32 $0x200  }
0x44: {  	[tilespmem:s0], [sflag:$0x7] =	stream.indirect.gather.add.f32 [hbm:s4], $0x40, s12, s31, $0xb8;
	[tilespmem:$0x8C00] =	vst v63  }
0x45: {  	s13 =	simm.s32 $0x280  }
0x46: {  	[tilespmem:s1], [sflag:$0x7] =	stream.indirect.gather.add.f32 [hbm:s4], $0x40, s13, s31, $0xb8;
	[tilespmem:$0x8C00] =	vst v63  }
0x47: {  	s15 =	simm.s32 $0x600;
	s21 =	rddreg [dreg:$0xa]  }
0x48: {  	[tilespmem:s15], [sflag:$0x3] =	stream.strided.gather [hbm4b:s21+s26], $0x300, s28, s26, $0x38;
	[tilespmem:$0x8C00] =	vst v63  }
0x49: {  	_ =	swait.ge [sflag:s16], $0x2000  }
0x4a: {  	[sflag:s16] =	ssyncset.done $0x0  }
0x4b: {  	[sflag:s16] =	ssyncadd.s32 $0xFFFFE000  }
0x4c: {  	_ =	swait.ge [sflag:s16], $0x2000  }
0x4d: {  	[sflag:s16] =	ssyncset.done $0x0  }
0x4e: {  	[sflag:s16] =	ssyncadd.s32 $0xFFFFE000  }
0x4f: {  	_ =	swait.ge [sflag:s16], $0x2000  }
0x50: {  	[sflag:s16] =	ssyncset.done $0x0  }
0x51: {  	[sflag:s16] =	ssyncadd.s32 $0xFFFFE000  }
0x52: {  	_ =	swait.ge [sflag:s16], $0x2000  }
0x53: {  	[sflag:s16] =	ssyncset.done $0x0  }
0x54: {  	s29 =	rddreg [dreg:$0xb];
	[sflag:s16] =	ssyncadd.s32 $0xFFFFE000  }
0x55: {  	[hbm4b:s29+s3] =	stream.linear.scatter [tilespmem:s0], [sflag:$0x9], $0x4000, $0x38;
	[tilespmem:$0x8C00] =	vst v63  }
0x56: {  	_ =	swait.ge [sflag:s17], $0x4000  }
0x57: {  	[sflag:s17] =	ssyncset.done $0x0  }
0x58: {  	[sflag:s17] =	ssyncadd.s32 $0xFFFFC000  }
0x59: {  	_ =	swait.ge [sflag:s18], $0x300  }
0x5a: {  	[sflag:s18] =	ssyncset.done $0x0  }
0x5b: {  	[sflag:s18] =	ssyncadd.s32 $0xFFFFFD00  }
0x5c: {  	[tilespmem:s0], [sflag:$0x5] =	stream.indirect.gather [hbm4b:s4+s31], $0x40, s15, s31, $0xb8;
	[tilespmem:$0x8C00] =	vst v63  }
0x5d: {  	s21 =	simm.s32 $0x680  }
0x5e: {  	[tilespmem:s1], [sflag:$0x5] =	stream.indirect.gather [hbm4b:s4+s31], $0x40, s21, s31, $0xb8;
	[tilespmem:$0x8C00] =	vst v63  }
0x5f: {  	_ =	swait.ge [sflag:s20], $0x2000  }
0x60: {  	[sflag:s20] =	ssyncset.done $0x0  }
0x61: {  	[sflag:s20] =	ssyncadd.s32 $0xFFFFE000  }
0x62: {  	_ =	swait.ge [sflag:s20], $0x2000  }
0x63: {  	[sflag:s20] =	ssyncset.done $0x0  }
0x64: {  	s29 =	simm.s32 $0x400;
	[sflag:s20] =	ssyncadd.s32 $0xFFFFE000  }
0x65: {  	[tilespmem:s7], [sflag:$0x8] =	stream.indirect.gather.add.f32 [hbm:s4], $0x40, s29, s31, $0xb8;
	[tilespmem:$0x8C00] =	vst v63  }
0x66: {  	s19 =	simm.s32 $0x480  }
0x67: {  	[tilespmem:s10], [sflag:$0x8] =	stream.indirect.gather.add.f32 [hbm:s4], $0x40, s19, s31, $0xb8;
	[tilespmem:$0x8C00] =	vst v63  }
0x68: {  	s19 =	simm.s32 $0x500  }
0x69: {  	[tilespmem:s7], [sflag:$0x8] =	stream.indirect.gather.add.f32 [hbm:s4], $0x40, s19, s31, $0xb8;
	[tilespmem:$0x8C00] =	vst v63  }
0x6a: {  	s19 =	simm.s32 $0x580  }
0x6b: {  	[tilespmem:s10], [sflag:$0x8] =	stream.indirect.gather.add.f32 [hbm:s4], $0x40, s19, s31, $0xb8;
	[tilespmem:$0x8C00] =	vst v63  }
0x6c: {  	s19 =	rddreg [dreg:$0xc]  }
0x6d: {  	[tilespmem:s23], [sflag:$0x4] =	stream.strided.gather [hbm4b:s19+s26], $0x300, s28, s26, $0x38;
	[tilespmem:$0x8C00] =	vst v63  }
0x6e: {  	_ =	swait.ge [sflag:s25], $0x2000  }
0x6f: {  	[sflag:s25] =	ssyncset.done $0x0  }
0x70: {  	[sflag:s25] =	ssyncadd.s32 $0xFFFFE000  }
0x71: {  	_ =	swait.ge [sflag:s25], $0x2000  }
0x72: {  	[sflag:s25] =	ssyncset.done $0x0  }
0x73: {  	[sflag:s25] =	ssyncadd.s32 $0xFFFFE000  }
0x74: {  	_ =	swait.ge [sflag:s25], $0x2000  }
0x75: {  	[sflag:s25] =	ssyncset.done $0x0  }
0x76: {  	[sflag:s25] =	ssyncadd.s32 $0xFFFFE000  }
0x77: {  	_ =	swait.ge [sflag:s25], $0x2000  }
0x78: {  	[sflag:s25] =	ssyncset.done $0x0  }
0x79: {  	s19 =	rddreg [dreg:$0xd];
	[sflag:s25] =	ssyncadd.s32 $0xFFFFE000  }
0x7a: {  	[hbm4b:s19+s3] =	stream.linear.scatter [tilespmem:s7], [sflag:$0xA], $0x4000, $0x38;
	[tilespmem:$0x8C00] =	vst v63  }
0x7b: {  	_ =	swait.ge [sflag:s24], $0x4000  }
0x7c: {  	[sflag:s24] =	ssyncset.done $0x0  }
0x7d: {  	[sflag:s24] =	ssyncadd.s32 $0xFFFFC000  }
0x7e: {  	_ =	swait.ge [sflag:s2], $0x300  }
0x7f: {  	[sflag:s2] =	ssyncset.done $0x0  }
0x80: {  	[sflag:s2] =	ssyncadd.s32 $0xFFFFFD00  }
0x81: {  	[tilespmem:s7], [sflag:$0x6] =	stream.indirect.gather [hbm4b:s4+s31], $0x40, s23, s31, $0xb8;
	[tilespmem:$0x8C00] =	vst v63  }
0x82: {  	s19 =	simm.s32 $0x980  }
0x83: {  	[tilespmem:s10], [sflag:$0x6] =	stream.indirect.gather [hbm4b:s4+s31], $0x40, s19, s31, $0xb8;
	[tilespmem:$0x8C00] =	vst v63  }
0x84: {  	_ =	swait.ge [sflag:s11], $0x2000  }
0x85: {  	[sflag:s11] =	ssyncset.done $0x0  }
0x86: {  	[sflag:s11] =	ssyncadd.s32 $0xFFFFE000  }
0x87: {  	_ =	swait.ge [sflag:s11], $0x2000  }
0x88: {  	[sflag:s11] =	ssyncset.done $0x0  }
0x89: {  	s19 =	simm.s32 $0x700;
	[sflag:s11] =	ssyncadd.s32 $0xFFFFE000  }
0x8a: {  	[tilespmem:s0], [sflag:$0x7] =	stream.indirect.gather.add.f32 [hbm:s4], $0x40, s19, s31, $0xb8;
	[tilespmem:$0x8C00] =	vst v63  }
0x8b: {  	s19 =	simm.s32 $0x780  }
0x8c: {  	[tilespmem:s1], [sflag:$0x7] =	stream.indirect.gather.add.f32 [hbm:s4], $0x40, s19, s31, $0xb8;
	[tilespmem:$0x8C00] =	vst v63  }
0x8d: {  	s19 =	simm.s32 $0x800  }
0x8e: {  	[tilespmem:s0], [sflag:$0x7] =	stream.indirect.gather.add.f32 [hbm:s4], $0x40, s19, s31, $0xb8;
	[tilespmem:$0x8C00] =	vst v63  }
0x8f: {  	s19 =	simm.s32 $0x880  }
0x90: {  	[tilespmem:s1], [sflag:$0x7] =	stream.indirect.gather.add.f32 [hbm:s4], $0x40, s19, s31, $0xb8;
	[tilespmem:$0x8C00] =	vst v63  }
0x91: {  	s19 =	rddreg [dreg:$0xe]  }
0x92: {  	[tilespmem:s3], [sflag:$0x1] =	stream.strided.gather [hbm4b:s19+s26], $0x300, s28, s26, $0x38;
	[tilespmem:$0x8C00] =	vst v63  }
0x93: {  	_ =	swait.ge [sflag:s16], $0x2000  }
0x94: {  	[sflag:s16] =	ssyncset.done $0x0  }
0x95: {  	[sflag:s16] =	ssyncadd.s32 $0xFFFFE000  }
0x96: {  	_ =	swait.ge [sflag:s16], $0x2000  }
0x97: {  	[sflag:s16] =	ssyncset.done $0x0  }
0x98: {  	[sflag:s16] =	ssyncadd.s32 $0xFFFFE000  }
0x99: {  	_ =	swait.ge [sflag:s16], $0x2000  }
0x9a: {  	[sflag:s16] =	ssyncset.done $0x0  }
0x9b: {  	[sflag:s16] =	ssyncadd.s32 $0xFFFFE000  }
0x9c: {  	_ =	swait.ge [sflag:s16], $0x2000  }
0x9d: {  	[sflag:s16] =	ssyncset.done $0x0  }
0x9e: {  	s19 =	rddreg [dreg:$0xf];
	[sflag:s16] =	ssyncadd.s32 $0xFFFFE000  }
0x9f: {  	[hbm4b:s19+s3] =	stream.linear.scatter [tilespmem:s0], [sflag:$0x9], $0x4000, $0x38;
	[tilespmem:$0x8C00] =	vst v63  }
0xa0: {  	_ =	swait.ge [sflag:s17], $0x4000  }
0xa1: {  	[sflag:s17] =	ssyncset.done $0x0  }
0xa2: {  	[sflag:s17] =	ssyncadd.s32 $0xFFFFC000  }
0xa3: {  	_ =	swait.ge [sflag:s30], $0x300  }
0xa4: {  	[sflag:s30] =	ssyncset.done $0x0  }
0xa5: {  	[sflag:s30] =	ssyncadd.s32 $0xFFFFFD00  }
0xa6: {  	[tilespmem:s0], [sflag:$0x5] =	stream.indirect.gather [hbm4b:s4+s31], $0x40, s3, s31, $0xb8;
	[tilespmem:$0x8C00] =	vst v63  }
0xa7: {  	_ = 	snop  }
0xa8: {  	[tilespmem:s1], [sflag:$0x5] =	stream.indirect.gather [hbm4b:s4+s31], $0x40, s31, s31, $0xb8;
	[tilespmem:$0x8C00] =	vst v63  }
0xa9: {  	_ =	swait.ge [sflag:s20], $0x2000  }
0xaa: {  	[sflag:s20] =	ssyncset.done $0x0  }
0xab: {  	[sflag:s20] =	ssyncadd.s32 $0xFFFFE000  }
0xac: {  	_ =	swait.ge [sflag:s20], $0x2000  }
0xad: {  	[sflag:s20] =	ssyncset.done $0x0  }
0xae: {  	s19 =	simm.s32 $0xA00;
	[sflag:s20] =	ssyncadd.s32 $0xFFFFE000  }
0xaf: {  	[tilespmem:s7], [sflag:$0x8] =	stream.indirect.gather.add.f32 [hbm:s4], $0x40, s19, s31, $0xb8;
	[tilespmem:$0x8C00] =	vst v63  }
0xb0: {  	s19 =	simm.s32 $0xA80  }
0xb1: {  	[tilespmem:s10], [sflag:$0x8] =	stream.indirect.gather.add.f32 [hbm:s4], $0x40, s19, s31, $0xb8;
	[tilespmem:$0x8C00] =	vst v63  }
0xb2: {  	s19 =	simm.s32 $0xB00  }
0xb3: {  	[tilespmem:s7], [sflag:$0x8] =	stream.indirect.gather.add.f32 [hbm:s4], $0x40, s19, s31, $0xb8;
	[tilespmem:$0x8C00] =	vst v63  }
0xb4: {  	s19 =	simm.s32 $0xB80  }
0xb5: {  	[tilespmem:s10], [sflag:$0x8] =	stream.indirect.gather.add.f32 [hbm:s4], $0x40, s19, s31, $0xb8;
	[tilespmem:$0x8C00] =	vst v63  }
0xb6: {  	s19 =	rddreg [dreg:$0x10]  }
0xb7: {  	[tilespmem:s14], [sflag:$0x2] =	stream.strided.gather [hbm4b:s19+s26], $0x300, s28, s26, $0x38;
	[tilespmem:$0x8C00] =	vst v63  }
0xb8: {  	_ =	swait.ge [sflag:s25], $0x2000  }
0xb9: {  	[sflag:s25] =	ssyncset.done $0x0  }
0xba: {  	[sflag:s25] =	ssyncadd.s32 $0xFFFFE000  }
0xbb: {  	_ =	swait.ge [sflag:s25], $0x2000  }
0xbc: {  	[sflag:s25] =	ssyncset.done $0x0  }
0xbd: {  	[sflag:s25] =	ssyncadd.s32 $0xFFFFE000  }
0xbe: {  	_ =	swait.ge [sflag:s25], $0x2000  }
0xbf: {  	[sflag:s25] =	ssyncset.done $0x0  }
0xc0: {  	[sflag:s25] =	ssyncadd.s32 $0xFFFFE000  }
0xc1: {  	_ =	swait.ge [sflag:s25], $0x2000  }
0xc2: {  	[sflag:s25] =	ssyncset.done $0x0  }
0xc3: {  	s19 =	rddreg [dreg:$0x11];
	[sflag:s25] =	ssyncadd.s32 $0xFFFFE000  }
0xc4: {  	[hbm4b:s19+s3] =	stream.linear.scatter [tilespmem:s7], [sflag:$0xA], $0x4000, $0x38;
	[tilespmem:$0x8C00] =	vst v63  }
0xc5: {  	_ =	swait.ge [sflag:s24], $0x4000  }
0xc6: {  	[sflag:s24] =	ssyncset.done $0x0  }
0xc7: {  	[sflag:s24] =	ssyncadd.s32 $0xFFFFC000  }
0xc8: {  	_ =	swait.ge [sflag:s6], $0x300  }
0xc9: {  	[sflag:s6] =	ssyncset.done $0x0  }
0xca: {  	[sflag:s6] =	ssyncadd.s32 $0xFFFFFD00  }
0xcb: {  	[tilespmem:s7], [sflag:$0x6] =	stream.indirect.gather [hbm4b:s4+s31], $0x40, s14, s31, $0xb8;
	[tilespmem:$0x8C00] =	vst v63  }
0xcc: {  	_ = 	snop  }
0xcd: {  	[tilespmem:s10], [sflag:$0x6] =	stream.indirect.gather [hbm4b:s4+s31], $0x40, s8, s31, $0xb8;
	[tilespmem:$0x8C00] =	vst v63  }
0xce: {  	_ =	swait.ge [sflag:s11], $0x2000  }
0xcf: {  	[sflag:s11] =	ssyncset.done $0x0  }
0xd0: {  	[sflag:s11] =	ssyncadd.s32 $0xFFFFE000  }
0xd1: {  	_ =	swait.ge [sflag:s11], $0x2000  }
0xd2: {  	[sflag:s11] =	ssyncset.done $0x0  }
0xd3: {  	[sflag:s11] =	ssyncadd.s32 $0xFFFFE000  }
0xd4: {  	[tilespmem:s0], [sflag:$0x7] =	stream.indirect.gather.add.f32 [hbm:s4], $0x40, s26, s31, $0xb8;
	[tilespmem:$0x8C00] =	vst v63  }
0xd5: {  	_ = 	snop  }
0xd6: {  	[tilespmem:s1], [sflag:$0x7] =	stream.indirect.gather.add.f32 [hbm:s4], $0x40, s9, s31, $0xb8;
	[tilespmem:$0x8C00] =	vst v63  }
0xd7: {  	_ = 	snop  }
0xd8: {  	[tilespmem:s0], [sflag:$0x7] =	stream.indirect.gather.add.f32 [hbm:s4], $0x40, s12, s31, $0xb8;
	[tilespmem:$0x8C00] =	vst v63  }
0xd9: {  	s9 =	rddreg [dreg:$0x7]  }
0xda: {  	[tilespmem:s1], [sflag:$0x7] =	stream.indirect.gather.add.f32 [hbm:s4], $0x40, s13, s31, $0xb8;
	[tilespmem:$0x8C00] =	vst v63  }
0xdb: {  	s5 =	sadd.s32 $0x0, s9  }
0xdc: {  	[tilespmem:s15], [sflag:$0x3] =	stream.strided.gather [hbm4b:s5+s26], $0x300, s28, s26, $0x38;
	[tilespmem:$0x8C00] =	vst v63  }
0xdd: {  	_ =	swait.ge [sflag:s16], $0x2000  }
0xde: {  	[sflag:s16] =	ssyncset.done $0x0  }
0xdf: {  	[sflag:s16] =	ssyncadd.s32 $0xFFFFE000  }
0xe0: {  	_ =	swait.ge [sflag:s16], $0x2000  }
0xe1: {  	[sflag:s16] =	ssyncset.done $0x0  }
0xe2: {  	[sflag:s16] =	ssyncadd.s32 $0xFFFFE000  }
0xe3: {  	_ =	swait.ge [sflag:s16], $0x2000  }
0xe4: {  	[sflag:s16] =	ssyncset.done $0x0  }
0xe5: {  	[sflag:s16] =	ssyncadd.s32 $0xFFFFE000  }
0xe6: {  	_ =	swait.ge [sflag:s16], $0x2000  }
0xe7: {  	s19 =	rddreg [dreg:$0x1a]  }
0xe8: {  	[sflag:s16] =	ssyncset.done $0x0;
	s12 =	sshrl.u32 s19, $0x3  }
0xe9: {  	[sflag:s16] =	ssyncadd.s32 $0xFFFFE000;
	s5 =	sadd.s32 s22, s12  }
0xea: {  	[hbm4b:s5+s3] =	stream.linear.scatter [tilespmem:s0], [sflag:$0x9], $0x4000, $0x38;
	[tilespmem:$0x8C00] =	vst v63  }
0xeb: {  	_ =	swait.ge [sflag:s17], $0x4000  }
0xec: {  	[sflag:s17] =	ssyncset.done $0x0  }
0xed: {  	[sflag:s17] =	ssyncadd.s32 $0xFFFFC000  }
0xee: {  	_ =	swait.ge [sflag:s18], $0x300  }
0xef: {  	[sflag:s18] =	ssyncset.done $0x0  }
0xf0: {  	[sflag:s18] =	ssyncadd.s32 $0xFFFFFD00  }
0xf1: {  	[tilespmem:s0], [sflag:$0x5] =	stream.indirect.gather [hbm4b:s4+s31], $0x40, s15, s31, $0xb8;
	[tilespmem:$0x8C00] =	vst v63  }
0xf2: {  	_ = 	snop  }
0xf3: {  	[tilespmem:s1], [sflag:$0x5] =	stream.indirect.gather [hbm4b:s4+s31], $0x40, s21, s31, $0xb8;
	[tilespmem:$0x8C00] =	vst v63  }
0xf4: {  	_ =	swait.ge [sflag:s20], $0x2000  }
0xf5: {  	[sflag:s20] =	ssyncset.done $0x0  }
0xf6: {  	[sflag:s20] =	ssyncadd.s32 $0xFFFFE000  }
0xf7: {  	_ =	swait.ge [sflag:s20], $0x2000  }
0xf8: {  	[sflag:s20] =	ssyncset.done $0x0  }
0xf9: {  	[sflag:s20] =	ssyncadd.s32 $0xFFFFE000  }
0xfa: {  	[tilespmem:s7], [sflag:$0x8] =	stream.indirect.gather.add.f32 [hbm:s4], $0x40, s29, s31, $0xb8;
	[tilespmem:$0x8C00] =	vst v63  }
0xfb: {  	s13 =	simm.s32 $0x480  }
0xfc: {  	[tilespmem:s10], [sflag:$0x8] =	stream.indirect.gather.add.f32 [hbm:s4], $0x40, s13, s31, $0xb8;
	[tilespmem:$0x8C00] =	vst v63  }
0xfd: {  	s21 =	simm.s32 $0x500  }
0xfe: {  	[tilespmem:s7], [sflag:$0x8] =	stream.indirect.gather.add.f32 [hbm:s4], $0x40, s21, s31, $0xb8;
	[tilespmem:$0x8C00] =	vst v63  }
0xff: {  	s15 =	rddreg [dreg:$0x6];
	s29 =	simm.s32 $0x580  }
0x100: {  	[tilespmem:s10], [sflag:$0x8] =	stream.indirect.gather.add.f32 [hbm:s4], $0x40, s29, s31, $0xb8;
	[tilespmem:$0x8C00] =	vst v63  }
0x101: {  	s5 =	sadd.s32 $0x0, s15  }
0x102: {  	[tilespmem:s23], [sflag:$0x4] =	stream.strided.gather [hbm4b:s5+s26], $0x300, s28, s26, $0x38;
	[tilespmem:$0x8C00] =	vst v63  }
0x103: {  	_ =	swait.ge [sflag:s25], $0x2000  }
0x104: {  	[sflag:s25] =	ssyncset.done $0x0  }
0x105: {  	[sflag:s25] =	ssyncadd.s32 $0xFFFFE000  }
0x106: {  	_ =	swait.ge [sflag:s25], $0x2000  }
0x107: {  	[sflag:s25] =	ssyncset.done $0x0  }
0x108: {  	[sflag:s25] =	ssyncadd.s32 $0xFFFFE000  }
0x109: {  	_ =	swait.ge [sflag:s25], $0x2000  }
0x10a: {  	[sflag:s25] =	ssyncset.done $0x0  }
0x10b: {  	[sflag:s25] =	ssyncadd.s32 $0xFFFFE000  }
0x10c: {  	_ =	swait.ge [sflag:s25], $0x2000  }
0x10d: {  	[sflag:s25] =	ssyncset.done $0x0  }
0x10e: {  	s8 =	rddreg [dreg:$0x19];
	[sflag:s25] =	ssyncadd.s32 $0xFFFFE000  }
0x10f: {  	[hbm4b:s8+s3] =	stream.linear.scatter [tilespmem:s7], [sflag:$0xA], $0x4000, $0x38;
	[tilespmem:$0x8C00] =	vst v63  }
0x110: {  	_ =	swait.ge [sflag:s24], $0x4000  }
0x111: {  	[sflag:s24] =	ssyncset.done $0x0  }
0x112: {  	[sflag:s24] =	ssyncadd.s32 $0xFFFFC000  }
0x113: {  	_ =	swait.ge [sflag:s2], $0x300  }
0x114: {  	[sflag:s2] =	ssyncset.done $0x0  }
0x115: {  	[sflag:s2] =	ssyncadd.s32 $0xFFFFFD00  }
0x116: {  	[tilespmem:s7], [sflag:$0x6] =	stream.indirect.gather [hbm4b:s4+s31], $0x40, s23, s31, $0xb8;
	[tilespmem:$0x8C00] =	vst v63  }
0x117: {  	s9 =	simm.s32 $0x980  }
0x118: {  	[tilespmem:s10], [sflag:$0x6] =	stream.indirect.gather [hbm4b:s4+s31], $0x40, s9, s31, $0xb8;
	[tilespmem:$0x8C00] =	vst v63  }
0x119: {  	_ =	swait.ge [sflag:s11], $0x2000  }
0x11a: {  	[sflag:s11] =	ssyncset.done $0x0  }
0x11b: {  	[sflag:s11] =	ssyncadd.s32 $0xFFFFE000  }
0x11c: {  	_ =	swait.ge [sflag:s11], $0x2000  }
0x11d: {  	[sflag:s11] =	ssyncset.done $0x0  }
0x11e: {  	s12 =	simm.s32 $0x700;
	[sflag:s11] =	ssyncadd.s32 $0xFFFFE000  }
0x11f: {  	[tilespmem:s0], [sflag:$0x7] =	stream.indirect.gather.add.f32 [hbm:s4], $0x40, s12, s31, $0xb8;
	[tilespmem:$0x8C00] =	vst v63  }
0x120: {  	s13 =	simm.s32 $0x780  }
0x121: {  	[tilespmem:s1], [sflag:$0x7] =	stream.indirect.gather.add.f32 [hbm:s4], $0x40, s13, s31, $0xb8;
	[tilespmem:$0x8C00] =	vst v63  }
0x122: {  	s21 =	simm.s32 $0x800  }
0x123: {  	[tilespmem:s0], [sflag:$0x7] =	stream.indirect.gather.add.f32 [hbm:s4], $0x40, s21, s31, $0xb8;
	[tilespmem:$0x8C00] =	vst v63  }
0x124: {  	s29 =	simm.s32 $0x880;
	s15 =	rddreg [dreg:$0x5]  }
0x125: {  	[tilespmem:s1], [sflag:$0x7] =	stream.indirect.gather.add.f32 [hbm:s4], $0x40, s29, s31, $0xb8;
	[tilespmem:$0x8C00] =	vst v63  }
0x126: {  	s5 =	sadd.s32 $0x0, s15  }
0x127: {  	[tilespmem:s3], [sflag:$0x1] =	stream.strided.gather [hbm4b:s5+s26], $0x300, s28, s26, $0x38;
	[tilespmem:$0x8C00] =	vst v63  }
0x128: {  	_ =	swait.ge [sflag:s16], $0x2000  }
0x129: {  	[sflag:s16] =	ssyncset.done $0x0  }
0x12a: {  	[sflag:s16] =	ssyncadd.s32 $0xFFFFE000  }
0x12b: {  	_ =	swait.ge [sflag:s16], $0x2000  }
0x12c: {  	[sflag:s16] =	ssyncset.done $0x0  }
0x12d: {  	[sflag:s16] =	ssyncadd.s32 $0xFFFFE000  }
0x12e: {  	_ =	swait.ge [sflag:s16], $0x2000  }
0x12f: {  	[sflag:s16] =	ssyncset.done $0x0  }
0x130: {  	[sflag:s16] =	ssyncadd.s32 $0xFFFFE000  }
0x131: {  	_ =	swait.ge [sflag:s16], $0x2000  }
0x132: {  	[sflag:s16] =	ssyncset.done $0x0  }
0x133: {  	s13 =	rddreg [dreg:$0x1c];
	[sflag:s16] =	ssyncadd.s32 $0xFFFFE000  }
0x134: {  	[hbm4b:s13+s3] =	stream.linear.scatter [tilespmem:s0], [sflag:$0x9], $0x4000, $0x38;
	[tilespmem:$0x8C00] =	vst v63  }
0x135: {  	_ =	swait.ge [sflag:s17], $0x4000  }
0x136: {  	[sflag:s17] =	ssyncset.done $0x0  }
0x137: {  	[sflag:s17] =	ssyncadd.s32 $0xFFFFC000  }
0x138: {  	_ =	swait.ge [sflag:s30], $0x300  }
0x139: {  	[sflag:s30] =	ssyncset.done $0x0  }
0x13a: {  	[sflag:s30] =	ssyncadd.s32 $0xFFFFFD00  }
0x13b: {  	[tilespmem:s0], [sflag:$0x5] =	stream.indirect.gather [hbm4b:s4+s31], $0x40, s3, s31, $0xb8;
	[tilespmem:$0x8C00] =	vst v63  }
0x13c: {  	_ = 	snop  }
0x13d: {  	[tilespmem:s1], [sflag:$0x5] =	stream.indirect.gather [hbm4b:s4+s31], $0x40, s31, s31, $0xb8;
	[tilespmem:$0x8C00] =	vst v63  }
0x13e: {  	_ =	swait.ge [sflag:s20], $0x2000  }
0x13f: {  	[sflag:s20] =	ssyncset.done $0x0  }
0x140: {  	[sflag:s20] =	ssyncadd.s32 $0xFFFFE000  }
0x141: {  	_ =	swait.ge [sflag:s20], $0x2000  }
0x142: {  	[sflag:s20] =	ssyncset.done $0x0  }
0x143: {  	s9 =	simm.s32 $0xA00;
	[sflag:s20] =	ssyncadd.s32 $0xFFFFE000  }
0x144: {  	[tilespmem:s7], [sflag:$0x8] =	stream.indirect.gather.add.f32 [hbm:s4], $0x40, s9, s31, $0xb8;
	[tilespmem:$0x8C00] =	vst v63  }
0x145: {  	s12 =	simm.s32 $0xA80  }
0x146: {  	[tilespmem:s10], [sflag:$0x8] =	stream.indirect.gather.add.f32 [hbm:s4], $0x40, s12, s31, $0xb8;
	[tilespmem:$0x8C00] =	vst v63  }
0x147: {  	s21 =	simm.s32 $0xB00  }
0x148: {  	[tilespmem:s7], [sflag:$0x8] =	stream.indirect.gather.add.f32 [hbm:s4], $0x40, s21, s31, $0xb8;
	[tilespmem:$0x8C00] =	vst v63  }
0x149: {  	s29 =	simm.s32 $0xB80;
	s15 =	rddreg [dreg:$0x4]  }
0x14a: {  	[tilespmem:s10], [sflag:$0x8] =	stream.indirect.gather.add.f32 [hbm:s4], $0x40, s29, s31, $0xb8;
	[tilespmem:$0x8C00] =	vst v63  }
0x14b: {  	s5 =	sadd.s32 $0x0, s15  }
0x14c: {  	[tilespmem:s14], [sflag:$0x2] =	stream.strided.gather [hbm4b:s5+s26], $0x300, s28, s26, $0x38;
	[tilespmem:$0x8C00] =	vst v63  }
0x14d: {  	_ =	swait.ge [sflag:s25], $0x2000  }
0x14e: {  	[sflag:s25] =	ssyncset.done $0x0  }
0x14f: {  	[sflag:s25] =	ssyncadd.s32 $0xFFFFE000  }
0x150: {  	_ =	swait.ge [sflag:s25], $0x2000  }
0x151: {  	[sflag:s25] =	ssyncset.done $0x0  }
0x152: {  	[sflag:s25] =	ssyncadd.s32 $0xFFFFE000  }
0x153: {  	_ =	swait.ge [sflag:s25], $0x2000  }
0x154: {  	[sflag:s25] =	ssyncset.done $0x0  }
0x155: {  	[sflag:s25] =	ssyncadd.s32 $0xFFFFE000  }
0x156: {  	s19 =	sadd.s32 $0x10000, s19;
	s13 =	sadd.s32 $0x2000, s13;
	_ =	swait.ge [sflag:s25], $0x2000  }
0x157: {  	s9 =	simm.s32 $0x80;
	[sflag:s25] =	ssyncset.done $0x0;
	s21 =	rddreg [dreg:$0x1b]  }
0x158: {  	s14 =	sadd.s32 $0x2000, s8;
	s12 =	sadd.s32 $0x2000, s21;
	[sflag:s25] =	ssyncadd.s32 $0xFFFFE000  }
.LBB2_2:
0x159: {  	[hbm4b:s21+s3] =	stream.linear.scatter [tilespmem:s7], [sflag:$0xA], $0x4000, $0x38;
	[tilespmem:$0x8C00] =	vst v63  }
0x15a: {  	_ =	swait.ge [sflag:s24], $0x4000  }
0x15b: {  	[sflag:s24] =	ssyncset.done $0x0  }
0x15c: {  	[sflag:s24] =	ssyncadd.s32 $0xFFFFC000  }
0x15d: {  	_ =	swait.ge [sflag:s6], $0x300  }
0x15e: {  	[sflag:s6] =	ssyncset.done $0x0  }
0x15f: {  	s15 =	simm.s32 $0x300;
	[sflag:s6] =	ssyncadd.s32 $0xFFFFFD00  }
0x160: {  	[tilespmem:s7], [sflag:$0x6] =	stream.indirect.gather [hbm4b:s4+s31], $0x40, s15, s31, $0xb8;
	[tilespmem:$0x8C00] =	vst v63  }
0x161: {  	s8 =	simm.s32 $0x380  }
0x162: {  	[tilespmem:s10], [sflag:$0x6] =	stream.indirect.gather [hbm4b:s4+s31], $0x40, s8, s31, $0xb8;
	[tilespmem:$0x8C00] =	vst v63  }
0x163: {  	_ =	swait.ge [sflag:s11], $0x2000  }
0x164: {  	[sflag:s11] =	ssyncset.done $0x0  }
0x165: {  	[sflag:s11] =	ssyncadd.s32 $0xFFFFE000  }
0x166: {  	_ =	swait.ge [sflag:s11], $0x2000  }
0x167: {  	[sflag:s11] =	ssyncset.done $0x0  }
0x168: {  	[sflag:s11] =	ssyncadd.s32 $0xFFFFE000  }
0x169: {  	[tilespmem:s0], [sflag:$0x7] =	stream.indirect.gather.add.f32 [hbm:s4], $0x40, s26, s31, $0xb8;
	[tilespmem:$0x8C00] =	vst v63  }
0x16a: {  	s29 =	simm.s32 $0x180  }
0x16b: {  	[tilespmem:s1], [sflag:$0x7] =	stream.indirect.gather.add.f32 [hbm:s4], $0x40, s29, s31, $0xb8;
	[tilespmem:$0x8C00] =	vst v63  }
0x16c: {  	s29 =	simm.s32 $0x200  }
0x16d: {  	[tilespmem:s0], [sflag:$0x7] =	stream.indirect.gather.add.f32 [hbm:s4], $0x40, s29, s31, $0xb8;
	[tilespmem:$0x8C00] =	vst v63  }
0x16e: {  	s5 =	smov.u32 s9;
	s8 =	rddreg [dreg:$0x7];
	s29 =	simm.s32 $0x280  }
0x16f: {  	[tilespmem:s1], [sflag:$0x7] =	stream.indirect.gather.add.f32 [hbm:s4], $0x40, s29, s31, $0xb8;
	[tilespmem:$0x8C00] =	vst v63  }
0x170: {  	s8 =	sadd.s32 s5, s8;
	s29 =	simm.s32 $0x600  }
0x171: {  	[tilespmem:s29], [sflag:$0x3] =	stream.strided.gather [hbm4b:s8+s26], $0x300, s28, s26, $0x38;
	[tilespmem:$0x8C00] =	vst v63  }
0x172: {  	_ =	swait.ge [sflag:s16], $0x2000  }
0x173: {  	[sflag:s16] =	ssyncset.done $0x0  }
0x174: {  	[sflag:s16] =	ssyncadd.s32 $0xFFFFE000  }
0x175: {  	_ =	swait.ge [sflag:s16], $0x2000  }
0x176: {  	[sflag:s16] =	ssyncset.done $0x0  }
0x177: {  	[sflag:s16] =	ssyncadd.s32 $0xFFFFE000  }
0x178: {  	_ =	swait.ge [sflag:s16], $0x2000  }
0x179: {  	[sflag:s16] =	ssyncset.done $0x0  }
0x17a: {  	[sflag:s16] =	ssyncadd.s32 $0xFFFFE000  }
0x17b: {  	_ =	swait.ge [sflag:s16], $0x2000  }
0x17c: {  	s8 =	sshrl.u32 s19, $0x3;
	[sflag:s16] =	ssyncset.done $0x0  }
0x17d: {  	s8 =	sadd.s32 s22, s8;
	[sflag:s16] =	ssyncadd.s32 $0xFFFFE000  }
0x17e: {  	[hbm4b:s8+s3] =	stream.linear.scatter [tilespmem:s0], [sflag:$0x9], $0x4000, $0x38;
	[tilespmem:$0x8C00] =	vst v63  }
0x17f: {  	_ =	swait.ge [sflag:s17], $0x4000  }
0x180: {  	[sflag:s17] =	ssyncset.done $0x0  }
0x181: {  	[sflag:s17] =	ssyncadd.s32 $0xFFFFC000  }
0x182: {  	_ =	swait.ge [sflag:s18], $0x300  }
0x183: {  	[sflag:s18] =	ssyncset.done $0x0  }
0x184: {  	[sflag:s18] =	ssyncadd.s32 $0xFFFFFD00  }
0x185: {  	[tilespmem:s0], [sflag:$0x5] =	stream.indirect.gather [hbm4b:s4+s31], $0x40, s29, s31, $0xb8;
	[tilespmem:$0x8C00] =	vst v63  }
0x186: {  	s29 =	simm.s32 $0x680  }
0x187: {  	[tilespmem:s1], [sflag:$0x5] =	stream.indirect.gather [hbm4b:s4+s31], $0x40, s29, s31, $0xb8;
	[tilespmem:$0x8C00] =	vst v63  }
0x188: {  	_ =	swait.ge [sflag:s20], $0x2000  }
0x189: {  	[sflag:s20] =	ssyncset.done $0x0  }
0x18a: {  	[sflag:s20] =	ssyncadd.s32 $0xFFFFE000  }
0x18b: {  	_ =	swait.ge [sflag:s20], $0x2000  }
0x18c: {  	[sflag:s20] =	ssyncset.done $0x0  }
0x18d: {  	s29 =	simm.s32 $0x400;
	[sflag:s20] =	ssyncadd.s32 $0xFFFFE000  }
0x18e: {  	[tilespmem:s7], [sflag:$0x8] =	stream.indirect.gather.add.f32 [hbm:s4], $0x40, s29, s31, $0xb8;
	[tilespmem:$0x8C00] =	vst v63  }
0x18f: {  	s29 =	simm.s32 $0x480  }
0x190: {  	[tilespmem:s10], [sflag:$0x8] =	stream.indirect.gather.add.f32 [hbm:s4], $0x40, s29, s31, $0xb8;
	[tilespmem:$0x8C00] =	vst v63  }
0x191: {  	s29 =	simm.s32 $0x500  }
0x192: {  	[tilespmem:s7], [sflag:$0x8] =	stream.indirect.gather.add.f32 [hbm:s4], $0x40, s29, s31, $0xb8;
	[tilespmem:$0x8C00] =	vst v63  }
0x193: {  	s8 =	rddreg [dreg:$0x6];
	s29 =	simm.s32 $0x580  }
0x194: {  	[tilespmem:s10], [sflag:$0x8] =	stream.indirect.gather.add.f32 [hbm:s4], $0x40, s29, s31, $0xb8;
	[tilespmem:$0x8C00] =	vst v63  }
0x195: {  	s8 =	sadd.s32 s5, s8  }
0x196: {  	[tilespmem:s23], [sflag:$0x4] =	stream.strided.gather [hbm4b:s8+s26], $0x300, s28, s26, $0x38;
	[tilespmem:$0x8C00] =	vst v63  }
0x197: {  	_ =	swait.ge [sflag:s25], $0x2000  }
0x198: {  	[sflag:s25] =	ssyncset.done $0x0  }
0x199: {  	[sflag:s25] =	ssyncadd.s32 $0xFFFFE000  }
0x19a: {  	_ =	swait.ge [sflag:s25], $0x2000  }
0x19b: {  	[sflag:s25] =	ssyncset.done $0x0  }
0x19c: {  	[sflag:s25] =	ssyncadd.s32 $0xFFFFE000  }
0x19d: {  	_ =	swait.ge [sflag:s25], $0x2000  }
0x19e: {  	[sflag:s25] =	ssyncset.done $0x0  }
0x19f: {  	[sflag:s25] =	ssyncadd.s32 $0xFFFFE000  }
0x1a0: {  	_ =	swait.ge [sflag:s25], $0x2000  }
0x1a1: {  	[sflag:s25] =	ssyncset.done $0x0  }
0x1a2: {  	[sflag:s25] =	ssyncadd.s32 $0xFFFFE000  }
0x1a3: {  	[hbm4b:s14+s3] =	stream.linear.scatter [tilespmem:s7], [sflag:$0xA], $0x4000, $0x38;
	[tilespmem:$0x8C00] =	vst v63  }
0x1a4: {  	_ =	swait.ge [sflag:s24], $0x4000  }
0x1a5: {  	[sflag:s24] =	ssyncset.done $0x0  }
0x1a6: {  	[sflag:s24] =	ssyncadd.s32 $0xFFFFC000  }
0x1a7: {  	_ =	swait.ge [sflag:s2], $0x300  }
0x1a8: {  	[sflag:s2] =	ssyncset.done $0x0  }
0x1a9: {  	[sflag:s2] =	ssyncadd.s32 $0xFFFFFD00  }
0x1aa: {  	[tilespmem:s7], [sflag:$0x6] =	stream.indirect.gather [hbm4b:s4+s31], $0x40, s23, s31, $0xb8;
	[tilespmem:$0x8C00] =	vst v63  }
0x1ab: {  	s29 =	simm.s32 $0x980  }
0x1ac: {  	[tilespmem:s10], [sflag:$0x6] =	stream.indirect.gather [hbm4b:s4+s31], $0x40, s29, s31, $0xb8;
	[tilespmem:$0x8C00] =	vst v63  }
0x1ad: {  	_ =	swait.ge [sflag:s11], $0x2000  }
0x1ae: {  	[sflag:s11] =	ssyncset.done $0x0  }
0x1af: {  	[sflag:s11] =	ssyncadd.s32 $0xFFFFE000  }
0x1b0: {  	_ =	swait.ge [sflag:s11], $0x2000  }
0x1b1: {  	[sflag:s11] =	ssyncset.done $0x0  }
0x1b2: {  	s29 =	simm.s32 $0x700;
	[sflag:s11] =	ssyncadd.s32 $0xFFFFE000  }
0x1b3: {  	[tilespmem:s0], [sflag:$0x7] =	stream.indirect.gather.add.f32 [hbm:s4], $0x40, s29, s31, $0xb8;
	[tilespmem:$0x8C00] =	vst v63  }
0x1b4: {  	s29 =	simm.s32 $0x780  }
0x1b5: {  	[tilespmem:s1], [sflag:$0x7] =	stream.indirect.gather.add.f32 [hbm:s4], $0x40, s29, s31, $0xb8;
	[tilespmem:$0x8C00] =	vst v63  }
0x1b6: {  	s29 =	simm.s32 $0x800  }
0x1b7: {  	[tilespmem:s0], [sflag:$0x7] =	stream.indirect.gather.add.f32 [hbm:s4], $0x40, s29, s31, $0xb8;
	[tilespmem:$0x8C00] =	vst v63  }
0x1b8: {  	s8 =	rddreg [dreg:$0x5];
	s29 =	simm.s32 $0x880  }
0x1b9: {  	[tilespmem:s1], [sflag:$0x7] =	stream.indirect.gather.add.f32 [hbm:s4], $0x40, s29, s31, $0xb8;
	[tilespmem:$0x8C00] =	vst v63  }
0x1ba: {  	s8 =	sadd.s32 s5, s8  }
0x1bb: {  	[tilespmem:s3], [sflag:$0x1] =	stream.strided.gather [hbm4b:s8+s26], $0x300, s28, s26, $0x38;
	[tilespmem:$0x8C00] =	vst v63  }
0x1bc: {  	_ =	swait.ge [sflag:s16], $0x2000  }
0x1bd: {  	[sflag:s16] =	ssyncset.done $0x0  }
0x1be: {  	[sflag:s16] =	ssyncadd.s32 $0xFFFFE000  }
0x1bf: {  	_ =	swait.ge [sflag:s16], $0x2000  }
0x1c0: {  	[sflag:s16] =	ssyncset.done $0x0  }
0x1c1: {  	[sflag:s16] =	ssyncadd.s32 $0xFFFFE000  }
0x1c2: {  	_ =	swait.ge [sflag:s16], $0x2000  }
0x1c3: {  	[sflag:s16] =	ssyncset.done $0x0  }
0x1c4: {  	[sflag:s16] =	ssyncadd.s32 $0xFFFFE000  }
0x1c5: {  	_ =	swait.ge [sflag:s16], $0x2000  }
0x1c6: {  	[sflag:s16] =	ssyncset.done $0x0  }
0x1c7: {  	[sflag:s16] =	ssyncadd.s32 $0xFFFFE000  }
0x1c8: {  	[hbm4b:s13+s3] =	stream.linear.scatter [tilespmem:s0], [sflag:$0x9], $0x4000, $0x38;
	[tilespmem:$0x8C00] =	vst v63  }
0x1c9: {  	_ =	swait.ge [sflag:s17], $0x4000  }
0x1ca: {  	[sflag:s17] =	ssyncset.done $0x0  }
0x1cb: {  	[sflag:s17] =	ssyncadd.s32 $0xFFFFC000  }
0x1cc: {  	_ =	swait.ge [sflag:s30], $0x300  }
0x1cd: {  	[sflag:s30] =	ssyncset.done $0x0  }
0x1ce: {  	[sflag:s30] =	ssyncadd.s32 $0xFFFFFD00  }
0x1cf: {  	[tilespmem:s0], [sflag:$0x5] =	stream.indirect.gather [hbm4b:s4+s31], $0x40, s3, s31, $0xb8;
	[tilespmem:$0x8C00] =	vst v63  }
0x1d0: {  	_ = 	snop  }
0x1d1: {  	[tilespmem:s1], [sflag:$0x5] =	stream.indirect.gather [hbm4b:s4+s31], $0x40, s31, s31, $0xb8;
	[tilespmem:$0x8C00] =	vst v63  }
0x1d2: {  	_ =	swait.ge [sflag:s20], $0x2000  }
0x1d3: {  	[sflag:s20] =	ssyncset.done $0x0  }
0x1d4: {  	[sflag:s20] =	ssyncadd.s32 $0xFFFFE000  }
0x1d5: {  	_ =	swait.ge [sflag:s20], $0x2000  }
0x1d6: {  	[sflag:s20] =	ssyncset.done $0x0  }
0x1d7: {  	s29 =	simm.s32 $0xA00;
	[sflag:s20] =	ssyncadd.s32 $0xFFFFE000  }
0x1d8: {  	[tilespmem:s7], [sflag:$0x8] =	stream.indirect.gather.add.f32 [hbm:s4], $0x40, s29, s31, $0xb8;
	[tilespmem:$0x8C00] =	vst v63  }
0x1d9: {  	s29 =	simm.s32 $0xA80  }
0x1da: {  	[tilespmem:s10], [sflag:$0x8] =	stream.indirect.gather.add.f32 [hbm:s4], $0x40, s29, s31, $0xb8;
	[tilespmem:$0x8C00] =	vst v63  }
0x1db: {  	s29 =	simm.s32 $0xB00  }
0x1dc: {  	[tilespmem:s7], [sflag:$0x8] =	stream.indirect.gather.add.f32 [hbm:s4], $0x40, s29, s31, $0xb8;
	[tilespmem:$0x8C00] =	vst v63  }
0x1dd: {  	s8 =	rddreg [dreg:$0x4];
	s29 =	simm.s32 $0xB80  }
0x1de: {  	[tilespmem:s10], [sflag:$0x8] =	stream.indirect.gather.add.f32 [hbm:s4], $0x40, s29, s31, $0xb8;
	[tilespmem:$0x8C00] =	vst v63  }
0x1df: {  	s5 =	sadd.s32 s5, s8  }
0x1e0: {  	[tilespmem:s15], [sflag:$0x2] =	stream.strided.gather [hbm4b:s5+s26], $0x300, s28, s26, $0x38;
	[tilespmem:$0x8C00] =	vst v63  }
0x1e1: {  	_ =	swait.ge [sflag:s25], $0x2000  }
0x1e2: {  	[sflag:s25] =	ssyncset.done $0x0  }
0x1e3: {  	[sflag:s25] =	ssyncadd.s32 $0xFFFFE000  }
0x1e4: {  	_ =	swait.ge [sflag:s25], $0x2000  }
0x1e5: {  	[sflag:s25] =	ssyncset.done $0x0  }
0x1e6: {  	[sflag:s25] =	ssyncadd.s32 $0xFFFFE000  }
0x1e7: {  	p0 =	sne.s32 s9, $0xB00;
	_ =	swait.ge [sflag:s25], $0x2000  }
.Ltmp0:
0x1e8: {  	[sflag:s25] =	ssyncset.done $0x0;
	(pc) =	sbr.rel @p0 .LBB2_2-.Ltmp0, $4  }
0x1e9: {  	s21 =	smov.u32 s12;
	[sflag:s25] =	ssyncadd.s32 $0xFFFFE000  }
0x1ea: {  	s9 =	sadd.s32 $0x80, s9;
	s12 =	sadd.s32 $0x2000, s12;
	_ =	swait.ge [sflag:s25], $0x2000  }
0x1eb: {  	s19 =	sadd.s32 $0x10000, s19;
	s14 =	sadd.s32 $0x2000, s14;
	[sflag:s25] =	ssyncset.done $0x0  }
0x1ec: {  	s13 =	sadd.s32 $0x2000, s13;
	s8 =	simm.s32 $0x300;
	[sflag:s25] =	ssyncadd.s32 $0xFFFFE000  }
0x1ed: {  	[hbm4b:s21+s3] =	stream.linear.scatter [tilespmem:s7], [sflag:$0xA], $0x4000, $0x38;
	[tilespmem:$0x8C00] =	vst v63  }
0x1ee: {  	_ =	swait.ge [sflag:s24], $0x4000  }
0x1ef: {  	[sflag:s24] =	ssyncset.done $0x0  }
0x1f0: {  	[sflag:s24] =	ssyncadd.s32 $0xFFFFC000  }
0x1f1: {  	_ =	swait.ge [sflag:s6], $0x300  }
0x1f2: {  	[sflag:s6] =	ssyncset.done $0x0  }
0x1f3: {  	[sflag:s6] =	ssyncadd.s32 $0xFFFFFD00  }
0x1f4: {  	[tilespmem:s7], [sflag:$0x6] =	stream.indirect.gather [hbm4b:s4+s31], $0x40, s8, s31, $0xb8;
	[tilespmem:$0x8C00] =	vst v63  }
0x1f5: {  	s5 =	simm.s32 $0x380  }
0x1f6: {  	[tilespmem:s10], [sflag:$0x6] =	stream.indirect.gather [hbm4b:s4+s31], $0x40, s5, s31, $0xb8;
	[tilespmem:$0x8C00] =	vst v63  }
0x1f7: {  	_ =	swait.ge [sflag:s11], $0x2000  }
0x1f8: {  	[sflag:s11] =	ssyncset.done $0x0  }
0x1f9: {  	[sflag:s11] =	ssyncadd.s32 $0xFFFFE000  }
0x1fa: {  	_ =	swait.ge [sflag:s11], $0x2000  }
0x1fb: {  	[sflag:s11] =	ssyncset.done $0x0  }
0x1fc: {  	[sflag:s11] =	ssyncadd.s32 $0xFFFFE000  }
0x1fd: {  	[tilespmem:s0], [sflag:$0x7] =	stream.indirect.gather.add.f32 [hbm:s4], $0x40, s26, s31, $0xb8;
	[tilespmem:$0x8C00] =	vst v63  }
0x1fe: {  	s9 =	simm.s32 $0x180  }
0x1ff: {  	[tilespmem:s1], [sflag:$0x7] =	stream.indirect.gather.add.f32 [hbm:s4], $0x40, s9, s31, $0xb8;
	[tilespmem:$0x8C00] =	vst v63  }
0x200: {  	s12 =	simm.s32 $0x200  }
0x201: {  	[tilespmem:s0], [sflag:$0x7] =	stream.indirect.gather.add.f32 [hbm:s4], $0x40, s12, s31, $0xb8;
	[tilespmem:$0x8C00] =	vst v63  }
0x202: {  	s13 =	simm.s32 $0x280  }
0x203: {  	[tilespmem:s1], [sflag:$0x7] =	stream.indirect.gather.add.f32 [hbm:s4], $0x40, s13, s31, $0xb8;
	[tilespmem:$0x8C00] =	vst v63  }
0x204: {  	s15 =	simm.s32 $0x600;
	s14 =	rddreg [dreg:$0x12]  }
0x205: {  	[tilespmem:s15], [sflag:$0x3] =	stream.strided.gather [hbm4b:s14+s26], $0x300, s28, s26, $0x38;
	[tilespmem:$0x8C00] =	vst v63  }
0x206: {  	_ =	swait.ge [sflag:s16], $0x2000  }
0x207: {  	[sflag:s16] =	ssyncset.done $0x0  }
0x208: {  	[sflag:s16] =	ssyncadd.s32 $0xFFFFE000  }
0x209: {  	_ =	swait.ge [sflag:s16], $0x2000  }
0x20a: {  	[sflag:s16] =	ssyncset.done $0x0  }
0x20b: {  	[sflag:s16] =	ssyncadd.s32 $0xFFFFE000  }
0x20c: {  	_ =	swait.ge [sflag:s16], $0x2000  }
0x20d: {  	[sflag:s16] =	ssyncset.done $0x0  }
0x20e: {  	[sflag:s16] =	ssyncadd.s32 $0xFFFFE000  }
0x20f: {  	_ =	swait.ge [sflag:s16], $0x2000  }
0x210: {  	[sflag:s16] =	ssyncset.done $0x0  }
0x211: {  	s19 =	rddreg [dreg:$0x13];
	[sflag:s16] =	ssyncadd.s32 $0xFFFFE000  }
0x212: {  	[hbm4b:s19+s3] =	stream.linear.scatter [tilespmem:s0], [sflag:$0x9], $0x4000, $0x38;
	[tilespmem:$0x8C00] =	vst v63  }
0x213: {  	_ =	swait.ge [sflag:s17], $0x4000  }
0x214: {  	[sflag:s17] =	ssyncset.done $0x0  }
0x215: {  	[sflag:s17] =	ssyncadd.s32 $0xFFFFC000  }
0x216: {  	_ =	swait.ge [sflag:s18], $0x300  }
0x217: {  	[sflag:s18] =	ssyncset.done $0x0  }
0x218: {  	[sflag:s18] =	ssyncadd.s32 $0xFFFFFD00  }
0x219: {  	[tilespmem:s0], [sflag:$0x5] =	stream.indirect.gather [hbm4b:s4+s31], $0x40, s15, s31, $0xb8;
	[tilespmem:$0x8C00] =	vst v63  }
0x21a: {  	s21 =	simm.s32 $0x680  }
0x21b: {  	[tilespmem:s1], [sflag:$0x5] =	stream.indirect.gather [hbm4b:s4+s31], $0x40, s21, s31, $0xb8;
	[tilespmem:$0x8C00] =	vst v63  }
0x21c: {  	_ =	swait.ge [sflag:s20], $0x2000  }
0x21d: {  	[sflag:s20] =	ssyncset.done $0x0  }
0x21e: {  	[sflag:s20] =	ssyncadd.s32 $0xFFFFE000  }
0x21f: {  	_ =	swait.ge [sflag:s20], $0x2000  }
0x220: {  	[sflag:s20] =	ssyncset.done $0x0  }
0x221: {  	s29 =	simm.s32 $0x400;
	[sflag:s20] =	ssyncadd.s32 $0xFFFFE000  }
0x222: {  	[tilespmem:s7], [sflag:$0x8] =	stream.indirect.gather.add.f32 [hbm:s4], $0x40, s29, s31, $0xb8;
	[tilespmem:$0x8C00] =	vst v63  }
0x223: {  	s8 =	simm.s32 $0x480  }
0x224: {  	[tilespmem:s10], [sflag:$0x8] =	stream.indirect.gather.add.f32 [hbm:s4], $0x40, s8, s31, $0xb8;
	[tilespmem:$0x8C00] =	vst v63  }
0x225: {  	s9 =	simm.s32 $0x500  }
0x226: {  	[tilespmem:s7], [sflag:$0x8] =	stream.indirect.gather.add.f32 [hbm:s4], $0x40, s9, s31, $0xb8;
	[tilespmem:$0x8C00] =	vst v63  }
0x227: {  	s12 =	simm.s32 $0x580  }
0x228: {  	[tilespmem:s10], [sflag:$0x8] =	stream.indirect.gather.add.f32 [hbm:s4], $0x40, s12, s31, $0xb8;
	[tilespmem:$0x8C00] =	vst v63  }
0x229: {  	s13 =	rddreg [dreg:$0x14]  }
0x22a: {  	[tilespmem:s23], [sflag:$0x4] =	stream.strided.gather [hbm4b:s13+s26], $0x300, s28, s26, $0x38;
	[tilespmem:$0x8C00] =	vst v63  }
0x22b: {  	_ =	swait.ge [sflag:s25], $0x2000  }
0x22c: {  	[sflag:s25] =	ssyncset.done $0x0  }
0x22d: {  	[sflag:s25] =	ssyncadd.s32 $0xFFFFE000  }
0x22e: {  	_ =	swait.ge [sflag:s25], $0x2000  }
0x22f: {  	[sflag:s25] =	ssyncset.done $0x0  }
0x230: {  	[sflag:s25] =	ssyncadd.s32 $0xFFFFE000  }
0x231: {  	_ =	swait.ge [sflag:s25], $0x2000  }
0x232: {  	[sflag:s25] =	ssyncset.done $0x0  }
0x233: {  	[sflag:s25] =	ssyncadd.s32 $0xFFFFE000  }
0x234: {  	_ =	swait.ge [sflag:s25], $0x2000  }
0x235: {  	[sflag:s25] =	ssyncset.done $0x0  }
0x236: {  	s14 =	rddreg [dreg:$0x15];
	[sflag:s25] =	ssyncadd.s32 $0xFFFFE000  }
0x237: {  	[hbm4b:s14+s3] =	stream.linear.scatter [tilespmem:s7], [sflag:$0xA], $0x4000, $0x38;
	[tilespmem:$0x8C00] =	vst v63  }
0x238: {  	_ =	swait.ge [sflag:s24], $0x4000  }
0x239: {  	[sflag:s24] =	ssyncset.done $0x0  }
0x23a: {  	[sflag:s24] =	ssyncadd.s32 $0xFFFFC000  }
0x23b: {  	_ =	swait.ge [sflag:s2], $0x300  }
0x23c: {  	[sflag:s2] =	ssyncset.done $0x0  }
0x23d: {  	[sflag:s2] =	ssyncadd.s32 $0xFFFFFD00  }
0x23e: {  	[tilespmem:s7], [sflag:$0x6] =	stream.indirect.gather [hbm4b:s4+s31], $0x40, s23, s31, $0xb8;
	[tilespmem:$0x8C00] =	vst v63  }
0x23f: {  	s15 =	simm.s32 $0x980  }
0x240: {  	[tilespmem:s10], [sflag:$0x6] =	stream.indirect.gather [hbm4b:s4+s31], $0x40, s15, s31, $0xb8;
	[tilespmem:$0x8C00] =	vst v63  }
0x241: {  	_ =	swait.ge [sflag:s11], $0x2000  }
0x242: {  	[sflag:s11] =	ssyncset.done $0x0  }
0x243: {  	[sflag:s11] =	ssyncadd.s32 $0xFFFFE000  }
0x244: {  	_ =	swait.ge [sflag:s11], $0x2000  }
0x245: {  	[sflag:s11] =	ssyncset.done $0x0  }
0x246: {  	s19 =	simm.s32 $0x700;
	[sflag:s11] =	ssyncadd.s32 $0xFFFFE000  }
0x247: {  	[tilespmem:s0], [sflag:$0x7] =	stream.indirect.gather.add.f32 [hbm:s4], $0x40, s19, s31, $0xb8;
	[tilespmem:$0x8C00] =	vst v63  }
0x248: {  	s21 =	simm.s32 $0x780  }
0x249: {  	[tilespmem:s1], [sflag:$0x7] =	stream.indirect.gather.add.f32 [hbm:s4], $0x40, s21, s31, $0xb8;
	[tilespmem:$0x8C00] =	vst v63  }
0x24a: {  	s29 =	simm.s32 $0x800  }
0x24b: {  	[tilespmem:s0], [sflag:$0x7] =	stream.indirect.gather.add.f32 [hbm:s4], $0x40, s29, s31, $0xb8;
	[tilespmem:$0x8C00] =	vst v63  }
0x24c: {  	s8 =	simm.s32 $0x880  }
0x24d: {  	[tilespmem:s1], [sflag:$0x7] =	stream.indirect.gather.add.f32 [hbm:s4], $0x40, s8, s31, $0xb8;
	[tilespmem:$0x8C00] =	vst v63  }
0x24e: {  	_ =	swait.ge [sflag:s16], $0x2000  }
0x24f: {  	[sflag:s16] =	ssyncset.done $0x0  }
0x250: {  	[sflag:s16] =	ssyncadd.s32 $0xFFFFE000  }
0x251: {  	_ =	swait.ge [sflag:s16], $0x2000  }
0x252: {  	[sflag:s16] =	ssyncset.done $0x0  }
0x253: {  	[sflag:s16] =	ssyncadd.s32 $0xFFFFE000  }
0x254: {  	_ =	swait.ge [sflag:s16], $0x2000  }
0x255: {  	[sflag:s16] =	ssyncset.done $0x0  }
0x256: {  	[sflag:s16] =	ssyncadd.s32 $0xFFFFE000  }
0x257: {  	_ =	swait.ge [sflag:s16], $0x2000  }
0x258: {  	[sflag:s16] =	ssyncset.done $0x0  }
0x259: {  	s9 =	rddreg [dreg:$0x16];
	[sflag:s16] =	ssyncadd.s32 $0xFFFFE000  }
0x25a: {  	[hbm4b:s9+s3] =	stream.linear.scatter [tilespmem:s0], [sflag:$0x9], $0x4000, $0x38;
	[tilespmem:$0x8C00] =	vst v63  }
0x25b: {  	_ =	swait.ge [sflag:s20], $0x2000  }
0x25c: {  	[sflag:s20] =	ssyncset.done $0x0  }
0x25d: {  	[sflag:s20] =	ssyncadd.s32 $0xFFFFE000  }
0x25e: {  	_ =	swait.ge [sflag:s20], $0x2000  }
0x25f: {  	[sflag:s20] =	ssyncset.done $0x0  }
0x260: {  	s12 =	simm.s32 $0xA00;
	[sflag:s20] =	ssyncadd.s32 $0xFFFFE000  }
0x261: {  	[tilespmem:s7], [sflag:$0x8] =	stream.indirect.gather.add.f32 [hbm:s4], $0x40, s12, s31, $0xb8;
	[tilespmem:$0x8C00] =	vst v63  }
0x262: {  	s13 =	simm.s32 $0xA80  }
0x263: {  	[tilespmem:s10], [sflag:$0x8] =	stream.indirect.gather.add.f32 [hbm:s4], $0x40, s13, s31, $0xb8;
	[tilespmem:$0x8C00] =	vst v63  }
0x264: {  	s14 =	simm.s32 $0xB00  }
0x265: {  	[tilespmem:s7], [sflag:$0x8] =	stream.indirect.gather.add.f32 [hbm:s4], $0x40, s14, s31, $0xb8;
	[tilespmem:$0x8C00] =	vst v63  }
0x266: {  	s15 =	simm.s32 $0xB80  }
0x267: {  	[tilespmem:s10], [sflag:$0x8] =	stream.indirect.gather.add.f32 [hbm:s4], $0x40, s15, s31, $0xb8;
	[tilespmem:$0x8C00] =	vst v63  }
0x268: {  	_ =	swait.ge [sflag:s25], $0x2000  }
0x269: {  	[sflag:s25] =	ssyncset.done $0x0  }
0x26a: {  	[sflag:s25] =	ssyncadd.s32 $0xFFFFE000  }
0x26b: {  	_ =	swait.ge [sflag:s25], $0x2000  }
0x26c: {  	[sflag:s25] =	ssyncset.done $0x0  }
0x26d: {  	[sflag:s25] =	ssyncadd.s32 $0xFFFFE000  }
0x26e: {  	_ =	swait.ge [sflag:s25], $0x2000  }
0x26f: {  	[sflag:s25] =	ssyncset.done $0x0  }
0x270: {  	[sflag:s25] =	ssyncadd.s32 $0xFFFFE000  }
0x271: {  	_ =	swait.ge [sflag:s25], $0x2000  }
0x272: {  	[sflag:s25] =	ssyncset.done $0x0  }
0x273: {  	s19 =	rddreg [dreg:$0x17];
	[sflag:s25] =	ssyncadd.s32 $0xFFFFE000  }
0x274: {  	[hbm4b:s19+s3] =	stream.linear.scatter [tilespmem:s7], [sflag:$0xA], $0x4000, $0x38;
	[tilespmem:$0x8C00] =	vst v63  }
0x275: {  	_ =	swait.ge [sflag:s17], $0x4000  }
0x276: {  	[sflag:s17] =	ssyncset.done $0x0  }
0x277: {  	[sflag:s17] =	ssyncadd.s32 $0xFFFFC000  }
0x278: {  	_ =	swait.ge [sflag:s24], $0x4000  }
0x279: {  	s21 =	rddreg [dreg:$0x1d]  }
0x27a: {  	s29 =	rddreg [dreg:$0x18];
	s8 =	sadd.s32 $0x1, s21  }
0x27b: {  	p0 =	sne.s32 s8, s29  }
.Ltmp1:
0x27c: {  	_ = 	snop;
	(pc) =	sbr.rel @p0 .LBB2_1-.Ltmp1, $3  }
0x27d: {  	_ =	sdelay $0x1  }
0x27e: {  	[sflag:s24] =	ssyncset.done $0x0  }
0x27f: {  	[sflag:s24] =	ssyncadd.s32 $0xFFFFC000  }
0x280: {  	_ =	sfence.sel $0x180000  }
0x281: {  	[bflag:$0x0] =	sbarrier.arrive $0xFFFF  }
0x282: {  	_ =	strace $0x90000047  }
0x283: {  	s0 =	stileid.u32;
	[bflag:$0x2] =	sbarrier.arrive $0xFFFF  }
0x284: {  	p0 =	sne.s32 s0, $0x0;
	s0 =	rddreg [dreg:$0x3]  }
0x285: {  	s0 =	sadd.s32 @!p0 $0x100000, s0  }
0x286: {  	[sflag:s0] =	ssyncadd.tile.s32 @!p0 $0x1;
	_ =	shalt  }
.Lfunc_end2:
_tile_overlayer_lowered:
.L_overlay_start_2:
0x287: {  	(tag) =	ssettag $0x2  }
0x288: {  	s0 =	rddreg [dreg:$0x0];
	s2 =	stileid.u32  }
0x289: {  	s1 =	rddreg [dreg:$0x1];
	p0 =	sne.s32 s2, $0x0  }
0x28a: {  	s3 =	rddreg [dreg:$0x2];
	[bflag:$0x3] =	sbarrier.arrive $0xFFFF;
	s2 =	simm.s32 @!p0 $0x1C0B  }
0x28b: {  	[timem:s3], [sflag:s2] =	dma.local @!p0 [hbm:s0], s1  }
0x28c: {  	s0 =	simm.s32 @!p0 $0xB  }
0x28d: {  	_ =	swait.ge @!p0 [sflag:s0], s1  }
0x28e: {  	s1 =	ssub.s32 @!p0 $0x0, s1;
	[sflag:s0] =	ssyncset.done @!p0 $0x0  }
0x28f: {  	[sflag:s0] =	ssyncadd.s32 @!p0 s1  }
0x290: {  	[bflag:$0x3] =	sbarrier.arrive $0xFFFF  }
0x291: {  	_ =	shalt  }

// kernel: sparse-core-data-format-call.cloned.1.call-start
scs
called_computation_lowered:
.L_overlay_start_0:
0x0: {  	s2 =	sld [smem:$0x3FD9]  }
0x1: {  	s3 =	sld [smem:$0x3FFE];
	_ =	sdelay $0x1  }
0x2: {  	s1 =	srdreg.scid  }
0x3: {  	s0 =	sand.u32 $0x1, s1  }
0x4: {  	s18 =	sshll.u32 s0, $0xA;
	s2 =	sadd.s32 s3, s2  }
0x5: {  	s2 =	sadd.s32 s2, s18  }
0x6: {  	[smem:$0x3FC6] =	sst s2  }
0x7: {  	_ = 	snop  }
0x8: {  	s2 =	sld [smem:$0x3FD0];
	(tm) =	ssettm $0x1  }
0x9: {  	s19 =	sld [smem:$0x3FFB];
	_ =	sdelay $0x3  }
0xa: {  	_ =	strace s19  }
0xb: {  	s3 =	sld [smem:$0x3FFC];
	_ =	sdelay $0x3  }
0xc: {  	_ =	strace s3  }
0xd: {  	s3 =	sld [smem:$0x3FFD];
	_ =	sdelay $0x3  }
0xe: {  	_ =	strace s3  }
0xf: {  	_ =	strace $0x8FFFFFFF  }
0x10: {  	s20 =	sld [smem:$0x3FDB];
	_ =	sdelay $0x1  }
0x11: {  	s4 =	simm.s32 $_scs_section_size  }
0x12: {  	s5 =	simm.s32 $_size__tile_overlayer_lowered;
	s6 =	simm.s32 $_tile_overlayer_lowered  }
0x13: {  	s23 =	simm.s32 $0x1BFF;
	s22 =	sshll.u32 s6, $0x1;
	s3 =	sadd.s32 s4, s20  }
0x14: {  	s7 =	simm.s32 $0x0;
	s21 =	sshll.u32 s5, $0x1;
	s5 =	sadd.s32 s22, s3  }
0x15: {  	[timem:s7], [sflag:s23] =	dma.local [hbm:s5], s21  }
0x16: {  	_ =	swait.ge [sflag:s23], s21  }
0x17: {  	s4 =	ssub.s32 $0x0, s21;
	[sflag:s23] =	ssyncset.done $0x0  }
0x18: {  	[sflag:s23] =	ssyncadd.s32 s4;
	_ =	sdelay $0x1  }
0x19: {  	s24 =	simm.s32 $0x1B8B  }
0x1a: {  	_ =	swait.ge [sflag:s24], $0x1  }
0x1b: {  	[sflag:s24] =	ssyncset.done $0x0  }
0x1c: {  	s26 =	simm.s32 $0x1B8E;
	s25 =	sld [smem:$0x3FFE];
	[sflag:s24] =	ssyncadd.s32 $0xFFFFFFFF  }
0x1d: {  	s27 =	simm.s32 $execute0_lowered;
	[smem:$0x3FD2] =	sst s26  }
0x1e: {  	s5 =	sshll.u32 s27, $0x1;
	_ =	strace $0x80000049;
	[dreg:$0x1] =	wrdreg $0xFFFFFFFF  }
0x1f: {  	s28 =	simm.s32 $_size_execute0_lowered;
	s3 =	sadd.s32 s3, s5;
	[dreg:$0x0] =	wrdreg $0x0  }
0x20: {  	s5 =	sshll.u32 s28, $0x1;
	[dreg:$0x2] =	wrdreg s3  }
0x21: {  	[dreg:$0x3] =	wrdreg s5  }
0x22: {  	[dreg:$0x4] =	wrdreg $0xC0  }
0x23: {  	_ =	task [dreg:s7], $0x5FFFF  }
0x24: {  	[dreg:$0x1] =	wrdreg $0xFFFFFFFF  }
0x25: {  	[dreg:$0x0] =	wrdreg $0x60  }
0x26: {  	[dreg:$0x2] =	wrdreg s25  }
0x27: {  	[dreg:$0x3] =	wrdreg s2  }
0x28: {  	[dreg:$0x4] =	wrdreg $0x9  }
0x29: {  	_ =	task.clear_ibuf [dreg:s7], $0x5FFFF;
	_ =	strace $0x90000049  }
0x2a: {  	s29 =	simm.s32 $0x9;
	_ =	strace $0x8000004B  }
0x2b: {  	_ =	swait.ge [sflag:s29], $0x1  }
0x2c: {  	[sflag:s29] =	ssyncadd.s32 $0xFFFFFFFF  }
0x2d: {  	_ =	strace $0x9000004B  }
0x2e: {  	_ =	sfence  }
0x2f: {  	s30 =	sld [smem:$0x0];
	_ =	sdelay $0x2  }
0x30: {  	s31 =	sshll.u32 s1, $0xD;
	s1 =	sshrl.u32 s1, $0x2  }
0x31: {  	s3 =	sand.u32 $0x4000, s31;
	s1 =	sadd.s32 s1, s30  }
0x32: {  	s0 =	sor.u32 s3, s0;
	s1 =	sshll.u32 s1, $0x11  }
0x33: {  	s0 =	sor.u32 s1, s0  }
0x34: {  	s0 =	sadd.s32 $0x8F2B, s0  }
0x35: {  	[sflag:s0] =	ssyncadd.remote.s32 $0x1  }
0x36: {  	_ =	sfence.sel $0xFFFF  }
0x37: {  	[dreg:$0x0] =	wrdreg $0xFFFFFFFF;
	(pc) =	sbr.abs _section_cstart, $3  }
0x38: {  	[dreg:$0x1] =	wrdreg $0xFFFFFFFF  }
0x39: {  	_ =	task.clear_ibuf [dreg:s7], $0x2FFFF;
	_ =	strace $0x9FFFFFFF  }
0x3a: {  	(tm) =	ssettm $0x7FFFFFFF  }
0x3b: {  	_ =	shalt  }
tec
execute0_lowered:
.L_overlay_start_1:
0x0: {  	(tag) =	ssettag $0x1  }
0x1: {  	s0 =	srdreg.scid  }
0x2: {  	s1 =	sshll.u32 s0, $0x4  }
0x3: {  	s4 =	rddreg [dreg:$0x0];
	s0 =	stileid.u32;
	s1 =	sand.u32 $0x10, s1  }
0x4: {  	s2 =	rddreg [dreg:$0x1];
	s7 =	simm.s32 $0x1;
	s1 =	sor.u32 s0, s1  }
0x5: {  	s8 =	simm.s32 $0x2;
	s11 =	simm.s32 $0x0;
	s3 =	sshll.u32 s1, $0x7  }
0x6: {  	s10 =	simm.s32 $0x0;
	s4 =	sadd.s32 $0x800, s4;
	s6 =	ssub.s32 $0xC8000, s3  }
.Ltmp0:
0x7: {  	s1 =	rddreg [dreg:$0x2];
	s5 =	sand.u32 $0xF80, s6;
	(pc) =	sbr.rel .LBB1_1-.Ltmp0, $4  }
0x8: {  	_ =	strace $0x8000004A;
	s9 =	smov.u32 s3;
	p0 =	sne.s32 s5, $0x0  }
0x9: {  	s6 =	sshrl.u32 s6, $0xC;
	s5 =	simm.s32 $0x1;
	s7 =	simm.s32 @!p0 $0x0  }
0xa: {  	[sflag:s5] =	ssyncpa.u1 $0x0;
	p0 =	por $0x0, $0x0;
	s6 =	sadd.s32 s7, s6  }
0xb: {  	[sflag:s8] =	ssyncpa.u1 $0x0;
	s8 =	simm.s32 $0x640000;
	s7 =	sadd.s32 $0x1, s6  }
.LBB1_4:
0xc: {  	s14 =	sshll.u32 s11, $0x3  }
0xd: {  	s30 =	sand.u32 $0x7F, s11;
	s15 =	sand.u32 $0xFFFFFC00, s14  }
0xe: {  	s11 =	sor.u32 s30, s15  }
0xf: {  	s15 =	smulhi.u32 $0x51EB851F, s11  }
0x10: {  	s14 =	smulhi.u32 $0x51EB851F, s14  }
0x11: {  	s15 =	sshrl.u32 s15, $0x12  }
0x12: {  	s14 =	sshrl.u32 s14, $0x12;
	s15 =	smul.u32 $0xC8000, s15  }
0x13: {  	s14 =	sand.u32 $0x3F, s14  }
0x14: {  	s14 =	smul.u32 $0x19000, s14;
	s11 =	ssub.s32 s11, s15  }
0x15: {  	[tilespmem:s13+$0x810 ss:$0x81] =	vst.msk $0xffff, v2;
	s15 =	sand.u32 $0x7, s11  }
0x16: {  	[tilespmem:s13+$0x1020 ss:$0x81] =	vst.msk $0xffff, v0;
	s14 =	sadd.s32 s2, s14;
	s11 =	sshrl.u32 s11, $0x3;
	s15 =	sshll.u32 s15, $0x12  }
0x17: {  	[tilespmem:s13+$0x0 ss:$0x81] =	vst.msk $0xffff, v1;
	s11 =	sadd.s32 s11, s14;
	s31 =	sor.u32 $0x400, s15  }
0x18: {  	[hbm4b:s11+s31] =	stream.strided.scatter [tilespmem:s12], [sflag:$0x2], $0x2000, s8, s31, $0x20;
	[tilespmem:$0x8080] =	vst v63  }
.LBB1_5:
0x19: {  	s13 =	sadd.s32 $0x1000, s9  }
0x1a: {  	p2 =	sgt.s32 s13, $0xC7FFF  }
0x1b: {  	s13 =	smov.u32 @p2 s3;
	p2 =	sne.s32 s10, s7  }
.Ltmp1:
0x1c: {  	p1 =	slt.u32 s10, $0x2;
	(pc) =	sbr.rel @!p2 .LBB1_6-.Ltmp1, $4  }
0x1d: {  	s12 =	simm.s32 @!p1 $0x2  }
0x1e: {  	s14 =	sadd.s32 $0x1, s10;
	_ =	swait.ge @!p1 [sflag:s12], $0x2000  }
0x1f: {  	s11 =	smov.u32 s9;
	p0 =	por !p0, !p0;
	[sflag:s12] =	ssyncset.done @!p1 $0x0  }
0x20: {  	s10 =	smov.u32 s14;
	s9 =	smov.u32 s13;
	[sflag:s12] =	ssyncadd.s32 @!p1 $0xFFFFE000  }
.LBB1_1:
0x21: {  	p1 =	sge.u32 s10, s6  }
0x22: {  	s12 =	sand.u32 @!p1 $0x1FFFFFF, s9  }
0x23: {  	s13 =	smulhi.u32 @!p1 $0x147AE15, s12;
	_ =	sdelay $0x1  }
0x24: {  	s13 =	sshrl.u32 @!p1 s13, $0xC  }
0x25: {  	s13 =	smul.u32 @!p1 $0xC8000, s13;
	_ =	sdelay $0x1  }
0x26: {  	s31 =	sadd.s32 $0xFFFFFFFF, s10;
	s14 =	sxor.u32 @!p1 $0xFFFFFFFF, s10;
	s12 =	ssub.s32 @!p1 s12, s13  }
0x27: {  	s15 =	simm.s32 @!p1 $0x80;
	s14 =	sshll.u32 @!p1 s14, $0xD;
	s12 =	sshll.u32 @!p1 s12, $0x4  }
0x28: {  	s13 =	sand.u32 @!p1 $0x2000, s14;
	s14 =	simm.s32 @!p1 $0x40;
	s12 =	sadd.s32 @!p1 s4, s12  }
0x29: {  	[tilespmem:s13], [sflag:$0x1] =	stream.strided.gather @!p1 [hbm4b:s12+s14], $0x2000, s15, s14, $0x38;
	[tilespmem:$0x8080] =	vst v63  }
0x2a: {  	p1 =	sge.u32 s31, s6  }
.Ltmp2:
0x2b: {  	_ = 	snop;
	(pc) =	sbr.rel @p1 .LBB1_5-.Ltmp2, $1  }
0x2c: {  	_ =	sdelay $0x3  }
0x2d: {  	s12 =	simm.s32 $0x1  }
0x2e: {  	_ =	swait.ge [sflag:s5], $0x2000;
	s12 =	simm.s32 @!p0 $0x0  }
0x2f: {  	[sflag:s5] =	ssyncset.done $0x0;
	s13 =	sshll.u32 s12, $0xD  }
0x30: {  	[sflag:s5] =	ssyncadd.s32 $0xFFFFE000;
	s16 =	sor.u32 $0x20, s13  }
0x31: {  	s12 =	smul.u32 $0x8100, s12;
	v3 =	vld [tilespmem:s16+$0x10]  }
0x32: {  	s30 =	sand.u32 $0x1, s10;
	v2 =	vld [tilespmem:s16+$0xFFFFFFF0]  }
0x33: {  	s13 =	smul.u32 $0x8100, s30;
	s12 =	sshrl.u32 s12, $0x2;
	v0 =	vld [tilespmem:s16+$0x0]  }
0x34: {  	v1 =	vld [tilespmem:s16+$0xFFFFFFE0];
	s14 =	sor.u32 $0x4000, s12  }
0x35: {  	s31 =	sshrl.u32 s13, $0x2;
	s13 =	sadd.s32 $0x0, s14  }
0x36: {  	s15 =	simm.s32 $0x4;
	s16 =	sadd.s32 $0x40, s16;
	s12 =	sor.u32 $0x4000, s31;
	[tilespmem:s13+$0x1830 ss:$0x81] =	vst.msk $0xffff, v3  }
.LBB1_3:
0x37: {  	v3 =	vld [tilespmem:s16+$0x10];
	p1 =	sne.s32 s15, $0x1FC;
	[tilespmem:s13+$0x810 ss:$0x81] =	vst.msk $0xffff, v2;
	s17 =	smov.u32 s15;
	s15 =	sadd.s32 $0x4, s15  }
.Ltmp3:
0x38: {  	v2 =	vld [tilespmem:s16+$0xFFFFFFF0];
	[tilespmem:s13+$0x1020 ss:$0x81] =	vst.msk $0xffff, v0;
	(pc) =	sbr.rel @p1 .LBB1_3-.Ltmp3, $4  }
0x39: {  	v0 =	vld [tilespmem:s16+$0x0];
	[tilespmem:s13+$0x0 ss:$0x81] =	vst.msk $0xffff, v1  }
0x3a: {  	s13 =	sshra.s32 s17, $0x2;
	v1 =	vld [tilespmem:s16+$0xFFFFFFE0]  }
0x3b: {  	s13 =	sadd.s32 s13, s14  }
0x3c: {  	s16 =	sadd.s32 $0x40, s16;
	[tilespmem:s13+$0x1830 ss:$0x81] =	vst.msk $0xffff, v3  }
.Ltmp4:
0x3d: {  	_ = 	snop;
	(pc) =	sbr.rel .LBB1_4-.Ltmp4, $1  }
0x3e: {  	_ =	sdelay $0x3  }
.LBB1_6:
0x3f: {  	_ =	sfence.sel $0x180000  }
0x40: {  	s2 =	simm.s32 $0x1;
	[bflag:$0x0] =	sbarrier.arrive $0xFFFF  }
0x41: {  	s31 =	simm.s32 $0x2;
	[sflag:s2] =	ssyncpa.u1 $0x1  }
0x42: {  	[sflag:s31] =	ssyncpa.u1 $0x1  }
0x43: {  	p0 =	sne.s32 s0, $0x0;
	_ =	strace $0x9000004A  }
0x44: {  	s0 =	sadd.s32 @!p0 $0x100000, s1;
	[bflag:$0x2] =	sbarrier.arrive $0xFFFF  }
0x45: {  	[sflag:s0] =	ssyncadd.tile.s32 @!p0 $0x1;
	_ =	shalt  }
.Lfunc_end1:
_tile_overlayer_lowered:
.L_overlay_start_2:
0x46: {  	(tag) =	ssettag $0x2  }
0x47: {  	s0 =	rddreg [dreg:$0x0];
	s2 =	stileid.u32  }
0x48: {  	s1 =	rddreg [dreg:$0x1];
	p0 =	sne.s32 s2, $0x0  }
0x49: {  	s3 =	rddreg [dreg:$0x2];
	[bflag:$0x3] =	sbarrier.arrive $0xFFFF;
	s2 =	simm.s32 @!p0 $0x1C01  }
0x4a: {  	[timem:s3], [sflag:s2] =	dma.local @!p0 [hbm:s0], s1  }
0x4b: {  	s0 =	simm.s32 @!p0 $0x1  }
0x4c: {  	_ =	swait.ge @!p0 [sflag:s0], s1  }
0x4d: {  	s1 =	ssub.s32 @!p0 $0x0, s1;
	[sflag:s0] =	ssyncset.done @!p0 $0x0  }
0x4e: {  	[sflag:s0] =	ssyncadd.s32 @!p0 s1  }
0x4f: {  	[bflag:$0x3] =	sbarrier.arrive $0xFFFF  }
0x50: {  	_ =	shalt  }

</sc_bundles>
